<compile_context>
chip_gen: v7x
topology: tpu7x:2x2x1
jax: 0.10.2.dev20260603
libtpu: 0.0.44.dev20260713+nightly
codegen_flags: <defaults>
</compile_context>

<pallas_src>
import functools

import jax
import jax.numpy as jnp
from jax import lax
from jax.experimental import pallas as pl
from jax.experimental.pallas import tpu as pltpu
from jax.experimental.pallas import tpu_sc as plsc

S = 2048
D = 768
E = 8
K = 2
H = 3072
CAP = 512
CAPB = 520
NEG = -1e30

NC, NS = 2, 16
NW = NC * NS
TPW = S // NW
CH = 32


def _router_body(x_ref, noise_ref, wg_ref, bg_ref, wn_ref, bn_ref,
                 ws_ref, bs_ref, d0_ref, d1_ref, g0_ref, g1_ref, xres_ref):
    x = x_ref[...]
    logits = jnp.dot(x, wg_ref[...], preferred_element_type=jnp.float32) + bg_ref[...]
    nlog = jnp.dot(x, wn_ref[...], preferred_element_type=jnp.float32) + bn_ref[...]
    sp = jnp.maximum(nlog, 0.0) + jnp.log(1.0 + jnp.exp(-jnp.abs(nlog)))
    noisy = logits + noise_ref[...] * sp

    iota_e = jax.lax.broadcasted_iota(jnp.int32, (S, E), 1)
    m1 = jnp.max(noisy, axis=1, keepdims=True)
    e1 = jnp.min(jnp.where(noisy == m1, iota_e, E), axis=1, keepdims=True)
    masked = jnp.where(iota_e == e1, NEG, noisy)
    m2 = jnp.max(masked, axis=1, keepdims=True)
    e2 = jnp.min(jnp.where(masked == m2, iota_e, E), axis=1, keepdims=True)
    sel = (iota_e == e1) | (iota_e == e2)

    ex = jnp.where(sel, jnp.exp(noisy - m1), 0.0)
    gate = ex / jnp.sum(ex, axis=1, keepdims=True)

    slogit = jnp.dot(x, ws_ref[...], preferred_element_type=jnp.float32) + bs_ref[...]
    ns = (slogit <= 0.0).astype(jnp.float32)
    n_ns = jnp.sum(ns)
    cap = jnp.floor(n_ns * (K / E))

    m = jnp.where(sel, ns, 0.0)
    ci = jax.lax.broadcasted_iota(jnp.int32, (128, 128), 0)
    cj = jax.lax.broadcasted_iota(jnp.int32, (128, 128), 1)
    ltri = (ci >= cj).astype(jnp.float32)
    off = jnp.zeros((1, E), jnp.float32)
    ranks = []
    for c in range(S // 128):
        mc = m[c * 128:(c + 1) * 128, :]
        incl = jnp.dot(ltri, mc, preferred_element_type=jnp.float32) + off
        ranks.append(incl - 1.0)
        off = off + jnp.sum(mc, axis=0, keepdims=True)
    rank = jnp.concatenate(ranks, axis=0)
    keepf = jnp.where((m > 0.0) & (rank < cap), 1.0, 0.0)

    h1 = (iota_e == e1)
    h2 = (iota_e == e2)
    r1 = jnp.sum(jnp.where(h1, rank, 0.0), axis=1, keepdims=True)
    r2 = jnp.sum(jnp.where(h2, rank, 0.0), axis=1, keepdims=True)
    k1 = jnp.sum(jnp.where(h1, keepf, 0.0), axis=1, keepdims=True)
    k2 = jnp.sum(jnp.where(h2, keepf, 0.0), axis=1, keepdims=True)
    g1v = jnp.sum(jnp.where(h1, gate * keepf, 0.0), axis=1, keepdims=True)
    g2v = jnp.sum(jnp.where(h2, gate * keepf, 0.0), axis=1, keepdims=True)

    e1f = e1.astype(jnp.float32)
    e2f = e2.astype(jnp.float32)
    d0_ref[...] = (e1f * CAPB + jnp.where(k1 > 0.0, r1, CAP)).astype(jnp.int32)
    d1_ref[...] = (e2f * CAPB + jnp.where(k2 > 0.0, r2, CAP)).astype(jnp.int32)
    ones16 = jnp.ones((1, 128), jnp.float32)
    g0_ref[...] = g1v * ones16
    g1_ref[...] = g2v * ones16
    xres_ref[...] = jnp.where(ns > 0.0, 0.0, x)


@functools.lru_cache(maxsize=None)
def _make_sc_dispatch():
    mesh = plsc.VectorSubcoreMesh(core_axis_name="c", subcore_axis_name="s")
    return functools.partial(
        pl.kernel, mesh=mesh,
        out_type=(
            jax.ShapeDtypeStruct((E * CAPB, D), jnp.float32),
            jax.ShapeDtypeStruct((E * CAPB, 128), jnp.float32),
        ),
        scratch_types=[
            pltpu.VMEM((TPW,), jnp.int32),
            pltpu.VMEM((TPW,), jnp.int32),
            pltpu.VMEM((TPW, D), jnp.float32),
            pltpu.VMEM((TPW, 128), jnp.float32),
            pltpu.VMEM((TPW, 128), jnp.float32),
            pltpu.SemaphoreType.DMA,
        ],
    )(_sc_dispatch_body)


def _sc_dispatch_body(x_hbm, d0_hbm, d1_hbm, g0_hbm, g1_hbm,
                      xd_hbm, gd_hbm, i0_v, i1_v, xr_v, g0_v, g1_v, sem):
    wid = lax.axis_index("s") * NC + lax.axis_index("c")
    base = wid * TPW
    a0 = pltpu.async_copy(d0_hbm.at[pl.ds(base, TPW)], i0_v, sem)
    a1 = pltpu.async_copy(d1_hbm.at[pl.ds(base, TPW)], i1_v, sem)
    a2 = pltpu.async_copy(x_hbm.at[pl.ds(base, TPW)], xr_v, sem)
    a3 = pltpu.async_copy(g0_hbm.at[pl.ds(base, TPW)], g0_v, sem)
    a4 = pltpu.async_copy(g1_hbm.at[pl.ds(base, TPW)], g1_v, sem)
    a0.wait()
    a1.wait()
    a2.wait()
    a3.wait()
    a4.wait()
    c0 = pltpu.async_copy(xr_v, xd_hbm.at[i0_v], sem)
    c1 = pltpu.async_copy(xr_v, xd_hbm.at[i1_v], sem)
    c2 = pltpu.async_copy(g0_v, gd_hbm.at[i0_v], sem)
    c3 = pltpu.async_copy(g1_v, gd_hbm.at[i1_v], sem)
    c0.wait()
    c1.wait()
    c2.wait()
    c3.wait()


def _mlp_body(xd_ref, gd_ref, w1_ref, b1_ref, w2_ref, b2_ref, yo_ref):
    xe = xd_ref[...]
    xs = jnp.where(jnp.abs(xe) < 1e30, xe, 0.0).astype(jnp.bfloat16)
    h = jnp.maximum(
        jnp.dot(xs, w1_ref[0], preferred_element_type=jnp.float32)
        + b1_ref[0], 0.0).astype(jnp.bfloat16)
    part = jnp.dot(h, w2_ref[0], preferred_element_type=jnp.float32)
    g = gd_ref[...][:, 0:1]
    gc = jnp.where(jnp.abs(g) <= 1.0, g, 0.0)
    yo_ref[...] = (part + b2_ref[0]) * gc


@functools.lru_cache(maxsize=None)
def _make_sc_combine():
    mesh = plsc.VectorSubcoreMesh(core_axis_name="c", subcore_axis_name="s")
    return functools.partial(
        pl.kernel, mesh=mesh,
        out_type=jax.ShapeDtypeStruct((S, D), jnp.float32),
        scratch_types=[
            pltpu.VMEM((CH,), jnp.int32),
            pltpu.VMEM((CH,), jnp.int32),
            pltpu.VMEM((CH, D), jnp.float32),
            pltpu.VMEM((CH, D), jnp.float32),
            pltpu.VMEM((CH, D), jnp.float32),
            pltpu.SemaphoreType.DMA,
        ],
    )(_sc_combine_body)


def _sc_combine_body(d0_hbm, d1_hbm, yo_hbm, xres_hbm, out_hbm,
                     i0_v, i1_v, y0_v, y1_v, xr_v, sem):
    wid = lax.axis_index("s") * NC + lax.axis_index("c")
    for c in range(TPW // CH):
        b = wid * TPW + c * CH
        pltpu.sync_copy(d0_hbm.at[pl.ds(b, CH)], i0_v)
        pltpu.sync_copy(d1_hbm.at[pl.ds(b, CH)], i1_v)
        c0 = pltpu.async_copy(yo_hbm.at[i0_v], y0_v, sem)
        c1 = pltpu.async_copy(yo_hbm.at[i1_v], y1_v, sem)
        pltpu.sync_copy(xres_hbm.at[pl.ds(b, CH)], xr_v)
        c0.wait()
        c1.wait()

        def _tb(t, carry):
            for j in range(D // 16):
                sl = pl.ds(j * 16, 16)
                xr_v[t, sl] = xr_v[t, sl] + y0_v[t, sl] + y1_v[t, sl]
            return carry

        jax.lax.fori_loop(0, CH, _tb, 0)
        pltpu.sync_copy(xr_v, out_hbm.at[pl.ds(b, CH)])


def kernel(x, noise, Wg, bg, Wn, bn, Ws, bs, W1, b1, W2, b2):
    xf = x.reshape(S, D)
    nf = noise.reshape(S, E)

    d0, d1, g0m, g1m, xres = pl.pallas_call(
        _router_body,
        out_shape=(
            jax.ShapeDtypeStruct((S, 1), jnp.int32),
            jax.ShapeDtypeStruct((S, 1), jnp.int32),
            jax.ShapeDtypeStruct((S, 128), jnp.float32),
            jax.ShapeDtypeStruct((S, 128), jnp.float32),
            jax.ShapeDtypeStruct((S, D), jnp.float32),
        ),
    )(xf, nf, Wg, bg.reshape(1, E), Wn, bn.reshape(1, E),
      Ws, bs.reshape(1, 1))

    xd, gd = _make_sc_dispatch()(xf, d0.reshape(S), d1.reshape(S), g0m, g1m)

    yo = pl.pallas_call(
        _mlp_body,
        grid=(E,),
        in_specs=[
            pl.BlockSpec((CAPB, D), lambda e: (e, 0)),
            pl.BlockSpec((CAPB, 128), lambda e: (e, 0)),
            pl.BlockSpec((1, D, H), lambda e: (e, 0, 0)),
            pl.BlockSpec((1, 1, H), lambda e: (e, 0, 0)),
            pl.BlockSpec((1, H, D), lambda e: (e, 0, 0)),
            pl.BlockSpec((1, 1, D), lambda e: (e, 0, 0)),
        ],
        out_specs=pl.BlockSpec((CAPB, D), lambda e: (e, 0)),
        out_shape=jax.ShapeDtypeStruct((E * CAPB, D), jnp.float32),
    )(xd, gd, W1.astype(jnp.bfloat16), b1.reshape(E, 1, H),
      W2.astype(jnp.bfloat16), b2.reshape(E, 1, D))

    out = _make_sc_combine()(d0.reshape(S), d1.reshape(S), yo, xres)
    return out.reshape(1, S, D)

# --- scband reference (transcript-rebuilt; emitter-appended) ---
"""Pipeline reference for scband-cross-layer-sparse-mo-e-63067299775269 (READ-ONLY COPY).

The authoritative reference and input builder live on the scoring server;
editing this copy changes nothing except your own understanding.
"""

import jax, jax.numpy as jnp
import numpy as np

B = 1
S = 2048
N_EMBED = 768
NUM_EXPERTS = 8
TOP_K = 2
CAPACITY_FACTOR = 1.0
SKIP_PROB_THRESHOLD = 0.5


def setup_inputs(seed: int = 0):
    key = jax.random.key(seed)
    ks = jax.random.split(key, 12)
    sc = 0.02
    x = jax.random.normal(ks[0], (B, S, N_EMBED), dtype=jnp.float32)
    noise = jax.random.normal(ks[1], (B, S, NUM_EXPERTS), dtype=jnp.float32)
    Wg = jax.random.normal(ks[2], (N_EMBED, NUM_EXPERTS), dtype=jnp.float32) * sc
    bg = jnp.zeros((NUM_EXPERTS,), dtype=jnp.float32)
    Wn = jax.random.normal(ks[3], (N_EMBED, NUM_EXPERTS), dtype=jnp.float32) * sc
    bn = jnp.zeros((NUM_EXPERTS,), dtype=jnp.float32)
    Ws = jax.random.normal(ks[4], (N_EMBED, 1), dtype=jnp.float32) * sc
    bs = jnp.zeros((1,), dtype=jnp.float32)
    W1 = jax.random.normal(ks[5], (NUM_EXPERTS, N_EMBED, 4 * N_EMBED), dtype=jnp.float32) * sc
    b1 = jnp.zeros((NUM_EXPERTS, 4 * N_EMBED), dtype=jnp.float32)
    W2 = jax.random.normal(ks[6], (NUM_EXPERTS, 4 * N_EMBED, N_EMBED), dtype=jnp.float32) * sc
    b2 = jnp.zeros((NUM_EXPERTS, N_EMBED), dtype=jnp.float32)
    return {"x": x, "noise": noise, "Wg": Wg, "bg": bg, "Wn": Wn, "bn": bn,
            "Ws": Ws, "bs": bs, "W1": W1, "b1": b1, "W2": W2, "b2": b2}


def _forward(x, noise, Wg, bg, Wn, bn, Ws, bs, W1, b1, W2, b2):
    Bb, Ss, D = x.shape
    # CrossLayerRouter
    logits = x @ Wg + bg
    noise_logits = x @ Wn + bn
    noisy = logits + noise * jax.nn.softplus(noise_logits)
    topv, topi = jax.lax.top_k(noisy, TOP_K)
    sel_mask = jnp.sum(jax.nn.one_hot(topi, NUM_EXPERTS, dtype=noisy.dtype), axis=-2) > 0
    sparse = jnp.where(sel_mask, noisy, jnp.float32(-1e30))
    gating = jax.nn.softmax(sparse, axis=-1)
    skip_prob = jax.nn.sigmoid(x @ Ws + bs)
    skip = (skip_prob > SKIP_PROB_THRESHOLD)[..., 0]
    nonskip = jnp.logical_not(skip)
    N = Bb * Ss
    flat_x = x.reshape(N, D)
    flat_g = gating.reshape(N, NUM_EXPERTS)
    flat_idx = topi.reshape(N, TOP_K)
    ns = nonskip.reshape(N)
    n_ns = jnp.sum(ns.astype(jnp.int32))
    # capacity = int(n_nonskip * top_k / num_experts * capacity_factor)
    capacity = jnp.floor(n_ns.astype(jnp.float32) * TOP_K / NUM_EXPERTS * CAPACITY_FACTOR).astype(jnp.int32)
    cap_max = (N * TOP_K) // NUM_EXPERTS  # static upper bound (n_nonskip <= N)
    updates = jnp.zeros_like(flat_x)
    for i in range(NUM_EXPERTS):
        m = jnp.any(flat_idx == i, axis=-1) & ns
        rank = jnp.cumsum(m.astype(jnp.int32)) - 1
        keep = m & (rank < capacity)  # first-come-first-served truncation
        sel = jnp.nonzero(keep, size=cap_max, fill_value=N)[0]
        valid = (sel < N)
        selc = jnp.where(valid, sel, 0)
        inp = flat_x[selc]
        h = jax.nn.relu(inp @ W1[i] + b1[i])
        out = h @ W2[i] + b2[i]  # Dropout is identity in eval
        g = flat_g[selc, i][:, None]
        w = out * g * valid[:, None].astype(out.dtype)
        updates = updates.at[selc].add(w)
    final = jnp.where(ns[:, None], updates, flat_x).reshape(Bb, Ss, D)
    return final


def reference(x, noise, Wg, bg, Wn, bn, Ws, bs, W1, b1, W2, b2):
    return _forward(x, noise, Wg, bg, Wn, bn, Ws, bs, W1, b1, W2, b2)

if __name__ == "__main__":
    import jax
    _d = setup_inputs()
    print(jax.jit(kernel)(*tuple(_d.values())))

</pallas_src>

<mosaic_0001>
#map = affine_map<(d0, d1) -> (0)>
#map1 = affine_map<(d0, d1) -> (0, 0)>
module attributes {stable_mosaic.version = 14 : i64} {
  func.func @_sc_combine_body(%arg0: i32, %arg1: i32, %arg2: memref<2048xi32, #tpu.memory_space<hbm>>, %arg3: memref<2048xi32, #tpu.memory_space<hbm>>, %arg4: memref<4160x768xf32, #tpu.memory_space<hbm>>, %arg5: memref<2048x768xf32, #tpu.memory_space<hbm>>, %arg6: memref<2048x768xf32, #tpu.memory_space<hbm>>, %arg7: memref<32xi32, #tpu.memory_space<vmem>>, %arg8: memref<32xi32, #tpu.memory_space<vmem>>, %arg9: memref<32x768xf32, #tpu.memory_space<vmem>>, %arg10: memref<32x768xf32, #tpu.memory_space<vmem>>, %arg11: memref<32x768xf32, #tpu.memory_space<vmem>>, %arg12: memref<!tpu.dma_semaphore, #tpu.memory_space<semaphore_mem>>) attributes {dimension_semantics = [#tpu.dimension_semantics<core_parallel>, #tpu.dimension_semantics<subcore_parallel>], iteration_bounds = array<i64: 2, 16>, scalar_prefetch = 0 : i64, scratch_operands = 6 : i64, tpu.core_type = #tpu.core_type<sc_vector_subcore>, window_params = [{transform_indices = #map}, {transform_indices = #map}, {transform_indices = #map1}, {transform_indices = #map1}, {transform_indices = #map1}]} {
    %mul3A = arith.constant 2 : i32
    %mul3A_0 = arith.muli %arg1, %mul3A : i32
    %add3A = arith.addi %mul3A_0, %arg0 : i32
    %mul3A_1 = arith.constant 64 : i32
    %mul3A_2 = arith.muli %add3A, %mul3A_1 : i32
    %add3A_3 = arith.constant 0 : i32
    %add3A_4 = arith.addi %mul3A_2, %add3A_3 : i32
    "tpu.region"() ({
      %run_scoped3A = tpu.sem_alloc : memref<!tpu.dma_semaphore, #tpu.memory_space<semaphore_mem>>
      %dma_start3A_42 = tpu.memref_slice %arg2[%add3A_4] : memref<2048xi32, #tpu.memory_space<hbm>> -> memref<32xi32, #tpu.memory_space<hbm>>
      %dma_start3A_43 = tpu.memref_slice %arg2[%add3A_4] : memref<2048xi32, #tpu.memory_space<hbm>> -> memref<32xi32, #tpu.memory_space<hbm>>
      tpu.enqueue_dma source(%dma_start3A_43 : memref<32xi32, #tpu.memory_space<hbm>>) target(%arg7 : memref<32xi32, #tpu.memory_space<vmem>>) target_semaphore(%run_scoped3A : memref<!tpu.dma_semaphore, #tpu.memory_space<semaphore_mem>>)
      %dma_wait3A_44 = tpu.memref_slice %arg2[%add3A_4] : memref<2048xi32, #tpu.memory_space<hbm>> -> memref<32xi32, #tpu.memory_space<hbm>>
      %dma_wait3A_45 = tpu.memref_slice %arg2[%add3A_4] : memref<2048xi32, #tpu.memory_space<hbm>> -> memref<32xi32, #tpu.memory_space<hbm>>
      tpu.wait_dma2 semaphore(%run_scoped3A : memref<!tpu.dma_semaphore, #tpu.memory_space<semaphore_mem>>) src(%dma_wait3A_45 : memref<32xi32, #tpu.memory_space<hbm>>) dst(%arg7 : memref<32xi32, #tpu.memory_space<vmem>>)
      tpu.yield
    }) : () -> ()
    "tpu.region"() ({
      %run_scoped3A = tpu.sem_alloc : memref<!tpu.dma_semaphore, #tpu.memory_space<semaphore_mem>>
      %dma_start3A_42 = tpu.memref_slice %arg3[%add3A_4] : memref<2048xi32, #tpu.memory_space<hbm>> -> memref<32xi32, #tpu.memory_space<hbm>>
      %dma_start3A_43 = tpu.memref_slice %arg3[%add3A_4] : memref<2048xi32, #tpu.memory_space<hbm>> -> memref<32xi32, #tpu.memory_space<hbm>>
      tpu.enqueue_dma source(%dma_start3A_43 : memref<32xi32, #tpu.memory_space<hbm>>) target(%arg8 : memref<32xi32, #tpu.memory_space<vmem>>) target_semaphore(%run_scoped3A : memref<!tpu.dma_semaphore, #tpu.memory_space<semaphore_mem>>)
      %dma_wait3A_44 = tpu.memref_slice %arg3[%add3A_4] : memref<2048xi32, #tpu.memory_space<hbm>> -> memref<32xi32, #tpu.memory_space<hbm>>
      %dma_wait3A_45 = tpu.memref_slice %arg3[%add3A_4] : memref<2048xi32, #tpu.memory_space<hbm>> -> memref<32xi32, #tpu.memory_space<hbm>>
      tpu.wait_dma2 semaphore(%run_scoped3A : memref<!tpu.dma_semaphore, #tpu.memory_space<semaphore_mem>>) src(%dma_wait3A_45 : memref<32xi32, #tpu.memory_space<hbm>>) dst(%arg8 : memref<32xi32, #tpu.memory_space<vmem>>)
      tpu.yield
    }) : () -> ()
    %dma_start3A = arith.constant 0 : i32
    %dma_start3A_5 = arith.constant 0 : i32
    %dma_start3A_6 = tpu.memref_slice %arg4[%dma_start3A, %dma_start3A_5] : memref<4160x768xf32, #tpu.memory_space<hbm>> -> memref<4160x768xf32, #tpu.memory_space<hbm>>
    tpu.enqueue_indirect_dma source(%dma_start3A_6 : memref<4160x768xf32, #tpu.memory_space<hbm>>) target(%arg9 : memref<32x768xf32, #tpu.memory_space<vmem>>) offsets(%arg7 : memref<32xi32, #tpu.memory_space<vmem>>) semaphore(%arg12 : memref<!tpu.dma_semaphore, #tpu.memory_space<semaphore_mem>>)
    %dma_start3A_7 = arith.constant 0 : i32
    %dma_start3A_8 = arith.constant 0 : i32
    %dma_start3A_9 = tpu.memref_slice %arg4[%dma_start3A_7, %dma_start3A_8] : memref<4160x768xf32, #tpu.memory_space<hbm>> -> memref<4160x768xf32, #tpu.memory_space<hbm>>
    tpu.enqueue_indirect_dma source(%dma_start3A_9 : memref<4160x768xf32, #tpu.memory_space<hbm>>) target(%arg10 : memref<32x768xf32, #tpu.memory_space<vmem>>) offsets(%arg8 : memref<32xi32, #tpu.memory_space<vmem>>) semaphore(%arg12 : memref<!tpu.dma_semaphore, #tpu.memory_space<semaphore_mem>>)
    "tpu.region"() ({
      %run_scoped3A = tpu.sem_alloc : memref<!tpu.dma_semaphore, #tpu.memory_space<semaphore_mem>>
      %dma_start3A_42 = arith.constant 0 : i32
      %dma_start3A_43 = tpu.memref_slice %arg5[%add3A_4, %dma_start3A_42] : memref<2048x768xf32, #tpu.memory_space<hbm>> -> memref<32x768xf32, #tpu.memory_space<hbm>>
      %dma_start3A_44 = arith.constant 0 : i32
      %dma_start3A_45 = tpu.memref_slice %arg5[%add3A_4, %dma_start3A_44] : memref<2048x768xf32, #tpu.memory_space<hbm>> -> memref<32x768xf32, #tpu.memory_space<hbm>>
      tpu.enqueue_dma source(%dma_start3A_45 : memref<32x768xf32, #tpu.memory_space<hbm>>) target(%arg11 : memref<32x768xf32, #tpu.memory_space<vmem>>) target_semaphore(%run_scoped3A : memref<!tpu.dma_semaphore, #tpu.memory_space<semaphore_mem>>)
      %dma_wait3A_46 = arith.constant 0 : i32
      %dma_wait3A_47 = tpu.memref_slice %arg5[%add3A_4, %dma_wait3A_46] : memref<2048x768xf32, #tpu.memory_space<hbm>> -> memref<32x768xf32, #tpu.memory_space<hbm>>
      %dma_wait3A_48 = arith.constant 0 : i32
      %dma_wait3A_49 = tpu.memref_slice %arg5[%add3A_4, %dma_wait3A_48] : memref<2048x768xf32, #tpu.memory_space<hbm>> -> memref<32x768xf32, #tpu.memory_space<hbm>>
      tpu.wait_dma2 semaphore(%run_scoped3A : memref<!tpu.dma_semaphore, #tpu.memory_space<semaphore_mem>>) src(%dma_wait3A_49 : memref<32x768xf32, #tpu.memory_space<hbm>>) dst(%arg11 : memref<32x768xf32, #tpu.memory_space<vmem>>)
      tpu.yield
    }) : () -> ()
    %dma_wait3A = arith.constant 0 : i32
    %dma_wait3A_10 = arith.constant 0 : i32
    %dma_wait3A_11 = tpu.memref_slice %arg4[%dma_wait3A, %dma_wait3A_10] : memref<4160x768xf32, #tpu.memory_space<hbm>> -> memref<4160x768xf32, #tpu.memory_space<hbm>>
    tpu.wait_indirect_dma semaphore(%arg12 : memref<!tpu.dma_semaphore, #tpu.memory_space<semaphore_mem>>) src(%dma_wait3A_11 : memref<4160x768xf32, #tpu.memory_space<hbm>>) dst(%arg9 : memref<32x768xf32, #tpu.memory_space<vmem>>)
    %dma_wait3A_12 = arith.constant 0 : i32
    %dma_wait3A_13 = arith.constant 0 : i32
    %dma_wait3A_14 = tpu.memref_slice %arg4[%dma_wait3A_12, %dma_wait3A_13] : memref<4160x768xf32, #tpu.memory_space<hbm>> -> memref<4160x768xf32, #tpu.memory_space<hbm>>
    tpu.wait_indirect_dma semaphore(%arg12 : memref<!tpu.dma_semaphore, #tpu.memory_space<semaphore_mem>>) src(%dma_wait3A_14 : memref<4160x768xf32, #tpu.memory_space<hbm>>) dst(%arg10 : memref<32x768xf32, #tpu.memory_space<vmem>>)
    %scan3A = arith.constant 0 : i32
    %scan3A_15 = arith.constant 0 : i32
    %scan3A_16 = arith.constant 32 : i32
    %scan3A_17 = arith.addi %scan3A_15, %scan3A_16 : i32
    %scan3A_18 = arith.constant 1 : i32
    scf.for %scan3A_42 = %scan3A_15 to %scan3A_17 step %scan3A_18  : i32 {
      %get3A = arith.index_cast %scan3A_42 : i32 to index
      %get3A_43 = arith.constant 0 : index
      %get3A_44 = tpu.vector_load %arg11[%get3A, %get3A_43] {strides = array<i32>} : memref<32x768xf32, #tpu.memory_space<vmem>>, vector<1x16xf32>,
      %get3A_45 = vector.shape_cast %get3A_44 : vector<1x16xf32> to vector<16xf32>
      %get3A_46 = arith.index_cast %scan3A_42 : i32 to index
      %get3A_47 = arith.constant 0 : index
      %get3A_48 = tpu.vector_load %arg9[%get3A_46, %get3A_47] {strides = array<i32>} : memref<32x768xf32, #tpu.memory_space<vmem>>, vector<1x16xf32>,
      %get3A_49 = vector.shape_cast %get3A_48 : vector<1x16xf32> to vector<16xf32>
      %add3A_50 = arith.addf %get3A_45, %get3A_49 : vector<16xf32>
      %get3A_51 = arith.index_cast %scan3A_42 : i32 to index
      %get3A_52 = arith.constant 0 : index
      %get3A_53 = tpu.vector_load %arg10[%get3A_51, %get3A_52] {strides = array<i32>} : memref<32x768xf32, #tpu.memory_space<vmem>>, vector<1x16xf32>,
      %get3A_54 = vector.shape_cast %get3A_53 : vector<1x16xf32> to vector<16xf32>
      %add3A_55 = arith.addf %add3A_50, %get3A_54 : vector<16xf32>
      %swap3A = arith.index_cast %scan3A_42 : i32 to index
      %swap3A_56 = arith.constant 0 : index
      %swap3A_57 = tpu.vector_load %arg11[%swap3A, %swap3A_56] {strides = array<i32>} : memref<32x768xf32, #tpu.memory_space<vmem>>, vector<1x16xf32>,
      %swap3A_58 = vector.shape_cast %swap3A_57 : vector<1x16xf32> to vector<16xf32>
      %swap3A_59 = vector.shape_cast %add3A_55 : vector<16xf32> to vector<1x16xf32>
      tpu.vector_store %arg11[%swap3A, %swap3A_56], %swap3A_59 {strides = array<i32>} : memref<32x768xf32, #tpu.memory_space<vmem>>, vector<1x16xf32>,
      %get3A_60 = arith.index_cast %scan3A_42 : i32 to index
      %get3A_61 = arith.constant 16 : index
      %get3A_62 = tpu.vector_load %arg11[%get3A_60, %get3A_61] {strides = array<i32>} : memref<32x768xf32, #tpu.memory_space<vmem>>, vector<1x16xf32>,
      %get3A_63 = vector.shape_cast %get3A_62 : vector<1x16xf32> to vector<16xf32>
      %get3A_64 = arith.index_cast %scan3A_42 : i32 to index
      %get3A_65 = arith.constant 16 : index
      %get3A_66 = tpu.vector_load %arg9[%get3A_64, %get3A_65] {strides = array<i32>} : memref<32x768xf32, #tpu.memory_space<vmem>>, vector<1x16xf32>,
      %get3A_67 = vector.shape_cast %get3A_66 : vector<1x16xf32> to vector<16xf32>
      %add3A_68 = arith.addf %get3A_63, %get3A_67 : vector<16xf32>
      %get3A_69 = arith.index_cast %scan3A_42 : i32 to index
      %get3A_70 = arith.constant 16 : index
      %get3A_71 = tpu.vector_load %arg10[%get3A_69, %get3A_70] {strides = array<i32>} : memref<32x768xf32, #tpu.memory_space<vmem>>, vector<1x16xf32>,
      %get3A_72 = vector.shape_cast %get3A_71 : vector<1x16xf32> to vector<16xf32>
      %add3A_73 = arith.addf %add3A_68, %get3A_72 : vector<16xf32>
      %swap3A_74 = arith.index_cast %scan3A_42 : i32 to index
      %swap3A_75 = arith.constant 16 : index
      %swap3A_76 = tpu.vector_load %arg11[%swap3A_74, %swap3A_75] {strides = array<i32>} : memref<32x768xf32, #tpu.memory_space<vmem>>, vector<1x16xf32>,
      %swap3A_77 = vector.shape_cast %swap3A_76 : vector<1x16xf32> to vector<16xf32>
      %swap3A_78 = vector.shape_cast %add3A_73 : vector<16xf32> to vector<1x16xf32>
      tpu.vector_store %arg11[%swap3A_74, %swap3A_75], %swap3A_78 {strides = array<i32>} : memref<32x768xf32, #tpu.memory_space<vmem>>, vector<1x16xf32>,
      %get3A_79 = arith.index_cast %scan3A_42 : i32 to index
      %get3A_80 = arith.constant 32 : index
      %get3A_81 = tpu.vector_load %arg11[%get3A_79, %get3A_80] {strides = array<i32>} : memref<32x768xf32, #tpu.memory_space<vmem>>, vector<1x16xf32>,
      %get3A_82 = vector.shape_cast %get3A_81 : vector<1x16xf32> to vector<16xf32>
      %get3A_83 = arith.index_cast %scan3A_42 : i32 to index
      %get3A_84 = arith.constant 32 : index
      %get3A_85 = tpu.vector_load %arg9[%get3A_83, %get3A_84] {strides = array<i32>} : memref<32x768xf32, #tpu.memory_space<vmem>>, vector<1x16xf32>,
      %get3A_86 = vector.shape_cast %get3A_85 : vector<1x16xf32> to vector<16xf32>
      %add3A_87 = arith.addf %get3A_82, %get3A_86 : vector<16xf32>
      %get3A_88 = arith.index_cast %scan3A_42 : i32 to index
      %get3A_89 = arith.constant 32 : index
      %get3A_90 = tpu.vector_load %arg10[%get3A_88, %get3A_89] {strides = array<i32>} : memref<32x768xf32, #tpu.memory_space<vmem>>, vector<1x16xf32>,
      %get3A_91 = vector.shape_cast %get3A_90 : vector<1x16xf32> to vector<16xf32>
      %add3A_92 = arith.addf %add3A_87, %get3A_91 : vector<16xf32>
      %swap3A_93 = arith.index_cast %scan3A_42 : i32 to index
      %swap3A_94 = arith.constant 32 : index
      %swap3A_95 = tpu.vector_load %arg11[%swap3A_93, %swap3A_94] {strides = array<i32>} : memref<32x768xf32, #tpu.memory_space<vmem>>, vector<1x16xf32>,
      %swap3A_96 = vector.shape_cast %swap3A_95 : vector<1x16xf32> to vector<16xf32>
      %swap3A_97 = vector.shape_cast %add3A_92 : vector<16xf32> to vector<1x16xf32>
      tpu.vector_store %arg11[%swap3A_93, %swap3A_94], %swap3A_97 {strides = array<i32>} : memref<32x768xf32, #tpu.memory_space<vmem>>, vector<1x16xf32>,
      %get3A_98 = arith.index_cast %scan3A_42 : i32 to index
      %get3A_99 = arith.constant 48 : index
      %get3A_100 = tpu.vector_load %arg11[%get3A_98, %get3A_99] {strides = array<i32>} : memref<32x768xf32, #tpu.memory_space<vmem>>, vector<1x16xf32>,
      %get3A_101 = vector.shape_cast %get3A_100 : vector<1x16xf32> to vector<16xf32>
      %get3A_102 = arith.index_cast %scan3A_42 : i32 to index
      %get3A_103 = arith.constant 48 : index
      %get3A_104 = tpu.vector_load %arg9[%get3A_102, %get3A_103] {strides = array<i32>} : memref<32x768xf32, #tpu.memory_space<vmem>>, vector<1x16xf32>,
      %get3A_105 = vector.shape_cast %get3A_104 : vector<1x16xf32> to vector<16xf32>
      %add3A_106 = arith.addf %get3A_101, %get3A_105 : vector<16xf32>
      %get3A_107 = arith.index_cast %scan3A_42 : i32 to index
      %get3A_108 = arith.constant 48 : index
      %get3A_109 = tpu.vector_load %arg10[%get3A_107, %get3A_108] {strides = array<i32>} : memref<32x768xf32, #tpu.memory_space<vmem>>, vector<1x16xf32>,
      %get3A_110 = vector.shape_cast %get3A_109 : vector<1x16xf32> to vector<16xf32>
      %add3A_111 = arith.addf %add3A_106, %get3A_110 : vector<16xf32>
      %swap3A_112 = arith.index_cast %scan3A_42 : i32 to index
      %swap3A_113 = arith.constant 48 : index
      %swap3A_114 = tpu.vector_load %arg11[%swap3A_112, %swap3A_113] {strides = array<i32>} : memref<32x768xf32, #tpu.memory_space<vmem>>, vector<1x16xf32>,
      %swap3A_115 = vector.shape_cast %swap3A_114 : vector<1x16xf32> to vector<16xf32>
      %swap3A_116 = vector.shape_cast %add3A_111 : vector<16xf32> to vector<1x16xf32>
      tpu.vector_store %arg11[%swap3A_112, %swap3A_113], %swap3A_116 {strides = array<i32>} : memref<32x768xf32, #tpu.memory_space<vmem>>, vector<1x16xf32>,
      %get3A_117 = arith.index_cast %scan3A_42 : i32 to index
      %get3A_118 = arith.constant 64 : index
      %get3A_119 = tpu.vector_load %arg11[%get3A_117, %get3A_118] {strides = array<i32>} : memref<32x768xf32, #tpu.memory_space<vmem>>, vector<1x16xf32>,
      %get3A_120 = vector.shape_cast %get3A_119 : vector<1x16xf32> to vector<16xf32>
      %get3A_121 = arith.index_cast %scan3A_42 : i32 to index
      %get3A_122 = arith.constant 64 : index
      %get3A_123 = tpu.vector_load %arg9[%get3A_121, %get3A_122] {strides = array<i32>} : memref<32x768xf32, #tpu.memory_space<vmem>>, vector<1x16xf32>,
      %get3A_124 = vector.shape_cast %get3A_123 : vector<1x16xf32> to vector<16xf32>
      %add3A_125 = arith.addf %get3A_120, %get3A_124 : vector<16xf32>
      %get3A_126 = arith.index_cast %scan3A_42 : i32 to index
      %get3A_127 = arith.constant 64 : index
      %get3A_128 = tpu.vector_load %arg10[%get3A_126, %get3A_127] {strides = array<i32>} : memref<32x768xf32, #tpu.memory_space<vmem>>, vector<1x16xf32>,
      %get3A_129 = vector.shape_cast %get3A_128 : vector<1x16xf32> to vector<16xf32>
      %add3A_130 = arith.addf %add3A_125, %get3A_129 : vector<16xf32>
      %swap3A_131 = arith.index_cast %scan3A_42 : i32 to index
      %swap3A_132 = arith.constant 64 : index
      %swap3A_133 = tpu.vector_load %arg11[%swap3A_131, %swap3A_132] {strides = array<i32>} : memref<32x768xf32, #tpu.memory_space<vmem>>, vector<1x16xf32>,
      %swap3A_134 = vector.shape_cast %swap3A_133 : vector<1x16xf32> to vector<16xf32>
      %swap3A_135 = vector.shape_cast %add3A_130 : vector<16xf32> to vector<1x16xf32>
      tpu.vector_store %arg11[%swap3A_131, %swap3A_132], %swap3A_135 {strides = array<i32>} : memref<32x768xf32, #tpu.memory_space<vmem>>, vector<1x16xf32>,
      %get3A_136 = arith.index_cast %scan3A_42 : i32 to index
      %get3A_137 = arith.constant 80 : index
      %get3A_138 = tpu.vector_load %arg11[%get3A_136, %get3A_137] {strides = array<i32>} : memref<32x768xf32, #tpu.memory_space<vmem>>, vector<1x16xf32>,
      %get3A_139 = vector.shape_cast %get3A_138 : vector<1x16xf32> to vector<16xf32>
      %get3A_140 = arith.index_cast %scan3A_42 : i32 to index
      %get3A_141 = arith.constant 80 : index
      %get3A_142 = tpu.vector_load %arg9[%get3A_140, %get3A_141] {strides = array<i32>} : memref<32x768xf32, #tpu.memory_space<vmem>>, vector<1x16xf32>,
      %get3A_143 = vector.shape_cast %get3A_142 : vector<1x16xf32> to vector<16xf32>
      %add3A_144 = arith.addf %get3A_139, %get3A_143 : vector<16xf32>
      %get3A_145 = arith.index_cast %scan3A_42 : i32 to index
      %get3A_146 = arith.constant 80 : index
      %get3A_147 = tpu.vector_load %arg10[%get3A_145, %get3A_146] {strides = array<i32>} : memref<32x768xf32, #tpu.memory_space<vmem>>, vector<1x16xf32>,
      %get3A_148 = vector.shape_cast %get3A_147 : vector<1x16xf32> to vector<16xf32>
      %add3A_149 = arith.addf %add3A_144, %get3A_148 : vector<16xf32>
      %swap3A_150 = arith.index_cast %scan3A_42 : i32 to index
      %swap3A_151 = arith.constant 80 : index
      %swap3A_152 = tpu.vector_load %arg11[%swap3A_150, %swap3A_151] {strides = array<i32>} : memref<32x768xf32, #tpu.memory_space<vmem>>, vector<1x16xf32>,
      %swap3A_153 = vector.shape_cast %swap3A_152 : vector<1x16xf32> to vector<16xf32>
      %swap3A_154 = vector.shape_cast %add3A_149 : vector<16xf32> to vector<1x16xf32>
      tpu.vector_store %arg11[%swap3A_150, %swap3A_151], %swap3A_154 {strides = array<i32>} : memref<32x768xf32, #tpu.memory_space<vmem>>, vector<1x16xf32>,
      %get3A_155 = arith.index_cast %scan3A_42 : i32 to index
      %get3A_156 = arith.constant 96 : index
      %get3A_157 = tpu.vector_load %arg11[%get3A_155, %get3A_156] {strides = array<i32>} : memref<32x768xf32, #tpu.memory_space<vmem>>, vector<1x16xf32>,
      %get3A_158 = vector.shape_cast %get3A_157 : vector<1x16xf32> to vector<16xf32>
      %get3A_159 = arith.index_cast %scan3A_42 : i32 to index
      %get3A_160 = arith.constant 96 : index
      %get3A_161 = tpu.vector_load %arg9[%get3A_159, %get3A_160] {strides = array<i32>} : memref<32x768xf32, #tpu.memory_space<vmem>>, vector<1x16xf32>,
      %get3A_162 = vector.shape_cast %get3A_161 : vector<1x16xf32> to vector<16xf32>
      %add3A_163 = arith.addf %get3A_158, %get3A_162 : vector<16xf32>
      %get3A_164 = arith.index_cast %scan3A_42 : i32 to index
      %get3A_165 = arith.constant 96 : index
      %get3A_166 = tpu.vector_load %arg10[%get3A_164, %get3A_165] {strides = array<i32>} : memref<32x768xf32, #tpu.memory_space<vmem>>, vector<1x16xf32>,
      %get3A_167 = vector.shape_cast %get3A_166 : vector<1x16xf32> to vector<16xf32>
      %add3A_168 = arith.addf %add3A_163, %get3A_167 : vector<16xf32>
      %swap3A_169 = arith.index_cast %scan3A_42 : i32 to index
      %swap3A_170 = arith.constant 96 : index
      %swap3A_171 = tpu.vector_load %arg11[%swap3A_169, %swap3A_170] {strides = array<i32>} : memref<32x768xf32, #tpu.memory_space<vmem>>, vector<1x16xf32>,
      %swap3A_172 = vector.shape_cast %swap3A_171 : vector<1x16xf32> to vector<16xf32>
      %swap3A_173 = vector.shape_cast %add3A_168 : vector<16xf32> to vector<1x16xf32>
      tpu.vector_store %arg11[%swap3A_169, %swap3A_170], %swap3A_173 {strides = array<i32>} : memref<32x768xf32, #tpu.memory_space<vmem>>, vector<1x16xf32>,
      %get3A_174 = arith.index_cast %scan3A_42 : i32 to index
      %get3A_175 = arith.constant 112 : index
      %get3A_176 = tpu.vector_load %arg11[%get3A_174, %get3A_175] {strides = array<i32>} : memref<32x768xf32, #tpu.memory_space<vmem>>, vector<1x16xf32>,
      %get3A_177 = vector.shape_cast %get3A_176 : vector<1x16xf32> to vector<16xf32>
      %get3A_178 = arith.index_cast %scan3A_42 : i32 to index
      %get3A_179 = arith.constant 112 : index
      %get3A_180 = tpu.vector_load %arg9[%get3A_178, %get3A_179] {strides = array<i32>} : memref<32x768xf32, #tpu.memory_space<vmem>>, vector<1x16xf32>,
      %get3A_181 = vector.shape_cast %get3A_180 : vector<1x16xf32> to vector<16xf32>
      %add3A_182 = arith.addf %get3A_177, %get3A_181 : vector<16xf32>
      %get3A_183 = arith.index_cast %scan3A_42 : i32 to index
      %get3A_184 = arith.constant 112 : index
      %get3A_185 = tpu.vector_load %arg10[%get3A_183, %get3A_184] {strides = array<i32>} : memref<32x768xf32, #tpu.memory_space<vmem>>, vector<1x16xf32>,
      %get3A_186 = vector.shape_cast %get3A_185 : vector<1x16xf32> to vector<16xf32>
      %add3A_187 = arith.addf %add3A_182, %get3A_186 : vector<16xf32>
      %swap3A_188 = arith.index_cast %scan3A_42 : i32 to index
      %swap3A_189 = arith.constant 112 : index
      %swap3A_190 = tpu.vector_load %arg11[%swap3A_188, %swap3A_189] {strides = array<i32>} : memref<32x768xf32, #tpu.memory_space<vmem>>, vector<1x16xf32>,
      %swap3A_191 = vector.shape_cast %swap3A_190 : vector<1x16xf32> to vector<16xf32>
      %swap3A_192 = vector.shape_cast %add3A_187 : vector<16xf32> to vector<1x16xf32>
      tpu.vector_store %arg11[%swap3A_188, %swap3A_189], %swap3A_192 {strides = array<i32>} : memref<32x768xf32, #tpu.memory_space<vmem>>, vector<1x16xf32>,
      %get3A_193 = arith.index_cast %scan3A_42 : i32 to index
      %get3A_194 = arith.constant 128 : index
      %get3A_195 = tpu.vector_load %arg11[%get3A_193, %get3A_194] {strides = array<i32>} : memref<32x768xf32, #tpu.memory_space<vmem>>, vector<1x16xf32>,
      %get3A_196 = vector.shape_cast %get3A_195 : vector<1x16xf32> to vector<16xf32>
      %get3A_197 = arith.index_cast %scan3A_42 : i32 to index
      %get3A_198 = arith.constant 128 : index
      %get3A_199 = tpu.vector_load %arg9[%get3A_197, %get3A_198] {strides = array<i32>} : memref<32x768xf32, #tpu.memory_space<vmem>>, vector<1x16xf32>,
      %get3A_200 = vector.shape_cast %get3A_199 : vector<1x16xf32> to vector<16xf32>
      %add3A_201 = arith.addf %get3A_196, %get3A_200 : vector<16xf32>
      %get3A_202 = arith.index_cast %scan3A_42 : i32 to index
      %get3A_203 = arith.constant 128 : index
      %get3A_204 = tpu.vector_load %arg10[%get3A_202, %get3A_203] {strides = array<i32>} : memref<32x768xf32, #tpu.memory_space<vmem>>, vector<1x16xf32>,
      %get3A_205 = vector.shape_cast %get3A_204 : vector<1x16xf32> to vector<16xf32>
      %add3A_206 = arith.addf %add3A_201, %get3A_205 : vector<16xf32>
      %swap3A_207 = arith.index_cast %scan3A_42 : i32 to index
      %swap3A_208 = arith.constant 128 : index
      %swap3A_209 = tpu.vector_load %arg11[%swap3A_207, %swap3A_208] {strides = array<i32>} : memref<32x768xf32, #tpu.memory_space<vmem>>, vector<1x16xf32>,
      %swap3A_210 = vector.shape_cast %swap3A_209 : vector<1x16xf32> to vector<16xf32>
      %swap3A_211 = vector.shape_cast %add3A_206 : vector<16xf32> to vector<1x16xf32>
      tpu.vector_store %arg11[%swap3A_207, %swap3A_208], %swap3A_211 {strides = array<i32>} : memref<32x768xf32, #tpu.memory_space<vmem>>, vector<1x16xf32>,
      %get3A_212 = arith.index_cast %scan3A_42 : i32 to index
      %get3A_213 = arith.constant 144 : index
      %get3A_214 = tpu.vector_load %arg11[%get3A_212, %get3A_213] {strides = array<i32>} : memref<32x768xf32, #tpu.memory_space<vmem>>, vector<1x16xf32>,
      %get3A_215 = vector.shape_cast %get3A_214 : vector<1x16xf32> to vector<16xf32>
      %get3A_216 = arith.index_cast %scan3A_42 : i32 to index
      %get3A_217 = arith.constant 144 : index
      %get3A_218 = tpu.vector_load %arg9[%get3A_216, %get3A_217] {strides = array<i32>} : memref<32x768xf32, #tpu.memory_space<vmem>>, vector<1x16xf32>,
      %get3A_219 = vector.shape_cast %get3A_218 : vector<1x16xf32> to vector<16xf32>
      %add3A_220 = arith.addf %get3A_215, %get3A_219 : vector<16xf32>
      %get3A_221 = arith.index_cast %scan3A_42 : i32 to index
      %get3A_222 = arith.constant 144 : index
      %get3A_223 = tpu.vector_load %arg10[%get3A_221, %get3A_222] {strides = array<i32>} : memref<32x768xf32, #tpu.memory_space<vmem>>, vector<1x16xf32>,
      %get3A_224 = vector.shape_cast %get3A_223 : vector<1x16xf32> to vector<16xf32>
      %add3A_225 = arith.addf %add3A_220, %get3A_224 : vector<16xf32>
      %swap3A_226 = arith.index_cast %scan3A_42 : i32 to index
      %swap3A_227 = arith.constant 144 : index
      %swap3A_228 = tpu.vector_load %arg11[%swap3A_226, %swap3A_227] {strides = array<i32>} : memref<32x768xf32, #tpu.memory_space<vmem>>, vector<1x16xf32>,
      %swap3A_229 = vector.shape_cast %swap3A_228 : vector<1x16xf32> to vector<16xf32>
      %swap3A_230 = vector.shape_cast %add3A_225 : vector<16xf32> to vector<1x16xf32>
      tpu.vector_store %arg11[%swap3A_226, %swap3A_227], %swap3A_230 {strides = array<i32>} : memref<32x768xf32, #tpu.memory_space<vmem>>, vector<1x16xf32>,
      %get3A_231 = arith.index_cast %scan3A_42 : i32 to index
      %get3A_232 = arith.constant 160 : index
      %get3A_233 = tpu.vector_load %arg11[%get3A_231, %get3A_232] {strides = array<i32>} : memref<32x768xf32, #tpu.memory_space<vmem>>, vector<1x16xf32>,
      %get3A_234 = vector.shape_cast %get3A_233 : vector<1x16xf32> to vector<16xf32>
      %get3A_235 = arith.index_cast %scan3A_42 : i32 to index
      %get3A_236 = arith.constant 160 : index
      %get3A_237 = tpu.vector_load %arg9[%get3A_235, %get3A_236] {strides = array<i32>} : memref<32x768xf32, #tpu.memory_space<vmem>>, vector<1x16xf32>,
      %get3A_238 = vector.shape_cast %get3A_237 : vector<1x16xf32> to vector<16xf32>
      %add3A_239 = arith.addf %get3A_234, %get3A_238 : vector<16xf32>
      %get3A_240 = arith.index_cast %scan3A_42 : i32 to index
      %get3A_241 = arith.constant 160 : index
      %get3A_242 = tpu.vector_load %arg10[%get3A_240, %get3A_241] {strides = array<i32>} : memref<32x768xf32, #tpu.memory_space<vmem>>, vector<1x16xf32>,
      %get3A_243 = vector.shape_cast %get3A_242 : vector<1x16xf32> to vector<16xf32>
      %add3A_244 = arith.addf %add3A_239, %get3A_243 : vector<16xf32>
      %swap3A_245 = arith.index_cast %scan3A_42 : i32 to index
      %swap3A_246 = arith.constant 160 : index
      %swap3A_247 = tpu.vector_load %arg11[%swap3A_245, %swap3A_246] {strides = array<i32>} : memref<32x768xf32, #tpu.memory_space<vmem>>, vector<1x16xf32>,
      %swap3A_248 = vector.shape_cast %swap3A_247 : vector<1x16xf32> to vector<16xf32>
      %swap3A_249 = vector.shape_cast %add3A_244 : vector<16xf32> to vector<1x16xf32>
      tpu.vector_store %arg11[%swap3A_245, %swap3A_246], %swap3A_249 {strides = array<i32>} : memref<32x768xf32, #tpu.memory_space<vmem>>, vector<1x16xf32>,
      %get3A_250 = arith.index_cast %scan3A_42 : i32 to index
      %get3A_251 = arith.constant 176 : index
      %get3A_252 = tpu.vector_load %arg11[%get3A_250, %get3A_251] {strides = array<i32>} : memref<32x768xf32, #tpu.memory_space<vmem>>, vector<1x16xf32>,
      %get3A_253 = vector.shape_cast %get3A_252 : vector<1x16xf32> to vector<16xf32>
      %get3A_254 = arith.index_cast %scan3A_42 : i32 to index
      %get3A_255 = arith.constant 176 : index
      %get3A_256 = tpu.vector_load %arg9[%get3A_254, %get3A_255] {strides = array<i32>} : memref<32x768xf32, #tpu.memory_space<vmem>>, vector<1x16xf32>,
      %get3A_257 = vector.shape_cast %get3A_256 : vector<1x16xf32> to vector<16xf32>
      %add3A_258 = arith.addf %get3A_253, %get3A_257 : vector<16xf32>
      %get3A_259 = arith.index_cast %scan3A_42 : i32 to index
      %get3A_260 = arith.constant 176 : index
      %get3A_261 = tpu.vector_load %arg10[%get3A_259, %get3A_260] {strides = array<i32>} : memref<32x768xf32, #tpu.memory_space<vmem>>, vector<1x16xf32>,
      %get3A_262 = vector.shape_cast %get3A_261 : vector<1x16xf32> to vector<16xf32>
      %add3A_263 = arith.addf %add3A_258, %get3A_262 : vector<16xf32>
      %swap3A_264 = arith.index_cast %scan3A_42 : i32 to index
      %swap3A_265 = arith.constant 176 : index
      %swap3A_266 = tpu.vector_load %arg11[%swap3A_264, %swap3A_265] {strides = array<i32>} : memref<32x768xf32, #tpu.memory_space<vmem>>, vector<1x16xf32>,
      %swap3A_267 = vector.shape_cast %swap3A_266 : vector<1x16xf32> to vector<16xf32>
      %swap3A_268 = vector.shape_cast %add3A_263 : vector<16xf32> to vector<1x16xf32>
      tpu.vector_store %arg11[%swap3A_264, %swap3A_265], %swap3A_268 {strides = array<i32>} : memref<32x768xf32, #tpu.memory_space<vmem>>, vector<1x16xf32>,
      %get3A_269 = arith.index_cast %scan3A_42 : i32 to index
      %get3A_270 = arith.constant 192 : index
      %get3A_271 = tpu.vector_load %arg11[%get3A_269, %get3A_270] {strides = array<i32>} : memref<32x768xf32, #tpu.memory_space<vmem>>, vector<1x16xf32>,
      %get3A_272 = vector.shape_cast %get3A_271 : vector<1x16xf32> to vector<16xf32>
      %get3A_273 = arith.index_cast %scan3A_42 : i32 to index
      %get3A_274 = arith.constant 192 : index
      %get3A_275 = tpu.vector_load %arg9[%get3A_273, %get3A_274] {strides = array<i32>} : memref<32x768xf32, #tpu.memory_space<vmem>>, vector<1x16xf32>,
      %get3A_276 = vector.shape_cast %get3A_275 : vector<1x16xf32> to vector<16xf32>
      %add3A_277 = arith.addf %get3A_272, %get3A_276 : vector<16xf32>
      %get3A_278 = arith.index_cast %scan3A_42 : i32 to index
      %get3A_279 = arith.constant 192 : index
      %get3A_280 = tpu.vector_load %arg10[%get3A_278, %get3A_279] {strides = array<i32>} : memref<32x768xf32, #tpu.memory_space<vmem>>, vector<1x16xf32>,
      %get3A_281 = vector.shape_cast %get3A_280 : vector<1x16xf32> to vector<16xf32>
      %add3A_282 = arith.addf %add3A_277, %get3A_281 : vector<16xf32>
      %swap3A_283 = arith.index_cast %scan3A_42 : i32 to index
      %swap3A_284 = arith.constant 192 : index
      %swap3A_285 = tpu.vector_load %arg11[%swap3A_283, %swap3A_284] {strides = array<i32>} : memref<32x768xf32, #tpu.memory_space<vmem>>, vector<1x16xf32>,
      %swap3A_286 = vector.shape_cast %swap3A_285 : vector<1x16xf32> to vector<16xf32>
      %swap3A_287 = vector.shape_cast %add3A_282 : vector<16xf32> to vector<1x16xf32>
      tpu.vector_store %arg11[%swap3A_283, %swap3A_284], %swap3A_287 {strides = array<i32>} : memref<32x768xf32, #tpu.memory_space<vmem>>, vector<1x16xf32>,
      %get3A_288 = arith.index_cast %scan3A_42 : i32 to index
      %get3A_289 = arith.constant 208 : index
      %get3A_290 = tpu.vector_load %arg11[%get3A_288, %get3A_289] {strides = array<i32>} : memref<32x768xf32, #tpu.memory_space<vmem>>, vector<1x16xf32>,
      %get3A_291 = vector.shape_cast %get3A_290 : vector<1x16xf32> to vector<16xf32>
      %get3A_292 = arith.index_cast %scan3A_42 : i32 to index
      %get3A_293 = arith.constant 208 : index
      %get3A_294 = tpu.vector_load %arg9[%get3A_292, %get3A_293] {strides = array<i32>} : memref<32x768xf32, #tpu.memory_space<vmem>>, vector<1x16xf32>,
      %get3A_295 = vector.shape_cast %get3A_294 : vector<1x16xf32> to vector<16xf32>
      %add3A_296 = arith.addf %get3A_291, %get3A_295 : vector<16xf32>
      %get3A_297 = arith.index_cast %scan3A_42 : i32 to index
      %get3A_298 = arith.constant 208 : index
      %get3A_299 = tpu.vector_load %arg10[%get3A_297, %get3A_298] {strides = array<i32>} : memref<32x768xf32, #tpu.memory_space<vmem>>, vector<1x16xf32>,
      %get3A_300 = vector.shape_cast %get3A_299 : vector<1x16xf32> to vector<16xf32>
      %add3A_301 = arith.addf %add3A_296, %get3A_300 : vector<16xf32>
      %swap3A_302 = arith.index_cast %scan3A_42 : i32 to index
      %swap3A_303 = arith.constant 208 : index
      %swap3A_304 = tpu.vector_load %arg11[%swap3A_302, %swap3A_303] {strides = array<i32>} : memref<32x768xf32, #tpu.memory_space<vmem>>, vector<1x16xf32>,
      %swap3A_305 = vector.shape_cast %swap3A_304 : vector<1x16xf32> to vector<16xf32>
      %swap3A_306 = vector.shape_cast %add3A_301 : vector<16xf32> to vector<1x16xf32>
      tpu.vector_store %arg11[%swap3A_302, %swap3A_303], %swap3A_306 {strides = array<i32>} : memref<32x768xf32, #tpu.memory_space<vmem>>, vector<1x16xf32>,
      %get3A_307 = arith.index_cast %scan3A_42 : i32 to index
      %get3A_308 = arith.constant 224 : index
      %get3A_309 = tpu.vector_load %arg11[%get3A_307, %get3A_308] {strides = array<i32>} : memref<32x768xf32, #tpu.memory_space<vmem>>, vector<1x16xf32>,
      %get3A_310 = vector.shape_cast %get3A_309 : vector<1x16xf32> to vector<16xf32>
      %get3A_311 = arith.index_cast %scan3A_42 : i32 to index
      %get3A_312 = arith.constant 224 : index
      %get3A_313 = tpu.vector_load %arg9[%get3A_311, %get3A_312] {strides = array<i32>} : memref<32x768xf32, #tpu.memory_space<vmem>>, vector<1x16xf32>,
      %get3A_314 = vector.shape_cast %get3A_313 : vector<1x16xf32> to vector<16xf32>
      %add3A_315 = arith.addf %get3A_310, %get3A_314 : vector<16xf32>
      %get3A_316 = arith.index_cast %scan3A_42 : i32 to index
      %get3A_317 = arith.constant 224 : index
      %get3A_318 = tpu.vector_load %arg10[%get3A_316, %get3A_317] {strides = array<i32>} : memref<32x768xf32, #tpu.memory_space<vmem>>, vector<1x16xf32>,
      %get3A_319 = vector.shape_cast %get3A_318 : vector<1x16xf32> to vector<16xf32>
      %add3A_320 = arith.addf %add3A_315, %get3A_319 : vector<16xf32>
      %swap3A_321 = arith.index_cast %scan3A_42 : i32 to index
      %swap3A_322 = arith.constant 224 : index
      %swap3A_323 = tpu.vector_load %arg11[%swap3A_321, %swap3A_322] {strides = array<i32>} : memref<32x768xf32, #tpu.memory_space<vmem>>, vector<1x16xf32>,
      %swap3A_324 = vector.shape_cast %swap3A_323 : vector<1x16xf32> to vector<16xf32>
      %swap3A_325 = vector.shape_cast %add3A_320 : vector<16xf32> to vector<1x16xf32>
      tpu.vector_store %arg11[%swap3A_321, %swap3A_322], %swap3A_325 {strides = array<i32>} : memref<32x768xf32, #tpu.memory_space<vmem>>, vector<1x16xf32>,
      %get3A_326 = arith.index_cast %scan3A_42 : i32 to index
      %get3A_327 = arith.constant 240 : index
      %get3A_328 = tpu.vector_load %arg11[%get3A_326, %get3A_327] {strides = array<i32>} : memref<32x768xf32, #tpu.memory_space<vmem>>, vector<1x16xf32>,
      %get3A_329 = vector.shape_cast %get3A_328 : vector<1x16xf32> to vector<16xf32>
      %get3A_330 = arith.index_cast %scan3A_42 : i32 to index
      %get3A_331 = arith.constant 240 : index
      %get3A_332 = tpu.vector_load %arg9[%get3A_330, %get3A_331] {strides = array<i32>} : memref<32x768xf32, #tpu.memory_space<vmem>>, vector<1x16xf32>,
      %get3A_333 = vector.shape_cast %get3A_332 : vector<1x16xf32> to vector<16xf32>
      %add3A_334 = arith.addf %get3A_329, %get3A_333 : vector<16xf32>
      %get3A_335 = arith.index_cast %scan3A_42 : i32 to index
      %get3A_336 = arith.constant 240 : index
      %get3A_337 = tpu.vector_load %arg10[%get3A_335, %get3A_336] {strides = array<i32>} : memref<32x768xf32, #tpu.memory_space<vmem>>, vector<1x16xf32>,
      %get3A_338 = vector.shape_cast %get3A_337 : vector<1x16xf32> to vector<16xf32>
      %add3A_339 = arith.addf %add3A_334, %get3A_338 : vector<16xf32>
      %swap3A_340 = arith.index_cast %scan3A_42 : i32 to index
      %swap3A_341 = arith.constant 240 : index
      %swap3A_342 = tpu.vector_load %arg11[%swap3A_340, %swap3A_341] {strides = array<i32>} : memref<32x768xf32, #tpu.memory_space<vmem>>, vector<1x16xf32>,
      %swap3A_343 = vector.shape_cast %swap3A_342 : vector<1x16xf32> to vector<16xf32>
      %swap3A_344 = vector.shape_cast %add3A_339 : vector<16xf32> to vector<1x16xf32>
      tpu.vector_store %arg11[%swap3A_340, %swap3A_341], %swap3A_344 {strides = array<i32>} : memref<32x768xf32, #tpu.memory_space<vmem>>, vector<1x16xf32>,
      %get3A_345 = arith.index_cast %scan3A_42 : i32 to index
      %get3A_346 = arith.constant 256 : index
      %get3A_347 = tpu.vector_load %arg11[%get3A_345, %get3A_346] {strides = array<i32>} : memref<32x768xf32, #tpu.memory_space<vmem>>, vector<1x16xf32>,
      %get3A_348 = vector.shape_cast %get3A_347 : vector<1x16xf32> to vector<16xf32>
      %get3A_349 = arith.index_cast %scan3A_42 : i32 to index
      %get3A_350 = arith.constant 256 : index
      %get3A_351 = tpu.vector_load %arg9[%get3A_349, %get3A_350] {strides = array<i32>} : memref<32x768xf32, #tpu.memory_space<vmem>>, vector<1x16xf32>,
      %get3A_352 = vector.shape_cast %get3A_351 : vector<1x16xf32> to vector<16xf32>
      %add3A_353 = arith.addf %get3A_348, %get3A_352 : vector<16xf32>
      %get3A_354 = arith.index_cast %scan3A_42 : i32 to index
      %get3A_355 = arith.constant 256 : index
      %get3A_356 = tpu.vector_load %arg10[%get3A_354, %get3A_355] {strides = array<i32>} : memref<32x768xf32, #tpu.memory_space<vmem>>, vector<1x16xf32>,
      %get3A_357 = vector.shape_cast %get3A_356 : vector<1x16xf32> to vector<16xf32>
      %add3A_358 = arith.addf %add3A_353, %get3A_357 : vector<16xf32>
      %swap3A_359 = arith.index_cast %scan3A_42 : i32 to index
      %swap3A_360 = arith.constant 256 : index
      %swap3A_361 = tpu.vector_load %arg11[%swap3A_359, %swap3A_360] {strides = array<i32>} : memref<32x768xf32, #tpu.memory_space<vmem>>, vector<1x16xf32>,
      %swap3A_362 = vector.shape_cast %swap3A_361 : vector<1x16xf32> to vector<16xf32>
      %swap3A_363 = vector.shape_cast %add3A_358 : vector<16xf32> to vector<1x16xf32>
      tpu.vector_store %arg11[%swap3A_359, %swap3A_360], %swap3A_363 {strides = array<i32>} : memref<32x768xf32, #tpu.memory_space<vmem>>, vector<1x16xf32>,
      %get3A_364 = arith.index_cast %scan3A_42 : i32 to index
      %get3A_365 = arith.constant 272 : index
      %get3A_366 = tpu.vector_load %arg11[%get3A_364, %get3A_365] {strides = array<i32>} : memref<32x768xf32, #tpu.memory_space<vmem>>, vector<1x16xf32>,
      %get3A_367 = vector.shape_cast %get3A_366 : vector<1x16xf32> to vector<16xf32>
      %get3A_368 = arith.index_cast %scan3A_42 : i32 to index
      %get3A_369 = arith.constant 272 : index
      %get3A_370 = tpu.vector_load %arg9[%get3A_368, %get3A_369] {strides = array<i32>} : memref<32x768xf32, #tpu.memory_space<vmem>>, vector<1x16xf32>,
      %get3A_371 = vector.shape_cast %get3A_370 : vector<1x16xf32> to vector<16xf32>
      %add3A_372 = arith.addf %get3A_367, %get3A_371 : vector<16xf32>
      %get3A_373 = arith.index_cast %scan3A_42 : i32 to index
      %get3A_374 = arith.constant 272 : index
      %get3A_375 = tpu.vector_load %arg10[%get3A_373, %get3A_374] {strides = array<i32>} : memref<32x768xf32, #tpu.memory_space<vmem>>, vector<1x16xf32>,
      %get3A_376 = vector.shape_cast %get3A_375 : vector<1x16xf32> to vector<16xf32>
      %add3A_377 = arith.addf %add3A_372, %get3A_376 : vector<16xf32>
      %swap3A_378 = arith.index_cast %scan3A_42 : i32 to index
      %swap3A_379 = arith.constant 272 : index
      %swap3A_380 = tpu.vector_load %arg11[%swap3A_378, %swap3A_379] {strides = array<i32>} : memref<32x768xf32, #tpu.memory_space<vmem>>, vector<1x16xf32>,
      %swap3A_381 = vector.shape_cast %swap3A_380 : vector<1x16xf32> to vector<16xf32>
      %swap3A_382 = vector.shape_cast %add3A_377 : vector<16xf32> to vector<1x16xf32>
      tpu.vector_store %arg11[%swap3A_378, %swap3A_379], %swap3A_382 {strides = array<i32>} : memref<32x768xf32, #tpu.memory_space<vmem>>, vector<1x16xf32>,
      %get3A_383 = arith.index_cast %scan3A_42 : i32 to index
      %get3A_384 = arith.constant 288 : index
      %get3A_385 = tpu.vector_load %arg11[%get3A_383, %get3A_384] {strides = array<i32>} : memref<32x768xf32, #tpu.memory_space<vmem>>, vector<1x16xf32>,
      %get3A_386 = vector.shape_cast %get3A_385 : vector<1x16xf32> to vector<16xf32>
      %get3A_387 = arith.index_cast %scan3A_42 : i32 to index
      %get3A_388 = arith.constant 288 : index
      %get3A_389 = tpu.vector_load %arg9[%get3A_387, %get3A_388] {strides = array<i32>} : memref<32x768xf32, #tpu.memory_space<vmem>>, vector<1x16xf32>,
      %get3A_390 = vector.shape_cast %get3A_389 : vector<1x16xf32> to vector<16xf32>
      %add3A_391 = arith.addf %get3A_386, %get3A_390 : vector<16xf32>
      %get3A_392 = arith.index_cast %scan3A_42 : i32 to index
      %get3A_393 = arith.constant 288 : index
      %get3A_394 = tpu.vector_load %arg10[%get3A_392, %get3A_393] {strides = array<i32>} : memref<32x768xf32, #tpu.memory_space<vmem>>, vector<1x16xf32>,
      %get3A_395 = vector.shape_cast %get3A_394 : vector<1x16xf32> to vector<16xf32>
      %add3A_396 = arith.addf %add3A_391, %get3A_395 : vector<16xf32>
      %swap3A_397 = arith.index_cast %scan3A_42 : i32 to index
      %swap3A_398 = arith.constant 288 : index
      %swap3A_399 = tpu.vector_load %arg11[%swap3A_397, %swap3A_398] {strides = array<i32>} : memref<32x768xf32, #tpu.memory_space<vmem>>, vector<1x16xf32>,
      %swap3A_400 = vector.shape_cast %swap3A_399 : vector<1x16xf32> to vector<16xf32>
      %swap3A_401 = vector.shape_cast %add3A_396 : vector<16xf32> to vector<1x16xf32>
      tpu.vector_store %arg11[%swap3A_397, %swap3A_398], %swap3A_401 {strides = array<i32>} : memref<32x768xf32, #tpu.memory_space<vmem>>, vector<1x16xf32>,
      %get3A_402 = arith.index_cast %scan3A_42 : i32 to index
      %get3A_403 = arith.constant 304 : index
      %get3A_404 = tpu.vector_load %arg11[%get3A_402, %get3A_403] {strides = array<i32>} : memref<32x768xf32, #tpu.memory_space<vmem>>, vector<1x16xf32>,
      %get3A_405 = vector.shape_cast %get3A_404 : vector<1x16xf32> to vector<16xf32>
      %get3A_406 = arith.index_cast %scan3A_42 : i32 to index
      %get3A_407 = arith.constant 304 : index
      %get3A_408 = tpu.vector_load %arg9[%get3A_406, %get3A_407] {strides = array<i32>} : memref<32x768xf32, #tpu.memory_space<vmem>>, vector<1x16xf32>,
      %get3A_409 = vector.shape_cast %get3A_408 : vector<1x16xf32> to vector<16xf32>
      %add3A_410 = arith.addf %get3A_405, %get3A_409 : vector<16xf32>
      %get3A_411 = arith.index_cast %scan3A_42 : i32 to index
      %get3A_412 = arith.constant 304 : index
      %get3A_413 = tpu.vector_load %arg10[%get3A_411, %get3A_412] {strides = array<i32>} : memref<32x768xf32, #tpu.memory_space<vmem>>, vector<1x16xf32>,
      %get3A_414 = vector.shape_cast %get3A_413 : vector<1x16xf32> to vector<16xf32>
      %add3A_415 = arith.addf %add3A_410, %get3A_414 : vector<16xf32>
      %swap3A_416 = arith.index_cast %scan3A_42 : i32 to index
      %swap3A_417 = arith.constant 304 : index
      %swap3A_418 = tpu.vector_load %arg11[%swap3A_416, %swap3A_417] {strides = array<i32>} : memref<32x768xf32, #tpu.memory_space<vmem>>, vector<1x16xf32>,
      %swap3A_419 = vector.shape_cast %swap3A_418 : vector<1x16xf32> to vector<16xf32>
      %swap3A_420 = vector.shape_cast %add3A_415 : vector<16xf32> to vector<1x16xf32>
      tpu.vector_store %arg11[%swap3A_416, %swap3A_417], %swap3A_420 {strides = array<i32>} : memref<32x768xf32, #tpu.memory_space<vmem>>, vector<1x16xf32>,
      %get3A_421 = arith.index_cast %scan3A_42 : i32 to index
      %get3A_422 = arith.constant 320 : index
      %get3A_423 = tpu.vector_load %arg11[%get3A_421, %get3A_422] {strides = array<i32>} : memref<32x768xf32, #tpu.memory_space<vmem>>, vector<1x16xf32>,
      %get3A_424 = vector.shape_cast %get3A_423 : vector<1x16xf32> to vector<16xf32>
      %get3A_425 = arith.index_cast %scan3A_42 : i32 to index
      %get3A_426 = arith.constant 320 : index
      %get3A_427 = tpu.vector_load %arg9[%get3A_425, %get3A_426] {strides = array<i32>} : memref<32x768xf32, #tpu.memory_space<vmem>>, vector<1x16xf32>,
      %get3A_428 = vector.shape_cast %get3A_427 : vector<1x16xf32> to vector<16xf32>
      %add3A_429 = arith.addf %get3A_424, %get3A_428 : vector<16xf32>
      %get3A_430 = arith.index_cast %scan3A_42 : i32 to index
      %get3A_431 = arith.constant 320 : index
      %get3A_432 = tpu.vector_load %arg10[%get3A_430, %get3A_431] {strides = array<i32>} : memref<32x768xf32, #tpu.memory_space<vmem>>, vector<1x16xf32>,
      %get3A_433 = vector.shape_cast %get3A_432 : vector<1x16xf32> to vector<16xf32>
      %add3A_434 = arith.addf %add3A_429, %get3A_433 : vector<16xf32>
      %swap3A_435 = arith.index_cast %scan3A_42 : i32 to index
      %swap3A_436 = arith.constant 320 : index
      %swap3A_437 = tpu.vector_load %arg11[%swap3A_435, %swap3A_436] {strides = array<i32>} : memref<32x768xf32, #tpu.memory_space<vmem>>, vector<1x16xf32>,
      %swap3A_438 = vector.shape_cast %swap3A_437 : vector<1x16xf32> to vector<16xf32>
      %swap3A_439 = vector.shape_cast %add3A_434 : vector<16xf32> to vector<1x16xf32>
      tpu.vector_store %arg11[%swap3A_435, %swap3A_436], %swap3A_439 {strides = array<i32>} : memref<32x768xf32, #tpu.memory_space<vmem>>, vector<1x16xf32>,
      %get3A_440 = arith.index_cast %scan3A_42 : i32 to index
      %get3A_441 = arith.constant 336 : index
      %get3A_442 = tpu.vector_load %arg11[%get3A_440, %get3A_441] {strides = array<i32>} : memref<32x768xf32, #tpu.memory_space<vmem>>, vector<1x16xf32>,
      %get3A_443 = vector.shape_cast %get3A_442 : vector<1x16xf32> to vector<16xf32>
      %get3A_444 = arith.index_cast %scan3A_42 : i32 to index
      %get3A_445 = arith.constant 336 : index
      %get3A_446 = tpu.vector_load %arg9[%get3A_444, %get3A_445] {strides = array<i32>} : memref<32x768xf32, #tpu.memory_space<vmem>>, vector<1x16xf32>,
      %get3A_447 = vector.shape_cast %get3A_446 : vector<1x16xf32> to vector<16xf32>
      %add3A_448 = arith.addf %get3A_443, %get3A_447 : vector<16xf32>
      %get3A_449 = arith.index_cast %scan3A_42 : i32 to index
      %get3A_450 = arith.constant 336 : index
      %get3A_451 = tpu.vector_load %arg10[%get3A_449, %get3A_450] {strides = array<i32>} : memref<32x768xf32, #tpu.memory_space<vmem>>, vector<1x16xf32>,
      %get3A_452 = vector.shape_cast %get3A_451 : vector<1x16xf32> to vector<16xf32>
      %add3A_453 = arith.addf %add3A_448, %get3A_452 : vector<16xf32>
      %swap3A_454 = arith.index_cast %scan3A_42 : i32 to index
      %swap3A_455 = arith.constant 336 : index
      %swap3A_456 = tpu.vector_load %arg11[%swap3A_454, %swap3A_455] {strides = array<i32>} : memref<32x768xf32, #tpu.memory_space<vmem>>, vector<1x16xf32>,
      %swap3A_457 = vector.shape_cast %swap3A_456 : vector<1x16xf32> to vector<16xf32>
      %swap3A_458 = vector.shape_cast %add3A_453 : vector<16xf32> to vector<1x16xf32>
      tpu.vector_store %arg11[%swap3A_454, %swap3A_455], %swap3A_458 {strides = array<i32>} : memref<32x768xf32, #tpu.memory_space<vmem>>, vector<1x16xf32>,
      %get3A_459 = arith.index_cast %scan3A_42 : i32 to index
      %get3A_460 = arith.constant 352 : index
      %get3A_461 = tpu.vector_load %arg11[%get3A_459, %get3A_460] {strides = array<i32>} : memref<32x768xf32, #tpu.memory_space<vmem>>, vector<1x16xf32>,
      %get3A_462 = vector.shape_cast %get3A_461 : vector<1x16xf32> to vector<16xf32>
      %get3A_463 = arith.index_cast %scan3A_42 : i32 to index
      %get3A_464 = arith.constant 352 : index
      %get3A_465 = tpu.vector_load %arg9[%get3A_463, %get3A_464] {strides = array<i32>} : memref<32x768xf32, #tpu.memory_space<vmem>>, vector<1x16xf32>,
      %get3A_466 = vector.shape_cast %get3A_465 : vector<1x16xf32> to vector<16xf32>
      %add3A_467 = arith.addf %get3A_462, %get3A_466 : vector<16xf32>
      %get3A_468 = arith.index_cast %scan3A_42 : i32 to index
      %get3A_469 = arith.constant 352 : index
      %get3A_470 = tpu.vector_load %arg10[%get3A_468, %get3A_469] {strides = array<i32>} : memref<32x768xf32, #tpu.memory_space<vmem>>, vector<1x16xf32>,
      %get3A_471 = vector.shape_cast %get3A_470 : vector<1x16xf32> to vector<16xf32>
      %add3A_472 = arith.addf %add3A_467, %get3A_471 : vector<16xf32>
      %swap3A_473 = arith.index_cast %scan3A_42 : i32 to index
      %swap3A_474 = arith.constant 352 : index
      %swap3A_475 = tpu.vector_load %arg11[%swap3A_473, %swap3A_474] {strides = array<i32>} : memref<32x768xf32, #tpu.memory_space<vmem>>, vector<1x16xf32>,
      %swap3A_476 = vector.shape_cast %swap3A_475 : vector<1x16xf32> to vector<16xf32>
      %swap3A_477 = vector.shape_cast %add3A_472 : vector<16xf32> to vector<1x16xf32>
      tpu.vector_store %arg11[%swap3A_473, %swap3A_474], %swap3A_477 {strides = array<i32>} : memref<32x768xf32, #tpu.memory_space<vmem>>, vector<1x16xf32>,
      %get3A_478 = arith.index_cast %scan3A_42 : i32 to index
      %get3A_479 = arith.constant 368 : index
      %get3A_480 = tpu.vector_load %arg11[%get3A_478, %get3A_479] {strides = array<i32>} : memref<32x768xf32, #tpu.memory_space<vmem>>, vector<1x16xf32>,
      %get3A_481 = vector.shape_cast %get3A_480 : vector<1x16xf32> to vector<16xf32>
      %get3A_482 = arith.index_cast %scan3A_42 : i32 to index
      %get3A_483 = arith.constant 368 : index
      %get3A_484 = tpu.vector_load %arg9[%get3A_482, %get3A_483] {strides = array<i32>} : memref<32x768xf32, #tpu.memory_space<vmem>>, vector<1x16xf32>,
      %get3A_485 = vector.shape_cast %get3A_484 : vector<1x16xf32> to vector<16xf32>
      %add3A_486 = arith.addf %get3A_481, %get3A_485 : vector<16xf32>
      %get3A_487 = arith.index_cast %scan3A_42 : i32 to index
      %get3A_488 = arith.constant 368 : index
      %get3A_489 = tpu.vector_load %arg10[%get3A_487, %get3A_488] {strides = array<i32>} : memref<32x768xf32, #tpu.memory_space<vmem>>, vector<1x16xf32>,
      %get3A_490 = vector.shape_cast %get3A_489 : vector<1x16xf32> to vector<16xf32>
      %add3A_491 = arith.addf %add3A_486, %get3A_490 : vector<16xf32>
      %swap3A_492 = arith.index_cast %scan3A_42 : i32 to index
      %swap3A_493 = arith.constant 368 : index
      %swap3A_494 = tpu.vector_load %arg11[%swap3A_492, %swap3A_493] {strides = array<i32>} : memref<32x768xf32, #tpu.memory_space<vmem>>, vector<1x16xf32>,
      %swap3A_495 = vector.shape_cast %swap3A_494 : vector<1x16xf32> to vector<16xf32>
      %swap3A_496 = vector.shape_cast %add3A_491 : vector<16xf32> to vector<1x16xf32>
      tpu.vector_store %arg11[%swap3A_492, %swap3A_493], %swap3A_496 {strides = array<i32>} : memref<32x768xf32, #tpu.memory_space<vmem>>, vector<1x16xf32>,
      %get3A_497 = arith.index_cast %scan3A_42 : i32 to index
      %get3A_498 = arith.constant 384 : index
      %get3A_499 = tpu.vector_load %arg11[%get3A_497, %get3A_498] {strides = array<i32>} : memref<32x768xf32, #tpu.memory_space<vmem>>, vector<1x16xf32>,
      %get3A_500 = vector.shape_cast %get3A_499 : vector<1x16xf32> to vector<16xf32>
      %get3A_501 = arith.index_cast %scan3A_42 : i32 to index
      %get3A_502 = arith.constant 384 : index
      %get3A_503 = tpu.vector_load %arg9[%get3A_501, %get3A_502] {strides = array<i32>} : memref<32x768xf32, #tpu.memory_space<vmem>>, vector<1x16xf32>,
      %get3A_504 = vector.shape_cast %get3A_503 : vector<1x16xf32> to vector<16xf32>
      %add3A_505 = arith.addf %get3A_500, %get3A_504 : vector<16xf32>
      %get3A_506 = arith.index_cast %scan3A_42 : i32 to index
      %get3A_507 = arith.constant 384 : index
      %get3A_508 = tpu.vector_load %arg10[%get3A_506, %get3A_507] {strides = array<i32>} : memref<32x768xf32, #tpu.memory_space<vmem>>, vector<1x16xf32>,
      %get3A_509 = vector.shape_cast %get3A_508 : vector<1x16xf32> to vector<16xf32>
      %add3A_510 = arith.addf %add3A_505, %get3A_509 : vector<16xf32>
      %swap3A_511 = arith.index_cast %scan3A_42 : i32 to index
      %swap3A_512 = arith.constant 384 : index
      %swap3A_513 = tpu.vector_load %arg11[%swap3A_511, %swap3A_512] {strides = array<i32>} : memref<32x768xf32, #tpu.memory_space<vmem>>, vector<1x16xf32>,
      %swap3A_514 = vector.shape_cast %swap3A_513 : vector<1x16xf32> to vector<16xf32>
      %swap3A_515 = vector.shape_cast %add3A_510 : vector<16xf32> to vector<1x16xf32>
      tpu.vector_store %arg11[%swap3A_511, %swap3A_512], %swap3A_515 {strides = array<i32>} : memref<32x768xf32, #tpu.memory_space<vmem>>, vector<1x16xf32>,
      %get3A_516 = arith.index_cast %scan3A_42 : i32 to index
      %get3A_517 = arith.constant 400 : index
      %get3A_518 = tpu.vector_load %arg11[%get3A_516, %get3A_517] {strides = array<i32>} : memref<32x768xf32, #tpu.memory_space<vmem>>, vector<1x16xf32>,
      %get3A_519 = vector.shape_cast %get3A_518 : vector<1x16xf32> to vector<16xf32>
      %get3A_520 = arith.index_cast %scan3A_42 : i32 to index
      %get3A_521 = arith.constant 400 : index
      %get3A_522 = tpu.vector_load %arg9[%get3A_520, %get3A_521] {strides = array<i32>} : memref<32x768xf32, #tpu.memory_space<vmem>>, vector<1x16xf32>,
      %get3A_523 = vector.shape_cast %get3A_522 : vector<1x16xf32> to vector<16xf32>
      %add3A_524 = arith.addf %get3A_519, %get3A_523 : vector<16xf32>
      %get3A_525 = arith.index_cast %scan3A_42 : i32 to index
      %get3A_526 = arith.constant 400 : index
      %get3A_527 = tpu.vector_load %arg10[%get3A_525, %get3A_526] {strides = array<i32>} : memref<32x768xf32, #tpu.memory_space<vmem>>, vector<1x16xf32>,
      %get3A_528 = vector.shape_cast %get3A_527 : vector<1x16xf32> to vector<16xf32>
      %add3A_529 = arith.addf %add3A_524, %get3A_528 : vector<16xf32>
      %swap3A_530 = arith.index_cast %scan3A_42 : i32 to index
      %swap3A_531 = arith.constant 400 : index
      %swap3A_532 = tpu.vector_load %arg11[%swap3A_530, %swap3A_531] {strides = array<i32>} : memref<32x768xf32, #tpu.memory_space<vmem>>, vector<1x16xf32>,
      %swap3A_533 = vector.shape_cast %swap3A_532 : vector<1x16xf32> to vector<16xf32>
      %swap3A_534 = vector.shape_cast %add3A_529 : vector<16xf32> to vector<1x16xf32>
      tpu.vector_store %arg11[%swap3A_530, %swap3A_531], %swap3A_534 {strides = array<i32>} : memref<32x768xf32, #tpu.memory_space<vmem>>, vector<1x16xf32>,
      %get3A_535 = arith.index_cast %scan3A_42 : i32 to index
      %get3A_536 = arith.constant 416 : index
      %get3A_537 = tpu.vector_load %arg11[%get3A_535, %get3A_536] {strides = array<i32>} : memref<32x768xf32, #tpu.memory_space<vmem>>, vector<1x16xf32>,
      %get3A_538 = vector.shape_cast %get3A_537 : vector<1x16xf32> to vector<16xf32>
      %get3A_539 = arith.index_cast %scan3A_42 : i32 to index
      %get3A_540 = arith.constant 416 : index
      %get3A_541 = tpu.vector_load %arg9[%get3A_539, %get3A_540] {strides = array<i32>} : memref<32x768xf32, #tpu.memory_space<vmem>>, vector<1x16xf32>,
      %get3A_542 = vector.shape_cast %get3A_541 : vector<1x16xf32> to vector<16xf32>
      %add3A_543 = arith.addf %get3A_538, %get3A_542 : vector<16xf32>
      %get3A_544 = arith.index_cast %scan3A_42 : i32 to index
      %get3A_545 = arith.constant 416 : index
      %get3A_546 = tpu.vector_load %arg10[%get3A_544, %get3A_545] {strides = array<i32>} : memref<32x768xf32, #tpu.memory_space<vmem>>, vector<1x16xf32>,
      %get3A_547 = vector.shape_cast %get3A_546 : vector<1x16xf32> to vector<16xf32>
      %add3A_548 = arith.addf %add3A_543, %get3A_547 : vector<16xf32>
      %swap3A_549 = arith.index_cast %scan3A_42 : i32 to index
      %swap3A_550 = arith.constant 416 : index
      %swap3A_551 = tpu.vector_load %arg11[%swap3A_549, %swap3A_550] {strides = array<i32>} : memref<32x768xf32, #tpu.memory_space<vmem>>, vector<1x16xf32>,
      %swap3A_552 = vector.shape_cast %swap3A_551 : vector<1x16xf32> to vector<16xf32>
      %swap3A_553 = vector.shape_cast %add3A_548 : vector<16xf32> to vector<1x16xf32>
      tpu.vector_store %arg11[%swap3A_549, %swap3A_550], %swap3A_553 {strides = array<i32>} : memref<32x768xf32, #tpu.memory_space<vmem>>, vector<1x16xf32>,
      %get3A_554 = arith.index_cast %scan3A_42 : i32 to index
      %get3A_555 = arith.constant 432 : index
      %get3A_556 = tpu.vector_load %arg11[%get3A_554, %get3A_555] {strides = array<i32>} : memref<32x768xf32, #tpu.memory_space<vmem>>, vector<1x16xf32>,
      %get3A_557 = vector.shape_cast %get3A_556 : vector<1x16xf32> to vector<16xf32>
      %get3A_558 = arith.index_cast %scan3A_42 : i32 to index
      %get3A_559 = arith.constant 432 : index
      %get3A_560 = tpu.vector_load %arg9[%get3A_558, %get3A_559] {strides = array<i32>} : memref<32x768xf32, #tpu.memory_space<vmem>>, vector<1x16xf32>,
      %get3A_561 = vector.shape_cast %get3A_560 : vector<1x16xf32> to vector<16xf32>
      %add3A_562 = arith.addf %get3A_557, %get3A_561 : vector<16xf32>
      %get3A_563 = arith.index_cast %scan3A_42 : i32 to index
      %get3A_564 = arith.constant 432 : index
      %get3A_565 = tpu.vector_load %arg10[%get3A_563, %get3A_564] {strides = array<i32>} : memref<32x768xf32, #tpu.memory_space<vmem>>, vector<1x16xf32>,
      %get3A_566 = vector.shape_cast %get3A_565 : vector<1x16xf32> to vector<16xf32>
      %add3A_567 = arith.addf %add3A_562, %get3A_566 : vector<16xf32>
      %swap3A_568 = arith.index_cast %scan3A_42 : i32 to index
      %swap3A_569 = arith.constant 432 : index
      %swap3A_570 = tpu.vector_load %arg11[%swap3A_568, %swap3A_569] {strides = array<i32>} : memref<32x768xf32, #tpu.memory_space<vmem>>, vector<1x16xf32>,
      %swap3A_571 = vector.shape_cast %swap3A_570 : vector<1x16xf32> to vector<16xf32>
      %swap3A_572 = vector.shape_cast %add3A_567 : vector<16xf32> to vector<1x16xf32>
      tpu.vector_store %arg11[%swap3A_568, %swap3A_569], %swap3A_572 {strides = array<i32>} : memref<32x768xf32, #tpu.memory_space<vmem>>, vector<1x16xf32>,
      %get3A_573 = arith.index_cast %scan3A_42 : i32 to index
      %get3A_574 = arith.constant 448 : index
      %get3A_575 = tpu.vector_load %arg11[%get3A_573, %get3A_574] {strides = array<i32>} : memref<32x768xf32, #tpu.memory_space<vmem>>, vector<1x16xf32>,
      %get3A_576 = vector.shape_cast %get3A_575 : vector<1x16xf32> to vector<16xf32>
      %get3A_577 = arith.index_cast %scan3A_42 : i32 to index
      %get3A_578 = arith.constant 448 : index
      %get3A_579 = tpu.vector_load %arg9[%get3A_577, %get3A_578] {strides = array<i32>} : memref<32x768xf32, #tpu.memory_space<vmem>>, vector<1x16xf32>,
      %get3A_580 = vector.shape_cast %get3A_579 : vector<1x16xf32> to vector<16xf32>
      %add3A_581 = arith.addf %get3A_576, %get3A_580 : vector<16xf32>
      %get3A_582 = arith.index_cast %scan3A_42 : i32 to index
      %get3A_583 = arith.constant 448 : index
      %get3A_584 = tpu.vector_load %arg10[%get3A_582, %get3A_583] {strides = array<i32>} : memref<32x768xf32, #tpu.memory_space<vmem>>, vector<1x16xf32>,
      %get3A_585 = vector.shape_cast %get3A_584 : vector<1x16xf32> to vector<16xf32>
      %add3A_586 = arith.addf %add3A_581, %get3A_585 : vector<16xf32>
      %swap3A_587 = arith.index_cast %scan3A_42 : i32 to index
      %swap3A_588 = arith.constant 448 : index
      %swap3A_589 = tpu.vector_load %arg11[%swap3A_587, %swap3A_588] {strides = array<i32>} : memref<32x768xf32, #tpu.memory_space<vmem>>, vector<1x16xf32>,
      %swap3A_590 = vector.shape_cast %swap3A_589 : vector<1x16xf32> to vector<16xf32>
      %swap3A_591 = vector.shape_cast %add3A_586 : vector<16xf32> to vector<1x16xf32>
      tpu.vector_store %arg11[%swap3A_587, %swap3A_588], %swap3A_591 {strides = array<i32>} : memref<32x768xf32, #tpu.memory_space<vmem>>, vector<1x16xf32>,
      %get3A_592 = arith.index_cast %scan3A_42 : i32 to index
      %get3A_593 = arith.constant 464 : index
      %get3A_594 = tpu.vector_load %arg11[%get3A_592, %get3A_593] {strides = array<i32>} : memref<32x768xf32, #tpu.memory_space<vmem>>, vector<1x16xf32>,
      %get3A_595 = vector.shape_cast %get3A_594 : vector<1x16xf32> to vector<16xf32>
      %get3A_596 = arith.index_cast %scan3A_42 : i32 to index
      %get3A_597 = arith.constant 464 : index
      %get3A_598 = tpu.vector_load %arg9[%get3A_596, %get3A_597] {strides = array<i32>} : memref<32x768xf32, #tpu.memory_space<vmem>>, vector<1x16xf32>,
      %get3A_599 = vector.shape_cast %get3A_598 : vector<1x16xf32> to vector<16xf32>
      %add3A_600 = arith.addf %get3A_595, %get3A_599 : vector<16xf32>
      %get3A_601 = arith.index_cast %scan3A_42 : i32 to index
      %get3A_602 = arith.constant 464 : index
      %get3A_603 = tpu.vector_load %arg10[%get3A_601, %get3A_602] {strides = array<i32>} : memref<32x768xf32, #tpu.memory_space<vmem>>, vector<1x16xf32>,
      %get3A_604 = vector.shape_cast %get3A_603 : vector<1x16xf32> to vector<16xf32>
      %add3A_605 = arith.addf %add3A_600, %get3A_604 : vector<16xf32>
      %swap3A_606 = arith.index_cast %scan3A_42 : i32 to index
      %swap3A_607 = arith.constant 464 : index
      %swap3A_608 = tpu.vector_load %arg11[%swap3A_606, %swap3A_607] {strides = array<i32>} : memref<32x768xf32, #tpu.memory_space<vmem>>, vector<1x16xf32>,
      %swap3A_609 = vector.shape_cast %swap3A_608 : vector<1x16xf32> to vector<16xf32>
      %swap3A_610 = vector.shape_cast %add3A_605 : vector<16xf32> to vector<1x16xf32>
      tpu.vector_store %arg11[%swap3A_606, %swap3A_607], %swap3A_610 {strides = array<i32>} : memref<32x768xf32, #tpu.memory_space<vmem>>, vector<1x16xf32>,
      %get3A_611 = arith.index_cast %scan3A_42 : i32 to index
      %get3A_612 = arith.constant 480 : index
      %get3A_613 = tpu.vector_load %arg11[%get3A_611, %get3A_612] {strides = array<i32>} : memref<32x768xf32, #tpu.memory_space<vmem>>, vector<1x16xf32>,
      %get3A_614 = vector.shape_cast %get3A_613 : vector<1x16xf32> to vector<16xf32>
      %get3A_615 = arith.index_cast %scan3A_42 : i32 to index
      %get3A_616 = arith.constant 480 : index
      %get3A_617 = tpu.vector_load %arg9[%get3A_615, %get3A_616] {strides = array<i32>} : memref<32x768xf32, #tpu.memory_space<vmem>>, vector<1x16xf32>,
      %get3A_618 = vector.shape_cast %get3A_617 : vector<1x16xf32> to vector<16xf32>
      %add3A_619 = arith.addf %get3A_614, %get3A_618 : vector<16xf32>
      %get3A_620 = arith.index_cast %scan3A_42 : i32 to index
      %get3A_621 = arith.constant 480 : index
      %get3A_622 = tpu.vector_load %arg10[%get3A_620, %get3A_621] {strides = array<i32>} : memref<32x768xf32, #tpu.memory_space<vmem>>, vector<1x16xf32>,
      %get3A_623 = vector.shape_cast %get3A_622 : vector<1x16xf32> to vector<16xf32>
      %add3A_624 = arith.addf %add3A_619, %get3A_623 : vector<16xf32>
      %swap3A_625 = arith.index_cast %scan3A_42 : i32 to index
      %swap3A_626 = arith.constant 480 : index
      %swap3A_627 = tpu.vector_load %arg11[%swap3A_625, %swap3A_626] {strides = array<i32>} : memref<32x768xf32, #tpu.memory_space<vmem>>, vector<1x16xf32>,
      %swap3A_628 = vector.shape_cast %swap3A_627 : vector<1x16xf32> to vector<16xf32>
      %swap3A_629 = vector.shape_cast %add3A_624 : vector<16xf32> to vector<1x16xf32>
      tpu.vector_store %arg11[%swap3A_625, %swap3A_626], %swap3A_629 {strides = array<i32>} : memref<32x768xf32, #tpu.memory_space<vmem>>, vector<1x16xf32>,
      %get3A_630 = arith.index_cast %scan3A_42 : i32 to index
      %get3A_631 = arith.constant 496 : index
      %get3A_632 = tpu.vector_load %arg11[%get3A_630, %get3A_631] {strides = array<i32>} : memref<32x768xf32, #tpu.memory_space<vmem>>, vector<1x16xf32>,
      %get3A_633 = vector.shape_cast %get3A_632 : vector<1x16xf32> to vector<16xf32>
      %get3A_634 = arith.index_cast %scan3A_42 : i32 to index
      %get3A_635 = arith.constant 496 : index
      %get3A_636 = tpu.vector_load %arg9[%get3A_634, %get3A_635] {strides = array<i32>} : memref<32x768xf32, #tpu.memory_space<vmem>>, vector<1x16xf32>,
      %get3A_637 = vector.shape_cast %get3A_636 : vector<1x16xf32> to vector<16xf32>
      %add3A_638 = arith.addf %get3A_633, %get3A_637 : vector<16xf32>
      %get3A_639 = arith.index_cast %scan3A_42 : i32 to index
      %get3A_640 = arith.constant 496 : index
      %get3A_641 = tpu.vector_load %arg10[%get3A_639, %get3A_640] {strides = array<i32>} : memref<32x768xf32, #tpu.memory_space<vmem>>, vector<1x16xf32>,
      %get3A_642 = vector.shape_cast %get3A_641 : vector<1x16xf32> to vector<16xf32>
      %add3A_643 = arith.addf %add3A_638, %get3A_642 : vector<16xf32>
      %swap3A_644 = arith.index_cast %scan3A_42 : i32 to index
      %swap3A_645 = arith.constant 496 : index
      %swap3A_646 = tpu.vector_load %arg11[%swap3A_644, %swap3A_645] {strides = array<i32>} : memref<32x768xf32, #tpu.memory_space<vmem>>, vector<1x16xf32>,
      %swap3A_647 = vector.shape_cast %swap3A_646 : vector<1x16xf32> to vector<16xf32>
      %swap3A_648 = vector.shape_cast %add3A_643 : vector<16xf32> to vector<1x16xf32>
      tpu.vector_store %arg11[%swap3A_644, %swap3A_645], %swap3A_648 {strides = array<i32>} : memref<32x768xf32, #tpu.memory_space<vmem>>, vector<1x16xf32>,
      %get3A_649 = arith.index_cast %scan3A_42 : i32 to index
      %get3A_650 = arith.constant 512 : index
      %get3A_651 = tpu.vector_load %arg11[%get3A_649, %get3A_650] {strides = array<i32>} : memref<32x768xf32, #tpu.memory_space<vmem>>, vector<1x16xf32>,
      %get3A_652 = vector.shape_cast %get3A_651 : vector<1x16xf32> to vector<16xf32>
      %get3A_653 = arith.index_cast %scan3A_42 : i32 to index
      %get3A_654 = arith.constant 512 : index
      %get3A_655 = tpu.vector_load %arg9[%get3A_653, %get3A_654] {strides = array<i32>} : memref<32x768xf32, #tpu.memory_space<vmem>>, vector<1x16xf32>,
      %get3A_656 = vector.shape_cast %get3A_655 : vector<1x16xf32> to vector<16xf32>
      %add3A_657 = arith.addf %get3A_652, %get3A_656 : vector<16xf32>
      %get3A_658 = arith.index_cast %scan3A_42 : i32 to index
      %get3A_659 = arith.constant 512 : index
      %get3A_660 = tpu.vector_load %arg10[%get3A_658, %get3A_659] {strides = array<i32>} : memref<32x768xf32, #tpu.memory_space<vmem>>, vector<1x16xf32>,
      %get3A_661 = vector.shape_cast %get3A_660 : vector<1x16xf32> to vector<16xf32>
      %add3A_662 = arith.addf %add3A_657, %get3A_661 : vector<16xf32>
      %swap3A_663 = arith.index_cast %scan3A_42 : i32 to index
      %swap3A_664 = arith.constant 512 : index
      %swap3A_665 = tpu.vector_load %arg11[%swap3A_663, %swap3A_664] {strides = array<i32>} : memref<32x768xf32, #tpu.memory_space<vmem>>, vector<1x16xf32>,
      %swap3A_666 = vector.shape_cast %swap3A_665 : vector<1x16xf32> to vector<16xf32>
      %swap3A_667 = vector.shape_cast %add3A_662 : vector<16xf32> to vector<1x16xf32>
      tpu.vector_store %arg11[%swap3A_663, %swap3A_664], %swap3A_667 {strides = array<i32>} : memref<32x768xf32, #tpu.memory_space<vmem>>, vector<1x16xf32>,
      %get3A_668 = arith.index_cast %scan3A_42 : i32 to index
      %get3A_669 = arith.constant 528 : index
      %get3A_670 = tpu.vector_load %arg11[%get3A_668, %get3A_669] {strides = array<i32>} : memref<32x768xf32, #tpu.memory_space<vmem>>, vector<1x16xf32>,
      %get3A_671 = vector.shape_cast %get3A_670 : vector<1x16xf32> to vector<16xf32>
      %get3A_672 = arith.index_cast %scan3A_42 : i32 to index
      %get3A_673 = arith.constant 528 : index
      %get3A_674 = tpu.vector_load %arg9[%get3A_672, %get3A_673] {strides = array<i32>} : memref<32x768xf32, #tpu.memory_space<vmem>>, vector<1x16xf32>,
      %get3A_675 = vector.shape_cast %get3A_674 : vector<1x16xf32> to vector<16xf32>
      %add3A_676 = arith.addf %get3A_671, %get3A_675 : vector<16xf32>
      %get3A_677 = arith.index_cast %scan3A_42 : i32 to index
      %get3A_678 = arith.constant 528 : index
      %get3A_679 = tpu.vector_load %arg10[%get3A_677, %get3A_678] {strides = array<i32>} : memref<32x768xf32, #tpu.memory_space<vmem>>, vector<1x16xf32>,
      %get3A_680 = vector.shape_cast %get3A_679 : vector<1x16xf32> to vector<16xf32>
      %add3A_681 = arith.addf %add3A_676, %get3A_680 : vector<16xf32>
      %swap3A_682 = arith.index_cast %scan3A_42 : i32 to index
      %swap3A_683 = arith.constant 528 : index
      %swap3A_684 = tpu.vector_load %arg11[%swap3A_682, %swap3A_683] {strides = array<i32>} : memref<32x768xf32, #tpu.memory_space<vmem>>, vector<1x16xf32>,
      %swap3A_685 = vector.shape_cast %swap3A_684 : vector<1x16xf32> to vector<16xf32>
      %swap3A_686 = vector.shape_cast %add3A_681 : vector<16xf32> to vector<1x16xf32>
      tpu.vector_store %arg11[%swap3A_682, %swap3A_683], %swap3A_686 {strides = array<i32>} : memref<32x768xf32, #tpu.memory_space<vmem>>, vector<1x16xf32>,
      %get3A_687 = arith.index_cast %scan3A_42 : i32 to index
      %get3A_688 = arith.constant 544 : index
      %get3A_689 = tpu.vector_load %arg11[%get3A_687, %get3A_688] {strides = array<i32>} : memref<32x768xf32, #tpu.memory_space<vmem>>, vector<1x16xf32>,
      %get3A_690 = vector.shape_cast %get3A_689 : vector<1x16xf32> to vector<16xf32>
      %get3A_691 = arith.index_cast %scan3A_42 : i32 to index
      %get3A_692 = arith.constant 544 : index
      %get3A_693 = tpu.vector_load %arg9[%get3A_691, %get3A_692] {strides = array<i32>} : memref<32x768xf32, #tpu.memory_space<vmem>>, vector<1x16xf32>,
      %get3A_694 = vector.shape_cast %get3A_693 : vector<1x16xf32> to vector<16xf32>
      %add3A_695 = arith.addf %get3A_690, %get3A_694 : vector<16xf32>
      %get3A_696 = arith.index_cast %scan3A_42 : i32 to index
      %get3A_697 = arith.constant 544 : index
      %get3A_698 = tpu.vector_load %arg10[%get3A_696, %get3A_697] {strides = array<i32>} : memref<32x768xf32, #tpu.memory_space<vmem>>, vector<1x16xf32>,
      %get3A_699 = vector.shape_cast %get3A_698 : vector<1x16xf32> to vector<16xf32>
      %add3A_700 = arith.addf %add3A_695, %get3A_699 : vector<16xf32>
      %swap3A_701 = arith.index_cast %scan3A_42 : i32 to index
      %swap3A_702 = arith.constant 544 : index
      %swap3A_703 = tpu.vector_load %arg11[%swap3A_701, %swap3A_702] {strides = array<i32>} : memref<32x768xf32, #tpu.memory_space<vmem>>, vector<1x16xf32>,
      %swap3A_704 = vector.shape_cast %swap3A_703 : vector<1x16xf32> to vector<16xf32>
      %swap3A_705 = vector.shape_cast %add3A_700 : vector<16xf32> to vector<1x16xf32>
      tpu.vector_store %arg11[%swap3A_701, %swap3A_702], %swap3A_705 {strides = array<i32>} : memref<32x768xf32, #tpu.memory_space<vmem>>, vector<1x16xf32>,
      %get3A_706 = arith.index_cast %scan3A_42 : i32 to index
      %get3A_707 = arith.constant 560 : index
      %get3A_708 = tpu.vector_load %arg11[%get3A_706, %get3A_707] {strides = array<i32>} : memref<32x768xf32, #tpu.memory_space<vmem>>, vector<1x16xf32>,
      %get3A_709 = vector.shape_cast %get3A_708 : vector<1x16xf32> to vector<16xf32>
      %get3A_710 = arith.index_cast %scan3A_42 : i32 to index
      %get3A_711 = arith.constant 560 : index
      %get3A_712 = tpu.vector_load %arg9[%get3A_710, %get3A_711] {strides = array<i32>} : memref<32x768xf32, #tpu.memory_space<vmem>>, vector<1x16xf32>,
      %get3A_713 = vector.shape_cast %get3A_712 : vector<1x16xf32> to vector<16xf32>
      %add3A_714 = arith.addf %get3A_709, %get3A_713 : vector<16xf32>
      %get3A_715 = arith.index_cast %scan3A_42 : i32 to index
      %get3A_716 = arith.constant 560 : index
      %get3A_717 = tpu.vector_load %arg10[%get3A_715, %get3A_716] {strides = array<i32>} : memref<32x768xf32, #tpu.memory_space<vmem>>, vector<1x16xf32>,
      %get3A_718 = vector.shape_cast %get3A_717 : vector<1x16xf32> to vector<16xf32>
      %add3A_719 = arith.addf %add3A_714, %get3A_718 : vector<16xf32>
      %swap3A_720 = arith.index_cast %scan3A_42 : i32 to index
      %swap3A_721 = arith.constant 560 : index
      %swap3A_722 = tpu.vector_load %arg11[%swap3A_720, %swap3A_721] {strides = array<i32>} : memref<32x768xf32, #tpu.memory_space<vmem>>, vector<1x16xf32>,
      %swap3A_723 = vector.shape_cast %swap3A_722 : vector<1x16xf32> to vector<16xf32>
      %swap3A_724 = vector.shape_cast %add3A_719 : vector<16xf32> to vector<1x16xf32>
      tpu.vector_store %arg11[%swap3A_720, %swap3A_721], %swap3A_724 {strides = array<i32>} : memref<32x768xf32, #tpu.memory_space<vmem>>, vector<1x16xf32>,
      %get3A_725 = arith.index_cast %scan3A_42 : i32 to index
      %get3A_726 = arith.constant 576 : index
      %get3A_727 = tpu.vector_load %arg11[%get3A_725, %get3A_726] {strides = array<i32>} : memref<32x768xf32, #tpu.memory_space<vmem>>, vector<1x16xf32>,
      %get3A_728 = vector.shape_cast %get3A_727 : vector<1x16xf32> to vector<16xf32>
      %get3A_729 = arith.index_cast %scan3A_42 : i32 to index
      %get3A_730 = arith.constant 576 : index
      %get3A_731 = tpu.vector_load %arg9[%get3A_729, %get3A_730] {strides = array<i32>} : memref<32x768xf32, #tpu.memory_space<vmem>>, vector<1x16xf32>,
      %get3A_732 = vector.shape_cast %get3A_731 : vector<1x16xf32> to vector<16xf32>
      %add3A_733 = arith.addf %get3A_728, %get3A_732 : vector<16xf32>
      %get3A_734 = arith.index_cast %scan3A_42 : i32 to index
      %get3A_735 = arith.constant 576 : index
      %get3A_736 = tpu.vector_load %arg10[%get3A_734, %get3A_735] {strides = array<i32>} : memref<32x768xf32, #tpu.memory_space<vmem>>, vector<1x16xf32>,
      %get3A_737 = vector.shape_cast %get3A_736 : vector<1x16xf32> to vector<16xf32>
      %add3A_738 = arith.addf %add3A_733, %get3A_737 : vector<16xf32>
      %swap3A_739 = arith.index_cast %scan3A_42 : i32 to index
      %swap3A_740 = arith.constant 576 : index
      %swap3A_741 = tpu.vector_load %arg11[%swap3A_739, %swap3A_740] {strides = array<i32>} : memref<32x768xf32, #tpu.memory_space<vmem>>, vector<1x16xf32>,
      %swap3A_742 = vector.shape_cast %swap3A_741 : vector<1x16xf32> to vector<16xf32>
      %swap3A_743 = vector.shape_cast %add3A_738 : vector<16xf32> to vector<1x16xf32>
      tpu.vector_store %arg11[%swap3A_739, %swap3A_740], %swap3A_743 {strides = array<i32>} : memref<32x768xf32, #tpu.memory_space<vmem>>, vector<1x16xf32>,
      %get3A_744 = arith.index_cast %scan3A_42 : i32 to index
      %get3A_745 = arith.constant 592 : index
      %get3A_746 = tpu.vector_load %arg11[%get3A_744, %get3A_745] {strides = array<i32>} : memref<32x768xf32, #tpu.memory_space<vmem>>, vector<1x16xf32>,
      %get3A_747 = vector.shape_cast %get3A_746 : vector<1x16xf32> to vector<16xf32>
      %get3A_748 = arith.index_cast %scan3A_42 : i32 to index
      %get3A_749 = arith.constant 592 : index
      %get3A_750 = tpu.vector_load %arg9[%get3A_748, %get3A_749] {strides = array<i32>} : memref<32x768xf32, #tpu.memory_space<vmem>>, vector<1x16xf32>,
      %get3A_751 = vector.shape_cast %get3A_750 : vector<1x16xf32> to vector<16xf32>
      %add3A_752 = arith.addf %get3A_747, %get3A_751 : vector<16xf32>
      %get3A_753 = arith.index_cast %scan3A_42 : i32 to index
      %get3A_754 = arith.constant 592 : index
      %get3A_755 = tpu.vector_load %arg10[%get3A_753, %get3A_754] {strides = array<i32>} : memref<32x768xf32, #tpu.memory_space<vmem>>, vector<1x16xf32>,
      %get3A_756 = vector.shape_cast %get3A_755 : vector<1x16xf32> to vector<16xf32>
      %add3A_757 = arith.addf %add3A_752, %get3A_756 : vector<16xf32>
      %swap3A_758 = arith.index_cast %scan3A_42 : i32 to index
      %swap3A_759 = arith.constant 592 : index
      %swap3A_760 = tpu.vector_load %arg11[%swap3A_758, %swap3A_759] {strides = array<i32>} : memref<32x768xf32, #tpu.memory_space<vmem>>, vector<1x16xf32>,
      %swap3A_761 = vector.shape_cast %swap3A_760 : vector<1x16xf32> to vector<16xf32>
      %swap3A_762 = vector.shape_cast %add3A_757 : vector<16xf32> to vector<1x16xf32>
      tpu.vector_store %arg11[%swap3A_758, %swap3A_759], %swap3A_762 {strides = array<i32>} : memref<32x768xf32, #tpu.memory_space<vmem>>, vector<1x16xf32>,
      %get3A_763 = arith.index_cast %scan3A_42 : i32 to index
      %get3A_764 = arith.constant 608 : index
      %get3A_765 = tpu.vector_load %arg11[%get3A_763, %get3A_764] {strides = array<i32>} : memref<32x768xf32, #tpu.memory_space<vmem>>, vector<1x16xf32>,
      %get3A_766 = vector.shape_cast %get3A_765 : vector<1x16xf32> to vector<16xf32>
      %get3A_767 = arith.index_cast %scan3A_42 : i32 to index
      %get3A_768 = arith.constant 608 : index
      %get3A_769 = tpu.vector_load %arg9[%get3A_767, %get3A_768] {strides = array<i32>} : memref<32x768xf32, #tpu.memory_space<vmem>>, vector<1x16xf32>,
      %get3A_770 = vector.shape_cast %get3A_769 : vector<1x16xf32> to vector<16xf32>
      %add3A_771 = arith.addf %get3A_766, %get3A_770 : vector<16xf32>
      %get3A_772 = arith.index_cast %scan3A_42 : i32 to index
      %get3A_773 = arith.constant 608 : index
      %get3A_774 = tpu.vector_load %arg10[%get3A_772, %get3A_773] {strides = array<i32>} : memref<32x768xf32, #tpu.memory_space<vmem>>, vector<1x16xf32>,
      %get3A_775 = vector.shape_cast %get3A_774 : vector<1x16xf32> to vector<16xf32>
      %add3A_776 = arith.addf %add3A_771, %get3A_775 : vector<16xf32>
      %swap3A_777 = arith.index_cast %scan3A_42 : i32 to index
      %swap3A_778 = arith.constant 608 : index
      %swap3A_779 = tpu.vector_load %arg11[%swap3A_777, %swap3A_778] {strides = array<i32>} : memref<32x768xf32, #tpu.memory_space<vmem>>, vector<1x16xf32>,
      %swap3A_780 = vector.shape_cast %swap3A_779 : vector<1x16xf32> to vector<16xf32>
      %swap3A_781 = vector.shape_cast %add3A_776 : vector<16xf32> to vector<1x16xf32>
      tpu.vector_store %arg11[%swap3A_777, %swap3A_778], %swap3A_781 {strides = array<i32>} : memref<32x768xf32, #tpu.memory_space<vmem>>, vector<1x16xf32>,
      %get3A_782 = arith.index_cast %scan3A_42 : i32 to index
      %get3A_783 = arith.constant 624 : index
      %get3A_784 = tpu.vector_load %arg11[%get3A_782, %get3A_783] {strides = array<i32>} : memref<32x768xf32, #tpu.memory_space<vmem>>, vector<1x16xf32>,
      %get3A_785 = vector.shape_cast %get3A_784 : vector<1x16xf32> to vector<16xf32>
      %get3A_786 = arith.index_cast %scan3A_42 : i32 to index
      %get3A_787 = arith.constant 624 : index
      %get3A_788 = tpu.vector_load %arg9[%get3A_786, %get3A_787] {strides = array<i32>} : memref<32x768xf32, #tpu.memory_space<vmem>>, vector<1x16xf32>,
      %get3A_789 = vector.shape_cast %get3A_788 : vector<1x16xf32> to vector<16xf32>
      %add3A_790 = arith.addf %get3A_785, %get3A_789 : vector<16xf32>
      %get3A_791 = arith.index_cast %scan3A_42 : i32 to index
      %get3A_792 = arith.constant 624 : index
      %get3A_793 = tpu.vector_load %arg10[%get3A_791, %get3A_792] {strides = array<i32>} : memref<32x768xf32, #tpu.memory_space<vmem>>, vector<1x16xf32>,
      %get3A_794 = vector.shape_cast %get3A_793 : vector<1x16xf32> to vector<16xf32>
      %add3A_795 = arith.addf %add3A_790, %get3A_794 : vector<16xf32>
      %swap3A_796 = arith.index_cast %scan3A_42 : i32 to index
      %swap3A_797 = arith.constant 624 : index
      %swap3A_798 = tpu.vector_load %arg11[%swap3A_796, %swap3A_797] {strides = array<i32>} : memref<32x768xf32, #tpu.memory_space<vmem>>, vector<1x16xf32>,
      %swap3A_799 = vector.shape_cast %swap3A_798 : vector<1x16xf32> to vector<16xf32>
      %swap3A_800 = vector.shape_cast %add3A_795 : vector<16xf32> to vector<1x16xf32>
      tpu.vector_store %arg11[%swap3A_796, %swap3A_797], %swap3A_800 {strides = array<i32>} : memref<32x768xf32, #tpu.memory_space<vmem>>, vector<1x16xf32>,
      %get3A_801 = arith.index_cast %scan3A_42 : i32 to index
      %get3A_802 = arith.constant 640 : index
      %get3A_803 = tpu.vector_load %arg11[%get3A_801, %get3A_802] {strides = array<i32>} : memref<32x768xf32, #tpu.memory_space<vmem>>, vector<1x16xf32>,
      %get3A_804 = vector.shape_cast %get3A_803 : vector<1x16xf32> to vector<16xf32>
      %get3A_805 = arith.index_cast %scan3A_42 : i32 to index
      %get3A_806 = arith.constant 640 : index
      %get3A_807 = tpu.vector_load %arg9[%get3A_805, %get3A_806] {strides = array<i32>} : memref<32x768xf32, #tpu.memory_space<vmem>>, vector<1x16xf32>,
      %get3A_808 = vector.shape_cast %get3A_807 : vector<1x16xf32> to vector<16xf32>
      %add3A_809 = arith.addf %get3A_804, %get3A_808 : vector<16xf32>
      %get3A_810 = arith.index_cast %scan3A_42 : i32 to index
      %get3A_811 = arith.constant 640 : index
      %get3A_812 = tpu.vector_load %arg10[%get3A_810, %get3A_811] {strides = array<i32>} : memref<32x768xf32, #tpu.memory_space<vmem>>, vector<1x16xf32>,
      %get3A_813 = vector.shape_cast %get3A_812 : vector<1x16xf32> to vector<16xf32>
      %add3A_814 = arith.addf %add3A_809, %get3A_813 : vector<16xf32>
      %swap3A_815 = arith.index_cast %scan3A_42 : i32 to index
      %swap3A_816 = arith.constant 640 : index
      %swap3A_817 = tpu.vector_load %arg11[%swap3A_815, %swap3A_816] {strides = array<i32>} : memref<32x768xf32, #tpu.memory_space<vmem>>, vector<1x16xf32>,
      %swap3A_818 = vector.shape_cast %swap3A_817 : vector<1x16xf32> to vector<16xf32>
      %swap3A_819 = vector.shape_cast %add3A_814 : vector<16xf32> to vector<1x16xf32>
      tpu.vector_store %arg11[%swap3A_815, %swap3A_816], %swap3A_819 {strides = array<i32>} : memref<32x768xf32, #tpu.memory_space<vmem>>, vector<1x16xf32>,
      %get3A_820 = arith.index_cast %scan3A_42 : i32 to index
      %get3A_821 = arith.constant 656 : index
      %get3A_822 = tpu.vector_load %arg11[%get3A_820, %get3A_821] {strides = array<i32>} : memref<32x768xf32, #tpu.memory_space<vmem>>, vector<1x16xf32>,
      %get3A_823 = vector.shape_cast %get3A_822 : vector<1x16xf32> to vector<16xf32>
      %get3A_824 = arith.index_cast %scan3A_42 : i32 to index
      %get3A_825 = arith.constant 656 : index
      %get3A_826 = tpu.vector_load %arg9[%get3A_824, %get3A_825] {strides = array<i32>} : memref<32x768xf32, #tpu.memory_space<vmem>>, vector<1x16xf32>,
      %get3A_827 = vector.shape_cast %get3A_826 : vector<1x16xf32> to vector<16xf32>
      %add3A_828 = arith.addf %get3A_823, %get3A_827 : vector<16xf32>
      %get3A_829 = arith.index_cast %scan3A_42 : i32 to index
      %get3A_830 = arith.constant 656 : index
      %get3A_831 = tpu.vector_load %arg10[%get3A_829, %get3A_830] {strides = array<i32>} : memref<32x768xf32, #tpu.memory_space<vmem>>, vector<1x16xf32>,
      %get3A_832 = vector.shape_cast %get3A_831 : vector<1x16xf32> to vector<16xf32>
      %add3A_833 = arith.addf %add3A_828, %get3A_832 : vector<16xf32>
      %swap3A_834 = arith.index_cast %scan3A_42 : i32 to index
      %swap3A_835 = arith.constant 656 : index
      %swap3A_836 = tpu.vector_load %arg11[%swap3A_834, %swap3A_835] {strides = array<i32>} : memref<32x768xf32, #tpu.memory_space<vmem>>, vector<1x16xf32>,
      %swap3A_837 = vector.shape_cast %swap3A_836 : vector<1x16xf32> to vector<16xf32>
      %swap3A_838 = vector.shape_cast %add3A_833 : vector<16xf32> to vector<1x16xf32>
      tpu.vector_store %arg11[%swap3A_834, %swap3A_835], %swap3A_838 {strides = array<i32>} : memref<32x768xf32, #tpu.memory_space<vmem>>, vector<1x16xf32>,
      %get3A_839 = arith.index_cast %scan3A_42 : i32 to index
      %get3A_840 = arith.constant 672 : index
      %get3A_841 = tpu.vector_load %arg11[%get3A_839, %get3A_840] {strides = array<i32>} : memref<32x768xf32, #tpu.memory_space<vmem>>, vector<1x16xf32>,
      %get3A_842 = vector.shape_cast %get3A_841 : vector<1x16xf32> to vector<16xf32>
      %get3A_843 = arith.index_cast %scan3A_42 : i32 to index
      %get3A_844 = arith.constant 672 : index
      %get3A_845 = tpu.vector_load %arg9[%get3A_843, %get3A_844] {strides = array<i32>} : memref<32x768xf32, #tpu.memory_space<vmem>>, vector<1x16xf32>,
      %get3A_846 = vector.shape_cast %get3A_845 : vector<1x16xf32> to vector<16xf32>
      %add3A_847 = arith.addf %get3A_842, %get3A_846 : vector<16xf32>
      %get3A_848 = arith.index_cast %scan3A_42 : i32 to index
      %get3A_849 = arith.constant 672 : index
      %get3A_850 = tpu.vector_load %arg10[%get3A_848, %get3A_849] {strides = array<i32>} : memref<32x768xf32, #tpu.memory_space<vmem>>, vector<1x16xf32>,
      %get3A_851 = vector.shape_cast %get3A_850 : vector<1x16xf32> to vector<16xf32>
      %add3A_852 = arith.addf %add3A_847, %get3A_851 : vector<16xf32>
      %swap3A_853 = arith.index_cast %scan3A_42 : i32 to index
      %swap3A_854 = arith.constant 672 : index
      %swap3A_855 = tpu.vector_load %arg11[%swap3A_853, %swap3A_854] {strides = array<i32>} : memref<32x768xf32, #tpu.memory_space<vmem>>, vector<1x16xf32>,
      %swap3A_856 = vector.shape_cast %swap3A_855 : vector<1x16xf32> to vector<16xf32>
      %swap3A_857 = vector.shape_cast %add3A_852 : vector<16xf32> to vector<1x16xf32>
      tpu.vector_store %arg11[%swap3A_853, %swap3A_854], %swap3A_857 {strides = array<i32>} : memref<32x768xf32, #tpu.memory_space<vmem>>, vector<1x16xf32>,
      %get3A_858 = arith.index_cast %scan3A_42 : i32 to index
      %get3A_859 = arith.constant 688 : index
      %get3A_860 = tpu.vector_load %arg11[%get3A_858, %get3A_859] {strides = array<i32>} : memref<32x768xf32, #tpu.memory_space<vmem>>, vector<1x16xf32>,
      %get3A_861 = vector.shape_cast %get3A_860 : vector<1x16xf32> to vector<16xf32>
      %get3A_862 = arith.index_cast %scan3A_42 : i32 to index
      %get3A_863 = arith.constant 688 : index
      %get3A_864 = tpu.vector_load %arg9[%get3A_862, %get3A_863] {strides = array<i32>} : memref<32x768xf32, #tpu.memory_space<vmem>>, vector<1x16xf32>,
      %get3A_865 = vector.shape_cast %get3A_864 : vector<1x16xf32> to vector<16xf32>
      %add3A_866 = arith.addf %get3A_861, %get3A_865 : vector<16xf32>
      %get3A_867 = arith.index_cast %scan3A_42 : i32 to index
      %get3A_868 = arith.constant 688 : index
      %get3A_869 = tpu.vector_load %arg10[%get3A_867, %get3A_868] {strides = array<i32>} : memref<32x768xf32, #tpu.memory_space<vmem>>, vector<1x16xf32>,
      %get3A_870 = vector.shape_cast %get3A_869 : vector<1x16xf32> to vector<16xf32>
      %add3A_871 = arith.addf %add3A_866, %get3A_870 : vector<16xf32>
      %swap3A_872 = arith.index_cast %scan3A_42 : i32 to index
      %swap3A_873 = arith.constant 688 : index
      %swap3A_874 = tpu.vector_load %arg11[%swap3A_872, %swap3A_873] {strides = array<i32>} : memref<32x768xf32, #tpu.memory_space<vmem>>, vector<1x16xf32>,
      %swap3A_875 = vector.shape_cast %swap3A_874 : vector<1x16xf32> to vector<16xf32>
      %swap3A_876 = vector.shape_cast %add3A_871 : vector<16xf32> to vector<1x16xf32>
      tpu.vector_store %arg11[%swap3A_872, %swap3A_873], %swap3A_876 {strides = array<i32>} : memref<32x768xf32, #tpu.memory_space<vmem>>, vector<1x16xf32>,
      %get3A_877 = arith.index_cast %scan3A_42 : i32 to index
      %get3A_878 = arith.constant 704 : index
      %get3A_879 = tpu.vector_load %arg11[%get3A_877, %get3A_878] {strides = array<i32>} : memref<32x768xf32, #tpu.memory_space<vmem>>, vector<1x16xf32>,
      %get3A_880 = vector.shape_cast %get3A_879 : vector<1x16xf32> to vector<16xf32>
      %get3A_881 = arith.index_cast %scan3A_42 : i32 to index
      %get3A_882 = arith.constant 704 : index
      %get3A_883 = tpu.vector_load %arg9[%get3A_881, %get3A_882] {strides = array<i32>} : memref<32x768xf32, #tpu.memory_space<vmem>>, vector<1x16xf32>,
      %get3A_884 = vector.shape_cast %get3A_883 : vector<1x16xf32> to vector<16xf32>
      %add3A_885 = arith.addf %get3A_880, %get3A_884 : vector<16xf32>
      %get3A_886 = arith.index_cast %scan3A_42 : i32 to index
      %get3A_887 = arith.constant 704 : index
      %get3A_888 = tpu.vector_load %arg10[%get3A_886, %get3A_887] {strides = array<i32>} : memref<32x768xf32, #tpu.memory_space<vmem>>, vector<1x16xf32>,
      %get3A_889 = vector.shape_cast %get3A_888 : vector<1x16xf32> to vector<16xf32>
      %add3A_890 = arith.addf %add3A_885, %get3A_889 : vector<16xf32>
      %swap3A_891 = arith.index_cast %scan3A_42 : i32 to index
      %swap3A_892 = arith.constant 704 : index
      %swap3A_893 = tpu.vector_load %arg11[%swap3A_891, %swap3A_892] {strides = array<i32>} : memref<32x768xf32, #tpu.memory_space<vmem>>, vector<1x16xf32>,
      %swap3A_894 = vector.shape_cast %swap3A_893 : vector<1x16xf32> to vector<16xf32>
      %swap3A_895 = vector.shape_cast %add3A_890 : vector<16xf32> to vector<1x16xf32>
      tpu.vector_store %arg11[%swap3A_891, %swap3A_892], %swap3A_895 {strides = array<i32>} : memref<32x768xf32, #tpu.memory_space<vmem>>, vector<1x16xf32>,
      %get3A_896 = arith.index_cast %scan3A_42 : i32 to index
      %get3A_897 = arith.constant 720 : index
      %get3A_898 = tpu.vector_load %arg11[%get3A_896, %get3A_897] {strides = array<i32>} : memref<32x768xf32, #tpu.memory_space<vmem>>, vector<1x16xf32>,
      %get3A_899 = vector.shape_cast %get3A_898 : vector<1x16xf32> to vector<16xf32>
      %get3A_900 = arith.index_cast %scan3A_42 : i32 to index
      %get3A_901 = arith.constant 720 : index
      %get3A_902 = tpu.vector_load %arg9[%get3A_900, %get3A_901] {strides = array<i32>} : memref<32x768xf32, #tpu.memory_space<vmem>>, vector<1x16xf32>,
      %get3A_903 = vector.shape_cast %get3A_902 : vector<1x16xf32> to vector<16xf32>
      %add3A_904 = arith.addf %get3A_899, %get3A_903 : vector<16xf32>
      %get3A_905 = arith.index_cast %scan3A_42 : i32 to index
      %get3A_906 = arith.constant 720 : index
      %get3A_907 = tpu.vector_load %arg10[%get3A_905, %get3A_906] {strides = array<i32>} : memref<32x768xf32, #tpu.memory_space<vmem>>, vector<1x16xf32>,
      %get3A_908 = vector.shape_cast %get3A_907 : vector<1x16xf32> to vector<16xf32>
      %add3A_909 = arith.addf %add3A_904, %get3A_908 : vector<16xf32>
      %swap3A_910 = arith.index_cast %scan3A_42 : i32 to index
      %swap3A_911 = arith.constant 720 : index
      %swap3A_912 = tpu.vector_load %arg11[%swap3A_910, %swap3A_911] {strides = array<i32>} : memref<32x768xf32, #tpu.memory_space<vmem>>, vector<1x16xf32>,
      %swap3A_913 = vector.shape_cast %swap3A_912 : vector<1x16xf32> to vector<16xf32>
      %swap3A_914 = vector.shape_cast %add3A_909 : vector<16xf32> to vector<1x16xf32>
      tpu.vector_store %arg11[%swap3A_910, %swap3A_911], %swap3A_914 {strides = array<i32>} : memref<32x768xf32, #tpu.memory_space<vmem>>, vector<1x16xf32>,
      %get3A_915 = arith.index_cast %scan3A_42 : i32 to index
      %get3A_916 = arith.constant 736 : index
      %get3A_917 = tpu.vector_load %arg11[%get3A_915, %get3A_916] {strides = array<i32>} : memref<32x768xf32, #tpu.memory_space<vmem>>, vector<1x16xf32>,
      %get3A_918 = vector.shape_cast %get3A_917 : vector<1x16xf32> to vector<16xf32>
      %get3A_919 = arith.index_cast %scan3A_42 : i32 to index
      %get3A_920 = arith.constant 736 : index
      %get3A_921 = tpu.vector_load %arg9[%get3A_919, %get3A_920] {strides = array<i32>} : memref<32x768xf32, #tpu.memory_space<vmem>>, vector<1x16xf32>,
      %get3A_922 = vector.shape_cast %get3A_921 : vector<1x16xf32> to vector<16xf32>
      %add3A_923 = arith.addf %get3A_918, %get3A_922 : vector<16xf32>
      %get3A_924 = arith.index_cast %scan3A_42 : i32 to index
      %get3A_925 = arith.constant 736 : index
      %get3A_926 = tpu.vector_load %arg10[%get3A_924, %get3A_925] {strides = array<i32>} : memref<32x768xf32, #tpu.memory_space<vmem>>, vector<1x16xf32>,
      %get3A_927 = vector.shape_cast %get3A_926 : vector<1x16xf32> to vector<16xf32>
      %add3A_928 = arith.addf %add3A_923, %get3A_927 : vector<16xf32>
      %swap3A_929 = arith.index_cast %scan3A_42 : i32 to index
      %swap3A_930 = arith.constant 736 : index
      %swap3A_931 = tpu.vector_load %arg11[%swap3A_929, %swap3A_930] {strides = array<i32>} : memref<32x768xf32, #tpu.memory_space<vmem>>, vector<1x16xf32>,
      %swap3A_932 = vector.shape_cast %swap3A_931 : vector<1x16xf32> to vector<16xf32>
      %swap3A_933 = vector.shape_cast %add3A_928 : vector<16xf32> to vector<1x16xf32>
      tpu.vector_store %arg11[%swap3A_929, %swap3A_930], %swap3A_933 {strides = array<i32>} : memref<32x768xf32, #tpu.memory_space<vmem>>, vector<1x16xf32>,
      %get3A_934 = arith.index_cast %scan3A_42 : i32 to index
      %get3A_935 = arith.constant 752 : index
      %get3A_936 = tpu.vector_load %arg11[%get3A_934, %get3A_935] {strides = array<i32>} : memref<32x768xf32, #tpu.memory_space<vmem>>, vector<1x16xf32>,
      %get3A_937 = vector.shape_cast %get3A_936 : vector<1x16xf32> to vector<16xf32>
      %get3A_938 = arith.index_cast %scan3A_42 : i32 to index
      %get3A_939 = arith.constant 752 : index
      %get3A_940 = tpu.vector_load %arg9[%get3A_938, %get3A_939] {strides = array<i32>} : memref<32x768xf32, #tpu.memory_space<vmem>>, vector<1x16xf32>,
      %get3A_941 = vector.shape_cast %get3A_940 : vector<1x16xf32> to vector<16xf32>
      %add3A_942 = arith.addf %get3A_937, %get3A_941 : vector<16xf32>
      %get3A_943 = arith.index_cast %scan3A_42 : i32 to index
      %get3A_944 = arith.constant 752 : index
      %get3A_945 = tpu.vector_load %arg10[%get3A_943, %get3A_944] {strides = array<i32>} : memref<32x768xf32, #tpu.memory_space<vmem>>, vector<1x16xf32>,
      %get3A_946 = vector.shape_cast %get3A_945 : vector<1x16xf32> to vector<16xf32>
      %add3A_947 = arith.addf %add3A_942, %get3A_946 : vector<16xf32>
      %swap3A_948 = arith.index_cast %scan3A_42 : i32 to index
      %swap3A_949 = arith.constant 752 : index
      %swap3A_950 = tpu.vector_load %arg11[%swap3A_948, %swap3A_949] {strides = array<i32>} : memref<32x768xf32, #tpu.memory_space<vmem>>, vector<1x16xf32>,
      %swap3A_951 = vector.shape_cast %swap3A_950 : vector<1x16xf32> to vector<16xf32>
      %swap3A_952 = vector.shape_cast %add3A_947 : vector<16xf32> to vector<1x16xf32>
      tpu.vector_store %arg11[%swap3A_948, %swap3A_949], %swap3A_952 {strides = array<i32>} : memref<32x768xf32, #tpu.memory_space<vmem>>, vector<1x16xf32>,
    }
    %scan3A_19 = arith.constant 32 : i32
    "tpu.region"() ({
      %run_scoped3A = tpu.sem_alloc : memref<!tpu.dma_semaphore, #tpu.memory_space<semaphore_mem>>
      %dma_start3A_42 = arith.constant 0 : i32
      %dma_start3A_43 = tpu.memref_slice %arg6[%add3A_4, %dma_start3A_42] : memref<2048x768xf32, #tpu.memory_space<hbm>> -> memref<32x768xf32, #tpu.memory_space<hbm>>
      %dma_start3A_44 = arith.constant 0 : i32
      %dma_start3A_45 = tpu.memref_slice %arg6[%add3A_4, %dma_start3A_44] : memref<2048x768xf32, #tpu.memory_space<hbm>> -> memref<32x768xf32, #tpu.memory_space<hbm>>
      tpu.enqueue_dma source(%arg11 : memref<32x768xf32, #tpu.memory_space<vmem>>) target(%dma_start3A_45 : memref<32x768xf32, #tpu.memory_space<hbm>>) target_semaphore(%run_scoped3A : memref<!tpu.dma_semaphore, #tpu.memory_space<semaphore_mem>>)
      %dma_wait3A_46 = arith.constant 0 : i32
      %dma_wait3A_47 = tpu.memref_slice %arg6[%add3A_4, %dma_wait3A_46] : memref<2048x768xf32, #tpu.memory_space<hbm>> -> memref<32x768xf32, #tpu.memory_space<hbm>>
      %dma_wait3A_48 = arith.constant 0 : i32
      %dma_wait3A_49 = tpu.memref_slice %arg6[%add3A_4, %dma_wait3A_48] : memref<2048x768xf32, #tpu.memory_space<hbm>> -> memref<32x768xf32, #tpu.memory_space<hbm>>
      tpu.wait_dma2 semaphore(%run_scoped3A : memref<!tpu.dma_semaphore, #tpu.memory_space<semaphore_mem>>) src(%arg11 : memref<32x768xf32, #tpu.memory_space<vmem>>) dst(%dma_wait3A_49 : memref<32x768xf32, #tpu.memory_space<hbm>>)
      tpu.yield
    }) : () -> ()
    %mul3A_20 = arith.constant 64 : i32
    %mul3A_21 = arith.muli %add3A, %mul3A_20 : i32
    %add3A_22 = arith.constant 32 : i32
    %add3A_23 = arith.addi %mul3A_21, %add3A_22 : i32
    "tpu.region"() ({
      %run_scoped3A = tpu.sem_alloc : memref<!tpu.dma_semaphore, #tpu.memory_space<semaphore_mem>>
      %dma_start3A_42 = tpu.memref_slice %arg2[%add3A_23] : memref<2048xi32, #tpu.memory_space<hbm>> -> memref<32xi32, #tpu.memory_space<hbm>>
      %dma_start3A_43 = tpu.memref_slice %arg2[%add3A_23] : memref<2048xi32, #tpu.memory_space<hbm>> -> memref<32xi32, #tpu.memory_space<hbm>>
      tpu.enqueue_dma source(%dma_start3A_43 : memref<32xi32, #tpu.memory_space<hbm>>) target(%arg7 : memref<32xi32, #tpu.memory_space<vmem>>) target_semaphore(%run_scoped3A : memref<!tpu.dma_semaphore, #tpu.memory_space<semaphore_mem>>)
      %dma_wait3A_44 = tpu.memref_slice %arg2[%add3A_23] : memref<2048xi32, #tpu.memory_space<hbm>> -> memref<32xi32, #tpu.memory_space<hbm>>
      %dma_wait3A_45 = tpu.memref_slice %arg2[%add3A_23] : memref<2048xi32, #tpu.memory_space<hbm>> -> memref<32xi32, #tpu.memory_space<hbm>>
      tpu.wait_dma2 semaphore(%run_scoped3A : memref<!tpu.dma_semaphore, #tpu.memory_space<semaphore_mem>>) src(%dma_wait3A_45 : memref<32xi32, #tpu.memory_space<hbm>>) dst(%arg7 : memref<32xi32, #tpu.memory_space<vmem>>)
      tpu.yield
    }) : () -> ()
    "tpu.region"() ({
      %run_scoped3A = tpu.sem_alloc : memref<!tpu.dma_semaphore, #tpu.memory_space<semaphore_mem>>
      %dma_start3A_42 = tpu.memref_slice %arg3[%add3A_23] : memref<2048xi32, #tpu.memory_space<hbm>> -> memref<32xi32, #tpu.memory_space<hbm>>
      %dma_start3A_43 = tpu.memref_slice %arg3[%add3A_23] : memref<2048xi32, #tpu.memory_space<hbm>> -> memref<32xi32, #tpu.memory_space<hbm>>
      tpu.enqueue_dma source(%dma_start3A_43 : memref<32xi32, #tpu.memory_space<hbm>>) target(%arg8 : memref<32xi32, #tpu.memory_space<vmem>>) target_semaphore(%run_scoped3A : memref<!tpu.dma_semaphore, #tpu.memory_space<semaphore_mem>>)
      %dma_wait3A_44 = tpu.memref_slice %arg3[%add3A_23] : memref<2048xi32, #tpu.memory_space<hbm>> -> memref<32xi32, #tpu.memory_space<hbm>>
      %dma_wait3A_45 = tpu.memref_slice %arg3[%add3A_23] : memref<2048xi32, #tpu.memory_space<hbm>> -> memref<32xi32, #tpu.memory_space<hbm>>
      tpu.wait_dma2 semaphore(%run_scoped3A : memref<!tpu.dma_semaphore, #tpu.memory_space<semaphore_mem>>) src(%dma_wait3A_45 : memref<32xi32, #tpu.memory_space<hbm>>) dst(%arg8 : memref<32xi32, #tpu.memory_space<vmem>>)
      tpu.yield
    }) : () -> ()
    %dma_start3A_24 = arith.constant 0 : i32
    %dma_start3A_25 = arith.constant 0 : i32
    %dma_start3A_26 = tpu.memref_slice %arg4[%dma_start3A_24, %dma_start3A_25] : memref<4160x768xf32, #tpu.memory_space<hbm>> -> memref<4160x768xf32, #tpu.memory_space<hbm>>
    tpu.enqueue_indirect_dma source(%dma_start3A_26 : memref<4160x768xf32, #tpu.memory_space<hbm>>) target(%arg9 : memref<32x768xf32, #tpu.memory_space<vmem>>) offsets(%arg7 : memref<32xi32, #tpu.memory_space<vmem>>) semaphore(%arg12 : memref<!tpu.dma_semaphore, #tpu.memory_space<semaphore_mem>>)
    %dma_start3A_27 = arith.constant 0 : i32
    %dma_start3A_28 = arith.constant 0 : i32
    %dma_start3A_29 = tpu.memref_slice %arg4[%dma_start3A_27, %dma_start3A_28] : memref<4160x768xf32, #tpu.memory_space<hbm>> -> memref<4160x768xf32, #tpu.memory_space<hbm>>
    tpu.enqueue_indirect_dma source(%dma_start3A_29 : memref<4160x768xf32, #tpu.memory_space<hbm>>) target(%arg10 : memref<32x768xf32, #tpu.memory_space<vmem>>) offsets(%arg8 : memref<32xi32, #tpu.memory_space<vmem>>) semaphore(%arg12 : memref<!tpu.dma_semaphore, #tpu.memory_space<semaphore_mem>>)
    "tpu.region"() ({
      %run_scoped3A = tpu.sem_alloc : memref<!tpu.dma_semaphore, #tpu.memory_space<semaphore_mem>>
      %dma_start3A_42 = arith.constant 0 : i32
      %dma_start3A_43 = tpu.memref_slice %arg5[%add3A_23, %dma_start3A_42] : memref<2048x768xf32, #tpu.memory_space<hbm>> -> memref<32x768xf32, #tpu.memory_space<hbm>>
      %dma_start3A_44 = arith.constant 0 : i32
      %dma_start3A_45 = tpu.memref_slice %arg5[%add3A_23, %dma_start3A_44] : memref<2048x768xf32, #tpu.memory_space<hbm>> -> memref<32x768xf32, #tpu.memory_space<hbm>>
      tpu.enqueue_dma source(%dma_start3A_45 : memref<32x768xf32, #tpu.memory_space<hbm>>) target(%arg11 : memref<32x768xf32, #tpu.memory_space<vmem>>) target_semaphore(%run_scoped3A : memref<!tpu.dma_semaphore, #tpu.memory_space<semaphore_mem>>)
      %dma_wait3A_46 = arith.constant 0 : i32
      %dma_wait3A_47 = tpu.memref_slice %arg5[%add3A_23, %dma_wait3A_46] : memref<2048x768xf32, #tpu.memory_space<hbm>> -> memref<32x768xf32, #tpu.memory_space<hbm>>
      %dma_wait3A_48 = arith.constant 0 : i32
      %dma_wait3A_49 = tpu.memref_slice %arg5[%add3A_23, %dma_wait3A_48] : memref<2048x768xf32, #tpu.memory_space<hbm>> -> memref<32x768xf32, #tpu.memory_space<hbm>>
      tpu.wait_dma2 semaphore(%run_scoped3A : memref<!tpu.dma_semaphore, #tpu.memory_space<semaphore_mem>>) src(%dma_wait3A_49 : memref<32x768xf32, #tpu.memory_space<hbm>>) dst(%arg11 : memref<32x768xf32, #tpu.memory_space<vmem>>)
      tpu.yield
    }) : () -> ()
    %dma_wait3A_30 = arith.constant 0 : i32
    %dma_wait3A_31 = arith.constant 0 : i32
    %dma_wait3A_32 = tpu.memref_slice %arg4[%dma_wait3A_30, %dma_wait3A_31] : memref<4160x768xf32, #tpu.memory_space<hbm>> -> memref<4160x768xf32, #tpu.memory_space<hbm>>
    tpu.wait_indirect_dma semaphore(%arg12 : memref<!tpu.dma_semaphore, #tpu.memory_space<semaphore_mem>>) src(%dma_wait3A_32 : memref<4160x768xf32, #tpu.memory_space<hbm>>) dst(%arg9 : memref<32x768xf32, #tpu.memory_space<vmem>>)
    %dma_wait3A_33 = arith.constant 0 : i32
    %dma_wait3A_34 = arith.constant 0 : i32
    %dma_wait3A_35 = tpu.memref_slice %arg4[%dma_wait3A_33, %dma_wait3A_34] : memref<4160x768xf32, #tpu.memory_space<hbm>> -> memref<4160x768xf32, #tpu.memory_space<hbm>>
    tpu.wait_indirect_dma semaphore(%arg12 : memref<!tpu.dma_semaphore, #tpu.memory_space<semaphore_mem>>) src(%dma_wait3A_35 : memref<4160x768xf32, #tpu.memory_space<hbm>>) dst(%arg10 : memref<32x768xf32, #tpu.memory_space<vmem>>)
    %scan3A_36 = arith.constant 0 : i32
    %scan3A_37 = arith.constant 0 : i32
    %scan3A_38 = arith.constant 32 : i32
    %scan3A_39 = arith.addi %scan3A_37, %scan3A_38 : i32
    %scan3A_40 = arith.constant 1 : i32
    scf.for %scan3A_42 = %scan3A_37 to %scan3A_39 step %scan3A_40  : i32 {
      %get3A = arith.index_cast %scan3A_42 : i32 to index
      %get3A_43 = arith.constant 0 : index
      %get3A_44 = tpu.vector_load %arg11[%get3A, %get3A_43] {strides = array<i32>} : memref<32x768xf32, #tpu.memory_space<vmem>>, vector<1x16xf32>,
      %get3A_45 = vector.shape_cast %get3A_44 : vector<1x16xf32> to vector<16xf32>
      %get3A_46 = arith.index_cast %scan3A_42 : i32 to index
      %get3A_47 = arith.constant 0 : index
      %get3A_48 = tpu.vector_load %arg9[%get3A_46, %get3A_47] {strides = array<i32>} : memref<32x768xf32, #tpu.memory_space<vmem>>, vector<1x16xf32>,
      %get3A_49 = vector.shape_cast %get3A_48 : vector<1x16xf32> to vector<16xf32>
      %add3A_50 = arith.addf %get3A_45, %get3A_49 : vector<16xf32>
      %get3A_51 = arith.index_cast %scan3A_42 : i32 to index
      %get3A_52 = arith.constant 0 : index
      %get3A_53 = tpu.vector_load %arg10[%get3A_51, %get3A_52] {strides = array<i32>} : memref<32x768xf32, #tpu.memory_space<vmem>>, vector<1x16xf32>,
      %get3A_54 = vector.shape_cast %get3A_53 : vector<1x16xf32> to vector<16xf32>
      %add3A_55 = arith.addf %add3A_50, %get3A_54 : vector<16xf32>
      %swap3A = arith.index_cast %scan3A_42 : i32 to index
      %swap3A_56 = arith.constant 0 : index
      %swap3A_57 = tpu.vector_load %arg11[%swap3A, %swap3A_56] {strides = array<i32>} : memref<32x768xf32, #tpu.memory_space<vmem>>, vector<1x16xf32>,
      %swap3A_58 = vector.shape_cast %swap3A_57 : vector<1x16xf32> to vector<16xf32>
      %swap3A_59 = vector.shape_cast %add3A_55 : vector<16xf32> to vector<1x16xf32>
      tpu.vector_store %arg11[%swap3A, %swap3A_56], %swap3A_59 {strides = array<i32>} : memref<32x768xf32, #tpu.memory_space<vmem>>, vector<1x16xf32>,
      %get3A_60 = arith.index_cast %scan3A_42 : i32 to index
      %get3A_61 = arith.constant 16 : index
      %get3A_62 = tpu.vector_load %arg11[%get3A_60, %get3A_61] {strides = array<i32>} : memref<32x768xf32, #tpu.memory_space<vmem>>, vector<1x16xf32>,
      %get3A_63 = vector.shape_cast %get3A_62 : vector<1x16xf32> to vector<16xf32>
      %get3A_64 = arith.index_cast %scan3A_42 : i32 to index
      %get3A_65 = arith.constant 16 : index
      %get3A_66 = tpu.vector_load %arg9[%get3A_64, %get3A_65] {strides = array<i32>} : memref<32x768xf32, #tpu.memory_space<vmem>>, vector<1x16xf32>,
      %get3A_67 = vector.shape_cast %get3A_66 : vector<1x16xf32> to vector<16xf32>
      %add3A_68 = arith.addf %get3A_63, %get3A_67 : vector<16xf32>
      %get3A_69 = arith.index_cast %scan3A_42 : i32 to index
      %get3A_70 = arith.constant 16 : index
      %get3A_71 = tpu.vector_load %arg10[%get3A_69, %get3A_70] {strides = array<i32>} : memref<32x768xf32, #tpu.memory_space<vmem>>, vector<1x16xf32>,
      %get3A_72 = vector.shape_cast %get3A_71 : vector<1x16xf32> to vector<16xf32>
      %add3A_73 = arith.addf %add3A_68, %get3A_72 : vector<16xf32>
      %swap3A_74 = arith.index_cast %scan3A_42 : i32 to index
      %swap3A_75 = arith.constant 16 : index
      %swap3A_76 = tpu.vector_load %arg11[%swap3A_74, %swap3A_75] {strides = array<i32>} : memref<32x768xf32, #tpu.memory_space<vmem>>, vector<1x16xf32>,
      %swap3A_77 = vector.shape_cast %swap3A_76 : vector<1x16xf32> to vector<16xf32>
      %swap3A_78 = vector.shape_cast %add3A_73 : vector<16xf32> to vector<1x16xf32>
      tpu.vector_store %arg11[%swap3A_74, %swap3A_75], %swap3A_78 {strides = array<i32>} : memref<32x768xf32, #tpu.memory_space<vmem>>, vector<1x16xf32>,
      %get3A_79 = arith.index_cast %scan3A_42 : i32 to index
      %get3A_80 = arith.constant 32 : index
      %get3A_81 = tpu.vector_load %arg11[%get3A_79, %get3A_80] {strides = array<i32>} : memref<32x768xf32, #tpu.memory_space<vmem>>, vector<1x16xf32>,
      %get3A_82 = vector.shape_cast %get3A_81 : vector<1x16xf32> to vector<16xf32>
      %get3A_83 = arith.index_cast %scan3A_42 : i32 to index
      %get3A_84 = arith.constant 32 : index
      %get3A_85 = tpu.vector_load %arg9[%get3A_83, %get3A_84] {strides = array<i32>} : memref<32x768xf32, #tpu.memory_space<vmem>>, vector<1x16xf32>,
      %get3A_86 = vector.shape_cast %get3A_85 : vector<1x16xf32> to vector<16xf32>
      %add3A_87 = arith.addf %get3A_82, %get3A_86 : vector<16xf32>
      %get3A_88 = arith.index_cast %scan3A_42 : i32 to index
      %get3A_89 = arith.constant 32 : index
      %get3A_90 = tpu.vector_load %arg10[%get3A_88, %get3A_89] {strides = array<i32>} : memref<32x768xf32, #tpu.memory_space<vmem>>, vector<1x16xf32>,
      %get3A_91 = vector.shape_cast %get3A_90 : vector<1x16xf32> to vector<16xf32>
      %add3A_92 = arith.addf %add3A_87, %get3A_91 : vector<16xf32>
      %swap3A_93 = arith.index_cast %scan3A_42 : i32 to index
      %swap3A_94 = arith.constant 32 : index
      %swap3A_95 = tpu.vector_load %arg11[%swap3A_93, %swap3A_94] {strides = array<i32>} : memref<32x768xf32, #tpu.memory_space<vmem>>, vector<1x16xf32>,
      %swap3A_96 = vector.shape_cast %swap3A_95 : vector<1x16xf32> to vector<16xf32>
      %swap3A_97 = vector.shape_cast %add3A_92 : vector<16xf32> to vector<1x16xf32>
      tpu.vector_store %arg11[%swap3A_93, %swap3A_94], %swap3A_97 {strides = array<i32>} : memref<32x768xf32, #tpu.memory_space<vmem>>, vector<1x16xf32>,
      %get3A_98 = arith.index_cast %scan3A_42 : i32 to index
      %get3A_99 = arith.constant 48 : index
      %get3A_100 = tpu.vector_load %arg11[%get3A_98, %get3A_99] {strides = array<i32>} : memref<32x768xf32, #tpu.memory_space<vmem>>, vector<1x16xf32>,
      %get3A_101 = vector.shape_cast %get3A_100 : vector<1x16xf32> to vector<16xf32>
      %get3A_102 = arith.index_cast %scan3A_42 : i32 to index
      %get3A_103 = arith.constant 48 : index
      %get3A_104 = tpu.vector_load %arg9[%get3A_102, %get3A_103] {strides = array<i32>} : memref<32x768xf32, #tpu.memory_space<vmem>>, vector<1x16xf32>,
      %get3A_105 = vector.shape_cast %get3A_104 : vector<1x16xf32> to vector<16xf32>
      %add3A_106 = arith.addf %get3A_101, %get3A_105 : vector<16xf32>
      %get3A_107 = arith.index_cast %scan3A_42 : i32 to index
      %get3A_108 = arith.constant 48 : index
      %get3A_109 = tpu.vector_load %arg10[%get3A_107, %get3A_108] {strides = array<i32>} : memref<32x768xf32, #tpu.memory_space<vmem>>, vector<1x16xf32>,
      %get3A_110 = vector.shape_cast %get3A_109 : vector<1x16xf32> to vector<16xf32>
      %add3A_111 = arith.addf %add3A_106, %get3A_110 : vector<16xf32>
      %swap3A_112 = arith.index_cast %scan3A_42 : i32 to index
      %swap3A_113 = arith.constant 48 : index
      %swap3A_114 = tpu.vector_load %arg11[%swap3A_112, %swap3A_113] {strides = array<i32>} : memref<32x768xf32, #tpu.memory_space<vmem>>, vector<1x16xf32>,
      %swap3A_115 = vector.shape_cast %swap3A_114 : vector<1x16xf32> to vector<16xf32>
      %swap3A_116 = vector.shape_cast %add3A_111 : vector<16xf32> to vector<1x16xf32>
      tpu.vector_store %arg11[%swap3A_112, %swap3A_113], %swap3A_116 {strides = array<i32>} : memref<32x768xf32, #tpu.memory_space<vmem>>, vector<1x16xf32>,
      %get3A_117 = arith.index_cast %scan3A_42 : i32 to index
      %get3A_118 = arith.constant 64 : index
      %get3A_119 = tpu.vector_load %arg11[%get3A_117, %get3A_118] {strides = array<i32>} : memref<32x768xf32, #tpu.memory_space<vmem>>, vector<1x16xf32>,
      %get3A_120 = vector.shape_cast %get3A_119 : vector<1x16xf32> to vector<16xf32>
      %get3A_121 = arith.index_cast %scan3A_42 : i32 to index
      %get3A_122 = arith.constant 64 : index
      %get3A_123 = tpu.vector_load %arg9[%get3A_121, %get3A_122] {strides = array<i32>} : memref<32x768xf32, #tpu.memory_space<vmem>>, vector<1x16xf32>,
      %get3A_124 = vector.shape_cast %get3A_123 : vector<1x16xf32> to vector<16xf32>
      %add3A_125 = arith.addf %get3A_120, %get3A_124 : vector<16xf32>
      %get3A_126 = arith.index_cast %scan3A_42 : i32 to index
      %get3A_127 = arith.constant 64 : index
      %get3A_128 = tpu.vector_load %arg10[%get3A_126, %get3A_127] {strides = array<i32>} : memref<32x768xf32, #tpu.memory_space<vmem>>, vector<1x16xf32>,
      %get3A_129 = vector.shape_cast %get3A_128 : vector<1x16xf32> to vector<16xf32>
      %add3A_130 = arith.addf %add3A_125, %get3A_129 : vector<16xf32>
      %swap3A_131 = arith.index_cast %scan3A_42 : i32 to index
      %swap3A_132 = arith.constant 64 : index
      %swap3A_133 = tpu.vector_load %arg11[%swap3A_131, %swap3A_132] {strides = array<i32>} : memref<32x768xf32, #tpu.memory_space<vmem>>, vector<1x16xf32>,
      %swap3A_134 = vector.shape_cast %swap3A_133 : vector<1x16xf32> to vector<16xf32>
      %swap3A_135 = vector.shape_cast %add3A_130 : vector<16xf32> to vector<1x16xf32>
      tpu.vector_store %arg11[%swap3A_131, %swap3A_132], %swap3A_135 {strides = array<i32>} : memref<32x768xf32, #tpu.memory_space<vmem>>, vector<1x16xf32>,
      %get3A_136 = arith.index_cast %scan3A_42 : i32 to index
      %get3A_137 = arith.constant 80 : index
      %get3A_138 = tpu.vector_load %arg11[%get3A_136, %get3A_137] {strides = array<i32>} : memref<32x768xf32, #tpu.memory_space<vmem>>, vector<1x16xf32>,
      %get3A_139 = vector.shape_cast %get3A_138 : vector<1x16xf32> to vector<16xf32>
      %get3A_140 = arith.index_cast %scan3A_42 : i32 to index
      %get3A_141 = arith.constant 80 : index
      %get3A_142 = tpu.vector_load %arg9[%get3A_140, %get3A_141] {strides = array<i32>} : memref<32x768xf32, #tpu.memory_space<vmem>>, vector<1x16xf32>,
      %get3A_143 = vector.shape_cast %get3A_142 : vector<1x16xf32> to vector<16xf32>
      %add3A_144 = arith.addf %get3A_139, %get3A_143 : vector<16xf32>
      %get3A_145 = arith.index_cast %scan3A_42 : i32 to index
      %get3A_146 = arith.constant 80 : index
      %get3A_147 = tpu.vector_load %arg10[%get3A_145, %get3A_146] {strides = array<i32>} : memref<32x768xf32, #tpu.memory_space<vmem>>, vector<1x16xf32>,
      %get3A_148 = vector.shape_cast %get3A_147 : vector<1x16xf32> to vector<16xf32>
      %add3A_149 = arith.addf %add3A_144, %get3A_148 : vector<16xf32>
      %swap3A_150 = arith.index_cast %scan3A_42 : i32 to index
      %swap3A_151 = arith.constant 80 : index
      %swap3A_152 = tpu.vector_load %arg11[%swap3A_150, %swap3A_151] {strides = array<i32>} : memref<32x768xf32, #tpu.memory_space<vmem>>, vector<1x16xf32>,
      %swap3A_153 = vector.shape_cast %swap3A_152 : vector<1x16xf32> to vector<16xf32>
      %swap3A_154 = vector.shape_cast %add3A_149 : vector<16xf32> to vector<1x16xf32>
      tpu.vector_store %arg11[%swap3A_150, %swap3A_151], %swap3A_154 {strides = array<i32>} : memref<32x768xf32, #tpu.memory_space<vmem>>, vector<1x16xf32>,
      %get3A_155 = arith.index_cast %scan3A_42 : i32 to index
      %get3A_156 = arith.constant 96 : index
      %get3A_157 = tpu.vector_load %arg11[%get3A_155, %get3A_156] {strides = array<i32>} : memref<32x768xf32, #tpu.memory_space<vmem>>, vector<1x16xf32>,
      %get3A_158 = vector.shape_cast %get3A_157 : vector<1x16xf32> to vector<16xf32>
      %get3A_159 = arith.index_cast %scan3A_42 : i32 to index
      %get3A_160 = arith.constant 96 : index
      %get3A_161 = tpu.vector_load %arg9[%get3A_159, %get3A_160] {strides = array<i32>} : memref<32x768xf32, #tpu.memory_space<vmem>>, vector<1x16xf32>,
      %get3A_162 = vector.shape_cast %get3A_161 : vector<1x16xf32> to vector<16xf32>
      %add3A_163 = arith.addf %get3A_158, %get3A_162 : vector<16xf32>
      %get3A_164 = arith.index_cast %scan3A_42 : i32 to index
      %get3A_165 = arith.constant 96 : index
      %get3A_166 = tpu.vector_load %arg10[%get3A_164, %get3A_165] {strides = array<i32>} : memref<32x768xf32, #tpu.memory_space<vmem>>, vector<1x16xf32>,
      %get3A_167 = vector.shape_cast %get3A_166 : vector<1x16xf32> to vector<16xf32>
      %add3A_168 = arith.addf %add3A_163, %get3A_167 : vector<16xf32>
      %swap3A_169 = arith.index_cast %scan3A_42 : i32 to index
      %swap3A_170 = arith.constant 96 : index
      %swap3A_171 = tpu.vector_load %arg11[%swap3A_169, %swap3A_170] {strides = array<i32>} : memref<32x768xf32, #tpu.memory_space<vmem>>, vector<1x16xf32>,
      %swap3A_172 = vector.shape_cast %swap3A_171 : vector<1x16xf32> to vector<16xf32>
      %swap3A_173 = vector.shape_cast %add3A_168 : vector<16xf32> to vector<1x16xf32>
      tpu.vector_store %arg11[%swap3A_169, %swap3A_170], %swap3A_173 {strides = array<i32>} : memref<32x768xf32, #tpu.memory_space<vmem>>, vector<1x16xf32>,
      %get3A_174 = arith.index_cast %scan3A_42 : i32 to index
      %get3A_175 = arith.constant 112 : index
      %get3A_176 = tpu.vector_load %arg11[%get3A_174, %get3A_175] {strides = array<i32>} : memref<32x768xf32, #tpu.memory_space<vmem>>, vector<1x16xf32>,
      %get3A_177 = vector.shape_cast %get3A_176 : vector<1x16xf32> to vector<16xf32>
      %get3A_178 = arith.index_cast %scan3A_42 : i32 to index
      %get3A_179 = arith.constant 112 : index
      %get3A_180 = tpu.vector_load %arg9[%get3A_178, %get3A_179] {strides = array<i32>} : memref<32x768xf32, #tpu.memory_space<vmem>>, vector<1x16xf32>,
      %get3A_181 = vector.shape_cast %get3A_180 : vector<1x16xf32> to vector<16xf32>
      %add3A_182 = arith.addf %get3A_177, %get3A_181 : vector<16xf32>
      %get3A_183 = arith.index_cast %scan3A_42 : i32 to index
      %get3A_184 = arith.constant 112 : index
      %get3A_185 = tpu.vector_load %arg10[%get3A_183, %get3A_184] {strides = array<i32>} : memref<32x768xf32, #tpu.memory_space<vmem>>, vector<1x16xf32>,
      %get3A_186 = vector.shape_cast %get3A_185 : vector<1x16xf32> to vector<16xf32>
      %add3A_187 = arith.addf %add3A_182, %get3A_186 : vector<16xf32>
      %swap3A_188 = arith.index_cast %scan3A_42 : i32 to index
      %swap3A_189 = arith.constant 112 : index
      %swap3A_190 = tpu.vector_load %arg11[%swap3A_188, %swap3A_189] {strides = array<i32>} : memref<32x768xf32, #tpu.memory_space<vmem>>, vector<1x16xf32>,
      %swap3A_191 = vector.shape_cast %swap3A_190 : vector<1x16xf32> to vector<16xf32>
      %swap3A_192 = vector.shape_cast %add3A_187 : vector<16xf32> to vector<1x16xf32>
      tpu.vector_store %arg11[%swap3A_188, %swap3A_189], %swap3A_192 {strides = array<i32>} : memref<32x768xf32, #tpu.memory_space<vmem>>, vector<1x16xf32>,
      %get3A_193 = arith.index_cast %scan3A_42 : i32 to index
      %get3A_194 = arith.constant 128 : index
      %get3A_195 = tpu.vector_load %arg11[%get3A_193, %get3A_194] {strides = array<i32>} : memref<32x768xf32, #tpu.memory_space<vmem>>, vector<1x16xf32>,
      %get3A_196 = vector.shape_cast %get3A_195 : vector<1x16xf32> to vector<16xf32>
      %get3A_197 = arith.index_cast %scan3A_42 : i32 to index
      %get3A_198 = arith.constant 128 : index
      %get3A_199 = tpu.vector_load %arg9[%get3A_197, %get3A_198] {strides = array<i32>} : memref<32x768xf32, #tpu.memory_space<vmem>>, vector<1x16xf32>,
      %get3A_200 = vector.shape_cast %get3A_199 : vector<1x16xf32> to vector<16xf32>
      %add3A_201 = arith.addf %get3A_196, %get3A_200 : vector<16xf32>
      %get3A_202 = arith.index_cast %scan3A_42 : i32 to index
      %get3A_203 = arith.constant 128 : index
      %get3A_204 = tpu.vector_load %arg10[%get3A_202, %get3A_203] {strides = array<i32>} : memref<32x768xf32, #tpu.memory_space<vmem>>, vector<1x16xf32>,
      %get3A_205 = vector.shape_cast %get3A_204 : vector<1x16xf32> to vector<16xf32>
      %add3A_206 = arith.addf %add3A_201, %get3A_205 : vector<16xf32>
      %swap3A_207 = arith.index_cast %scan3A_42 : i32 to index
      %swap3A_208 = arith.constant 128 : index
      %swap3A_209 = tpu.vector_load %arg11[%swap3A_207, %swap3A_208] {strides = array<i32>} : memref<32x768xf32, #tpu.memory_space<vmem>>, vector<1x16xf32>,
      %swap3A_210 = vector.shape_cast %swap3A_209 : vector<1x16xf32> to vector<16xf32>
      %swap3A_211 = vector.shape_cast %add3A_206 : vector<16xf32> to vector<1x16xf32>
      tpu.vector_store %arg11[%swap3A_207, %swap3A_208], %swap3A_211 {strides = array<i32>} : memref<32x768xf32, #tpu.memory_space<vmem>>, vector<1x16xf32>,
      %get3A_212 = arith.index_cast %scan3A_42 : i32 to index
      %get3A_213 = arith.constant 144 : index
      %get3A_214 = tpu.vector_load %arg11[%get3A_212, %get3A_213] {strides = array<i32>} : memref<32x768xf32, #tpu.memory_space<vmem>>, vector<1x16xf32>,
      %get3A_215 = vector.shape_cast %get3A_214 : vector<1x16xf32> to vector<16xf32>
      %get3A_216 = arith.index_cast %scan3A_42 : i32 to index
      %get3A_217 = arith.constant 144 : index
      %get3A_218 = tpu.vector_load %arg9[%get3A_216, %get3A_217] {strides = array<i32>} : memref<32x768xf32, #tpu.memory_space<vmem>>, vector<1x16xf32>,
      %get3A_219 = vector.shape_cast %get3A_218 : vector<1x16xf32> to vector<16xf32>
      %add3A_220 = arith.addf %get3A_215, %get3A_219 : vector<16xf32>
      %get3A_221 = arith.index_cast %scan3A_42 : i32 to index
      %get3A_222 = arith.constant 144 : index
      %get3A_223 = tpu.vector_load %arg10[%get3A_221, %get3A_222] {strides = array<i32>} : memref<32x768xf32, #tpu.memory_space<vmem>>, vector<1x16xf32>,
      %get3A_224 = vector.shape_cast %get3A_223 : vector<1x16xf32> to vector<16xf32>
      %add3A_225 = arith.addf %add3A_220, %get3A_224 : vector<16xf32>
      %swap3A_226 = arith.index_cast %scan3A_42 : i32 to index
      %swap3A_227 = arith.constant 144 : index
      %swap3A_228 = tpu.vector_load %arg11[%swap3A_226, %swap3A_227] {strides = array<i32>} : memref<32x768xf32, #tpu.memory_space<vmem>>, vector<1x16xf32>,
      %swap3A_229 = vector.shape_cast %swap3A_228 : vector<1x16xf32> to vector<16xf32>
      %swap3A_230 = vector.shape_cast %add3A_225 : vector<16xf32> to vector<1x16xf32>
      tpu.vector_store %arg11[%swap3A_226, %swap3A_227], %swap3A_230 {strides = array<i32>} : memref<32x768xf32, #tpu.memory_space<vmem>>, vector<1x16xf32>,
      %get3A_231 = arith.index_cast %scan3A_42 : i32 to index
      %get3A_232 = arith.constant 160 : index
      %get3A_233 = tpu.vector_load %arg11[%get3A_231, %get3A_232] {strides = array<i32>} : memref<32x768xf32, #tpu.memory_space<vmem>>, vector<1x16xf32>,
      %get3A_234 = vector.shape_cast %get3A_233 : vector<1x16xf32> to vector<16xf32>
      %get3A_235 = arith.index_cast %scan3A_42 : i32 to index
      %get3A_236 = arith.constant 160 : index
      %get3A_237 = tpu.vector_load %arg9[%get3A_235, %get3A_236] {strides = array<i32>} : memref<32x768xf32, #tpu.memory_space<vmem>>, vector<1x16xf32>,
      %get3A_238 = vector.shape_cast %get3A_237 : vector<1x16xf32> to vector<16xf32>
      %add3A_239 = arith.addf %get3A_234, %get3A_238 : vector<16xf32>
      %get3A_240 = arith.index_cast %scan3A_42 : i32 to index
      %get3A_241 = arith.constant 160 : index
      %get3A_242 = tpu.vector_load %arg10[%get3A_240, %get3A_241] {strides = array<i32>} : memref<32x768xf32, #tpu.memory_space<vmem>>, vector<1x16xf32>,
      %get3A_243 = vector.shape_cast %get3A_242 : vector<1x16xf32> to vector<16xf32>
      %add3A_244 = arith.addf %add3A_239, %get3A_243 : vector<16xf32>
      %swap3A_245 = arith.index_cast %scan3A_42 : i32 to index
      %swap3A_246 = arith.constant 160 : index
      %swap3A_247 = tpu.vector_load %arg11[%swap3A_245, %swap3A_246] {strides = array<i32>} : memref<32x768xf32, #tpu.memory_space<vmem>>, vector<1x16xf32>,
      %swap3A_248 = vector.shape_cast %swap3A_247 : vector<1x16xf32> to vector<16xf32>
      %swap3A_249 = vector.shape_cast %add3A_244 : vector<16xf32> to vector<1x16xf32>
      tpu.vector_store %arg11[%swap3A_245, %swap3A_246], %swap3A_249 {strides = array<i32>} : memref<32x768xf32, #tpu.memory_space<vmem>>, vector<1x16xf32>,
      %get3A_250 = arith.index_cast %scan3A_42 : i32 to index
      %get3A_251 = arith.constant 176 : index
      %get3A_252 = tpu.vector_load %arg11[%get3A_250, %get3A_251] {strides = array<i32>} : memref<32x768xf32, #tpu.memory_space<vmem>>, vector<1x16xf32>,
      %get3A_253 = vector.shape_cast %get3A_252 : vector<1x16xf32> to vector<16xf32>
      %get3A_254 = arith.index_cast %scan3A_42 : i32 to index
      %get3A_255 = arith.constant 176 : index
      %get3A_256 = tpu.vector_load %arg9[%get3A_254, %get3A_255] {strides = array<i32>} : memref<32x768xf32, #tpu.memory_space<vmem>>, vector<1x16xf32>,
      %get3A_257 = vector.shape_cast %get3A_256 : vector<1x16xf32> to vector<16xf32>
      %add3A_258 = arith.addf %get3A_253, %get3A_257 : vector<16xf32>
      %get3A_259 = arith.index_cast %scan3A_42 : i32 to index
      %get3A_260 = arith.constant 176 : index
      %get3A_261 = tpu.vector_load %arg10[%get3A_259, %get3A_260] {strides = array<i32>} : memref<32x768xf32, #tpu.memory_space<vmem>>, vector<1x16xf32>,
      %get3A_262 = vector.shape_cast %get3A_261 : vector<1x16xf32> to vector<16xf32>
      %add3A_263 = arith.addf %add3A_258, %get3A_262 : vector<16xf32>
      %swap3A_264 = arith.index_cast %scan3A_42 : i32 to index
      %swap3A_265 = arith.constant 176 : index
      %swap3A_266 = tpu.vector_load %arg11[%swap3A_264, %swap3A_265] {strides = array<i32>} : memref<32x768xf32, #tpu.memory_space<vmem>>, vector<1x16xf32>,
      %swap3A_267 = vector.shape_cast %swap3A_266 : vector<1x16xf32> to vector<16xf32>
      %swap3A_268 = vector.shape_cast %add3A_263 : vector<16xf32> to vector<1x16xf32>
      tpu.vector_store %arg11[%swap3A_264, %swap3A_265], %swap3A_268 {strides = array<i32>} : memref<32x768xf32, #tpu.memory_space<vmem>>, vector<1x16xf32>,
      %get3A_269 = arith.index_cast %scan3A_42 : i32 to index
      %get3A_270 = arith.constant 192 : index
      %get3A_271 = tpu.vector_load %arg11[%get3A_269, %get3A_270] {strides = array<i32>} : memref<32x768xf32, #tpu.memory_space<vmem>>, vector<1x16xf32>,
      %get3A_272 = vector.shape_cast %get3A_271 : vector<1x16xf32> to vector<16xf32>
      %get3A_273 = arith.index_cast %scan3A_42 : i32 to index
      %get3A_274 = arith.constant 192 : index
      %get3A_275 = tpu.vector_load %arg9[%get3A_273, %get3A_274] {strides = array<i32>} : memref<32x768xf32, #tpu.memory_space<vmem>>, vector<1x16xf32>,
      %get3A_276 = vector.shape_cast %get3A_275 : vector<1x16xf32> to vector<16xf32>
      %add3A_277 = arith.addf %get3A_272, %get3A_276 : vector<16xf32>
      %get3A_278 = arith.index_cast %scan3A_42 : i32 to index
      %get3A_279 = arith.constant 192 : index
      %get3A_280 = tpu.vector_load %arg10[%get3A_278, %get3A_279] {strides = array<i32>} : memref<32x768xf32, #tpu.memory_space<vmem>>, vector<1x16xf32>,
      %get3A_281 = vector.shape_cast %get3A_280 : vector<1x16xf32> to vector<16xf32>
      %add3A_282 = arith.addf %add3A_277, %get3A_281 : vector<16xf32>
      %swap3A_283 = arith.index_cast %scan3A_42 : i32 to index
      %swap3A_284 = arith.constant 192 : index
      %swap3A_285 = tpu.vector_load %arg11[%swap3A_283, %swap3A_284] {strides = array<i32>} : memref<32x768xf32, #tpu.memory_space<vmem>>, vector<1x16xf32>,
      %swap3A_286 = vector.shape_cast %swap3A_285 : vector<1x16xf32> to vector<16xf32>
      %swap3A_287 = vector.shape_cast %add3A_282 : vector<16xf32> to vector<1x16xf32>
      tpu.vector_store %arg11[%swap3A_283, %swap3A_284], %swap3A_287 {strides = array<i32>} : memref<32x768xf32, #tpu.memory_space<vmem>>, vector<1x16xf32>,
      %get3A_288 = arith.index_cast %scan3A_42 : i32 to index
      %get3A_289 = arith.constant 208 : index
      %get3A_290 = tpu.vector_load %arg11[%get3A_288, %get3A_289] {strides = array<i32>} : memref<32x768xf32, #tpu.memory_space<vmem>>, vector<1x16xf32>,
      %get3A_291 = vector.shape_cast %get3A_290 : vector<1x16xf32> to vector<16xf32>
      %get3A_292 = arith.index_cast %scan3A_42 : i32 to index
      %get3A_293 = arith.constant 208 : index
      %get3A_294 = tpu.vector_load %arg9[%get3A_292, %get3A_293] {strides = array<i32>} : memref<32x768xf32, #tpu.memory_space<vmem>>, vector<1x16xf32>,
      %get3A_295 = vector.shape_cast %get3A_294 : vector<1x16xf32> to vector<16xf32>
      %add3A_296 = arith.addf %get3A_291, %get3A_295 : vector<16xf32>
      %get3A_297 = arith.index_cast %scan3A_42 : i32 to index
      %get3A_298 = arith.constant 208 : index
      %get3A_299 = tpu.vector_load %arg10[%get3A_297, %get3A_298] {strides = array<i32>} : memref<32x768xf32, #tpu.memory_space<vmem>>, vector<1x16xf32>,
      %get3A_300 = vector.shape_cast %get3A_299 : vector<1x16xf32> to vector<16xf32>
      %add3A_301 = arith.addf %add3A_296, %get3A_300 : vector<16xf32>
      %swap3A_302 = arith.index_cast %scan3A_42 : i32 to index
      %swap3A_303 = arith.constant 208 : index
      %swap3A_304 = tpu.vector_load %arg11[%swap3A_302, %swap3A_303] {strides = array<i32>} : memref<32x768xf32, #tpu.memory_space<vmem>>, vector<1x16xf32>,
      %swap3A_305 = vector.shape_cast %swap3A_304 : vector<1x16xf32> to vector<16xf32>
      %swap3A_306 = vector.shape_cast %add3A_301 : vector<16xf32> to vector<1x16xf32>
      tpu.vector_store %arg11[%swap3A_302, %swap3A_303], %swap3A_306 {strides = array<i32>} : memref<32x768xf32, #tpu.memory_space<vmem>>, vector<1x16xf32>,
      %get3A_307 = arith.index_cast %scan3A_42 : i32 to index
      %get3A_308 = arith.constant 224 : index
      %get3A_309 = tpu.vector_load %arg11[%get3A_307, %get3A_308] {strides = array<i32>} : memref<32x768xf32, #tpu.memory_space<vmem>>, vector<1x16xf32>,
      %get3A_310 = vector.shape_cast %get3A_309 : vector<1x16xf32> to vector<16xf32>
      %get3A_311 = arith.index_cast %scan3A_42 : i32 to index
      %get3A_312 = arith.constant 224 : index
      %get3A_313 = tpu.vector_load %arg9[%get3A_311, %get3A_312] {strides = array<i32>} : memref<32x768xf32, #tpu.memory_space<vmem>>, vector<1x16xf32>,
      %get3A_314 = vector.shape_cast %get3A_313 : vector<1x16xf32> to vector<16xf32>
      %add3A_315 = arith.addf %get3A_310, %get3A_314 : vector<16xf32>
      %get3A_316 = arith.index_cast %scan3A_42 : i32 to index
      %get3A_317 = arith.constant 224 : index
      %get3A_318 = tpu.vector_load %arg10[%get3A_316, %get3A_317] {strides = array<i32>} : memref<32x768xf32, #tpu.memory_space<vmem>>, vector<1x16xf32>,
      %get3A_319 = vector.shape_cast %get3A_318 : vector<1x16xf32> to vector<16xf32>
      %add3A_320 = arith.addf %add3A_315, %get3A_319 : vector<16xf32>
      %swap3A_321 = arith.index_cast %scan3A_42 : i32 to index
      %swap3A_322 = arith.constant 224 : index
      %swap3A_323 = tpu.vector_load %arg11[%swap3A_321, %swap3A_322] {strides = array<i32>} : memref<32x768xf32, #tpu.memory_space<vmem>>, vector<1x16xf32>,
      %swap3A_324 = vector.shape_cast %swap3A_323 : vector<1x16xf32> to vector<16xf32>
      %swap3A_325 = vector.shape_cast %add3A_320 : vector<16xf32> to vector<1x16xf32>
      tpu.vector_store %arg11[%swap3A_321, %swap3A_322], %swap3A_325 {strides = array<i32>} : memref<32x768xf32, #tpu.memory_space<vmem>>, vector<1x16xf32>,
      %get3A_326 = arith.index_cast %scan3A_42 : i32 to index
      %get3A_327 = arith.constant 240 : index
      %get3A_328 = tpu.vector_load %arg11[%get3A_326, %get3A_327] {strides = array<i32>} : memref<32x768xf32, #tpu.memory_space<vmem>>, vector<1x16xf32>,
      %get3A_329 = vector.shape_cast %get3A_328 : vector<1x16xf32> to vector<16xf32>
      %get3A_330 = arith.index_cast %scan3A_42 : i32 to index
      %get3A_331 = arith.constant 240 : index
      %get3A_332 = tpu.vector_load %arg9[%get3A_330, %get3A_331] {strides = array<i32>} : memref<32x768xf32, #tpu.memory_space<vmem>>, vector<1x16xf32>,
      %get3A_333 = vector.shape_cast %get3A_332 : vector<1x16xf32> to vector<16xf32>
      %add3A_334 = arith.addf %get3A_329, %get3A_333 : vector<16xf32>
      %get3A_335 = arith.index_cast %scan3A_42 : i32 to index
      %get3A_336 = arith.constant 240 : index
      %get3A_337 = tpu.vector_load %arg10[%get3A_335, %get3A_336] {strides = array<i32>} : memref<32x768xf32, #tpu.memory_space<vmem>>, vector<1x16xf32>,
      %get3A_338 = vector.shape_cast %get3A_337 : vector<1x16xf32> to vector<16xf32>
      %add3A_339 = arith.addf %add3A_334, %get3A_338 : vector<16xf32>
      %swap3A_340 = arith.index_cast %scan3A_42 : i32 to index
      %swap3A_341 = arith.constant 240 : index
      %swap3A_342 = tpu.vector_load %arg11[%swap3A_340, %swap3A_341] {strides = array<i32>} : memref<32x768xf32, #tpu.memory_space<vmem>>, vector<1x16xf32>,
      %swap3A_343 = vector.shape_cast %swap3A_342 : vector<1x16xf32> to vector<16xf32>
      %swap3A_344 = vector.shape_cast %add3A_339 : vector<16xf32> to vector<1x16xf32>
      tpu.vector_store %arg11[%swap3A_340, %swap3A_341], %swap3A_344 {strides = array<i32>} : memref<32x768xf32, #tpu.memory_space<vmem>>, vector<1x16xf32>,
      %get3A_345 = arith.index_cast %scan3A_42 : i32 to index
      %get3A_346 = arith.constant 256 : index
      %get3A_347 = tpu.vector_load %arg11[%get3A_345, %get3A_346] {strides = array<i32>} : memref<32x768xf32, #tpu.memory_space<vmem>>, vector<1x16xf32>,
      %get3A_348 = vector.shape_cast %get3A_347 : vector<1x16xf32> to vector<16xf32>
      %get3A_349 = arith.index_cast %scan3A_42 : i32 to index
      %get3A_350 = arith.constant 256 : index
      %get3A_351 = tpu.vector_load %arg9[%get3A_349, %get3A_350] {strides = array<i32>} : memref<32x768xf32, #tpu.memory_space<vmem>>, vector<1x16xf32>,
      %get3A_352 = vector.shape_cast %get3A_351 : vector<1x16xf32> to vector<16xf32>
      %add3A_353 = arith.addf %get3A_348, %get3A_352 : vector<16xf32>
      %get3A_354 = arith.index_cast %scan3A_42 : i32 to index
      %get3A_355 = arith.constant 256 : index
      %get3A_356 = tpu.vector_load %arg10[%get3A_354, %get3A_355] {strides = array<i32>} : memref<32x768xf32, #tpu.memory_space<vmem>>, vector<1x16xf32>,
      %get3A_357 = vector.shape_cast %get3A_356 : vector<1x16xf32> to vector<16xf32>
      %add3A_358 = arith.addf %add3A_353, %get3A_357 : vector<16xf32>
      %swap3A_359 = arith.index_cast %scan3A_42 : i32 to index
      %swap3A_360 = arith.constant 256 : index
      %swap3A_361 = tpu.vector_load %arg11[%swap3A_359, %swap3A_360] {strides = array<i32>} : memref<32x768xf32, #tpu.memory_space<vmem>>, vector<1x16xf32>,
      %swap3A_362 = vector.shape_cast %swap3A_361 : vector<1x16xf32> to vector<16xf32>
      %swap3A_363 = vector.shape_cast %add3A_358 : vector<16xf32> to vector<1x16xf32>
      tpu.vector_store %arg11[%swap3A_359, %swap3A_360], %swap3A_363 {strides = array<i32>} : memref<32x768xf32, #tpu.memory_space<vmem>>, vector<1x16xf32>,
      %get3A_364 = arith.index_cast %scan3A_42 : i32 to index
      %get3A_365 = arith.constant 272 : index
      %get3A_366 = tpu.vector_load %arg11[%get3A_364, %get3A_365] {strides = array<i32>} : memref<32x768xf32, #tpu.memory_space<vmem>>, vector<1x16xf32>,
      %get3A_367 = vector.shape_cast %get3A_366 : vector<1x16xf32> to vector<16xf32>
      %get3A_368 = arith.index_cast %scan3A_42 : i32 to index
      %get3A_369 = arith.constant 272 : index
      %get3A_370 = tpu.vector_load %arg9[%get3A_368, %get3A_369] {strides = array<i32>} : memref<32x768xf32, #tpu.memory_space<vmem>>, vector<1x16xf32>,
      %get3A_371 = vector.shape_cast %get3A_370 : vector<1x16xf32> to vector<16xf32>
      %add3A_372 = arith.addf %get3A_367, %get3A_371 : vector<16xf32>
      %get3A_373 = arith.index_cast %scan3A_42 : i32 to index
      %get3A_374 = arith.constant 272 : index
      %get3A_375 = tpu.vector_load %arg10[%get3A_373, %get3A_374] {strides = array<i32>} : memref<32x768xf32, #tpu.memory_space<vmem>>, vector<1x16xf32>,
      %get3A_376 = vector.shape_cast %get3A_375 : vector<1x16xf32> to vector<16xf32>
      %add3A_377 = arith.addf %add3A_372, %get3A_376 : vector<16xf32>
      %swap3A_378 = arith.index_cast %scan3A_42 : i32 to index
      %swap3A_379 = arith.constant 272 : index
      %swap3A_380 = tpu.vector_load %arg11[%swap3A_378, %swap3A_379] {strides = array<i32>} : memref<32x768xf32, #tpu.memory_space<vmem>>, vector<1x16xf32>,
      %swap3A_381 = vector.shape_cast %swap3A_380 : vector<1x16xf32> to vector<16xf32>
      %swap3A_382 = vector.shape_cast %add3A_377 : vector<16xf32> to vector<1x16xf32>
      tpu.vector_store %arg11[%swap3A_378, %swap3A_379], %swap3A_382 {strides = array<i32>} : memref<32x768xf32, #tpu.memory_space<vmem>>, vector<1x16xf32>,
      %get3A_383 = arith.index_cast %scan3A_42 : i32 to index
      %get3A_384 = arith.constant 288 : index
      %get3A_385 = tpu.vector_load %arg11[%get3A_383, %get3A_384] {strides = array<i32>} : memref<32x768xf32, #tpu.memory_space<vmem>>, vector<1x16xf32>,
      %get3A_386 = vector.shape_cast %get3A_385 : vector<1x16xf32> to vector<16xf32>
      %get3A_387 = arith.index_cast %scan3A_42 : i32 to index
      %get3A_388 = arith.constant 288 : index
      %get3A_389 = tpu.vector_load %arg9[%get3A_387, %get3A_388] {strides = array<i32>} : memref<32x768xf32, #tpu.memory_space<vmem>>, vector<1x16xf32>,
      %get3A_390 = vector.shape_cast %get3A_389 : vector<1x16xf32> to vector<16xf32>
      %add3A_391 = arith.addf %get3A_386, %get3A_390 : vector<16xf32>
      %get3A_392 = arith.index_cast %scan3A_42 : i32 to index
      %get3A_393 = arith.constant 288 : index
      %get3A_394 = tpu.vector_load %arg10[%get3A_392, %get3A_393] {strides = array<i32>} : memref<32x768xf32, #tpu.memory_space<vmem>>, vector<1x16xf32>,
      %get3A_395 = vector.shape_cast %get3A_394 : vector<1x16xf32> to vector<16xf32>
      %add3A_396 = arith.addf %add3A_391, %get3A_395 : vector<16xf32>
      %swap3A_397 = arith.index_cast %scan3A_42 : i32 to index
      %swap3A_398 = arith.constant 288 : index
      %swap3A_399 = tpu.vector_load %arg11[%swap3A_397, %swap3A_398] {strides = array<i32>} : memref<32x768xf32, #tpu.memory_space<vmem>>, vector<1x16xf32>,
      %swap3A_400 = vector.shape_cast %swap3A_399 : vector<1x16xf32> to vector<16xf32>
      %swap3A_401 = vector.shape_cast %add3A_396 : vector<16xf32> to vector<1x16xf32>
      tpu.vector_store %arg11[%swap3A_397, %swap3A_398], %swap3A_401 {strides = array<i32>} : memref<32x768xf32, #tpu.memory_space<vmem>>, vector<1x16xf32>,
      %get3A_402 = arith.index_cast %scan3A_42 : i32 to index
      %get3A_403 = arith.constant 304 : index
      %get3A_404 = tpu.vector_load %arg11[%get3A_402, %get3A_403] {strides = array<i32>} : memref<32x768xf32, #tpu.memory_space<vmem>>, vector<1x16xf32>,
      %get3A_405 = vector.shape_cast %get3A_404 : vector<1x16xf32> to vector<16xf32>
      %get3A_406 = arith.index_cast %scan3A_42 : i32 to index
      %get3A_407 = arith.constant 304 : index
      %get3A_408 = tpu.vector_load %arg9[%get3A_406, %get3A_407] {strides = array<i32>} : memref<32x768xf32, #tpu.memory_space<vmem>>, vector<1x16xf32>,
      %get3A_409 = vector.shape_cast %get3A_408 : vector<1x16xf32> to vector<16xf32>
      %add3A_410 = arith.addf %get3A_405, %get3A_409 : vector<16xf32>
      %get3A_411 = arith.index_cast %scan3A_42 : i32 to index
      %get3A_412 = arith.constant 304 : index
      %get3A_413 = tpu.vector_load %arg10[%get3A_411, %get3A_412] {strides = array<i32>} : memref<32x768xf32, #tpu.memory_space<vmem>>, vector<1x16xf32>,
      %get3A_414 = vector.shape_cast %get3A_413 : vector<1x16xf32> to vector<16xf32>
      %add3A_415 = arith.addf %add3A_410, %get3A_414 : vector<16xf32>
      %swap3A_416 = arith.index_cast %scan3A_42 : i32 to index
      %swap3A_417 = arith.constant 304 : index
      %swap3A_418 = tpu.vector_load %arg11[%swap3A_416, %swap3A_417] {strides = array<i32>} : memref<32x768xf32, #tpu.memory_space<vmem>>, vector<1x16xf32>,
      %swap3A_419 = vector.shape_cast %swap3A_418 : vector<1x16xf32> to vector<16xf32>
      %swap3A_420 = vector.shape_cast %add3A_415 : vector<16xf32> to vector<1x16xf32>
      tpu.vector_store %arg11[%swap3A_416, %swap3A_417], %swap3A_420 {strides = array<i32>} : memref<32x768xf32, #tpu.memory_space<vmem>>, vector<1x16xf32>,
      %get3A_421 = arith.index_cast %scan3A_42 : i32 to index
      %get3A_422 = arith.constant 320 : index
      %get3A_423 = tpu.vector_load %arg11[%get3A_421, %get3A_422] {strides = array<i32>} : memref<32x768xf32, #tpu.memory_space<vmem>>, vector<1x16xf32>,
      %get3A_424 = vector.shape_cast %get3A_423 : vector<1x16xf32> to vector<16xf32>
      %get3A_425 = arith.index_cast %scan3A_42 : i32 to index
      %get3A_426 = arith.constant 320 : index
      %get3A_427 = tpu.vector_load %arg9[%get3A_425, %get3A_426] {strides = array<i32>} : memref<32x768xf32, #tpu.memory_space<vmem>>, vector<1x16xf32>,
      %get3A_428 = vector.shape_cast %get3A_427 : vector<1x16xf32> to vector<16xf32>
      %add3A_429 = arith.addf %get3A_424, %get3A_428 : vector<16xf32>
      %get3A_430 = arith.index_cast %scan3A_42 : i32 to index
      %get3A_431 = arith.constant 320 : index
      %get3A_432 = tpu.vector_load %arg10[%get3A_430, %get3A_431] {strides = array<i32>} : memref<32x768xf32, #tpu.memory_space<vmem>>, vector<1x16xf32>,
      %get3A_433 = vector.shape_cast %get3A_432 : vector<1x16xf32> to vector<16xf32>
      %add3A_434 = arith.addf %add3A_429, %get3A_433 : vector<16xf32>
      %swap3A_435 = arith.index_cast %scan3A_42 : i32 to index
      %swap3A_436 = arith.constant 320 : index
      %swap3A_437 = tpu.vector_load %arg11[%swap3A_435, %swap3A_436] {strides = array<i32>} : memref<32x768xf32, #tpu.memory_space<vmem>>, vector<1x16xf32>,
      %swap3A_438 = vector.shape_cast %swap3A_437 : vector<1x16xf32> to vector<16xf32>
      %swap3A_439 = vector.shape_cast %add3A_434 : vector<16xf32> to vector<1x16xf32>
      tpu.vector_store %arg11[%swap3A_435, %swap3A_436], %swap3A_439 {strides = array<i32>} : memref<32x768xf32, #tpu.memory_space<vmem>>, vector<1x16xf32>,
      %get3A_440 = arith.index_cast %scan3A_42 : i32 to index
      %get3A_441 = arith.constant 336 : index
      %get3A_442 = tpu.vector_load %arg11[%get3A_440, %get3A_441] {strides = array<i32>} : memref<32x768xf32, #tpu.memory_space<vmem>>, vector<1x16xf32>,
      %get3A_443 = vector.shape_cast %get3A_442 : vector<1x16xf32> to vector<16xf32>
      %get3A_444 = arith.index_cast %scan3A_42 : i32 to index
      %get3A_445 = arith.constant 336 : index
      %get3A_446 = tpu.vector_load %arg9[%get3A_444, %get3A_445] {strides = array<i32>} : memref<32x768xf32, #tpu.memory_space<vmem>>, vector<1x16xf32>,
      %get3A_447 = vector.shape_cast %get3A_446 : vector<1x16xf32> to vector<16xf32>
      %add3A_448 = arith.addf %get3A_443, %get3A_447 : vector<16xf32>
      %get3A_449 = arith.index_cast %scan3A_42 : i32 to index
      %get3A_450 = arith.constant 336 : index
      %get3A_451 = tpu.vector_load %arg10[%get3A_449, %get3A_450] {strides = array<i32>} : memref<32x768xf32, #tpu.memory_space<vmem>>, vector<1x16xf32>,
      %get3A_452 = vector.shape_cast %get3A_451 : vector<1x16xf32> to vector<16xf32>
      %add3A_453 = arith.addf %add3A_448, %get3A_452 : vector<16xf32>
      %swap3A_454 = arith.index_cast %scan3A_42 : i32 to index
      %swap3A_455 = arith.constant 336 : index
      %swap3A_456 = tpu.vector_load %arg11[%swap3A_454, %swap3A_455] {strides = array<i32>} : memref<32x768xf32, #tpu.memory_space<vmem>>, vector<1x16xf32>,
      %swap3A_457 = vector.shape_cast %swap3A_456 : vector<1x16xf32> to vector<16xf32>
      %swap3A_458 = vector.shape_cast %add3A_453 : vector<16xf32> to vector<1x16xf32>
      tpu.vector_store %arg11[%swap3A_454, %swap3A_455], %swap3A_458 {strides = array<i32>} : memref<32x768xf32, #tpu.memory_space<vmem>>, vector<1x16xf32>,
      %get3A_459 = arith.index_cast %scan3A_42 : i32 to index
      %get3A_460 = arith.constant 352 : index
      %get3A_461 = tpu.vector_load %arg11[%get3A_459, %get3A_460] {strides = array<i32>} : memref<32x768xf32, #tpu.memory_space<vmem>>, vector<1x16xf32>,
      %get3A_462 = vector.shape_cast %get3A_461 : vector<1x16xf32> to vector<16xf32>
      %get3A_463 = arith.index_cast %scan3A_42 : i32 to index
      %get3A_464 = arith.constant 352 : index
      %get3A_465 = tpu.vector_load %arg9[%get3A_463, %get3A_464] {strides = array<i32>} : memref<32x768xf32, #tpu.memory_space<vmem>>, vector<1x16xf32>,
      %get3A_466 = vector.shape_cast %get3A_465 : vector<1x16xf32> to vector<16xf32>
      %add3A_467 = arith.addf %get3A_462, %get3A_466 : vector<16xf32>
      %get3A_468 = arith.index_cast %scan3A_42 : i32 to index
      %get3A_469 = arith.constant 352 : index
      %get3A_470 = tpu.vector_load %arg10[%get3A_468, %get3A_469] {strides = array<i32>} : memref<32x768xf32, #tpu.memory_space<vmem>>, vector<1x16xf32>,
      %get3A_471 = vector.shape_cast %get3A_470 : vector<1x16xf32> to vector<16xf32>
      %add3A_472 = arith.addf %add3A_467, %get3A_471 : vector<16xf32>
      %swap3A_473 = arith.index_cast %scan3A_42 : i32 to index
      %swap3A_474 = arith.constant 352 : index
      %swap3A_475 = tpu.vector_load %arg11[%swap3A_473, %swap3A_474] {strides = array<i32>} : memref<32x768xf32, #tpu.memory_space<vmem>>, vector<1x16xf32>,
      %swap3A_476 = vector.shape_cast %swap3A_475 : vector<1x16xf32> to vector<16xf32>
      %swap3A_477 = vector.shape_cast %add3A_472 : vector<16xf32> to vector<1x16xf32>
      tpu.vector_store %arg11[%swap3A_473, %swap3A_474], %swap3A_477 {strides = array<i32>} : memref<32x768xf32, #tpu.memory_space<vmem>>, vector<1x16xf32>,
      %get3A_478 = arith.index_cast %scan3A_42 : i32 to index
      %get3A_479 = arith.constant 368 : index
      %get3A_480 = tpu.vector_load %arg11[%get3A_478, %get3A_479] {strides = array<i32>} : memref<32x768xf32, #tpu.memory_space<vmem>>, vector<1x16xf32>,
      %get3A_481 = vector.shape_cast %get3A_480 : vector<1x16xf32> to vector<16xf32>
      %get3A_482 = arith.index_cast %scan3A_42 : i32 to index
      %get3A_483 = arith.constant 368 : index
      %get3A_484 = tpu.vector_load %arg9[%get3A_482, %get3A_483] {strides = array<i32>} : memref<32x768xf32, #tpu.memory_space<vmem>>, vector<1x16xf32>,
      %get3A_485 = vector.shape_cast %get3A_484 : vector<1x16xf32> to vector<16xf32>
      %add3A_486 = arith.addf %get3A_481, %get3A_485 : vector<16xf32>
      %get3A_487 = arith.index_cast %scan3A_42 : i32 to index
      %get3A_488 = arith.constant 368 : index
      %get3A_489 = tpu.vector_load %arg10[%get3A_487, %get3A_488] {strides = array<i32>} : memref<32x768xf32, #tpu.memory_space<vmem>>, vector<1x16xf32>,
      %get3A_490 = vector.shape_cast %get3A_489 : vector<1x16xf32> to vector<16xf32>
      %add3A_491 = arith.addf %add3A_486, %get3A_490 : vector<16xf32>
      %swap3A_492 = arith.index_cast %scan3A_42 : i32 to index
      %swap3A_493 = arith.constant 368 : index
      %swap3A_494 = tpu.vector_load %arg11[%swap3A_492, %swap3A_493] {strides = array<i32>} : memref<32x768xf32, #tpu.memory_space<vmem>>, vector<1x16xf32>,
      %swap3A_495 = vector.shape_cast %swap3A_494 : vector<1x16xf32> to vector<16xf32>
      %swap3A_496 = vector.shape_cast %add3A_491 : vector<16xf32> to vector<1x16xf32>
      tpu.vector_store %arg11[%swap3A_492, %swap3A_493], %swap3A_496 {strides = array<i32>} : memref<32x768xf32, #tpu.memory_space<vmem>>, vector<1x16xf32>,
      %get3A_497 = arith.index_cast %scan3A_42 : i32 to index
      %get3A_498 = arith.constant 384 : index
      %get3A_499 = tpu.vector_load %arg11[%get3A_497, %get3A_498] {strides = array<i32>} : memref<32x768xf32, #tpu.memory_space<vmem>>, vector<1x16xf32>,
      %get3A_500 = vector.shape_cast %get3A_499 : vector<1x16xf32> to vector<16xf32>
      %get3A_501 = arith.index_cast %scan3A_42 : i32 to index
      %get3A_502 = arith.constant 384 : index
      %get3A_503 = tpu.vector_load %arg9[%get3A_501, %get3A_502] {strides = array<i32>} : memref<32x768xf32, #tpu.memory_space<vmem>>, vector<1x16xf32>,
      %get3A_504 = vector.shape_cast %get3A_503 : vector<1x16xf32> to vector<16xf32>
      %add3A_505 = arith.addf %get3A_500, %get3A_504 : vector<16xf32>
      %get3A_506 = arith.index_cast %scan3A_42 : i32 to index
      %get3A_507 = arith.constant 384 : index
      %get3A_508 = tpu.vector_load %arg10[%get3A_506, %get3A_507] {strides = array<i32>} : memref<32x768xf32, #tpu.memory_space<vmem>>, vector<1x16xf32>,
      %get3A_509 = vector.shape_cast %get3A_508 : vector<1x16xf32> to vector<16xf32>
      %add3A_510 = arith.addf %add3A_505, %get3A_509 : vector<16xf32>
      %swap3A_511 = arith.index_cast %scan3A_42 : i32 to index
      %swap3A_512 = arith.constant 384 : index
      %swap3A_513 = tpu.vector_load %arg11[%swap3A_511, %swap3A_512] {strides = array<i32>} : memref<32x768xf32, #tpu.memory_space<vmem>>, vector<1x16xf32>,
      %swap3A_514 = vector.shape_cast %swap3A_513 : vector<1x16xf32> to vector<16xf32>
      %swap3A_515 = vector.shape_cast %add3A_510 : vector<16xf32> to vector<1x16xf32>
      tpu.vector_store %arg11[%swap3A_511, %swap3A_512], %swap3A_515 {strides = array<i32>} : memref<32x768xf32, #tpu.memory_space<vmem>>, vector<1x16xf32>,
      %get3A_516 = arith.index_cast %scan3A_42 : i32 to index
      %get3A_517 = arith.constant 400 : index
      %get3A_518 = tpu.vector_load %arg11[%get3A_516, %get3A_517] {strides = array<i32>} : memref<32x768xf32, #tpu.memory_space<vmem>>, vector<1x16xf32>,
      %get3A_519 = vector.shape_cast %get3A_518 : vector<1x16xf32> to vector<16xf32>
      %get3A_520 = arith.index_cast %scan3A_42 : i32 to index
      %get3A_521 = arith.constant 400 : index
      %get3A_522 = tpu.vector_load %arg9[%get3A_520, %get3A_521] {strides = array<i32>} : memref<32x768xf32, #tpu.memory_space<vmem>>, vector<1x16xf32>,
      %get3A_523 = vector.shape_cast %get3A_522 : vector<1x16xf32> to vector<16xf32>
      %add3A_524 = arith.addf %get3A_519, %get3A_523 : vector<16xf32>
      %get3A_525 = arith.index_cast %scan3A_42 : i32 to index
      %get3A_526 = arith.constant 400 : index
      %get3A_527 = tpu.vector_load %arg10[%get3A_525, %get3A_526] {strides = array<i32>} : memref<32x768xf32, #tpu.memory_space<vmem>>, vector<1x16xf32>,
      %get3A_528 = vector.shape_cast %get3A_527 : vector<1x16xf32> to vector<16xf32>
      %add3A_529 = arith.addf %add3A_524, %get3A_528 : vector<16xf32>
      %swap3A_530 = arith.index_cast %scan3A_42 : i32 to index
      %swap3A_531 = arith.constant 400 : index
      %swap3A_532 = tpu.vector_load %arg11[%swap3A_530, %swap3A_531] {strides = array<i32>} : memref<32x768xf32, #tpu.memory_space<vmem>>, vector<1x16xf32>,
      %swap3A_533 = vector.shape_cast %swap3A_532 : vector<1x16xf32> to vector<16xf32>
      %swap3A_534 = vector.shape_cast %add3A_529 : vector<16xf32> to vector<1x16xf32>
      tpu.vector_store %arg11[%swap3A_530, %swap3A_531], %swap3A_534 {strides = array<i32>} : memref<32x768xf32, #tpu.memory_space<vmem>>, vector<1x16xf32>,
      %get3A_535 = arith.index_cast %scan3A_42 : i32 to index
      %get3A_536 = arith.constant 416 : index
      %get3A_537 = tpu.vector_load %arg11[%get3A_535, %get3A_536] {strides = array<i32>} : memref<32x768xf32, #tpu.memory_space<vmem>>, vector<1x16xf32>,
      %get3A_538 = vector.shape_cast %get3A_537 : vector<1x16xf32> to vector<16xf32>
      %get3A_539 = arith.index_cast %scan3A_42 : i32 to index
      %get3A_540 = arith.constant 416 : index
      %get3A_541 = tpu.vector_load %arg9[%get3A_539, %get3A_540] {strides = array<i32>} : memref<32x768xf32, #tpu.memory_space<vmem>>, vector<1x16xf32>,
      %get3A_542 = vector.shape_cast %get3A_541 : vector<1x16xf32> to vector<16xf32>
      %add3A_543 = arith.addf %get3A_538, %get3A_542 : vector<16xf32>
      %get3A_544 = arith.index_cast %scan3A_42 : i32 to index
      %get3A_545 = arith.constant 416 : index
      %get3A_546 = tpu.vector_load %arg10[%get3A_544, %get3A_545] {strides = array<i32>} : memref<32x768xf32, #tpu.memory_space<vmem>>, vector<1x16xf32>,
      %get3A_547 = vector.shape_cast %get3A_546 : vector<1x16xf32> to vector<16xf32>
      %add3A_548 = arith.addf %add3A_543, %get3A_547 : vector<16xf32>
      %swap3A_549 = arith.index_cast %scan3A_42 : i32 to index
      %swap3A_550 = arith.constant 416 : index
      %swap3A_551 = tpu.vector_load %arg11[%swap3A_549, %swap3A_550] {strides = array<i32>} : memref<32x768xf32, #tpu.memory_space<vmem>>, vector<1x16xf32>,
      %swap3A_552 = vector.shape_cast %swap3A_551 : vector<1x16xf32> to vector<16xf32>
      %swap3A_553 = vector.shape_cast %add3A_548 : vector<16xf32> to vector<1x16xf32>
      tpu.vector_store %arg11[%swap3A_549, %swap3A_550], %swap3A_553 {strides = array<i32>} : memref<32x768xf32, #tpu.memory_space<vmem>>, vector<1x16xf32>,
      %get3A_554 = arith.index_cast %scan3A_42 : i32 to index
      %get3A_555 = arith.constant 432 : index
      %get3A_556 = tpu.vector_load %arg11[%get3A_554, %get3A_555] {strides = array<i32>} : memref<32x768xf32, #tpu.memory_space<vmem>>, vector<1x16xf32>,
      %get3A_557 = vector.shape_cast %get3A_556 : vector<1x16xf32> to vector<16xf32>
      %get3A_558 = arith.index_cast %scan3A_42 : i32 to index
      %get3A_559 = arith.constant 432 : index
      %get3A_560 = tpu.vector_load %arg9[%get3A_558, %get3A_559] {strides = array<i32>} : memref<32x768xf32, #tpu.memory_space<vmem>>, vector<1x16xf32>,
      %get3A_561 = vector.shape_cast %get3A_560 : vector<1x16xf32> to vector<16xf32>
      %add3A_562 = arith.addf %get3A_557, %get3A_561 : vector<16xf32>
      %get3A_563 = arith.index_cast %scan3A_42 : i32 to index
      %get3A_564 = arith.constant 432 : index
      %get3A_565 = tpu.vector_load %arg10[%get3A_563, %get3A_564] {strides = array<i32>} : memref<32x768xf32, #tpu.memory_space<vmem>>, vector<1x16xf32>,
      %get3A_566 = vector.shape_cast %get3A_565 : vector<1x16xf32> to vector<16xf32>
      %add3A_567 = arith.addf %add3A_562, %get3A_566 : vector<16xf32>
      %swap3A_568 = arith.index_cast %scan3A_42 : i32 to index
      %swap3A_569 = arith.constant 432 : index
      %swap3A_570 = tpu.vector_load %arg11[%swap3A_568, %swap3A_569] {strides = array<i32>} : memref<32x768xf32, #tpu.memory_space<vmem>>, vector<1x16xf32>,
      %swap3A_571 = vector.shape_cast %swap3A_570 : vector<1x16xf32> to vector<16xf32>
      %swap3A_572 = vector.shape_cast %add3A_567 : vector<16xf32> to vector<1x16xf32>
      tpu.vector_store %arg11[%swap3A_568, %swap3A_569], %swap3A_572 {strides = array<i32>} : memref<32x768xf32, #tpu.memory_space<vmem>>, vector<1x16xf32>,
      %get3A_573 = arith.index_cast %scan3A_42 : i32 to index
      %get3A_574 = arith.constant 448 : index
      %get3A_575 = tpu.vector_load %arg11[%get3A_573, %get3A_574] {strides = array<i32>} : memref<32x768xf32, #tpu.memory_space<vmem>>, vector<1x16xf32>,
      %get3A_576 = vector.shape_cast %get3A_575 : vector<1x16xf32> to vector<16xf32>
      %get3A_577 = arith.index_cast %scan3A_42 : i32 to index
      %get3A_578 = arith.constant 448 : index
      %get3A_579 = tpu.vector_load %arg9[%get3A_577, %get3A_578] {strides = array<i32>} : memref<32x768xf32, #tpu.memory_space<vmem>>, vector<1x16xf32>,
      %get3A_580 = vector.shape_cast %get3A_579 : vector<1x16xf32> to vector<16xf32>
      %add3A_581 = arith.addf %get3A_576, %get3A_580 : vector<16xf32>
      %get3A_582 = arith.index_cast %scan3A_42 : i32 to index
      %get3A_583 = arith.constant 448 : index
      %get3A_584 = tpu.vector_load %arg10[%get3A_582, %get3A_583] {strides = array<i32>} : memref<32x768xf32, #tpu.memory_space<vmem>>, vector<1x16xf32>,
      %get3A_585 = vector.shape_cast %get3A_584 : vector<1x16xf32> to vector<16xf32>
      %add3A_586 = arith.addf %add3A_581, %get3A_585 : vector<16xf32>
      %swap3A_587 = arith.index_cast %scan3A_42 : i32 to index
      %swap3A_588 = arith.constant 448 : index
      %swap3A_589 = tpu.vector_load %arg11[%swap3A_587, %swap3A_588] {strides = array<i32>} : memref<32x768xf32, #tpu.memory_space<vmem>>, vector<1x16xf32>,
      %swap3A_590 = vector.shape_cast %swap3A_589 : vector<1x16xf32> to vector<16xf32>
      %swap3A_591 = vector.shape_cast %add3A_586 : vector<16xf32> to vector<1x16xf32>
      tpu.vector_store %arg11[%swap3A_587, %swap3A_588], %swap3A_591 {strides = array<i32>} : memref<32x768xf32, #tpu.memory_space<vmem>>, vector<1x16xf32>,
      %get3A_592 = arith.index_cast %scan3A_42 : i32 to index
      %get3A_593 = arith.constant 464 : index
      %get3A_594 = tpu.vector_load %arg11[%get3A_592, %get3A_593] {strides = array<i32>} : memref<32x768xf32, #tpu.memory_space<vmem>>, vector<1x16xf32>,
      %get3A_595 = vector.shape_cast %get3A_594 : vector<1x16xf32> to vector<16xf32>
      %get3A_596 = arith.index_cast %scan3A_42 : i32 to index
      %get3A_597 = arith.constant 464 : index
      %get3A_598 = tpu.vector_load %arg9[%get3A_596, %get3A_597] {strides = array<i32>} : memref<32x768xf32, #tpu.memory_space<vmem>>, vector<1x16xf32>,
      %get3A_599 = vector.shape_cast %get3A_598 : vector<1x16xf32> to vector<16xf32>
      %add3A_600 = arith.addf %get3A_595, %get3A_599 : vector<16xf32>
      %get3A_601 = arith.index_cast %scan3A_42 : i32 to index
      %get3A_602 = arith.constant 464 : index
      %get3A_603 = tpu.vector_load %arg10[%get3A_601, %get3A_602] {strides = array<i32>} : memref<32x768xf32, #tpu.memory_space<vmem>>, vector<1x16xf32>,
      %get3A_604 = vector.shape_cast %get3A_603 : vector<1x16xf32> to vector<16xf32>
      %add3A_605 = arith.addf %add3A_600, %get3A_604 : vector<16xf32>
      %swap3A_606 = arith.index_cast %scan3A_42 : i32 to index
      %swap3A_607 = arith.constant 464 : index
      %swap3A_608 = tpu.vector_load %arg11[%swap3A_606, %swap3A_607] {strides = array<i32>} : memref<32x768xf32, #tpu.memory_space<vmem>>, vector<1x16xf32>,
      %swap3A_609 = vector.shape_cast %swap3A_608 : vector<1x16xf32> to vector<16xf32>
      %swap3A_610 = vector.shape_cast %add3A_605 : vector<16xf32> to vector<1x16xf32>
      tpu.vector_store %arg11[%swap3A_606, %swap3A_607], %swap3A_610 {strides = array<i32>} : memref<32x768xf32, #tpu.memory_space<vmem>>, vector<1x16xf32>,
      %get3A_611 = arith.index_cast %scan3A_42 : i32 to index
      %get3A_612 = arith.constant 480 : index
      %get3A_613 = tpu.vector_load %arg11[%get3A_611, %get3A_612] {strides = array<i32>} : memref<32x768xf32, #tpu.memory_space<vmem>>, vector<1x16xf32>,
      %get3A_614 = vector.shape_cast %get3A_613 : vector<1x16xf32> to vector<16xf32>
      %get3A_615 = arith.index_cast %scan3A_42 : i32 to index
      %get3A_616 = arith.constant 480 : index
      %get3A_617 = tpu.vector_load %arg9[%get3A_615, %get3A_616] {strides = array<i32>} : memref<32x768xf32, #tpu.memory_space<vmem>>, vector<1x16xf32>,
      %get3A_618 = vector.shape_cast %get3A_617 : vector<1x16xf32> to vector<16xf32>
      %add3A_619 = arith.addf %get3A_614, %get3A_618 : vector<16xf32>
      %get3A_620 = arith.index_cast %scan3A_42 : i32 to index
      %get3A_621 = arith.constant 480 : index
      %get3A_622 = tpu.vector_load %arg10[%get3A_620, %get3A_621] {strides = array<i32>} : memref<32x768xf32, #tpu.memory_space<vmem>>, vector<1x16xf32>,
      %get3A_623 = vector.shape_cast %get3A_622 : vector<1x16xf32> to vector<16xf32>
      %add3A_624 = arith.addf %add3A_619, %get3A_623 : vector<16xf32>
      %swap3A_625 = arith.index_cast %scan3A_42 : i32 to index
      %swap3A_626 = arith.constant 480 : index
      %swap3A_627 = tpu.vector_load %arg11[%swap3A_625, %swap3A_626] {strides = array<i32>} : memref<32x768xf32, #tpu.memory_space<vmem>>, vector<1x16xf32>,
      %swap3A_628 = vector.shape_cast %swap3A_627 : vector<1x16xf32> to vector<16xf32>
      %swap3A_629 = vector.shape_cast %add3A_624 : vector<16xf32> to vector<1x16xf32>
      tpu.vector_store %arg11[%swap3A_625, %swap3A_626], %swap3A_629 {strides = array<i32>} : memref<32x768xf32, #tpu.memory_space<vmem>>, vector<1x16xf32>,
      %get3A_630 = arith.index_cast %scan3A_42 : i32 to index
      %get3A_631 = arith.constant 496 : index
      %get3A_632 = tpu.vector_load %arg11[%get3A_630, %get3A_631] {strides = array<i32>} : memref<32x768xf32, #tpu.memory_space<vmem>>, vector<1x16xf32>,
      %get3A_633 = vector.shape_cast %get3A_632 : vector<1x16xf32> to vector<16xf32>
      %get3A_634 = arith.index_cast %scan3A_42 : i32 to index
      %get3A_635 = arith.constant 496 : index
      %get3A_636 = tpu.vector_load %arg9[%get3A_634, %get3A_635] {strides = array<i32>} : memref<32x768xf32, #tpu.memory_space<vmem>>, vector<1x16xf32>,
      %get3A_637 = vector.shape_cast %get3A_636 : vector<1x16xf32> to vector<16xf32>
      %add3A_638 = arith.addf %get3A_633, %get3A_637 : vector<16xf32>
      %get3A_639 = arith.index_cast %scan3A_42 : i32 to index
      %get3A_640 = arith.constant 496 : index
      %get3A_641 = tpu.vector_load %arg10[%get3A_639, %get3A_640] {strides = array<i32>} : memref<32x768xf32, #tpu.memory_space<vmem>>, vector<1x16xf32>,
      %get3A_642 = vector.shape_cast %get3A_641 : vector<1x16xf32> to vector<16xf32>
      %add3A_643 = arith.addf %add3A_638, %get3A_642 : vector<16xf32>
      %swap3A_644 = arith.index_cast %scan3A_42 : i32 to index
      %swap3A_645 = arith.constant 496 : index
      %swap3A_646 = tpu.vector_load %arg11[%swap3A_644, %swap3A_645] {strides = array<i32>} : memref<32x768xf32, #tpu.memory_space<vmem>>, vector<1x16xf32>,
      %swap3A_647 = vector.shape_cast %swap3A_646 : vector<1x16xf32> to vector<16xf32>
      %swap3A_648 = vector.shape_cast %add3A_643 : vector<16xf32> to vector<1x16xf32>
      tpu.vector_store %arg11[%swap3A_644, %swap3A_645], %swap3A_648 {strides = array<i32>} : memref<32x768xf32, #tpu.memory_space<vmem>>, vector<1x16xf32>,
      %get3A_649 = arith.index_cast %scan3A_42 : i32 to index
      %get3A_650 = arith.constant 512 : index
      %get3A_651 = tpu.vector_load %arg11[%get3A_649, %get3A_650] {strides = array<i32>} : memref<32x768xf32, #tpu.memory_space<vmem>>, vector<1x16xf32>,
      %get3A_652 = vector.shape_cast %get3A_651 : vector<1x16xf32> to vector<16xf32>
      %get3A_653 = arith.index_cast %scan3A_42 : i32 to index
      %get3A_654 = arith.constant 512 : index
      %get3A_655 = tpu.vector_load %arg9[%get3A_653, %get3A_654] {strides = array<i32>} : memref<32x768xf32, #tpu.memory_space<vmem>>, vector<1x16xf32>,
      %get3A_656 = vector.shape_cast %get3A_655 : vector<1x16xf32> to vector<16xf32>
      %add3A_657 = arith.addf %get3A_652, %get3A_656 : vector<16xf32>
      %get3A_658 = arith.index_cast %scan3A_42 : i32 to index
      %get3A_659 = arith.constant 512 : index
      %get3A_660 = tpu.vector_load %arg10[%get3A_658, %get3A_659] {strides = array<i32>} : memref<32x768xf32, #tpu.memory_space<vmem>>, vector<1x16xf32>,
      %get3A_661 = vector.shape_cast %get3A_660 : vector<1x16xf32> to vector<16xf32>
      %add3A_662 = arith.addf %add3A_657, %get3A_661 : vector<16xf32>
      %swap3A_663 = arith.index_cast %scan3A_42 : i32 to index
      %swap3A_664 = arith.constant 512 : index
      %swap3A_665 = tpu.vector_load %arg11[%swap3A_663, %swap3A_664] {strides = array<i32>} : memref<32x768xf32, #tpu.memory_space<vmem>>, vector<1x16xf32>,
      %swap3A_666 = vector.shape_cast %swap3A_665 : vector<1x16xf32> to vector<16xf32>
      %swap3A_667 = vector.shape_cast %add3A_662 : vector<16xf32> to vector<1x16xf32>
      tpu.vector_store %arg11[%swap3A_663, %swap3A_664], %swap3A_667 {strides = array<i32>} : memref<32x768xf32, #tpu.memory_space<vmem>>, vector<1x16xf32>,
      %get3A_668 = arith.index_cast %scan3A_42 : i32 to index
      %get3A_669 = arith.constant 528 : index
      %get3A_670 = tpu.vector_load %arg11[%get3A_668, %get3A_669] {strides = array<i32>} : memref<32x768xf32, #tpu.memory_space<vmem>>, vector<1x16xf32>,
      %get3A_671 = vector.shape_cast %get3A_670 : vector<1x16xf32> to vector<16xf32>
      %get3A_672 = arith.index_cast %scan3A_42 : i32 to index
      %get3A_673 = arith.constant 528 : index
      %get3A_674 = tpu.vector_load %arg9[%get3A_672, %get3A_673] {strides = array<i32>} : memref<32x768xf32, #tpu.memory_space<vmem>>, vector<1x16xf32>,
      %get3A_675 = vector.shape_cast %get3A_674 : vector<1x16xf32> to vector<16xf32>
      %add3A_676 = arith.addf %get3A_671, %get3A_675 : vector<16xf32>
      %get3A_677 = arith.index_cast %scan3A_42 : i32 to index
      %get3A_678 = arith.constant 528 : index
      %get3A_679 = tpu.vector_load %arg10[%get3A_677, %get3A_678] {strides = array<i32>} : memref<32x768xf32, #tpu.memory_space<vmem>>, vector<1x16xf32>,
      %get3A_680 = vector.shape_cast %get3A_679 : vector<1x16xf32> to vector<16xf32>
      %add3A_681 = arith.addf %add3A_676, %get3A_680 : vector<16xf32>
      %swap3A_682 = arith.index_cast %scan3A_42 : i32 to index
      %swap3A_683 = arith.constant 528 : index
      %swap3A_684 = tpu.vector_load %arg11[%swap3A_682, %swap3A_683] {strides = array<i32>} : memref<32x768xf32, #tpu.memory_space<vmem>>, vector<1x16xf32>,
      %swap3A_685 = vector.shape_cast %swap3A_684 : vector<1x16xf32> to vector<16xf32>
      %swap3A_686 = vector.shape_cast %add3A_681 : vector<16xf32> to vector<1x16xf32>
      tpu.vector_store %arg11[%swap3A_682, %swap3A_683], %swap3A_686 {strides = array<i32>} : memref<32x768xf32, #tpu.memory_space<vmem>>, vector<1x16xf32>,
      %get3A_687 = arith.index_cast %scan3A_42 : i32 to index
      %get3A_688 = arith.constant 544 : index
      %get3A_689 = tpu.vector_load %arg11[%get3A_687, %get3A_688] {strides = array<i32>} : memref<32x768xf32, #tpu.memory_space<vmem>>, vector<1x16xf32>,
      %get3A_690 = vector.shape_cast %get3A_689 : vector<1x16xf32> to vector<16xf32>
      %get3A_691 = arith.index_cast %scan3A_42 : i32 to index
      %get3A_692 = arith.constant 544 : index
      %get3A_693 = tpu.vector_load %arg9[%get3A_691, %get3A_692] {strides = array<i32>} : memref<32x768xf32, #tpu.memory_space<vmem>>, vector<1x16xf32>,
      %get3A_694 = vector.shape_cast %get3A_693 : vector<1x16xf32> to vector<16xf32>
      %add3A_695 = arith.addf %get3A_690, %get3A_694 : vector<16xf32>
      %get3A_696 = arith.index_cast %scan3A_42 : i32 to index
      %get3A_697 = arith.constant 544 : index
      %get3A_698 = tpu.vector_load %arg10[%get3A_696, %get3A_697] {strides = array<i32>} : memref<32x768xf32, #tpu.memory_space<vmem>>, vector<1x16xf32>,
      %get3A_699 = vector.shape_cast %get3A_698 : vector<1x16xf32> to vector<16xf32>
      %add3A_700 = arith.addf %add3A_695, %get3A_699 : vector<16xf32>
      %swap3A_701 = arith.index_cast %scan3A_42 : i32 to index
      %swap3A_702 = arith.constant 544 : index
      %swap3A_703 = tpu.vector_load %arg11[%swap3A_701, %swap3A_702] {strides = array<i32>} : memref<32x768xf32, #tpu.memory_space<vmem>>, vector<1x16xf32>,
      %swap3A_704 = vector.shape_cast %swap3A_703 : vector<1x16xf32> to vector<16xf32>
      %swap3A_705 = vector.shape_cast %add3A_700 : vector<16xf32> to vector<1x16xf32>
      tpu.vector_store %arg11[%swap3A_701, %swap3A_702], %swap3A_705 {strides = array<i32>} : memref<32x768xf32, #tpu.memory_space<vmem>>, vector<1x16xf32>,
      %get3A_706 = arith.index_cast %scan3A_42 : i32 to index
      %get3A_707 = arith.constant 560 : index
      %get3A_708 = tpu.vector_load %arg11[%get3A_706, %get3A_707] {strides = array<i32>} : memref<32x768xf32, #tpu.memory_space<vmem>>, vector<1x16xf32>,
      %get3A_709 = vector.shape_cast %get3A_708 : vector<1x16xf32> to vector<16xf32>
      %get3A_710 = arith.index_cast %scan3A_42 : i32 to index
      %get3A_711 = arith.constant 560 : index
      %get3A_712 = tpu.vector_load %arg9[%get3A_710, %get3A_711] {strides = array<i32>} : memref<32x768xf32, #tpu.memory_space<vmem>>, vector<1x16xf32>,
      %get3A_713 = vector.shape_cast %get3A_712 : vector<1x16xf32> to vector<16xf32>
      %add3A_714 = arith.addf %get3A_709, %get3A_713 : vector<16xf32>
      %get3A_715 = arith.index_cast %scan3A_42 : i32 to index
      %get3A_716 = arith.constant 560 : index
      %get3A_717 = tpu.vector_load %arg10[%get3A_715, %get3A_716] {strides = array<i32>} : memref<32x768xf32, #tpu.memory_space<vmem>>, vector<1x16xf32>,
      %get3A_718 = vector.shape_cast %get3A_717 : vector<1x16xf32> to vector<16xf32>
      %add3A_719 = arith.addf %add3A_714, %get3A_718 : vector<16xf32>
      %swap3A_720 = arith.index_cast %scan3A_42 : i32 to index
      %swap3A_721 = arith.constant 560 : index
      %swap3A_722 = tpu.vector_load %arg11[%swap3A_720, %swap3A_721] {strides = array<i32>} : memref<32x768xf32, #tpu.memory_space<vmem>>, vector<1x16xf32>,
      %swap3A_723 = vector.shape_cast %swap3A_722 : vector<1x16xf32> to vector<16xf32>
      %swap3A_724 = vector.shape_cast %add3A_719 : vector<16xf32> to vector<1x16xf32>
      tpu.vector_store %arg11[%swap3A_720, %swap3A_721], %swap3A_724 {strides = array<i32>} : memref<32x768xf32, #tpu.memory_space<vmem>>, vector<1x16xf32>,
      %get3A_725 = arith.index_cast %scan3A_42 : i32 to index
      %get3A_726 = arith.constant 576 : index
      %get3A_727 = tpu.vector_load %arg11[%get3A_725, %get3A_726] {strides = array<i32>} : memref<32x768xf32, #tpu.memory_space<vmem>>, vector<1x16xf32>,
      %get3A_728 = vector.shape_cast %get3A_727 : vector<1x16xf32> to vector<16xf32>
      %get3A_729 = arith.index_cast %scan3A_42 : i32 to index
      %get3A_730 = arith.constant 576 : index
      %get3A_731 = tpu.vector_load %arg9[%get3A_729, %get3A_730] {strides = array<i32>} : memref<32x768xf32, #tpu.memory_space<vmem>>, vector<1x16xf32>,
      %get3A_732 = vector.shape_cast %get3A_731 : vector<1x16xf32> to vector<16xf32>
      %add3A_733 = arith.addf %get3A_728, %get3A_732 : vector<16xf32>
      %get3A_734 = arith.index_cast %scan3A_42 : i32 to index
      %get3A_735 = arith.constant 576 : index
      %get3A_736 = tpu.vector_load %arg10[%get3A_734, %get3A_735] {strides = array<i32>} : memref<32x768xf32, #tpu.memory_space<vmem>>, vector<1x16xf32>,
      %get3A_737 = vector.shape_cast %get3A_736 : vector<1x16xf32> to vector<16xf32>
      %add3A_738 = arith.addf %add3A_733, %get3A_737 : vector<16xf32>
      %swap3A_739 = arith.index_cast %scan3A_42 : i32 to index
      %swap3A_740 = arith.constant 576 : index
      %swap3A_741 = tpu.vector_load %arg11[%swap3A_739, %swap3A_740] {strides = array<i32>} : memref<32x768xf32, #tpu.memory_space<vmem>>, vector<1x16xf32>,
      %swap3A_742 = vector.shape_cast %swap3A_741 : vector<1x16xf32> to vector<16xf32>
      %swap3A_743 = vector.shape_cast %add3A_738 : vector<16xf32> to vector<1x16xf32>
      tpu.vector_store %arg11[%swap3A_739, %swap3A_740], %swap3A_743 {strides = array<i32>} : memref<32x768xf32, #tpu.memory_space<vmem>>, vector<1x16xf32>,
      %get3A_744 = arith.index_cast %scan3A_42 : i32 to index
      %get3A_745 = arith.constant 592 : index
      %get3A_746 = tpu.vector_load %arg11[%get3A_744, %get3A_745] {strides = array<i32>} : memref<32x768xf32, #tpu.memory_space<vmem>>, vector<1x16xf32>,
      %get3A_747 = vector.shape_cast %get3A_746 : vector<1x16xf32> to vector<16xf32>
      %get3A_748 = arith.index_cast %scan3A_42 : i32 to index
      %get3A_749 = arith.constant 592 : index
      %get3A_750 = tpu.vector_load %arg9[%get3A_748, %get3A_749] {strides = array<i32>} : memref<32x768xf32, #tpu.memory_space<vmem>>, vector<1x16xf32>,
      %get3A_751 = vector.shape_cast %get3A_750 : vector<1x16xf32> to vector<16xf32>
      %add3A_752 = arith.addf %get3A_747, %get3A_751 : vector<16xf32>
      %get3A_753 = arith.index_cast %scan3A_42 : i32 to index
      %get3A_754 = arith.constant 592 : index
      %get3A_755 = tpu.vector_load %arg10[%get3A_753, %get3A_754] {strides = array<i32>} : memref<32x768xf32, #tpu.memory_space<vmem>>, vector<1x16xf32>,
      %get3A_756 = vector.shape_cast %get3A_755 : vector<1x16xf32> to vector<16xf32>
      %add3A_757 = arith.addf %add3A_752, %get3A_756 : vector<16xf32>
      %swap3A_758 = arith.index_cast %scan3A_42 : i32 to index
      %swap3A_759 = arith.constant 592 : index
      %swap3A_760 = tpu.vector_load %arg11[%swap3A_758, %swap3A_759] {strides = array<i32>} : memref<32x768xf32, #tpu.memory_space<vmem>>, vector<1x16xf32>,
      %swap3A_761 = vector.shape_cast %swap3A_760 : vector<1x16xf32> to vector<16xf32>
      %swap3A_762 = vector.shape_cast %add3A_757 : vector<16xf32> to vector<1x16xf32>
      tpu.vector_store %arg11[%swap3A_758, %swap3A_759], %swap3A_762 {strides = array<i32>} : memref<32x768xf32, #tpu.memory_space<vmem>>, vector<1x16xf32>,
      %get3A_763 = arith.index_cast %scan3A_42 : i32 to index
      %get3A_764 = arith.constant 608 : index
      %get3A_765 = tpu.vector_load %arg11[%get3A_763, %get3A_764] {strides = array<i32>} : memref<32x768xf32, #tpu.memory_space<vmem>>, vector<1x16xf32>,
      %get3A_766 = vector.shape_cast %get3A_765 : vector<1x16xf32> to vector<16xf32>
      %get3A_767 = arith.index_cast %scan3A_42 : i32 to index
      %get3A_768 = arith.constant 608 : index
      %get3A_769 = tpu.vector_load %arg9[%get3A_767, %get3A_768] {strides = array<i32>} : memref<32x768xf32, #tpu.memory_space<vmem>>, vector<1x16xf32>,
      %get3A_770 = vector.shape_cast %get3A_769 : vector<1x16xf32> to vector<16xf32>
      %add3A_771 = arith.addf %get3A_766, %get3A_770 : vector<16xf32>
      %get3A_772 = arith.index_cast %scan3A_42 : i32 to index
      %get3A_773 = arith.constant 608 : index
      %get3A_774 = tpu.vector_load %arg10[%get3A_772, %get3A_773] {strides = array<i32>} : memref<32x768xf32, #tpu.memory_space<vmem>>, vector<1x16xf32>,
      %get3A_775 = vector.shape_cast %get3A_774 : vector<1x16xf32> to vector<16xf32>
      %add3A_776 = arith.addf %add3A_771, %get3A_775 : vector<16xf32>
      %swap3A_777 = arith.index_cast %scan3A_42 : i32 to index
      %swap3A_778 = arith.constant 608 : index
      %swap3A_779 = tpu.vector_load %arg11[%swap3A_777, %swap3A_778] {strides = array<i32>} : memref<32x768xf32, #tpu.memory_space<vmem>>, vector<1x16xf32>,
      %swap3A_780 = vector.shape_cast %swap3A_779 : vector<1x16xf32> to vector<16xf32>
      %swap3A_781 = vector.shape_cast %add3A_776 : vector<16xf32> to vector<1x16xf32>
      tpu.vector_store %arg11[%swap3A_777, %swap3A_778], %swap3A_781 {strides = array<i32>} : memref<32x768xf32, #tpu.memory_space<vmem>>, vector<1x16xf32>,
      %get3A_782 = arith.index_cast %scan3A_42 : i32 to index
      %get3A_783 = arith.constant 624 : index
      %get3A_784 = tpu.vector_load %arg11[%get3A_782, %get3A_783] {strides = array<i32>} : memref<32x768xf32, #tpu.memory_space<vmem>>, vector<1x16xf32>,
      %get3A_785 = vector.shape_cast %get3A_784 : vector<1x16xf32> to vector<16xf32>
      %get3A_786 = arith.index_cast %scan3A_42 : i32 to index
      %get3A_787 = arith.constant 624 : index
      %get3A_788 = tpu.vector_load %arg9[%get3A_786, %get3A_787] {strides = array<i32>} : memref<32x768xf32, #tpu.memory_space<vmem>>, vector<1x16xf32>,
      %get3A_789 = vector.shape_cast %get3A_788 : vector<1x16xf32> to vector<16xf32>
      %add3A_790 = arith.addf %get3A_785, %get3A_789 : vector<16xf32>
      %get3A_791 = arith.index_cast %scan3A_42 : i32 to index
      %get3A_792 = arith.constant 624 : index
      %get3A_793 = tpu.vector_load %arg10[%get3A_791, %get3A_792] {strides = array<i32>} : memref<32x768xf32, #tpu.memory_space<vmem>>, vector<1x16xf32>,
      %get3A_794 = vector.shape_cast %get3A_793 : vector<1x16xf32> to vector<16xf32>
      %add3A_795 = arith.addf %add3A_790, %get3A_794 : vector<16xf32>
      %swap3A_796 = arith.index_cast %scan3A_42 : i32 to index
      %swap3A_797 = arith.constant 624 : index
      %swap3A_798 = tpu.vector_load %arg11[%swap3A_796, %swap3A_797] {strides = array<i32>} : memref<32x768xf32, #tpu.memory_space<vmem>>, vector<1x16xf32>,
      %swap3A_799 = vector.shape_cast %swap3A_798 : vector<1x16xf32> to vector<16xf32>
      %swap3A_800 = vector.shape_cast %add3A_795 : vector<16xf32> to vector<1x16xf32>
      tpu.vector_store %arg11[%swap3A_796, %swap3A_797], %swap3A_800 {strides = array<i32>} : memref<32x768xf32, #tpu.memory_space<vmem>>, vector<1x16xf32>,
      %get3A_801 = arith.index_cast %scan3A_42 : i32 to index
      %get3A_802 = arith.constant 640 : index
      %get3A_803 = tpu.vector_load %arg11[%get3A_801, %get3A_802] {strides = array<i32>} : memref<32x768xf32, #tpu.memory_space<vmem>>, vector<1x16xf32>,
      %get3A_804 = vector.shape_cast %get3A_803 : vector<1x16xf32> to vector<16xf32>
      %get3A_805 = arith.index_cast %scan3A_42 : i32 to index
      %get3A_806 = arith.constant 640 : index
      %get3A_807 = tpu.vector_load %arg9[%get3A_805, %get3A_806] {strides = array<i32>} : memref<32x768xf32, #tpu.memory_space<vmem>>, vector<1x16xf32>,
      %get3A_808 = vector.shape_cast %get3A_807 : vector<1x16xf32> to vector<16xf32>
      %add3A_809 = arith.addf %get3A_804, %get3A_808 : vector<16xf32>
      %get3A_810 = arith.index_cast %scan3A_42 : i32 to index
      %get3A_811 = arith.constant 640 : index
      %get3A_812 = tpu.vector_load %arg10[%get3A_810, %get3A_811] {strides = array<i32>} : memref<32x768xf32, #tpu.memory_space<vmem>>, vector<1x16xf32>,
      %get3A_813 = vector.shape_cast %get3A_812 : vector<1x16xf32> to vector<16xf32>
      %add3A_814 = arith.addf %add3A_809, %get3A_813 : vector<16xf32>
      %swap3A_815 = arith.index_cast %scan3A_42 : i32 to index
      %swap3A_816 = arith.constant 640 : index
      %swap3A_817 = tpu.vector_load %arg11[%swap3A_815, %swap3A_816] {strides = array<i32>} : memref<32x768xf32, #tpu.memory_space<vmem>>, vector<1x16xf32>,
      %swap3A_818 = vector.shape_cast %swap3A_817 : vector<1x16xf32> to vector<16xf32>
      %swap3A_819 = vector.shape_cast %add3A_814 : vector<16xf32> to vector<1x16xf32>
      tpu.vector_store %arg11[%swap3A_815, %swap3A_816], %swap3A_819 {strides = array<i32>} : memref<32x768xf32, #tpu.memory_space<vmem>>, vector<1x16xf32>,
      %get3A_820 = arith.index_cast %scan3A_42 : i32 to index
      %get3A_821 = arith.constant 656 : index
      %get3A_822 = tpu.vector_load %arg11[%get3A_820, %get3A_821] {strides = array<i32>} : memref<32x768xf32, #tpu.memory_space<vmem>>, vector<1x16xf32>,
      %get3A_823 = vector.shape_cast %get3A_822 : vector<1x16xf32> to vector<16xf32>
      %get3A_824 = arith.index_cast %scan3A_42 : i32 to index
      %get3A_825 = arith.constant 656 : index
      %get3A_826 = tpu.vector_load %arg9[%get3A_824, %get3A_825] {strides = array<i32>} : memref<32x768xf32, #tpu.memory_space<vmem>>, vector<1x16xf32>,
      %get3A_827 = vector.shape_cast %get3A_826 : vector<1x16xf32> to vector<16xf32>
      %add3A_828 = arith.addf %get3A_823, %get3A_827 : vector<16xf32>
      %get3A_829 = arith.index_cast %scan3A_42 : i32 to index
      %get3A_830 = arith.constant 656 : index
      %get3A_831 = tpu.vector_load %arg10[%get3A_829, %get3A_830] {strides = array<i32>} : memref<32x768xf32, #tpu.memory_space<vmem>>, vector<1x16xf32>,
      %get3A_832 = vector.shape_cast %get3A_831 : vector<1x16xf32> to vector<16xf32>
      %add3A_833 = arith.addf %add3A_828, %get3A_832 : vector<16xf32>
      %swap3A_834 = arith.index_cast %scan3A_42 : i32 to index
      %swap3A_835 = arith.constant 656 : index
      %swap3A_836 = tpu.vector_load %arg11[%swap3A_834, %swap3A_835] {strides = array<i32>} : memref<32x768xf32, #tpu.memory_space<vmem>>, vector<1x16xf32>,
      %swap3A_837 = vector.shape_cast %swap3A_836 : vector<1x16xf32> to vector<16xf32>
      %swap3A_838 = vector.shape_cast %add3A_833 : vector<16xf32> to vector<1x16xf32>
      tpu.vector_store %arg11[%swap3A_834, %swap3A_835], %swap3A_838 {strides = array<i32>} : memref<32x768xf32, #tpu.memory_space<vmem>>, vector<1x16xf32>,
      %get3A_839 = arith.index_cast %scan3A_42 : i32 to index
      %get3A_840 = arith.constant 672 : index
      %get3A_841 = tpu.vector_load %arg11[%get3A_839, %get3A_840] {strides = array<i32>} : memref<32x768xf32, #tpu.memory_space<vmem>>, vector<1x16xf32>,
      %get3A_842 = vector.shape_cast %get3A_841 : vector<1x16xf32> to vector<16xf32>
      %get3A_843 = arith.index_cast %scan3A_42 : i32 to index
      %get3A_844 = arith.constant 672 : index
      %get3A_845 = tpu.vector_load %arg9[%get3A_843, %get3A_844] {strides = array<i32>} : memref<32x768xf32, #tpu.memory_space<vmem>>, vector<1x16xf32>,
      %get3A_846 = vector.shape_cast %get3A_845 : vector<1x16xf32> to vector<16xf32>
      %add3A_847 = arith.addf %get3A_842, %get3A_846 : vector<16xf32>
      %get3A_848 = arith.index_cast %scan3A_42 : i32 to index
      %get3A_849 = arith.constant 672 : index
      %get3A_850 = tpu.vector_load %arg10[%get3A_848, %get3A_849] {strides = array<i32>} : memref<32x768xf32, #tpu.memory_space<vmem>>, vector<1x16xf32>,
      %get3A_851 = vector.shape_cast %get3A_850 : vector<1x16xf32> to vector<16xf32>
      %add3A_852 = arith.addf %add3A_847, %get3A_851 : vector<16xf32>
      %swap3A_853 = arith.index_cast %scan3A_42 : i32 to index
      %swap3A_854 = arith.constant 672 : index
      %swap3A_855 = tpu.vector_load %arg11[%swap3A_853, %swap3A_854] {strides = array<i32>} : memref<32x768xf32, #tpu.memory_space<vmem>>, vector<1x16xf32>,
      %swap3A_856 = vector.shape_cast %swap3A_855 : vector<1x16xf32> to vector<16xf32>
      %swap3A_857 = vector.shape_cast %add3A_852 : vector<16xf32> to vector<1x16xf32>
      tpu.vector_store %arg11[%swap3A_853, %swap3A_854], %swap3A_857 {strides = array<i32>} : memref<32x768xf32, #tpu.memory_space<vmem>>, vector<1x16xf32>,
      %get3A_858 = arith.index_cast %scan3A_42 : i32 to index
      %get3A_859 = arith.constant 688 : index
      %get3A_860 = tpu.vector_load %arg11[%get3A_858, %get3A_859] {strides = array<i32>} : memref<32x768xf32, #tpu.memory_space<vmem>>, vector<1x16xf32>,
      %get3A_861 = vector.shape_cast %get3A_860 : vector<1x16xf32> to vector<16xf32>
      %get3A_862 = arith.index_cast %scan3A_42 : i32 to index
      %get3A_863 = arith.constant 688 : index
      %get3A_864 = tpu.vector_load %arg9[%get3A_862, %get3A_863] {strides = array<i32>} : memref<32x768xf32, #tpu.memory_space<vmem>>, vector<1x16xf32>,
      %get3A_865 = vector.shape_cast %get3A_864 : vector<1x16xf32> to vector<16xf32>
      %add3A_866 = arith.addf %get3A_861, %get3A_865 : vector<16xf32>
      %get3A_867 = arith.index_cast %scan3A_42 : i32 to index
      %get3A_868 = arith.constant 688 : index
      %get3A_869 = tpu.vector_load %arg10[%get3A_867, %get3A_868] {strides = array<i32>} : memref<32x768xf32, #tpu.memory_space<vmem>>, vector<1x16xf32>,
      %get3A_870 = vector.shape_cast %get3A_869 : vector<1x16xf32> to vector<16xf32>
      %add3A_871 = arith.addf %add3A_866, %get3A_870 : vector<16xf32>
      %swap3A_872 = arith.index_cast %scan3A_42 : i32 to index
      %swap3A_873 = arith.constant 688 : index
      %swap3A_874 = tpu.vector_load %arg11[%swap3A_872, %swap3A_873] {strides = array<i32>} : memref<32x768xf32, #tpu.memory_space<vmem>>, vector<1x16xf32>,
      %swap3A_875 = vector.shape_cast %swap3A_874 : vector<1x16xf32> to vector<16xf32>
      %swap3A_876 = vector.shape_cast %add3A_871 : vector<16xf32> to vector<1x16xf32>
      tpu.vector_store %arg11[%swap3A_872, %swap3A_873], %swap3A_876 {strides = array<i32>} : memref<32x768xf32, #tpu.memory_space<vmem>>, vector<1x16xf32>,
      %get3A_877 = arith.index_cast %scan3A_42 : i32 to index
      %get3A_878 = arith.constant 704 : index
      %get3A_879 = tpu.vector_load %arg11[%get3A_877, %get3A_878] {strides = array<i32>} : memref<32x768xf32, #tpu.memory_space<vmem>>, vector<1x16xf32>,
      %get3A_880 = vector.shape_cast %get3A_879 : vector<1x16xf32> to vector<16xf32>
      %get3A_881 = arith.index_cast %scan3A_42 : i32 to index
      %get3A_882 = arith.constant 704 : index
      %get3A_883 = tpu.vector_load %arg9[%get3A_881, %get3A_882] {strides = array<i32>} : memref<32x768xf32, #tpu.memory_space<vmem>>, vector<1x16xf32>,
      %get3A_884 = vector.shape_cast %get3A_883 : vector<1x16xf32> to vector<16xf32>
      %add3A_885 = arith.addf %get3A_880, %get3A_884 : vector<16xf32>
      %get3A_886 = arith.index_cast %scan3A_42 : i32 to index
      %get3A_887 = arith.constant 704 : index
      %get3A_888 = tpu.vector_load %arg10[%get3A_886, %get3A_887] {strides = array<i32>} : memref<32x768xf32, #tpu.memory_space<vmem>>, vector<1x16xf32>,
      %get3A_889 = vector.shape_cast %get3A_888 : vector<1x16xf32> to vector<16xf32>
      %add3A_890 = arith.addf %add3A_885, %get3A_889 : vector<16xf32>
      %swap3A_891 = arith.index_cast %scan3A_42 : i32 to index
      %swap3A_892 = arith.constant 704 : index
      %swap3A_893 = tpu.vector_load %arg11[%swap3A_891, %swap3A_892] {strides = array<i32>} : memref<32x768xf32, #tpu.memory_space<vmem>>, vector<1x16xf32>,
      %swap3A_894 = vector.shape_cast %swap3A_893 : vector<1x16xf32> to vector<16xf32>
      %swap3A_895 = vector.shape_cast %add3A_890 : vector<16xf32> to vector<1x16xf32>
      tpu.vector_store %arg11[%swap3A_891, %swap3A_892], %swap3A_895 {strides = array<i32>} : memref<32x768xf32, #tpu.memory_space<vmem>>, vector<1x16xf32>,
      %get3A_896 = arith.index_cast %scan3A_42 : i32 to index
      %get3A_897 = arith.constant 720 : index
      %get3A_898 = tpu.vector_load %arg11[%get3A_896, %get3A_897] {strides = array<i32>} : memref<32x768xf32, #tpu.memory_space<vmem>>, vector<1x16xf32>,
      %get3A_899 = vector.shape_cast %get3A_898 : vector<1x16xf32> to vector<16xf32>
      %get3A_900 = arith.index_cast %scan3A_42 : i32 to index
      %get3A_901 = arith.constant 720 : index
      %get3A_902 = tpu.vector_load %arg9[%get3A_900, %get3A_901] {strides = array<i32>} : memref<32x768xf32, #tpu.memory_space<vmem>>, vector<1x16xf32>,
      %get3A_903 = vector.shape_cast %get3A_902 : vector<1x16xf32> to vector<16xf32>
      %add3A_904 = arith.addf %get3A_899, %get3A_903 : vector<16xf32>
      %get3A_905 = arith.index_cast %scan3A_42 : i32 to index
      %get3A_906 = arith.constant 720 : index
      %get3A_907 = tpu.vector_load %arg10[%get3A_905, %get3A_906] {strides = array<i32>} : memref<32x768xf32, #tpu.memory_space<vmem>>, vector<1x16xf32>,
      %get3A_908 = vector.shape_cast %get3A_907 : vector<1x16xf32> to vector<16xf32>
      %add3A_909 = arith.addf %add3A_904, %get3A_908 : vector<16xf32>
      %swap3A_910 = arith.index_cast %scan3A_42 : i32 to index
      %swap3A_911 = arith.constant 720 : index
      %swap3A_912 = tpu.vector_load %arg11[%swap3A_910, %swap3A_911] {strides = array<i32>} : memref<32x768xf32, #tpu.memory_space<vmem>>, vector<1x16xf32>,
      %swap3A_913 = vector.shape_cast %swap3A_912 : vector<1x16xf32> to vector<16xf32>
      %swap3A_914 = vector.shape_cast %add3A_909 : vector<16xf32> to vector<1x16xf32>
      tpu.vector_store %arg11[%swap3A_910, %swap3A_911], %swap3A_914 {strides = array<i32>} : memref<32x768xf32, #tpu.memory_space<vmem>>, vector<1x16xf32>,
      %get3A_915 = arith.index_cast %scan3A_42 : i32 to index
      %get3A_916 = arith.constant 736 : index
      %get3A_917 = tpu.vector_load %arg11[%get3A_915, %get3A_916] {strides = array<i32>} : memref<32x768xf32, #tpu.memory_space<vmem>>, vector<1x16xf32>,
      %get3A_918 = vector.shape_cast %get3A_917 : vector<1x16xf32> to vector<16xf32>
      %get3A_919 = arith.index_cast %scan3A_42 : i32 to index
      %get3A_920 = arith.constant 736 : index
      %get3A_921 = tpu.vector_load %arg9[%get3A_919, %get3A_920] {strides = array<i32>} : memref<32x768xf32, #tpu.memory_space<vmem>>, vector<1x16xf32>,
      %get3A_922 = vector.shape_cast %get3A_921 : vector<1x16xf32> to vector<16xf32>
      %add3A_923 = arith.addf %get3A_918, %get3A_922 : vector<16xf32>
      %get3A_924 = arith.index_cast %scan3A_42 : i32 to index
      %get3A_925 = arith.constant 736 : index
      %get3A_926 = tpu.vector_load %arg10[%get3A_924, %get3A_925] {strides = array<i32>} : memref<32x768xf32, #tpu.memory_space<vmem>>, vector<1x16xf32>,
      %get3A_927 = vector.shape_cast %get3A_926 : vector<1x16xf32> to vector<16xf32>
      %add3A_928 = arith.addf %add3A_923, %get3A_927 : vector<16xf32>
      %swap3A_929 = arith.index_cast %scan3A_42 : i32 to index
      %swap3A_930 = arith.constant 736 : index
      %swap3A_931 = tpu.vector_load %arg11[%swap3A_929, %swap3A_930] {strides = array<i32>} : memref<32x768xf32, #tpu.memory_space<vmem>>, vector<1x16xf32>,
      %swap3A_932 = vector.shape_cast %swap3A_931 : vector<1x16xf32> to vector<16xf32>
      %swap3A_933 = vector.shape_cast %add3A_928 : vector<16xf32> to vector<1x16xf32>
      tpu.vector_store %arg11[%swap3A_929, %swap3A_930], %swap3A_933 {strides = array<i32>} : memref<32x768xf32, #tpu.memory_space<vmem>>, vector<1x16xf32>,
      %get3A_934 = arith.index_cast %scan3A_42 : i32 to index
      %get3A_935 = arith.constant 752 : index
      %get3A_936 = tpu.vector_load %arg11[%get3A_934, %get3A_935] {strides = array<i32>} : memref<32x768xf32, #tpu.memory_space<vmem>>, vector<1x16xf32>,
      %get3A_937 = vector.shape_cast %get3A_936 : vector<1x16xf32> to vector<16xf32>
      %get3A_938 = arith.index_cast %scan3A_42 : i32 to index
      %get3A_939 = arith.constant 752 : index
      %get3A_940 = tpu.vector_load %arg9[%get3A_938, %get3A_939] {strides = array<i32>} : memref<32x768xf32, #tpu.memory_space<vmem>>, vector<1x16xf32>,
      %get3A_941 = vector.shape_cast %get3A_940 : vector<1x16xf32> to vector<16xf32>
      %add3A_942 = arith.addf %get3A_937, %get3A_941 : vector<16xf32>
      %get3A_943 = arith.index_cast %scan3A_42 : i32 to index
      %get3A_944 = arith.constant 752 : index
      %get3A_945 = tpu.vector_load %arg10[%get3A_943, %get3A_944] {strides = array<i32>} : memref<32x768xf32, #tpu.memory_space<vmem>>, vector<1x16xf32>,
      %get3A_946 = vector.shape_cast %get3A_945 : vector<1x16xf32> to vector<16xf32>
      %add3A_947 = arith.addf %add3A_942, %get3A_946 : vector<16xf32>
      %swap3A_948 = arith.index_cast %scan3A_42 : i32 to index
      %swap3A_949 = arith.constant 752 : index
      %swap3A_950 = tpu.vector_load %arg11[%swap3A_948, %swap3A_949] {strides = array<i32>} : memref<32x768xf32, #tpu.memory_space<vmem>>, vector<1x16xf32>,
      %swap3A_951 = vector.shape_cast %swap3A_950 : vector<1x16xf32> to vector<16xf32>
      %swap3A_952 = vector.shape_cast %add3A_947 : vector<16xf32> to vector<1x16xf32>
      tpu.vector_store %arg11[%swap3A_948, %swap3A_949], %swap3A_952 {strides = array<i32>} : memref<32x768xf32, #tpu.memory_space<vmem>>, vector<1x16xf32>,
    }
    %scan3A_41 = arith.constant 32 : i32
    "tpu.region"() ({
      %run_scoped3A = tpu.sem_alloc : memref<!tpu.dma_semaphore, #tpu.memory_space<semaphore_mem>>
      %dma_start3A_42 = arith.constant 0 : i32
      %dma_start3A_43 = tpu.memref_slice %arg6[%add3A_23, %dma_start3A_42] : memref<2048x768xf32, #tpu.memory_space<hbm>> -> memref<32x768xf32, #tpu.memory_space<hbm>>
      %dma_start3A_44 = arith.constant 0 : i32
      %dma_start3A_45 = tpu.memref_slice %arg6[%add3A_23, %dma_start3A_44] : memref<2048x768xf32, #tpu.memory_space<hbm>> -> memref<32x768xf32, #tpu.memory_space<hbm>>
      tpu.enqueue_dma source(%arg11 : memref<32x768xf32, #tpu.memory_space<vmem>>) target(%dma_start3A_45 : memref<32x768xf32, #tpu.memory_space<hbm>>) target_semaphore(%run_scoped3A : memref<!tpu.dma_semaphore, #tpu.memory_space<semaphore_mem>>)
      %dma_wait3A_46 = arith.constant 0 : i32
      %dma_wait3A_47 = tpu.memref_slice %arg6[%add3A_23, %dma_wait3A_46] : memref<2048x768xf32, #tpu.memory_space<hbm>> -> memref<32x768xf32, #tpu.memory_space<hbm>>
      %dma_wait3A_48 = arith.constant 0 : i32
      %dma_wait3A_49 = tpu.memref_slice %arg6[%add3A_23, %dma_wait3A_48] : memref<2048x768xf32, #tpu.memory_space<hbm>> -> memref<32x768xf32, #tpu.memory_space<hbm>>
      tpu.wait_dma2 semaphore(%run_scoped3A : memref<!tpu.dma_semaphore, #tpu.memory_space<semaphore_mem>>) src(%arg11 : memref<32x768xf32, #tpu.memory_space<vmem>>) dst(%dma_wait3A_49 : memref<32x768xf32, #tpu.memory_space<hbm>>)
      tpu.yield
    }) : () -> ()
    return
  }
}

#map = affine_map<(d0, d1) -> (0, 0)>
#map1 = affine_map<(d0, d1) -> (0)>
module attributes {stable_mosaic.version = 14 : i64} {
  func.func @_sc_dispatch_body(%arg0: i32, %arg1: i32, %arg2: memref<2048x768xf32, #tpu.memory_space<hbm>>, %arg3: memref<2048xi32, #tpu.memory_space<hbm>>, %arg4: memref<2048xi32, #tpu.memory_space<hbm>>, %arg5: memref<2048x128xf32, #tpu.memory_space<hbm>>, %arg6: memref<2048x128xf32, #tpu.memory_space<hbm>>, %arg7: memref<4160x768xf32, #tpu.memory_space<hbm>>, %arg8: memref<4160x128xf32, #tpu.memory_space<hbm>>, %arg9: memref<64xi32, #tpu.memory_space<vmem>>, %arg10: memref<64xi32, #tpu.memory_space<vmem>>, %arg11: memref<64x768xf32, #tpu.memory_space<vmem>>, %arg12: memref<64x128xf32, #tpu.memory_space<vmem>>, %arg13: memref<64x128xf32, #tpu.memory_space<vmem>>, %arg14: memref<!tpu.dma_semaphore, #tpu.memory_space<semaphore_mem>>) attributes {dimension_semantics = [#tpu.dimension_semantics<core_parallel>, #tpu.dimension_semantics<subcore_parallel>], iteration_bounds = array<i64: 2, 16>, scalar_prefetch = 0 : i64, scratch_operands = 6 : i64, tpu.core_type = #tpu.core_type<sc_vector_subcore>, window_params = [{transform_indices = #map}, {transform_indices = #map1}, {transform_indices = #map1}, {transform_indices = #map}, {transform_indices = #map}, {transform_indices = #map}, {transform_indices = #map}]} {
    %mul3A = arith.constant 2 : i32
    %mul3A_0 = arith.muli %arg1, %mul3A : i32
    %add3A = arith.addi %mul3A_0, %arg0 : i32
    %mul3A_1 = arith.constant 64 : i32
    %mul3A_2 = arith.muli %add3A, %mul3A_1 : i32
    %dma_start3A = tpu.memref_slice %arg3[%mul3A_2] : memref<2048xi32, #tpu.memory_space<hbm>> -> memref<64xi32, #tpu.memory_space<hbm>>
    %dma_start3A_3 = tpu.memref_slice %arg3[%mul3A_2] : memref<2048xi32, #tpu.memory_space<hbm>> -> memref<64xi32, #tpu.memory_space<hbm>>
    tpu.enqueue_dma source(%dma_start3A_3 : memref<64xi32, #tpu.memory_space<hbm>>) target(%arg9 : memref<64xi32, #tpu.memory_space<vmem>>) target_semaphore(%arg14 : memref<!tpu.dma_semaphore, #tpu.memory_space<semaphore_mem>>)
    %dma_start3A_4 = tpu.memref_slice %arg4[%mul3A_2] : memref<2048xi32, #tpu.memory_space<hbm>> -> memref<64xi32, #tpu.memory_space<hbm>>
    %dma_start3A_5 = tpu.memref_slice %arg4[%mul3A_2] : memref<2048xi32, #tpu.memory_space<hbm>> -> memref<64xi32, #tpu.memory_space<hbm>>
    tpu.enqueue_dma source(%dma_start3A_5 : memref<64xi32, #tpu.memory_space<hbm>>) target(%arg10 : memref<64xi32, #tpu.memory_space<vmem>>) target_semaphore(%arg14 : memref<!tpu.dma_semaphore, #tpu.memory_space<semaphore_mem>>)
    %dma_start3A_6 = arith.constant 0 : i32
    %dma_start3A_7 = tpu.memref_slice %arg2[%mul3A_2, %dma_start3A_6] : memref<2048x768xf32, #tpu.memory_space<hbm>> -> memref<64x768xf32, #tpu.memory_space<hbm>>
    %dma_start3A_8 = arith.constant 0 : i32
    %dma_start3A_9 = tpu.memref_slice %arg2[%mul3A_2, %dma_start3A_8] : memref<2048x768xf32, #tpu.memory_space<hbm>> -> memref<64x768xf32, #tpu.memory_space<hbm>>
    tpu.enqueue_dma source(%dma_start3A_9 : memref<64x768xf32, #tpu.memory_space<hbm>>) target(%arg11 : memref<64x768xf32, #tpu.memory_space<vmem>>) target_semaphore(%arg14 : memref<!tpu.dma_semaphore, #tpu.memory_space<semaphore_mem>>)
    %dma_start3A_10 = arith.constant 0 : i32
    %dma_start3A_11 = tpu.memref_slice %arg5[%mul3A_2, %dma_start3A_10] : memref<2048x128xf32, #tpu.memory_space<hbm>> -> memref<64x128xf32, #tpu.memory_space<hbm>>
    %dma_start3A_12 = arith.constant 0 : i32
    %dma_start3A_13 = tpu.memref_slice %arg5[%mul3A_2, %dma_start3A_12] : memref<2048x128xf32, #tpu.memory_space<hbm>> -> memref<64x128xf32, #tpu.memory_space<hbm>>
    tpu.enqueue_dma source(%dma_start3A_13 : memref<64x128xf32, #tpu.memory_space<hbm>>) target(%arg12 : memref<64x128xf32, #tpu.memory_space<vmem>>) target_semaphore(%arg14 : memref<!tpu.dma_semaphore, #tpu.memory_space<semaphore_mem>>)
    %dma_start3A_14 = arith.constant 0 : i32
    %dma_start3A_15 = tpu.memref_slice %arg6[%mul3A_2, %dma_start3A_14] : memref<2048x128xf32, #tpu.memory_space<hbm>> -> memref<64x128xf32, #tpu.memory_space<hbm>>
    %dma_start3A_16 = arith.constant 0 : i32
    %dma_start3A_17 = tpu.memref_slice %arg6[%mul3A_2, %dma_start3A_16] : memref<2048x128xf32, #tpu.memory_space<hbm>> -> memref<64x128xf32, #tpu.memory_space<hbm>>
    tpu.enqueue_dma source(%dma_start3A_17 : memref<64x128xf32, #tpu.memory_space<hbm>>) target(%arg13 : memref<64x128xf32, #tpu.memory_space<vmem>>) target_semaphore(%arg14 : memref<!tpu.dma_semaphore, #tpu.memory_space<semaphore_mem>>)
    %dma_wait3A = tpu.memref_slice %arg3[%mul3A_2] : memref<2048xi32, #tpu.memory_space<hbm>> -> memref<64xi32, #tpu.memory_space<hbm>>
    %dma_wait3A_18 = tpu.memref_slice %arg3[%mul3A_2] : memref<2048xi32, #tpu.memory_space<hbm>> -> memref<64xi32, #tpu.memory_space<hbm>>
    tpu.wait_dma2 semaphore(%arg14 : memref<!tpu.dma_semaphore, #tpu.memory_space<semaphore_mem>>) src(%dma_wait3A_18 : memref<64xi32, #tpu.memory_space<hbm>>) dst(%arg9 : memref<64xi32, #tpu.memory_space<vmem>>)
    %dma_wait3A_19 = tpu.memref_slice %arg4[%mul3A_2] : memref<2048xi32, #tpu.memory_space<hbm>> -> memref<64xi32, #tpu.memory_space<hbm>>
    %dma_wait3A_20 = tpu.memref_slice %arg4[%mul3A_2] : memref<2048xi32, #tpu.memory_space<hbm>> -> memref<64xi32, #tpu.memory_space<hbm>>
    tpu.wait_dma2 semaphore(%arg14 : memref<!tpu.dma_semaphore, #tpu.memory_space<semaphore_mem>>) src(%dma_wait3A_20 : memref<64xi32, #tpu.memory_space<hbm>>) dst(%arg10 : memref<64xi32, #tpu.memory_space<vmem>>)
    %dma_wait3A_21 = arith.constant 0 : i32
    %dma_wait3A_22 = tpu.memref_slice %arg2[%mul3A_2, %dma_wait3A_21] : memref<2048x768xf32, #tpu.memory_space<hbm>> -> memref<64x768xf32, #tpu.memory_space<hbm>>
    %dma_wait3A_23 = arith.constant 0 : i32
    %dma_wait3A_24 = tpu.memref_slice %arg2[%mul3A_2, %dma_wait3A_23] : memref<2048x768xf32, #tpu.memory_space<hbm>> -> memref<64x768xf32, #tpu.memory_space<hbm>>
    tpu.wait_dma2 semaphore(%arg14 : memref<!tpu.dma_semaphore, #tpu.memory_space<semaphore_mem>>) src(%dma_wait3A_24 : memref<64x768xf32, #tpu.memory_space<hbm>>) dst(%arg11 : memref<64x768xf32, #tpu.memory_space<vmem>>)
    %dma_wait3A_25 = arith.constant 0 : i32
    %dma_wait3A_26 = tpu.memref_slice %arg5[%mul3A_2, %dma_wait3A_25] : memref<2048x128xf32, #tpu.memory_space<hbm>> -> memref<64x128xf32, #tpu.memory_space<hbm>>
    %dma_wait3A_27 = arith.constant 0 : i32
    %dma_wait3A_28 = tpu.memref_slice %arg5[%mul3A_2, %dma_wait3A_27] : memref<2048x128xf32, #tpu.memory_space<hbm>> -> memref<64x128xf32, #tpu.memory_space<hbm>>
    tpu.wait_dma2 semaphore(%arg14 : memref<!tpu.dma_semaphore, #tpu.memory_space<semaphore_mem>>) src(%dma_wait3A_28 : memref<64x128xf32, #tpu.memory_space<hbm>>) dst(%arg12 : memref<64x128xf32, #tpu.memory_space<vmem>>)
    %dma_wait3A_29 = arith.constant 0 : i32
    %dma_wait3A_30 = tpu.memref_slice %arg6[%mul3A_2, %dma_wait3A_29] : memref<2048x128xf32, #tpu.memory_space<hbm>> -> memref<64x128xf32, #tpu.memory_space<hbm>>
    %dma_wait3A_31 = arith.constant 0 : i32
    %dma_wait3A_32 = tpu.memref_slice %arg6[%mul3A_2, %dma_wait3A_31] : memref<2048x128xf32, #tpu.memory_space<hbm>> -> memref<64x128xf32, #tpu.memory_space<hbm>>
    tpu.wait_dma2 semaphore(%arg14 : memref<!tpu.dma_semaphore, #tpu.memory_space<semaphore_mem>>) src(%dma_wait3A_32 : memref<64x128xf32, #tpu.memory_space<hbm>>) dst(%arg13 : memref<64x128xf32, #tpu.memory_space<vmem>>)
    %dma_start3A_33 = arith.constant 0 : i32
    %dma_start3A_34 = arith.constant 0 : i32
    %dma_start3A_35 = tpu.memref_slice %arg7[%dma_start3A_33, %dma_start3A_34] : memref<4160x768xf32, #tpu.memory_space<hbm>> -> memref<4160x768xf32, #tpu.memory_space<hbm>>
    tpu.enqueue_indirect_dma source(%arg11 : memref<64x768xf32, #tpu.memory_space<vmem>>) target(%dma_start3A_35 : memref<4160x768xf32, #tpu.memory_space<hbm>>) offsets(%arg9 : memref<64xi32, #tpu.memory_space<vmem>>) semaphore(%arg14 : memref<!tpu.dma_semaphore, #tpu.memory_space<semaphore_mem>>)
    %dma_start3A_36 = arith.constant 0 : i32
    %dma_start3A_37 = arith.constant 0 : i32
    %dma_start3A_38 = tpu.memref_slice %arg7[%dma_start3A_36, %dma_start3A_37] : memref<4160x768xf32, #tpu.memory_space<hbm>> -> memref<4160x768xf32, #tpu.memory_space<hbm>>
    tpu.enqueue_indirect_dma source(%arg11 : memref<64x768xf32, #tpu.memory_space<vmem>>) target(%dma_start3A_38 : memref<4160x768xf32, #tpu.memory_space<hbm>>) offsets(%arg10 : memref<64xi32, #tpu.memory_space<vmem>>) semaphore(%arg14 : memref<!tpu.dma_semaphore, #tpu.memory_space<semaphore_mem>>)
    %dma_start3A_39 = arith.constant 0 : i32
    %dma_start3A_40 = arith.constant 0 : i32
    %dma_start3A_41 = tpu.memref_slice %arg8[%dma_start3A_39, %dma_start3A_40] : memref<4160x128xf32, #tpu.memory_space<hbm>> -> memref<4160x128xf32, #tpu.memory_space<hbm>>
    tpu.enqueue_indirect_dma source(%arg12 : memref<64x128xf32, #tpu.memory_space<vmem>>) target(%dma_start3A_41 : memref<4160x128xf32, #tpu.memory_space<hbm>>) offsets(%arg9 : memref<64xi32, #tpu.memory_space<vmem>>) semaphore(%arg14 : memref<!tpu.dma_semaphore, #tpu.memory_space<semaphore_mem>>)
    %dma_start3A_42 = arith.constant 0 : i32
    %dma_start3A_43 = arith.constant 0 : i32
    %dma_start3A_44 = tpu.memref_slice %arg8[%dma_start3A_42, %dma_start3A_43] : memref<4160x128xf32, #tpu.memory_space<hbm>> -> memref<4160x128xf32, #tpu.memory_space<hbm>>
    tpu.enqueue_indirect_dma source(%arg13 : memref<64x128xf32, #tpu.memory_space<vmem>>) target(%dma_start3A_44 : memref<4160x128xf32, #tpu.memory_space<hbm>>) offsets(%arg10 : memref<64xi32, #tpu.memory_space<vmem>>) semaphore(%arg14 : memref<!tpu.dma_semaphore, #tpu.memory_space<semaphore_mem>>)
    %dma_wait3A_45 = arith.constant 0 : i32
    %dma_wait3A_46 = arith.constant 0 : i32
    %dma_wait3A_47 = tpu.memref_slice %arg7[%dma_wait3A_45, %dma_wait3A_46] : memref<4160x768xf32, #tpu.memory_space<hbm>> -> memref<4160x768xf32, #tpu.memory_space<hbm>>
    tpu.wait_indirect_dma semaphore(%arg14 : memref<!tpu.dma_semaphore, #tpu.memory_space<semaphore_mem>>) src(%arg11 : memref<64x768xf32, #tpu.memory_space<vmem>>) dst(%dma_wait3A_47 : memref<4160x768xf32, #tpu.memory_space<hbm>>)
    %dma_wait3A_48 = arith.constant 0 : i32
    %dma_wait3A_49 = arith.constant 0 : i32
    %dma_wait3A_50 = tpu.memref_slice %arg7[%dma_wait3A_48, %dma_wait3A_49] : memref<4160x768xf32, #tpu.memory_space<hbm>> -> memref<4160x768xf32, #tpu.memory_space<hbm>>
    tpu.wait_indirect_dma semaphore(%arg14 : memref<!tpu.dma_semaphore, #tpu.memory_space<semaphore_mem>>) src(%arg11 : memref<64x768xf32, #tpu.memory_space<vmem>>) dst(%dma_wait3A_50 : memref<4160x768xf32, #tpu.memory_space<hbm>>)
    %dma_wait3A_51 = arith.constant 0 : i32
    %dma_wait3A_52 = arith.constant 0 : i32
    %dma_wait3A_53 = tpu.memref_slice %arg8[%dma_wait3A_51, %dma_wait3A_52] : memref<4160x128xf32, #tpu.memory_space<hbm>> -> memref<4160x128xf32, #tpu.memory_space<hbm>>
    tpu.wait_indirect_dma semaphore(%arg14 : memref<!tpu.dma_semaphore, #tpu.memory_space<semaphore_mem>>) src(%arg12 : memref<64x128xf32, #tpu.memory_space<vmem>>) dst(%dma_wait3A_53 : memref<4160x128xf32, #tpu.memory_space<hbm>>)
    %dma_wait3A_54 = arith.constant 0 : i32
    %dma_wait3A_55 = arith.constant 0 : i32
    %dma_wait3A_56 = tpu.memref_slice %arg8[%dma_wait3A_54, %dma_wait3A_55] : memref<4160x128xf32, #tpu.memory_space<hbm>> -> memref<4160x128xf32, #tpu.memory_space<hbm>>
    tpu.wait_indirect_dma semaphore(%arg14 : memref<!tpu.dma_semaphore, #tpu.memory_space<semaphore_mem>>) src(%arg13 : memref<64x128xf32, #tpu.memory_space<vmem>>) dst(%dma_wait3A_56 : memref<4160x128xf32, #tpu.memory_space<hbm>>)
    return
  }
}

module attributes {stable_mosaic.version = 14 : i64} {
  func.func @_router_body(%arg0: memref<2048x768xf32, #tpu.memory_space<vmem>>, %arg1: memref<2048x8xf32, #tpu.memory_space<vmem>>, %arg2: memref<768x8xf32, #tpu.memory_space<vmem>>, %arg3: memref<1x8xf32, #tpu.memory_space<vmem>>, %arg4: memref<768x8xf32, #tpu.memory_space<vmem>>, %arg5: memref<1x8xf32, #tpu.memory_space<vmem>>, %arg6: memref<768x1xf32, #tpu.memory_space<vmem>>, %arg7: memref<1x1xf32, #tpu.memory_space<vmem>>, %arg8: memref<2048x1xi32, #tpu.memory_space<vmem>>, %arg9: memref<2048x1xi32, #tpu.memory_space<vmem>>, %arg10: memref<2048x128xf32, #tpu.memory_space<vmem>>, %arg11: memref<2048x128xf32, #tpu.memory_space<vmem>>, %arg12: memref<2048x768xf32, #tpu.memory_space<vmem>>) attributes {dimension_semantics = [], scalar_prefetch = 0 : i64, scratch_operands = 0 : i64, tpu.core_type = #tpu.core_type<tc>} {
    %get3A = arith.constant 0 : index
    %get3A_0 = arith.constant 0 : index
    %get3A_1 = vector.load %arg0[%get3A, %get3A_0] : memref<2048x768xf32, #tpu.memory_space<vmem>>, vector<2048x768xf32>
    %get3A_2 = arith.constant 0 : index
    %get3A_3 = arith.constant 0 : index
    %get3A_4 = vector.load %arg2[%get3A_2, %get3A_3] : memref<768x8xf32, #tpu.memory_space<vmem>>, vector<768x8xf32>
    %dot_general3A = arith.constant dense<0.000000e+00> : vector<2048x8xf32>
    %dot_general3A_5 = tpu.matmul %get3A_1, %get3A_4, %dot_general3A {dimension_numbers = #tpu.dot_dimension_numbers<[1], [0], [0], [1], [0, 0, 1, 1], [], []>, transpose_lhs_hint = false} : vector<2048x768xf32>, vector<768x8xf32>, vector<2048x8xf32> -> vector<2048x8xf32>
    %get3A_6 = arith.constant 0 : index
    %get3A_7 = arith.constant 0 : index
    %get3A_8 = vector.load %arg3[%get3A_6, %get3A_7] : memref<1x8xf32, #tpu.memory_space<vmem>>, vector<1x8xf32>
    %add3A = vector.broadcast %get3A_8 : vector<1x8xf32> to vector<2048x8xf32>
    %add3A_9 = arith.addf %dot_general3A_5, %add3A : vector<2048x8xf32>
    %get3A_10 = arith.constant 0 : index
    %get3A_11 = arith.constant 0 : index
    %get3A_12 = vector.load %arg4[%get3A_10, %get3A_11] : memref<768x8xf32, #tpu.memory_space<vmem>>, vector<768x8xf32>
    %dot_general3A_13 = arith.constant dense<0.000000e+00> : vector<2048x8xf32>
    %dot_general3A_14 = tpu.matmul %get3A_1, %get3A_12, %dot_general3A_13 {dimension_numbers = #tpu.dot_dimension_numbers<[1], [0], [0], [1], [0, 0, 1, 1], [], []>, transpose_lhs_hint = false} : vector<2048x768xf32>, vector<768x8xf32>, vector<2048x8xf32> -> vector<2048x8xf32>
    %get3A_15 = arith.constant 0 : index
    %get3A_16 = arith.constant 0 : index
    %get3A_17 = vector.load %arg5[%get3A_15, %get3A_16] : memref<1x8xf32, #tpu.memory_space<vmem>>, vector<1x8xf32>
    %add3A_18 = vector.broadcast %get3A_17 : vector<1x8xf32> to vector<2048x8xf32>
    %add3A_19 = arith.addf %dot_general3A_14, %add3A_18 : vector<2048x8xf32>
    %max3A = arith.constant 0.000000e+00 : f32
    %max3A_20 = vector.broadcast %max3A : f32 to vector<2048x8xf32>
    %max3A_21 = arith.maximumf %add3A_19, %max3A_20 : vector<2048x8xf32>
    %abs3A = math.absf %add3A_19 : vector<2048x8xf32>
    %neg3A = arith.constant 0.000000e+00 : f32
    %neg3A_22 = vector.broadcast %neg3A : f32 to vector<2048x8xf32>
    %neg3A_23 = arith.subf %neg3A_22, %abs3A : vector<2048x8xf32>
    %exp3A = math.exp %neg3A_23 : vector<2048x8xf32>
    %add3A_24 = arith.constant 1.000000e+00 : f32
    %add3A_25 = vector.broadcast %add3A_24 : f32 to vector<2048x8xf32>
    %add3A_26 = arith.addf %add3A_25, %exp3A : vector<2048x8xf32>
    %log3A = math.log %add3A_26 : vector<2048x8xf32>
    %add3A_27 = arith.addf %max3A_21, %log3A : vector<2048x8xf32>
    %get3A_28 = arith.constant 0 : index
    %get3A_29 = arith.constant 0 : index
    %get3A_30 = vector.load %arg1[%get3A_28, %get3A_29] : memref<2048x8xf32, #tpu.memory_space<vmem>>, vector<2048x8xf32>
    %mul3A = arith.mulf %get3A_30, %add3A_27 : vector<2048x8xf32>
    %add3A_31 = arith.addf %add3A_9, %mul3A : vector<2048x8xf32>
    %iota3A = tpu.iota {dimensions = array<i32: 1>} : vector<2048x8xi32>
    %reduce_max3A = arith.constant dense<0xFF800000> : vector<2048xf32>
    %reduce_max3A_32 = vector.multi_reduction <maximumf>, %add3A_31, %reduce_max3A [1] : vector<2048x8xf32> to vector<2048xf32>
    %broadcast_in_dim3A = vector.shape_cast %reduce_max3A_32 : vector<2048xf32> to vector<2048x1xf32>
    %eq3A = vector.broadcast %broadcast_in_dim3A : vector<2048x1xf32> to vector<2048x8xf32>
    %eq3A_33 = arith.cmpf oeq, %add3A_31, %eq3A : vector<2048x8xf32>
    %jit3A = arith.constant 8 : i32
    %broadcast_in_dim3A_34 = vector.broadcast %jit3A : i32 to vector<2048x8xi32>
    %select_n3A = arith.select %eq3A_33, %iota3A, %broadcast_in_dim3A_34 : vector<2048x8xi1>, vector<2048x8xi32>
    %reduce_min3A = arith.constant dense<2147483647> : vector<2048xi32>
    %reduce_min3A_35 = vector.multi_reduction <minsi>, %select_n3A, %reduce_min3A [1] : vector<2048x8xi32> to vector<2048xi32>
    %broadcast_in_dim3A_36 = vector.shape_cast %reduce_min3A_35 : vector<2048xi32> to vector<2048x1xi32>
    %eq3A_37 = vector.broadcast %broadcast_in_dim3A_36 : vector<2048x1xi32> to vector<2048x8xi32>
    %eq3A_38 = arith.cmpi eq, %iota3A, %eq3A_37 : vector<2048x8xi32>
    %jit3A_39 = arith.constant -1.000000e+30 : f32
    %broadcast_in_dim3A_40 = vector.broadcast %jit3A_39 : f32 to vector<2048x8xf32>
    %select_n3A_41 = arith.select %eq3A_38, %broadcast_in_dim3A_40, %add3A_31 : vector<2048x8xi1>, vector<2048x8xf32>
    %reduce_max3A_42 = arith.constant dense<0xFF800000> : vector<2048xf32>
    %reduce_max3A_43 = vector.multi_reduction <maximumf>, %select_n3A_41, %reduce_max3A_42 [1] : vector<2048x8xf32> to vector<2048xf32>
    %broadcast_in_dim3A_44 = vector.shape_cast %reduce_max3A_43 : vector<2048xf32> to vector<2048x1xf32>
    %eq3A_45 = vector.broadcast %broadcast_in_dim3A_44 : vector<2048x1xf32> to vector<2048x8xf32>
    %eq3A_46 = arith.cmpf oeq, %select_n3A_41, %eq3A_45 : vector<2048x8xf32>
    %jit3A_47 = arith.constant 8 : i32
    %broadcast_in_dim3A_48 = vector.broadcast %jit3A_47 : i32 to vector<2048x8xi32>
    %select_n3A_49 = arith.select %eq3A_46, %iota3A, %broadcast_in_dim3A_48 : vector<2048x8xi1>, vector<2048x8xi32>
    %reduce_min3A_50 = arith.constant dense<2147483647> : vector<2048xi32>
    %reduce_min3A_51 = vector.multi_reduction <minsi>, %select_n3A_49, %reduce_min3A_50 [1] : vector<2048x8xi32> to vector<2048xi32>
    %broadcast_in_dim3A_52 = vector.shape_cast %reduce_min3A_51 : vector<2048xi32> to vector<2048x1xi32>
    %eq3A_53 = vector.broadcast %broadcast_in_dim3A_36 : vector<2048x1xi32> to vector<2048x8xi32>
    %eq3A_54 = arith.cmpi eq, %iota3A, %eq3A_53 : vector<2048x8xi32>
    %eq3A_55 = vector.broadcast %broadcast_in_dim3A_52 : vector<2048x1xi32> to vector<2048x8xi32>
    %eq3A_56 = arith.cmpi eq, %iota3A, %eq3A_55 : vector<2048x8xi32>
    %or3A = arith.ori %eq3A_54, %eq3A_56 : vector<2048x8xi1>
    %sub3A = vector.broadcast %broadcast_in_dim3A : vector<2048x1xf32> to vector<2048x8xf32>
    %sub3A_57 = arith.subf %add3A_31, %sub3A : vector<2048x8xf32>
    %exp3A_58 = math.exp %sub3A_57 : vector<2048x8xf32>
    %jit3A_59 = arith.constant 0.000000e+00 : f32
    %broadcast_in_dim3A_60 = vector.broadcast %jit3A_59 : f32 to vector<2048x8xf32>
    %select_n3A_61 = arith.select %or3A, %exp3A_58, %broadcast_in_dim3A_60 : vector<2048x8xi1>, vector<2048x8xf32>
    %reduce_sum3A = arith.constant dense<0.000000e+00> : vector<2048xf32>
    %reduce_sum3A_62 = vector.multi_reduction <add>, %select_n3A_61, %reduce_sum3A [1] : vector<2048x8xf32> to vector<2048xf32>
    %broadcast_in_dim3A_63 = vector.shape_cast %reduce_sum3A_62 : vector<2048xf32> to vector<2048x1xf32>
    %div3A = vector.broadcast %broadcast_in_dim3A_63 : vector<2048x1xf32> to vector<2048x8xf32>
    %div3A_64 = arith.divf %select_n3A_61, %div3A : vector<2048x8xf32>
    %get3A_65 = arith.constant 0 : index
    %get3A_66 = arith.constant 0 : index
    %get3A_67 = vector.load %arg6[%get3A_65, %get3A_66] : memref<768x1xf32, #tpu.memory_space<vmem>>, vector<768x1xf32>
    %dot_general3A_68 = arith.constant dense<0.000000e+00> : vector<2048x1xf32>
    %dot_general3A_69 = tpu.matmul %get3A_1, %get3A_67, %dot_general3A_68 {dimension_numbers = #tpu.dot_dimension_numbers<[1], [0], [0], [1], [0, 0, 1, 1], [], []>, transpose_lhs_hint = false} : vector<2048x768xf32>, vector<768x1xf32>, vector<2048x1xf32> -> vector<2048x1xf32>
    %get3A_70 = arith.constant 0 : index
    %get3A_71 = arith.constant 0 : index
    %get3A_72 = vector.load %arg7[%get3A_70, %get3A_71] : memref<1x1xf32, #tpu.memory_space<vmem>>, vector<1x1xf32>
    %add3A_73 = vector.broadcast %get3A_72 : vector<1x1xf32> to vector<2048x1xf32>
    %add3A_74 = arith.addf %dot_general3A_69, %add3A_73 : vector<2048x1xf32>
    %le3A = arith.constant 0.000000e+00 : f32
    %le3A_75 = vector.broadcast %le3A : f32 to vector<2048x1xf32>
    %le3A_76 = arith.cmpf ole, %add3A_74, %le3A_75 : vector<2048x1xf32>
    %convert_element_type3A = arith.extui %le3A_76 : vector<2048x1xi1> to vector<2048x1xi32>
    %convert_element_type3A_77 = arith.sitofp %convert_element_type3A : vector<2048x1xi32> to vector<2048x1xf32>
    %reduce_sum3A_78 = vector.shape_cast %convert_element_type3A_77 : vector<2048x1xf32> to vector<1x2048x1xf32>
    %reduce_sum3A_79 = arith.constant dense<0.000000e+00> : vector<1xf32>
    %reduce_sum3A_80 = vector.multi_reduction <add>, %reduce_sum3A_78, %reduce_sum3A_79 [1, 2] : vector<1x2048x1xf32> to vector<1xf32>
    %reduce_sum3A_81 = vector.shape_cast %reduce_sum3A_80 : vector<1xf32> to vector<1x1x1xf32>
    %reduce_sum3A_82 = vector.extract %reduce_sum3A_81[0, 0, 0] : f32 from vector<1x1x1xf32>
    %mul3A_83 = arith.constant 2.500000e-01 : f32
    %mul3A_84 = arith.mulf %reduce_sum3A_82, %mul3A_83 : f32
    %floor3A = math.floor %mul3A_84 : f32
    %jit3A_85 = arith.constant 0.000000e+00 : f32
    %broadcast_in_dim3A_86 = vector.shape_cast %convert_element_type3A_77 : vector<2048x1xf32> to vector<2048x1xf32>
    %broadcast_in_dim3A_87 = vector.broadcast %broadcast_in_dim3A_86 : vector<2048x1xf32> to vector<2048x8xf32>
    %broadcast_in_dim3A_88 = vector.broadcast %jit3A_85 : f32 to vector<2048x8xf32>
    %select_n3A_89 = arith.select %or3A, %broadcast_in_dim3A_87, %broadcast_in_dim3A_88 : vector<2048x8xi1>, vector<2048x8xf32>
    %iota3A_90 = tpu.iota {dimensions = array<i32: 0>} : vector<128x128xi32>
    %iota3A_91 = tpu.iota {dimensions = array<i32: 1>} : vector<128x128xi32>
    %ge3A = arith.cmpi sge, %iota3A_90, %iota3A_91 : vector<128x128xi32>
    %convert_element_type3A_92 = arith.extui %ge3A : vector<128x128xi1> to vector<128x128xi32>
    %convert_element_type3A_93 = arith.sitofp %convert_element_type3A_92 : vector<128x128xi32> to vector<128x128xf32>
    %broadcast_in_dim3A_94 = arith.constant 0.000000e+00 : f32
    %broadcast_in_dim3A_95 = vector.broadcast %broadcast_in_dim3A_94 : f32 to vector<1x8xf32>
    %slice3A = vector.extract_strided_slice %select_n3A_89 {offsets = [0, 0], sizes = [128, 8], strides = [1, 1]} : vector<2048x8xf32> to vector<128x8xf32>
    %dot_general3A_96 = arith.constant dense<0.000000e+00> : vector<128x8xf32>
    %dot_general3A_97 = tpu.matmul %convert_element_type3A_93, %slice3A, %dot_general3A_96 {dimension_numbers = #tpu.dot_dimension_numbers<[1], [0], [0], [1], [0, 0, 1, 1], [], []>, transpose_lhs_hint = false} : vector<128x128xf32>, vector<128x8xf32>, vector<128x8xf32> -> vector<128x8xf32>
    %add3A_98 = vector.broadcast %broadcast_in_dim3A_95 : vector<1x8xf32> to vector<128x8xf32>
    %add3A_99 = arith.addf %dot_general3A_97, %add3A_98 : vector<128x8xf32>
    %sub3A_100 = arith.constant 1.000000e+00 : f32
    %sub3A_101 = vector.broadcast %sub3A_100 : f32 to vector<128x8xf32>
    %sub3A_102 = arith.subf %add3A_99, %sub3A_101 : vector<128x8xf32>
    %reduce_sum3A_103 = arith.constant dense<0.000000e+00> : vector<8xf32>
    %reduce_sum3A_104 = vector.multi_reduction <add>, %slice3A, %reduce_sum3A_103 [0] : vector<128x8xf32> to vector<8xf32>
    %broadcast_in_dim3A_105 = vector.shape_cast %reduce_sum3A_104 : vector<8xf32> to vector<1x8xf32>
    %add3A_106 = arith.addf %broadcast_in_dim3A_95, %broadcast_in_dim3A_105 : vector<1x8xf32>
    %slice3A_107 = vector.extract_strided_slice %select_n3A_89 {offsets = [128, 0], sizes = [128, 8], strides = [1, 1]} : vector<2048x8xf32> to vector<128x8xf32>
    %dot_general3A_108 = arith.constant dense<0.000000e+00> : vector<128x8xf32>
    %dot_general3A_109 = tpu.matmul %convert_element_type3A_93, %slice3A_107, %dot_general3A_108 {dimension_numbers = #tpu.dot_dimension_numbers<[1], [0], [0], [1], [0, 0, 1, 1], [], []>, transpose_lhs_hint = false} : vector<128x128xf32>, vector<128x8xf32>, vector<128x8xf32> -> vector<128x8xf32>
    %add3A_110 = vector.broadcast %add3A_106 : vector<1x8xf32> to vector<128x8xf32>
    %add3A_111 = arith.addf %dot_general3A_109, %add3A_110 : vector<128x8xf32>
    %sub3A_112 = arith.constant 1.000000e+00 : f32
    %sub3A_113 = vector.broadcast %sub3A_112 : f32 to vector<128x8xf32>
    %sub3A_114 = arith.subf %add3A_111, %sub3A_113 : vector<128x8xf32>
    %reduce_sum3A_115 = arith.constant dense<0.000000e+00> : vector<8xf32>
    %reduce_sum3A_116 = vector.multi_reduction <add>, %slice3A_107, %reduce_sum3A_115 [0] : vector<128x8xf32> to vector<8xf32>
    %broadcast_in_dim3A_117 = vector.shape_cast %reduce_sum3A_116 : vector<8xf32> to vector<1x8xf32>
    %add3A_118 = arith.addf %add3A_106, %broadcast_in_dim3A_117 : vector<1x8xf32>
    %slice3A_119 = vector.extract_strided_slice %select_n3A_89 {offsets = [256, 0], sizes = [128, 8], strides = [1, 1]} : vector<2048x8xf32> to vector<128x8xf32>
    %dot_general3A_120 = arith.constant dense<0.000000e+00> : vector<128x8xf32>
    %dot_general3A_121 = tpu.matmul %convert_element_type3A_93, %slice3A_119, %dot_general3A_120 {dimension_numbers = #tpu.dot_dimension_numbers<[1], [0], [0], [1], [0, 0, 1, 1], [], []>, transpose_lhs_hint = false} : vector<128x128xf32>, vector<128x8xf32>, vector<128x8xf32> -> vector<128x8xf32>
    %add3A_122 = vector.broadcast %add3A_118 : vector<1x8xf32> to vector<128x8xf32>
    %add3A_123 = arith.addf %dot_general3A_121, %add3A_122 : vector<128x8xf32>
    %sub3A_124 = arith.constant 1.000000e+00 : f32
    %sub3A_125 = vector.broadcast %sub3A_124 : f32 to vector<128x8xf32>
    %sub3A_126 = arith.subf %add3A_123, %sub3A_125 : vector<128x8xf32>
    %reduce_sum3A_127 = arith.constant dense<0.000000e+00> : vector<8xf32>
    %reduce_sum3A_128 = vector.multi_reduction <add>, %slice3A_119, %reduce_sum3A_127 [0] : vector<128x8xf32> to vector<8xf32>
    %broadcast_in_dim3A_129 = vector.shape_cast %reduce_sum3A_128 : vector<8xf32> to vector<1x8xf32>
    %add3A_130 = arith.addf %add3A_118, %broadcast_in_dim3A_129 : vector<1x8xf32>
    %slice3A_131 = vector.extract_strided_slice %select_n3A_89 {offsets = [384, 0], sizes = [128, 8], strides = [1, 1]} : vector<2048x8xf32> to vector<128x8xf32>
    %dot_general3A_132 = arith.constant dense<0.000000e+00> : vector<128x8xf32>
    %dot_general3A_133 = tpu.matmul %convert_element_type3A_93, %slice3A_131, %dot_general3A_132 {dimension_numbers = #tpu.dot_dimension_numbers<[1], [0], [0], [1], [0, 0, 1, 1], [], []>, transpose_lhs_hint = false} : vector<128x128xf32>, vector<128x8xf32>, vector<128x8xf32> -> vector<128x8xf32>
    %add3A_134 = vector.broadcast %add3A_130 : vector<1x8xf32> to vector<128x8xf32>
    %add3A_135 = arith.addf %dot_general3A_133, %add3A_134 : vector<128x8xf32>
    %sub3A_136 = arith.constant 1.000000e+00 : f32
    %sub3A_137 = vector.broadcast %sub3A_136 : f32 to vector<128x8xf32>
    %sub3A_138 = arith.subf %add3A_135, %sub3A_137 : vector<128x8xf32>
    %reduce_sum3A_139 = arith.constant dense<0.000000e+00> : vector<8xf32>
    %reduce_sum3A_140 = vector.multi_reduction <add>, %slice3A_131, %reduce_sum3A_139 [0] : vector<128x8xf32> to vector<8xf32>
    %broadcast_in_dim3A_141 = vector.shape_cast %reduce_sum3A_140 : vector<8xf32> to vector<1x8xf32>
    %add3A_142 = arith.addf %add3A_130, %broadcast_in_dim3A_141 : vector<1x8xf32>
    %slice3A_143 = vector.extract_strided_slice %select_n3A_89 {offsets = [512, 0], sizes = [128, 8], strides = [1, 1]} : vector<2048x8xf32> to vector<128x8xf32>
    %dot_general3A_144 = arith.constant dense<0.000000e+00> : vector<128x8xf32>
    %dot_general3A_145 = tpu.matmul %convert_element_type3A_93, %slice3A_143, %dot_general3A_144 {dimension_numbers = #tpu.dot_dimension_numbers<[1], [0], [0], [1], [0, 0, 1, 1], [], []>, transpose_lhs_hint = false} : vector<128x128xf32>, vector<128x8xf32>, vector<128x8xf32> -> vector<128x8xf32>
    %add3A_146 = vector.broadcast %add3A_142 : vector<1x8xf32> to vector<128x8xf32>
    %add3A_147 = arith.addf %dot_general3A_145, %add3A_146 : vector<128x8xf32>
    %sub3A_148 = arith.constant 1.000000e+00 : f32
    %sub3A_149 = vector.broadcast %sub3A_148 : f32 to vector<128x8xf32>
    %sub3A_150 = arith.subf %add3A_147, %sub3A_149 : vector<128x8xf32>
    %reduce_sum3A_151 = arith.constant dense<0.000000e+00> : vector<8xf32>
    %reduce_sum3A_152 = vector.multi_reduction <add>, %slice3A_143, %reduce_sum3A_151 [0] : vector<128x8xf32> to vector<8xf32>
    %broadcast_in_dim3A_153 = vector.shape_cast %reduce_sum3A_152 : vector<8xf32> to vector<1x8xf32>
    %add3A_154 = arith.addf %add3A_142, %broadcast_in_dim3A_153 : vector<1x8xf32>
    %slice3A_155 = vector.extract_strided_slice %select_n3A_89 {offsets = [640, 0], sizes = [128, 8], strides = [1, 1]} : vector<2048x8xf32> to vector<128x8xf32>
    %dot_general3A_156 = arith.constant dense<0.000000e+00> : vector<128x8xf32>
    %dot_general3A_157 = tpu.matmul %convert_element_type3A_93, %slice3A_155, %dot_general3A_156 {dimension_numbers = #tpu.dot_dimension_numbers<[1], [0], [0], [1], [0, 0, 1, 1], [], []>, transpose_lhs_hint = false} : vector<128x128xf32>, vector<128x8xf32>, vector<128x8xf32> -> vector<128x8xf32>
    %add3A_158 = vector.broadcast %add3A_154 : vector<1x8xf32> to vector<128x8xf32>
    %add3A_159 = arith.addf %dot_general3A_157, %add3A_158 : vector<128x8xf32>
    %sub3A_160 = arith.constant 1.000000e+00 : f32
    %sub3A_161 = vector.broadcast %sub3A_160 : f32 to vector<128x8xf32>
    %sub3A_162 = arith.subf %add3A_159, %sub3A_161 : vector<128x8xf32>
    %reduce_sum3A_163 = arith.constant dense<0.000000e+00> : vector<8xf32>
    %reduce_sum3A_164 = vector.multi_reduction <add>, %slice3A_155, %reduce_sum3A_163 [0] : vector<128x8xf32> to vector<8xf32>
    %broadcast_in_dim3A_165 = vector.shape_cast %reduce_sum3A_164 : vector<8xf32> to vector<1x8xf32>
    %add3A_166 = arith.addf %add3A_154, %broadcast_in_dim3A_165 : vector<1x8xf32>
    %slice3A_167 = vector.extract_strided_slice %select_n3A_89 {offsets = [768, 0], sizes = [128, 8], strides = [1, 1]} : vector<2048x8xf32> to vector<128x8xf32>
    %dot_general3A_168 = arith.constant dense<0.000000e+00> : vector<128x8xf32>
    %dot_general3A_169 = tpu.matmul %convert_element_type3A_93, %slice3A_167, %dot_general3A_168 {dimension_numbers = #tpu.dot_dimension_numbers<[1], [0], [0], [1], [0, 0, 1, 1], [], []>, transpose_lhs_hint = false} : vector<128x128xf32>, vector<128x8xf32>, vector<128x8xf32> -> vector<128x8xf32>
    %add3A_170 = vector.broadcast %add3A_166 : vector<1x8xf32> to vector<128x8xf32>
    %add3A_171 = arith.addf %dot_general3A_169, %add3A_170 : vector<128x8xf32>
    %sub3A_172 = arith.constant 1.000000e+00 : f32
    %sub3A_173 = vector.broadcast %sub3A_172 : f32 to vector<128x8xf32>
    %sub3A_174 = arith.subf %add3A_171, %sub3A_173 : vector<128x8xf32>
    %reduce_sum3A_175 = arith.constant dense<0.000000e+00> : vector<8xf32>
    %reduce_sum3A_176 = vector.multi_reduction <add>, %slice3A_167, %reduce_sum3A_175 [0] : vector<128x8xf32> to vector<8xf32>
    %broadcast_in_dim3A_177 = vector.shape_cast %reduce_sum3A_176 : vector<8xf32> to vector<1x8xf32>
    %add3A_178 = arith.addf %add3A_166, %broadcast_in_dim3A_177 : vector<1x8xf32>
    %slice3A_179 = vector.extract_strided_slice %select_n3A_89 {offsets = [896, 0], sizes = [128, 8], strides = [1, 1]} : vector<2048x8xf32> to vector<128x8xf32>
    %dot_general3A_180 = arith.constant dense<0.000000e+00> : vector<128x8xf32>
    %dot_general3A_181 = tpu.matmul %convert_element_type3A_93, %slice3A_179, %dot_general3A_180 {dimension_numbers = #tpu.dot_dimension_numbers<[1], [0], [0], [1], [0, 0, 1, 1], [], []>, transpose_lhs_hint = false} : vector<128x128xf32>, vector<128x8xf32>, vector<128x8xf32> -> vector<128x8xf32>
    %add3A_182 = vector.broadcast %add3A_178 : vector<1x8xf32> to vector<128x8xf32>
    %add3A_183 = arith.addf %dot_general3A_181, %add3A_182 : vector<128x8xf32>
    %sub3A_184 = arith.constant 1.000000e+00 : f32
    %sub3A_185 = vector.broadcast %sub3A_184 : f32 to vector<128x8xf32>
    %sub3A_186 = arith.subf %add3A_183, %sub3A_185 : vector<128x8xf32>
    %reduce_sum3A_187 = arith.constant dense<0.000000e+00> : vector<8xf32>
    %reduce_sum3A_188 = vector.multi_reduction <add>, %slice3A_179, %reduce_sum3A_187 [0] : vector<128x8xf32> to vector<8xf32>
    %broadcast_in_dim3A_189 = vector.shape_cast %reduce_sum3A_188 : vector<8xf32> to vector<1x8xf32>
    %add3A_190 = arith.addf %add3A_178, %broadcast_in_dim3A_189 : vector<1x8xf32>
    %slice3A_191 = vector.extract_strided_slice %select_n3A_89 {offsets = [1024, 0], sizes = [128, 8], strides = [1, 1]} : vector<2048x8xf32> to vector<128x8xf32>
    %dot_general3A_192 = arith.constant dense<0.000000e+00> : vector<128x8xf32>
    %dot_general3A_193 = tpu.matmul %convert_element_type3A_93, %slice3A_191, %dot_general3A_192 {dimension_numbers = #tpu.dot_dimension_numbers<[1], [0], [0], [1], [0, 0, 1, 1], [], []>, transpose_lhs_hint = false} : vector<128x128xf32>, vector<128x8xf32>, vector<128x8xf32> -> vector<128x8xf32>
    %add3A_194 = vector.broadcast %add3A_190 : vector<1x8xf32> to vector<128x8xf32>
    %add3A_195 = arith.addf %dot_general3A_193, %add3A_194 : vector<128x8xf32>
    %sub3A_196 = arith.constant 1.000000e+00 : f32
    %sub3A_197 = vector.broadcast %sub3A_196 : f32 to vector<128x8xf32>
    %sub3A_198 = arith.subf %add3A_195, %sub3A_197 : vector<128x8xf32>
    %reduce_sum3A_199 = arith.constant dense<0.000000e+00> : vector<8xf32>
    %reduce_sum3A_200 = vector.multi_reduction <add>, %slice3A_191, %reduce_sum3A_199 [0] : vector<128x8xf32> to vector<8xf32>
    %broadcast_in_dim3A_201 = vector.shape_cast %reduce_sum3A_200 : vector<8xf32> to vector<1x8xf32>
    %add3A_202 = arith.addf %add3A_190, %broadcast_in_dim3A_201 : vector<1x8xf32>
    %slice3A_203 = vector.extract_strided_slice %select_n3A_89 {offsets = [1152, 0], sizes = [128, 8], strides = [1, 1]} : vector<2048x8xf32> to vector<128x8xf32>
    %dot_general3A_204 = arith.constant dense<0.000000e+00> : vector<128x8xf32>
    %dot_general3A_205 = tpu.matmul %convert_element_type3A_93, %slice3A_203, %dot_general3A_204 {dimension_numbers = #tpu.dot_dimension_numbers<[1], [0], [0], [1], [0, 0, 1, 1], [], []>, transpose_lhs_hint = false} : vector<128x128xf32>, vector<128x8xf32>, vector<128x8xf32> -> vector<128x8xf32>
    %add3A_206 = vector.broadcast %add3A_202 : vector<1x8xf32> to vector<128x8xf32>
    %add3A_207 = arith.addf %dot_general3A_205, %add3A_206 : vector<128x8xf32>
    %sub3A_208 = arith.constant 1.000000e+00 : f32
    %sub3A_209 = vector.broadcast %sub3A_208 : f32 to vector<128x8xf32>
    %sub3A_210 = arith.subf %add3A_207, %sub3A_209 : vector<128x8xf32>
    %reduce_sum3A_211 = arith.constant dense<0.000000e+00> : vector<8xf32>
    %reduce_sum3A_212 = vector.multi_reduction <add>, %slice3A_203, %reduce_sum3A_211 [0] : vector<128x8xf32> to vector<8xf32>
    %broadcast_in_dim3A_213 = vector.shape_cast %reduce_sum3A_212 : vector<8xf32> to vector<1x8xf32>
    %add3A_214 = arith.addf %add3A_202, %broadcast_in_dim3A_213 : vector<1x8xf32>
    %slice3A_215 = vector.extract_strided_slice %select_n3A_89 {offsets = [1280, 0], sizes = [128, 8], strides = [1, 1]} : vector<2048x8xf32> to vector<128x8xf32>
    %dot_general3A_216 = arith.constant dense<0.000000e+00> : vector<128x8xf32>
    %dot_general3A_217 = tpu.matmul %convert_element_type3A_93, %slice3A_215, %dot_general3A_216 {dimension_numbers = #tpu.dot_dimension_numbers<[1], [0], [0], [1], [0, 0, 1, 1], [], []>, transpose_lhs_hint = false} : vector<128x128xf32>, vector<128x8xf32>, vector<128x8xf32> -> vector<128x8xf32>
    %add3A_218 = vector.broadcast %add3A_214 : vector<1x8xf32> to vector<128x8xf32>
    %add3A_219 = arith.addf %dot_general3A_217, %add3A_218 : vector<128x8xf32>
    %sub3A_220 = arith.constant 1.000000e+00 : f32
    %sub3A_221 = vector.broadcast %sub3A_220 : f32 to vector<128x8xf32>
    %sub3A_222 = arith.subf %add3A_219, %sub3A_221 : vector<128x8xf32>
    %reduce_sum3A_223 = arith.constant dense<0.000000e+00> : vector<8xf32>
    %reduce_sum3A_224 = vector.multi_reduction <add>, %slice3A_215, %reduce_sum3A_223 [0] : vector<128x8xf32> to vector<8xf32>
    %broadcast_in_dim3A_225 = vector.shape_cast %reduce_sum3A_224 : vector<8xf32> to vector<1x8xf32>
    %add3A_226 = arith.addf %add3A_214, %broadcast_in_dim3A_225 : vector<1x8xf32>
    %slice3A_227 = vector.extract_strided_slice %select_n3A_89 {offsets = [1408, 0], sizes = [128, 8], strides = [1, 1]} : vector<2048x8xf32> to vector<128x8xf32>
    %dot_general3A_228 = arith.constant dense<0.000000e+00> : vector<128x8xf32>
    %dot_general3A_229 = tpu.matmul %convert_element_type3A_93, %slice3A_227, %dot_general3A_228 {dimension_numbers = #tpu.dot_dimension_numbers<[1], [0], [0], [1], [0, 0, 1, 1], [], []>, transpose_lhs_hint = false} : vector<128x128xf32>, vector<128x8xf32>, vector<128x8xf32> -> vector<128x8xf32>
    %add3A_230 = vector.broadcast %add3A_226 : vector<1x8xf32> to vector<128x8xf32>
    %add3A_231 = arith.addf %dot_general3A_229, %add3A_230 : vector<128x8xf32>
    %sub3A_232 = arith.constant 1.000000e+00 : f32
    %sub3A_233 = vector.broadcast %sub3A_232 : f32 to vector<128x8xf32>
    %sub3A_234 = arith.subf %add3A_231, %sub3A_233 : vector<128x8xf32>
    %reduce_sum3A_235 = arith.constant dense<0.000000e+00> : vector<8xf32>
    %reduce_sum3A_236 = vector.multi_reduction <add>, %slice3A_227, %reduce_sum3A_235 [0] : vector<128x8xf32> to vector<8xf32>
    %broadcast_in_dim3A_237 = vector.shape_cast %reduce_sum3A_236 : vector<8xf32> to vector<1x8xf32>
    %add3A_238 = arith.addf %add3A_226, %broadcast_in_dim3A_237 : vector<1x8xf32>
    %slice3A_239 = vector.extract_strided_slice %select_n3A_89 {offsets = [1536, 0], sizes = [128, 8], strides = [1, 1]} : vector<2048x8xf32> to vector<128x8xf32>
    %dot_general3A_240 = arith.constant dense<0.000000e+00> : vector<128x8xf32>
    %dot_general3A_241 = tpu.matmul %convert_element_type3A_93, %slice3A_239, %dot_general3A_240 {dimension_numbers = #tpu.dot_dimension_numbers<[1], [0], [0], [1], [0, 0, 1, 1], [], []>, transpose_lhs_hint = false} : vector<128x128xf32>, vector<128x8xf32>, vector<128x8xf32> -> vector<128x8xf32>
    %add3A_242 = vector.broadcast %add3A_238 : vector<1x8xf32> to vector<128x8xf32>
    %add3A_243 = arith.addf %dot_general3A_241, %add3A_242 : vector<128x8xf32>
    %sub3A_244 = arith.constant 1.000000e+00 : f32
    %sub3A_245 = vector.broadcast %sub3A_244 : f32 to vector<128x8xf32>
    %sub3A_246 = arith.subf %add3A_243, %sub3A_245 : vector<128x8xf32>
    %reduce_sum3A_247 = arith.constant dense<0.000000e+00> : vector<8xf32>
    %reduce_sum3A_248 = vector.multi_reduction <add>, %slice3A_239, %reduce_sum3A_247 [0] : vector<128x8xf32> to vector<8xf32>
    %broadcast_in_dim3A_249 = vector.shape_cast %reduce_sum3A_248 : vector<8xf32> to vector<1x8xf32>
    %add3A_250 = arith.addf %add3A_238, %broadcast_in_dim3A_249 : vector<1x8xf32>
    %slice3A_251 = vector.extract_strided_slice %select_n3A_89 {offsets = [1664, 0], sizes = [128, 8], strides = [1, 1]} : vector<2048x8xf32> to vector<128x8xf32>
    %dot_general3A_252 = arith.constant dense<0.000000e+00> : vector<128x8xf32>
    %dot_general3A_253 = tpu.matmul %convert_element_type3A_93, %slice3A_251, %dot_general3A_252 {dimension_numbers = #tpu.dot_dimension_numbers<[1], [0], [0], [1], [0, 0, 1, 1], [], []>, transpose_lhs_hint = false} : vector<128x128xf32>, vector<128x8xf32>, vector<128x8xf32> -> vector<128x8xf32>
    %add3A_254 = vector.broadcast %add3A_250 : vector<1x8xf32> to vector<128x8xf32>
    %add3A_255 = arith.addf %dot_general3A_253, %add3A_254 : vector<128x8xf32>
    %sub3A_256 = arith.constant 1.000000e+00 : f32
    %sub3A_257 = vector.broadcast %sub3A_256 : f32 to vector<128x8xf32>
    %sub3A_258 = arith.subf %add3A_255, %sub3A_257 : vector<128x8xf32>
    %reduce_sum3A_259 = arith.constant dense<0.000000e+00> : vector<8xf32>
    %reduce_sum3A_260 = vector.multi_reduction <add>, %slice3A_251, %reduce_sum3A_259 [0] : vector<128x8xf32> to vector<8xf32>
    %broadcast_in_dim3A_261 = vector.shape_cast %reduce_sum3A_260 : vector<8xf32> to vector<1x8xf32>
    %add3A_262 = arith.addf %add3A_250, %broadcast_in_dim3A_261 : vector<1x8xf32>
    %slice3A_263 = vector.extract_strided_slice %select_n3A_89 {offsets = [1792, 0], sizes = [128, 8], strides = [1, 1]} : vector<2048x8xf32> to vector<128x8xf32>
    %dot_general3A_264 = arith.constant dense<0.000000e+00> : vector<128x8xf32>
    %dot_general3A_265 = tpu.matmul %convert_element_type3A_93, %slice3A_263, %dot_general3A_264 {dimension_numbers = #tpu.dot_dimension_numbers<[1], [0], [0], [1], [0, 0, 1, 1], [], []>, transpose_lhs_hint = false} : vector<128x128xf32>, vector<128x8xf32>, vector<128x8xf32> -> vector<128x8xf32>
    %add3A_266 = vector.broadcast %add3A_262 : vector<1x8xf32> to vector<128x8xf32>
    %add3A_267 = arith.addf %dot_general3A_265, %add3A_266 : vector<128x8xf32>
    %sub3A_268 = arith.constant 1.000000e+00 : f32
    %sub3A_269 = vector.broadcast %sub3A_268 : f32 to vector<128x8xf32>
    %sub3A_270 = arith.subf %add3A_267, %sub3A_269 : vector<128x8xf32>
    %reduce_sum3A_271 = arith.constant dense<0.000000e+00> : vector<8xf32>
    %reduce_sum3A_272 = vector.multi_reduction <add>, %slice3A_263, %reduce_sum3A_271 [0] : vector<128x8xf32> to vector<8xf32>
    %broadcast_in_dim3A_273 = vector.shape_cast %reduce_sum3A_272 : vector<8xf32> to vector<1x8xf32>
    %add3A_274 = arith.addf %add3A_262, %broadcast_in_dim3A_273 : vector<1x8xf32>
    %slice3A_275 = vector.extract_strided_slice %select_n3A_89 {offsets = [1920, 0], sizes = [128, 8], strides = [1, 1]} : vector<2048x8xf32> to vector<128x8xf32>
    %dot_general3A_276 = arith.constant dense<0.000000e+00> : vector<128x8xf32>
    %dot_general3A_277 = tpu.matmul %convert_element_type3A_93, %slice3A_275, %dot_general3A_276 {dimension_numbers = #tpu.dot_dimension_numbers<[1], [0], [0], [1], [0, 0, 1, 1], [], []>, transpose_lhs_hint = false} : vector<128x128xf32>, vector<128x8xf32>, vector<128x8xf32> -> vector<128x8xf32>
    %add3A_278 = vector.broadcast %add3A_274 : vector<1x8xf32> to vector<128x8xf32>
    %add3A_279 = arith.addf %dot_general3A_277, %add3A_278 : vector<128x8xf32>
    %sub3A_280 = arith.constant 1.000000e+00 : f32
    %sub3A_281 = vector.broadcast %sub3A_280 : f32 to vector<128x8xf32>
    %sub3A_282 = arith.subf %add3A_279, %sub3A_281 : vector<128x8xf32>
    %concatenate3A = tpu.concatenate %sub3A_102, %sub3A_114, %sub3A_126, %sub3A_138, %sub3A_150, %sub3A_162, %sub3A_174, %sub3A_186, %sub3A_198, %sub3A_210, %sub3A_222, %sub3A_234, %sub3A_246, %sub3A_258, %sub3A_270, %sub3A_282 in 0 : vector<128x8xf32>, vector<128x8xf32>, vector<128x8xf32>, vector<128x8xf32>, vector<128x8xf32>, vector<128x8xf32>, vector<128x8xf32>, vector<128x8xf32>, vector<128x8xf32>, vector<128x8xf32>, vector<128x8xf32>, vector<128x8xf32>, vector<128x8xf32>, vector<128x8xf32>, vector<128x8xf32>, vector<128x8xf32> -> vector<2048x8xf32>
    %gt3A = arith.constant 0.000000e+00 : f32
    %gt3A_283 = vector.broadcast %gt3A : f32 to vector<2048x8xf32>
    %gt3A_284 = arith.cmpf ogt, %select_n3A_89, %gt3A_283 : vector<2048x8xf32>
    %lt3A = vector.broadcast %floor3A : f32 to vector<2048x8xf32>
    %lt3A_285 = arith.cmpf olt, %concatenate3A, %lt3A : vector<2048x8xf32>
    %and3A = arith.andi %gt3A_284, %lt3A_285 : vector<2048x8xi1>
    %jit3A_286 = arith.constant 1.000000e+00 : f32
    %jit3A_287 = arith.constant 0.000000e+00 : f32
    %broadcast_in_dim3A_288 = vector.broadcast %jit3A_286 : f32 to vector<2048x8xf32>
    %broadcast_in_dim3A_289 = vector.broadcast %jit3A_287 : f32 to vector<2048x8xf32>
    %select_n3A_290 = arith.select %and3A, %broadcast_in_dim3A_288, %broadcast_in_dim3A_289 : vector<2048x8xi1>, vector<2048x8xf32>
    %eq3A_291 = vector.broadcast %broadcast_in_dim3A_36 : vector<2048x1xi32> to vector<2048x8xi32>
    %eq3A_292 = arith.cmpi eq, %iota3A, %eq3A_291 : vector<2048x8xi32>
    %eq3A_293 = vector.broadcast %broadcast_in_dim3A_52 : vector<2048x1xi32> to vector<2048x8xi32>
    %eq3A_294 = arith.cmpi eq, %iota3A, %eq3A_293 : vector<2048x8xi32>
    %jit3A_295 = arith.constant 0.000000e+00 : f32
    %broadcast_in_dim3A_296 = vector.broadcast %jit3A_295 : f32 to vector<2048x8xf32>
    %select_n3A_297 = arith.select %eq3A_292, %concatenate3A, %broadcast_in_dim3A_296 : vector<2048x8xi1>, vector<2048x8xf32>
    %reduce_sum3A_298 = arith.constant dense<0.000000e+00> : vector<2048xf32>
    %reduce_sum3A_299 = vector.multi_reduction <add>, %select_n3A_297, %reduce_sum3A_298 [1] : vector<2048x8xf32> to vector<2048xf32>
    %broadcast_in_dim3A_300 = vector.shape_cast %reduce_sum3A_299 : vector<2048xf32> to vector<2048x1xf32>
    %jit3A_301 = arith.constant 0.000000e+00 : f32
    %broadcast_in_dim3A_302 = vector.broadcast %jit3A_301 : f32 to vector<2048x8xf32>
    %select_n3A_303 = arith.select %eq3A_294, %concatenate3A, %broadcast_in_dim3A_302 : vector<2048x8xi1>, vector<2048x8xf32>
    %reduce_sum3A_304 = arith.constant dense<0.000000e+00> : vector<2048xf32>
    %reduce_sum3A_305 = vector.multi_reduction <add>, %select_n3A_303, %reduce_sum3A_304 [1] : vector<2048x8xf32> to vector<2048xf32>
    %broadcast_in_dim3A_306 = vector.shape_cast %reduce_sum3A_305 : vector<2048xf32> to vector<2048x1xf32>
    %jit3A_307 = arith.constant 0.000000e+00 : f32
    %broadcast_in_dim3A_308 = vector.broadcast %jit3A_307 : f32 to vector<2048x8xf32>
    %select_n3A_309 = arith.select %eq3A_292, %select_n3A_290, %broadcast_in_dim3A_308 : vector<2048x8xi1>, vector<2048x8xf32>
    %reduce_sum3A_310 = arith.constant dense<0.000000e+00> : vector<2048xf32>
    %reduce_sum3A_311 = vector.multi_reduction <add>, %select_n3A_309, %reduce_sum3A_310 [1] : vector<2048x8xf32> to vector<2048xf32>
    %broadcast_in_dim3A_312 = vector.shape_cast %reduce_sum3A_311 : vector<2048xf32> to vector<2048x1xf32>
    %jit3A_313 = arith.constant 0.000000e+00 : f32
    %broadcast_in_dim3A_314 = vector.broadcast %jit3A_313 : f32 to vector<2048x8xf32>
    %select_n3A_315 = arith.select %eq3A_294, %select_n3A_290, %broadcast_in_dim3A_314 : vector<2048x8xi1>, vector<2048x8xf32>
    %reduce_sum3A_316 = arith.constant dense<0.000000e+00> : vector<2048xf32>
    %reduce_sum3A_317 = vector.multi_reduction <add>, %select_n3A_315, %reduce_sum3A_316 [1] : vector<2048x8xf32> to vector<2048xf32>
    %broadcast_in_dim3A_318 = vector.shape_cast %reduce_sum3A_317 : vector<2048xf32> to vector<2048x1xf32>
    %mul3A_319 = arith.mulf %div3A_64, %select_n3A_290 : vector<2048x8xf32>
    %jit3A_320 = arith.constant 0.000000e+00 : f32
    %broadcast_in_dim3A_321 = vector.broadcast %jit3A_320 : f32 to vector<2048x8xf32>
    %select_n3A_322 = arith.select %eq3A_292, %mul3A_319, %broadcast_in_dim3A_321 : vector<2048x8xi1>, vector<2048x8xf32>
    %reduce_sum3A_323 = arith.constant dense<0.000000e+00> : vector<2048xf32>
    %reduce_sum3A_324 = vector.multi_reduction <add>, %select_n3A_322, %reduce_sum3A_323 [1] : vector<2048x8xf32> to vector<2048xf32>
    %broadcast_in_dim3A_325 = vector.shape_cast %reduce_sum3A_324 : vector<2048xf32> to vector<2048x1xf32>
    %mul3A_326 = arith.mulf %div3A_64, %select_n3A_290 : vector<2048x8xf32>
    %jit3A_327 = arith.constant 0.000000e+00 : f32
    %broadcast_in_dim3A_328 = vector.broadcast %jit3A_327 : f32 to vector<2048x8xf32>
    %select_n3A_329 = arith.select %eq3A_294, %mul3A_326, %broadcast_in_dim3A_328 : vector<2048x8xi1>, vector<2048x8xf32>
    %reduce_sum3A_330 = arith.constant dense<0.000000e+00> : vector<2048xf32>
    %reduce_sum3A_331 = vector.multi_reduction <add>, %select_n3A_329, %reduce_sum3A_330 [1] : vector<2048x8xf32> to vector<2048xf32>
    %broadcast_in_dim3A_332 = vector.shape_cast %reduce_sum3A_331 : vector<2048xf32> to vector<2048x1xf32>
    %convert_element_type3A_333 = arith.sitofp %broadcast_in_dim3A_36 : vector<2048x1xi32> to vector<2048x1xf32>
    %convert_element_type3A_334 = arith.sitofp %broadcast_in_dim3A_52 : vector<2048x1xi32> to vector<2048x1xf32>
    %mul3A_335 = arith.constant 5.200000e+02 : f32
    %mul3A_336 = vector.broadcast %mul3A_335 : f32 to vector<2048x1xf32>
    %mul3A_337 = arith.mulf %convert_element_type3A_333, %mul3A_336 : vector<2048x1xf32>
    %gt3A_338 = arith.constant 0.000000e+00 : f32
    %gt3A_339 = vector.broadcast %gt3A_338 : f32 to vector<2048x1xf32>
    %gt3A_340 = arith.cmpf ogt, %broadcast_in_dim3A_312, %gt3A_339 : vector<2048x1xf32>
    %jit3A_341 = arith.constant 512 : i32
    %convert_element_type3A_342 = arith.sitofp %jit3A_341 : i32 to f32
    %broadcast_in_dim3A_343 = vector.broadcast %convert_element_type3A_342 : f32 to vector<2048x1xf32>
    %select_n3A_344 = arith.select %gt3A_340, %broadcast_in_dim3A_300, %broadcast_in_dim3A_343 : vector<2048x1xi1>, vector<2048x1xf32>
    %add3A_345 = arith.addf %mul3A_337, %select_n3A_344 : vector<2048x1xf32>
    %convert_element_type3A_346 = arith.fptosi %add3A_345 : vector<2048x1xf32> to vector<2048x1xi32>
    %swap3A = arith.constant 0 : index
    %swap3A_347 = arith.constant 0 : index
    %swap3A_348 = vector.load %arg8[%swap3A, %swap3A_347] : memref<2048x1xi32, #tpu.memory_space<vmem>>, vector<2048x1xi32>
    tpu.vector_store %arg8[%swap3A, %swap3A_347], %convert_element_type3A_346 {strides = array<i32>} : memref<2048x1xi32, #tpu.memory_space<vmem>>, vector<2048x1xi32>,
    %mul3A_349 = arith.constant 5.200000e+02 : f32
    %mul3A_350 = vector.broadcast %mul3A_349 : f32 to vector<2048x1xf32>
    %mul3A_351 = arith.mulf %convert_element_type3A_334, %mul3A_350 : vector<2048x1xf32>
    %gt3A_352 = arith.constant 0.000000e+00 : f32
    %gt3A_353 = vector.broadcast %gt3A_352 : f32 to vector<2048x1xf32>
    %gt3A_354 = arith.cmpf ogt, %broadcast_in_dim3A_318, %gt3A_353 : vector<2048x1xf32>
    %jit3A_355 = arith.constant 512 : i32
    %convert_element_type3A_356 = arith.sitofp %jit3A_355 : i32 to f32
    %broadcast_in_dim3A_357 = vector.broadcast %convert_element_type3A_356 : f32 to vector<2048x1xf32>
    %select_n3A_358 = arith.select %gt3A_354, %broadcast_in_dim3A_306, %broadcast_in_dim3A_357 : vector<2048x1xi1>, vector<2048x1xf32>
    %add3A_359 = arith.addf %mul3A_351, %select_n3A_358 : vector<2048x1xf32>
    %convert_element_type3A_360 = arith.fptosi %add3A_359 : vector<2048x1xf32> to vector<2048x1xi32>
    %swap3A_361 = arith.constant 0 : index
    %swap3A_362 = arith.constant 0 : index
    %swap3A_363 = vector.load %arg9[%swap3A_361, %swap3A_362] : memref<2048x1xi32, #tpu.memory_space<vmem>>, vector<2048x1xi32>
    tpu.vector_store %arg9[%swap3A_361, %swap3A_362], %convert_element_type3A_360 {strides = array<i32>} : memref<2048x1xi32, #tpu.memory_space<vmem>>, vector<2048x1xi32>,
    %broadcast_in_dim3A_364 = arith.constant 1.000000e+00 : f32
    %broadcast_in_dim3A_365 = vector.broadcast %broadcast_in_dim3A_364 : f32 to vector<1x128xf32>
    %mul3A_366 = vector.broadcast %broadcast_in_dim3A_325 : vector<2048x1xf32> to vector<2048x128xf32>
    %mul3A_367 = vector.broadcast %broadcast_in_dim3A_365 : vector<1x128xf32> to vector<2048x128xf32>
    %mul3A_368 = arith.mulf %mul3A_366, %mul3A_367 : vector<2048x128xf32>
    %swap3A_369 = arith.constant 0 : index
    %swap3A_370 = arith.constant 0 : index
    %swap3A_371 = vector.load %arg10[%swap3A_369, %swap3A_370] : memref<2048x128xf32, #tpu.memory_space<vmem>>, vector<2048x128xf32>
    tpu.vector_store %arg10[%swap3A_369, %swap3A_370], %mul3A_368 {strides = array<i32>} : memref<2048x128xf32, #tpu.memory_space<vmem>>, vector<2048x128xf32>,
    %mul3A_372 = vector.broadcast %broadcast_in_dim3A_332 : vector<2048x1xf32> to vector<2048x128xf32>
    %mul3A_373 = vector.broadcast %broadcast_in_dim3A_365 : vector<1x128xf32> to vector<2048x128xf32>
    %mul3A_374 = arith.mulf %mul3A_372, %mul3A_373 : vector<2048x128xf32>
    %swap3A_375 = arith.constant 0 : index
    %swap3A_376 = arith.constant 0 : index
    %swap3A_377 = vector.load %arg11[%swap3A_375, %swap3A_376] : memref<2048x128xf32, #tpu.memory_space<vmem>>, vector<2048x128xf32>
    tpu.vector_store %arg11[%swap3A_375, %swap3A_376], %mul3A_374 {strides = array<i32>} : memref<2048x128xf32, #tpu.memory_space<vmem>>, vector<2048x128xf32>,
    %gt3A_378 = arith.constant 0.000000e+00 : f32
    %gt3A_379 = vector.broadcast %gt3A_378 : f32 to vector<2048x1xf32>
    %gt3A_380 = arith.cmpf ogt, %convert_element_type3A_77, %gt3A_379 : vector<2048x1xf32>
    %jit3A_381 = arith.constant 0.000000e+00 : f32
    %broadcast_in_dim3A_382 = vector.shape_cast %gt3A_380 : vector<2048x1xi1> to vector<2048x1xi1>
    %broadcast_in_dim3A_383 = vector.broadcast %broadcast_in_dim3A_382 : vector<2048x1xi1> to vector<2048x768xi1>
    %broadcast_in_dim3A_384 = vector.broadcast %jit3A_381 : f32 to vector<2048x768xf32>
    %select_n3A_385 = arith.select %broadcast_in_dim3A_383, %broadcast_in_dim3A_384, %get3A_1 : vector<2048x768xi1>, vector<2048x768xf32>
    %swap3A_386 = arith.constant 0 : index
    %swap3A_387 = arith.constant 0 : index
    %swap3A_388 = vector.load %arg12[%swap3A_386, %swap3A_387] : memref<2048x768xf32, #tpu.memory_space<vmem>>, vector<2048x768xf32>
    tpu.vector_store %arg12[%swap3A_386, %swap3A_387], %select_n3A_385 {strides = array<i32>} : memref<2048x768xf32, #tpu.memory_space<vmem>>, vector<2048x768xf32>,
    return
  }
}

module attributes {stable_mosaic.version = 14 : i64} {
  func.func @_mlp_body(%arg0: i32, %arg1: memref<520x768xf32, #tpu.memory_space<vmem>>, %arg2: memref<520x128xf32, #tpu.memory_space<vmem>>, %arg3: memref<1x768x3072xbf16, #tpu.memory_space<vmem>>, %arg4: memref<1x1x3072xf32, #tpu.memory_space<vmem>>, %arg5: memref<1x3072x768xbf16, #tpu.memory_space<vmem>>, %arg6: memref<1x1x768xf32, #tpu.memory_space<vmem>>, %arg7: memref<520x768xf32, #tpu.memory_space<vmem>>) attributes {dimension_semantics = [#tpu.dimension_semantics<arbitrary>], iteration_bounds = array<i64: 8>, scalar_prefetch = 0 : i64, scratch_operands = 0 : i64, tpu.core_type = #tpu.core_type<tc>, window_params = [{transform_indices = @transform_0, window_bounds = array<i64: 520, 768>}, {transform_indices = @transform_1, window_bounds = array<i64: 520, 128>}, {transform_indices = @transform_2, window_bounds = array<i64: 1, 768, 3072>}, {transform_indices = @transform_3, window_bounds = array<i64: 1, 1, 3072>}, {transform_indices = @transform_4, window_bounds = array<i64: 1, 3072, 768>}, {transform_indices = @transform_5, window_bounds = array<i64: 1, 1, 768>}, {transform_indices = @transform_6, window_bounds = array<i64: 520, 768>}]} {
    %get3A = arith.constant 0 : index
    %get3A_0 = arith.constant 0 : index
    %get3A_1 = vector.load %arg1[%get3A, %get3A_0] : memref<520x768xf32, #tpu.memory_space<vmem>>, vector<520x768xf32>
    %abs3A = math.absf %get3A_1 : vector<520x768xf32>
    %lt3A = arith.constant 1.000000e+30 : f32
    %lt3A_2 = vector.broadcast %lt3A : f32 to vector<520x768xf32>
    %lt3A_3 = arith.cmpf olt, %abs3A, %lt3A_2 : vector<520x768xf32>
    %jit3A = arith.constant 0.000000e+00 : f32
    %broadcast_in_dim3A = vector.broadcast %jit3A : f32 to vector<520x768xf32>
    %select_n3A = arith.select %lt3A_3, %get3A_1, %broadcast_in_dim3A : vector<520x768xi1>, vector<520x768xf32>
    %convert_element_type3A = arith.truncf %select_n3A : vector<520x768xf32> to vector<520x768xbf16>
    %get3A_4 = arith.constant 0 : index
    %get3A_5 = arith.constant 0 : index
    %get3A_6 = arith.constant 0 : index
    %get3A_7 = vector.load %arg3[%get3A_4, %get3A_5, %get3A_6] : memref<1x768x3072xbf16, #tpu.memory_space<vmem>>, vector<1x768x3072xbf16>
    %get3A_8 = vector.shape_cast %get3A_7 : vector<1x768x3072xbf16> to vector<768x3072xbf16>
    %dot_general3A = arith.constant dense<0.000000e+00> : vector<520x3072xf32>
    %dot_general3A_9 = tpu.matmul %convert_element_type3A, %get3A_8, %dot_general3A {dimension_numbers = #tpu.dot_dimension_numbers<[1], [0], [0], [1], [0, 0, 1, 1], [], []>, transpose_lhs_hint = false} : vector<520x768xbf16>, vector<768x3072xbf16>, vector<520x3072xf32> -> vector<520x3072xf32>
    %get3A_10 = arith.constant 0 : index
    %get3A_11 = arith.constant 0 : index
    %get3A_12 = arith.constant 0 : index
    %get3A_13 = vector.load %arg4[%get3A_10, %get3A_11, %get3A_12] : memref<1x1x3072xf32, #tpu.memory_space<vmem>>, vector<1x1x3072xf32>
    %get3A_14 = vector.shape_cast %get3A_13 : vector<1x1x3072xf32> to vector<1x3072xf32>
    %add3A = vector.broadcast %get3A_14 : vector<1x3072xf32> to vector<520x3072xf32>
    %add3A_15 = arith.addf %dot_general3A_9, %add3A : vector<520x3072xf32>
    %max3A = arith.constant 0.000000e+00 : f32
    %max3A_16 = vector.broadcast %max3A : f32 to vector<520x3072xf32>
    %max3A_17 = arith.maximumf %add3A_15, %max3A_16 : vector<520x3072xf32>
    %convert_element_type3A_18 = arith.truncf %max3A_17 : vector<520x3072xf32> to vector<520x3072xbf16>
    %get3A_19 = arith.constant 0 : index
    %get3A_20 = arith.constant 0 : index
    %get3A_21 = arith.constant 0 : index
    %get3A_22 = vector.load %arg5[%get3A_19, %get3A_20, %get3A_21] : memref<1x3072x768xbf16, #tpu.memory_space<vmem>>, vector<1x3072x768xbf16>
    %get3A_23 = vector.shape_cast %get3A_22 : vector<1x3072x768xbf16> to vector<3072x768xbf16>
    %dot_general3A_24 = arith.constant dense<0.000000e+00> : vector<520x768xf32>
    %dot_general3A_25 = tpu.matmul %convert_element_type3A_18, %get3A_23, %dot_general3A_24 {dimension_numbers = #tpu.dot_dimension_numbers<[1], [0], [0], [1], [0, 0, 1, 1], [], []>, transpose_lhs_hint = false} : vector<520x3072xbf16>, vector<3072x768xbf16>, vector<520x768xf32> -> vector<520x768xf32>
    %get3A_26 = arith.constant 0 : index
    %get3A_27 = arith.constant 0 : index
    %get3A_28 = vector.load %arg2[%get3A_26, %get3A_27] : memref<520x128xf32, #tpu.memory_space<vmem>>, vector<520x128xf32>
    %slice3A = vector.extract_strided_slice %get3A_28 {offsets = [0, 0], sizes = [520, 1], strides = [1, 1]} : vector<520x128xf32> to vector<520x1xf32>
    %abs3A_29 = math.absf %slice3A : vector<520x1xf32>
    %le3A = arith.constant 1.000000e+00 : f32
    %le3A_30 = vector.broadcast %le3A : f32 to vector<520x1xf32>
    %le3A_31 = arith.cmpf ole, %abs3A_29, %le3A_30 : vector<520x1xf32>
    %jit3A_32 = arith.constant 0.000000e+00 : f32
    %broadcast_in_dim3A_33 = vector.broadcast %jit3A_32 : f32 to vector<520x1xf32>
    %select_n3A_34 = arith.select %le3A_31, %slice3A, %broadcast_in_dim3A_33 : vector<520x1xi1>, vector<520x1xf32>
    %get3A_35 = arith.constant 0 : index
    %get3A_36 = arith.constant 0 : index
    %get3A_37 = arith.constant 0 : index
    %get3A_38 = vector.load %arg6[%get3A_35, %get3A_36, %get3A_37] : memref<1x1x768xf32, #tpu.memory_space<vmem>>, vector<1x1x768xf32>
    %get3A_39 = vector.shape_cast %get3A_38 : vector<1x1x768xf32> to vector<1x768xf32>
    %add3A_40 = vector.broadcast %get3A_39 : vector<1x768xf32> to vector<520x768xf32>
    %add3A_41 = arith.addf %dot_general3A_25, %add3A_40 : vector<520x768xf32>
    %mul3A = vector.broadcast %select_n3A_34 : vector<520x1xf32> to vector<520x768xf32>
    %mul3A_42 = arith.mulf %add3A_41, %mul3A : vector<520x768xf32>
    %swap3A = arith.constant 0 : index
    %swap3A_43 = arith.constant 0 : index
    %swap3A_44 = vector.load %arg7[%swap3A, %swap3A_43] : memref<520x768xf32, #tpu.memory_space<vmem>>, vector<520x768xf32>
    tpu.vector_store %arg7[%swap3A, %swap3A_43], %mul3A_42 {strides = array<i32>} : memref<520x768xf32, #tpu.memory_space<vmem>>, vector<520x768xf32>,
    return
  }
  func.func @transform_0(%arg0: i32) -> (i32, i32) {
    %c0_i32 = arith.constant 0 : i32
    %c0_i32_0 = arith.constant 0 : i32
    return %arg0, %c0_i32 : i32, i32
  }
  func.func @transform_1(%arg0: i32) -> (i32, i32) {
    %c0_i32 = arith.constant 0 : i32
    %c0_i32_0 = arith.constant 0 : i32
    return %arg0, %c0_i32 : i32, i32
  }
  func.func @transform_2(%arg0: i32) -> (i32, i32, i32) {
    %c0_i32 = arith.constant 0 : i32
    %c0_i32_0 = arith.constant 0 : i32
    %c0_i32_1 = arith.constant 0 : i32
    return %arg0, %c0_i32, %c0_i32_0 : i32, i32, i32
  }
  func.func @transform_3(%arg0: i32) -> (i32, i32, i32) {
    %c0_i32 = arith.constant 0 : i32
    %c0_i32_0 = arith.constant 0 : i32
    %c0_i32_1 = arith.constant 0 : i32
    return %arg0, %c0_i32, %c0_i32_0 : i32, i32, i32
  }
  func.func @transform_4(%arg0: i32) -> (i32, i32, i32) {
    %c0_i32 = arith.constant 0 : i32
    %c0_i32_0 = arith.constant 0 : i32
    %c0_i32_1 = arith.constant 0 : i32
    return %arg0, %c0_i32, %c0_i32_0 : i32, i32, i32
  }
  func.func @transform_5(%arg0: i32) -> (i32, i32, i32) {
    %c0_i32 = arith.constant 0 : i32
    %c0_i32_0 = arith.constant 0 : i32
    %c0_i32_1 = arith.constant 0 : i32
    return %arg0, %c0_i32, %c0_i32_0 : i32, i32, i32
  }
  func.func @transform_6(%arg0: i32) -> (i32, i32) {
    %c0_i32 = arith.constant 0 : i32
    %c0_i32_0 = arith.constant 0 : i32
    return %arg0, %c0_i32 : i32, i32
  }
}

</mosaic_0001>

<sc_bundles>
// kernel: kernel.6.cloned.1.call-start
scs
__scs_entry_jumppad:
0x0: {  	(pc) =	sbr.rel $0x88, $3  }
0x1: {  	(tag) =	ssettag $0x0;
	lr =	simm.s32 $0x1  }
0x2: {  	[smem:$0x3F95] =	sst lr;
	_ =	strace $0xD0000000  }
0x3: {  	_ = 	snop  }
0x4: {  	_ = 	snop  }
0x5: {  	_ = 	snop  }
0x6: {  	_ = 	snop  }
0x7: {  	_ = 	snop  }
__scs_overlays_trampoline_lowered:
0x8: {  	[smem:$0x3FA4] =	sst s0  }
0x9: {  	[smem:$0x3FA5] =	sst s1  }
0xa: {  	[smem:$0x3FA6] =	sst s2  }
0xb: {  	[smem:$0x3FA7] =	sst s3  }
0xc: {  	[smem:$0x3FA8] =	sst s4  }
0xd: {  	[smem:$0x3FA9] =	sst s5  }
0xe: {  	[smem:$0x3FAA] =	sst s6  }
0xf: {  	[smem:$0x3FAB] =	sst s7  }
0x10: {  	[smem:$0x3FAC] =	sst s8  }
0x11: {  	[smem:$0x3FAD] =	sst s9;
	s0 =	simm.s32 @!p0 $0x0  }
0x12: {  	s1 =	sld [smem:$0x3F93];
	s0 =	simm.s32 @p0 $0x1  }
0x13: {  	[smem:$0x3FAE] =	sst s0;
	s0 =	simm.s32 @!p1 $0x0  }
0x14: {  	s2 =	sld [smem:$0x3F92];
	s0 =	simm.s32 @p1 $0x1  }
0x15: {  	[smem:$0x3FAF] =	sst s0;
	s0 =	simm.s32 @!p2 $0x0  }
0x16: {  	s3 =	sld [smem:$0x3FDB];
	s0 =	simm.s32 @p2 $0x1  }
0x17: {  	s4 =	simm.s32 $0x1BF5;
	[smem:$0x3FB1] =	sst s0  }
0x18: {  	s0 =	sld [smem:$0x3F94];
	_ =	swait.ge [sflag:s4], $0x0  }
0x19: {  	s7 =	sld [smem:$0x3F95]  }
0x1a: {  	s8 =	sadd.s32 $0xFFFFE003, lr  }
0x1b: {  	s9 =	sadd.s32 $0xFFFFFEF7, lr;
	s5 =	simm.s32 $0xFFFFFFFF;
	p2 =	slt.u32 s8, $0xFFFFF086  }
0x1c: {  	p1 =	slt.u32 s9, $0xF7A;
	s5 =	simm.s32 @!p2 $0x0  }
0x1d: {  	s5 =	simm.s32 @p1 $0x1;
	p0 =	seq.s32 s7, s2  }
0x1e: {  	s7 =	smul.u32 @!p0 $0xF7A, s2;
	p2 =	seq.s32 @!p0 s5, $0x0  }
0x1f: {  	s9 =	smul.u32 $0xF7A, s1;
	s8 =	simm.s32 @!p0 $0x1BF5;
	p2 =	por !p2, p0  }
0x20: {  	[sflag:s8] =	ssyncset.s32 @!p0 $0xFFFFF086;
	s6 =	sadd.s32 @!p0 s3, s7;
	s7 =	simm.s32 @!p0 $0x108  }
0x21: {  	s3 =	sadd.s32 s3, s9;
	s6 =	sadd.s32 @!p0 $0x88, s6;
	s7 =	simm.s32 @p2 $0x1082  }
0x22: {  	[simem:s7], [sflag:s8] =	dma.local @!p0 [hbm:s6], $0xF7A  }
0x23: {  	s9 =	sor.u32 $0xD0000000, s2;
	s6 =	simm.s32 $0x108;
	_ =	swait.ge @!p0 [sflag:s8], $0x0  }
0x24: {  	s3 =	sadd.s32 $0x88, s3;
	s6 =	simm.s32 @!p1 $0x1082;
	[sflag:s4] =	ssyncset.s32 $0xFFFFF086  }
0x25: {  	[simem:s6], [sflag:s4] =	dma.local [hbm:s3], $0xF7A  }
0x26: {  	[smem:$0x3F95] =	sst s1;
	(tag) =	ssettag s2;
	_ =	strace s9  }
0x27: {  	s1 =	sld [smem:$0x3FA5]  }
0x28: {  	s2 =	sld [smem:$0x3FA6]  }
0x29: {  	s4 =	sld [smem:$0x3FA8]  }
0x2a: {  	p0 =	seq.s32 s5, $0x0;
	s5 =	sld [smem:$0x3FA9]  }
0x2b: {  	s6 =	sld [smem:$0x3FAA]  }
0x2c: {  	s7 =	sld [smem:$0x3FAB]  }
0x2d: {  	s3 =	simm.s32 $0x108;
	s8 =	sld [smem:$0x3FAC]  }
0x2e: {  	s3 =	simm.s32 @!p0 $0x1082;
	s9 =	sld [smem:$0x3FAD]  }
0x2f: {  	lr =	sadd.s32 s0, s3;
	s0 =	sld [smem:$0x3FA4]  }
0x30: {  	s3 =	sld [smem:$0x3FA7]  }
0x31: {  	[smem:$0x3FB0] =	sst s10  }
0x32: {  	s10 =	sld [smem:$0x3FAE];
	_ =	sdelay $0x3  }
0x33: {  	p0 =	seq.s32 s10, $0x1;
	s10 =	sld [smem:$0x3FB0];
	_ =	sdelay $0x3  }
0x34: {  	[smem:$0x3FB0] =	sst s10  }
0x35: {  	s10 =	sld [smem:$0x3FAF];
	_ =	sdelay $0x3  }
0x36: {  	p1 =	seq.s32 s10, $0x1;
	s10 =	sld [smem:$0x3FB0];
	_ =	sdelay $0x3  }
0x37: {  	[smem:$0x3FB0] =	sst s10  }
0x38: {  	s10 =	sld [smem:$0x3FB1]  }
0x39: {  	_ = 	snop;
	(pc) =	sbr.ind lr, $3  }
0x3a: {  	_ = 	snop  }
0x3b: {  	_ = 	snop  }
0x3c: {  	p2 =	seq.s32 s10, $0x1;
	s10 =	sld [smem:$0x3FB0]  }
0x3d: {  	_ =	shalt  }
0x3e: {  	_ =	shalt  }
0x3f: {  	_ =	shalt  }
0x40: {  	_ =	shalt  }
0x41: {  	_ =	shalt  }
0x42: {  	_ =	shalt  }
0x43: {  	_ =	shalt  }
0x44: {  	_ =	shalt  }
0x45: {  	_ =	shalt  }
0x46: {  	_ =	shalt  }
0x47: {  	_ =	shalt  }
0x48: {  	_ =	shalt  }
0x49: {  	_ =	shalt  }
0x4a: {  	_ =	shalt  }
0x4b: {  	_ =	shalt  }
0x4c: {  	_ =	shalt  }
0x4d: {  	_ =	shalt  }
0x4e: {  	_ =	shalt  }
0x4f: {  	_ =	shalt  }
0x50: {  	_ =	shalt  }
0x51: {  	_ =	shalt  }
0x52: {  	_ =	shalt  }
0x53: {  	_ =	shalt  }
0x54: {  	_ =	shalt  }
0x55: {  	_ =	shalt  }
0x56: {  	_ =	shalt  }
0x57: {  	_ =	shalt  }
0x58: {  	_ =	shalt  }
0x59: {  	_ =	shalt  }
0x5a: {  	_ =	shalt  }
0x5b: {  	_ =	shalt  }
0x5c: {  	_ =	shalt  }
0x5d: {  	_ =	shalt  }
0x5e: {  	_ =	shalt  }
0x5f: {  	_ =	shalt  }
0x60: {  	_ =	shalt  }
0x61: {  	_ =	shalt  }
0x62: {  	_ =	shalt  }
0x63: {  	_ =	shalt  }
0x64: {  	_ =	shalt  }
0x65: {  	_ =	shalt  }
0x66: {  	_ =	shalt  }
0x67: {  	_ =	shalt  }
0x68: {  	_ =	shalt  }
0x69: {  	_ =	shalt  }
0x6a: {  	_ =	shalt  }
0x6b: {  	_ =	shalt  }
0x6c: {  	_ =	shalt  }
0x6d: {  	_ =	shalt  }
0x6e: {  	_ =	shalt  }
0x6f: {  	_ =	shalt  }
0x70: {  	_ =	shalt  }
0x71: {  	_ =	shalt  }
0x72: {  	_ =	shalt  }
0x73: {  	_ =	shalt  }
0x74: {  	_ =	shalt  }
0x75: {  	_ =	shalt  }
0x76: {  	_ =	shalt  }
0x77: {  	_ =	shalt  }
0x78: {  	_ =	shalt  }
0x79: {  	_ =	shalt  }
0x7a: {  	_ =	shalt  }
0x7b: {  	_ =	shalt  }
0x7c: {  	_ =	shalt  }
0x7d: {  	_ =	shalt  }
0x7e: {  	_ =	shalt  }
0x7f: {  	_ =	shalt  }
0x80: {  	_ =	shalt  }
0x81: {  	_ =	shalt  }
0x82: {  	_ =	shalt  }
0x83: {  	_ =	shalt  }
0x84: {  	_ =	shalt  }
0x85: {  	_ =	shalt  }
0x86: {  	_ =	shalt  }
0x87: {  	_ =	shalt  }
.Lfunc_end0:
.L_simem_size_0:
called_computation_lowered:
.L_overlay_start_0:
0x88: {  	s2 =	sld [smem:$0x3FD9]  }
0x89: {  	s3 =	sld [smem:$0x3FFE];
	_ =	sdelay $0x1  }
0x8a: {  	s1 =	srdreg.scid  }
0x8b: {  	s0 =	sand.u32 $0x1, s1  }
0x8c: {  	s17 =	sshll.u32 s0, $0xA;
	s2 =	sadd.s32 s3, s2  }
0x8d: {  	s2 =	sadd.s32 s2, s17  }
0x8e: {  	[smem:$0x3FBC] =	sst s2  }
0x8f: {  	_ = 	snop  }
0x90: {  	s2 =	sld [smem:$0x3FC9]  }
0x91: {  	s18 =	sld [smem:$0x3FD0];
	(tm) =	ssettm $0x1  }
0x92: {  	s4 =	sld [smem:$0x3FFB];
	_ =	sdelay $0x3  }
0x93: {  	_ =	strace s4  }
0x94: {  	s4 =	sld [smem:$0x3FFC];
	_ =	sdelay $0x3  }
0x95: {  	_ =	strace s4  }
0x96: {  	s4 =	sld [smem:$0x3FFD];
	_ =	sdelay $0x3  }
0x97: {  	_ =	strace s4  }
0x98: {  	_ =	strace $0x8FFFFFFF  }
0x99: {  	s19 =	sld [smem:$0x3FDB];
	_ =	sdelay $0x1  }
0x9a: {  	s5 =	simm.s32 $_scs_section_size  }
0x9b: {  	s6 =	simm.s32 $_size__tile_overlayer_lowered;
	s7 =	simm.s32 $_tile_overlayer_lowered  }
0x9c: {  	s22 =	simm.s32 $0x1BFF;
	s21 =	sshll.u32 s7, $0x1;
	s4 =	sadd.s32 s5, s19  }
0x9d: {  	s8 =	simm.s32 $0x0;
	s20 =	sshll.u32 s6, $0x1;
	s6 =	sadd.s32 s21, s4  }
0x9e: {  	[timem:s8], [sflag:s22] =	dma.local [hbm:s6], s20  }
0x9f: {  	_ =	swait.ge [sflag:s22], s20  }
0xa0: {  	s5 =	ssub.s32 $0x0, s20;
	[sflag:s22] =	ssyncset.done $0x0  }
0xa1: {  	[sflag:s22] =	ssyncadd.s32 s5;
	_ =	sdelay $0x1  }
0xa2: {  	s23 =	simm.s32 $0x1B8B  }
0xa3: {  	_ =	swait.ge [sflag:s23], $0x1  }
0xa4: {  	[sflag:s23] =	ssyncset.done $0x0  }
0xa5: {  	s25 =	simm.s32 $0x1B8E;
	s24 =	sld [smem:$0x3FFE];
	[sflag:s23] =	ssyncadd.s32 $0xFFFFFFFF  }
0xa6: {  	s26 =	simm.s32 $execute0_lowered;
	[smem:$0x3FD2] =	sst s25  }
0xa7: {  	s6 =	sshll.u32 s26, $0x1;
	_ =	strace $0x80000046;
	[dreg:$0x1] =	wrdreg $0xFFFFFFFF  }
0xa8: {  	s28 =	simm.s32 $_size_execute0_lowered;
	s4 =	sadd.s32 s4, s6;
	[dreg:$0x0] =	wrdreg $0x0  }
0xa9: {  	s6 =	sshll.u32 s28, $0x1;
	[dreg:$0x2] =	wrdreg s4  }
0xaa: {  	[dreg:$0x3] =	wrdreg s6  }
0xab: {  	[dreg:$0x4] =	wrdreg $0xC0  }
0xac: {  	_ =	task [dreg:s8], $0x5FFFF  }
0xad: {  	[dreg:$0x1] =	wrdreg $0xFFFFFFFF  }
0xae: {  	[dreg:$0x0] =	wrdreg $0x60  }
0xaf: {  	[dreg:$0x2] =	wrdreg s2  }
0xb0: {  	[dreg:$0x3] =	wrdreg s24  }
0xb1: {  	[dreg:$0x4] =	wrdreg s18  }
0xb2: {  	[dreg:$0x5] =	wrdreg $0x9  }
0xb3: {  	_ =	task.clear_ibuf [dreg:s8], $0x6FFFF;
	_ =	strace $0x90000046  }
0xb4: {  	s29 =	simm.s32 $0x9;
	_ =	strace $0x80000048  }
0xb5: {  	_ =	swait.ge [sflag:s29], $0x1  }
0xb6: {  	[sflag:s29] =	ssyncadd.s32 $0xFFFFFFFF  }
0xb7: {  	_ =	strace $0x90000048  }
0xb8: {  	_ =	sfence  }
0xb9: {  	s30 =	sld [smem:$0x0];
	_ =	sdelay $0x2  }
0xba: {  	s31 =	sshll.u32 s1, $0xD;
	s1 =	sshrl.u32 s1, $0x2  }
0xbb: {  	s3 =	sand.u32 $0x4000, s31;
	s1 =	sadd.s32 s1, s30  }
0xbc: {  	s0 =	sor.u32 s3, s0;
	s1 =	sshll.u32 s1, $0x11  }
0xbd: {  	s0 =	sor.u32 s1, s0  }
0xbe: {  	s0 =	sadd.s32 $0x8F2B, s0  }
0xbf: {  	[sflag:s0] =	ssyncadd.remote.s32 $0x1  }
0xc0: {  	_ =	sfence.sel $0xFFFF  }
0xc1: {  	[dreg:$0x0] =	wrdreg $0xFFFFFFFF;
	(pc) =	sbr.abs _section_cstart, $3  }
0xc2: {  	[dreg:$0x1] =	wrdreg $0xFFFFFFFF  }
0xc3: {  	_ =	task.clear_ibuf [dreg:s8], $0x2FFFF;
	_ =	strace $0x9FFFFFFF  }
0xc4: {  	(tm) =	ssettm $0x7FFFFFFF  }
0xc5: {  	_ =	shalt  }
tec
execute0_lowered:
.L_overlay_start_1:
0x0: {  	(tag) =	ssettag $0x1  }
0x1: {  	s0 =	rddreg [dreg:$0x0]  }
0x2: {  	s1 =	srdreg.scid;
	s2 =	rddreg [dreg:$0x1]  }
0x3: {  	s3 =	stileid.u32;
	s12 =	simm.s32 $0x1;
	s16 =	simm.s32 $0xC100  }
0x4: {  	s17 =	simm.s32 $0x1100;
	s18 =	simm.s32 $0x1900;
	s19 =	simm.s32 $0x2100  }
0x5: {  	s20 =	simm.s32 $0x2900;
	s21 =	simm.s32 $0x3100;
	s22 =	simm.s32 $0x3900  }
0x6: {  	s23 =	simm.s32 $0x4100;
	s28 =	simm.s32 $0x6100;
	s29 =	simm.s32 $0x6900  }
0x7: {  	s30 =	simm.s32 $0x7100;
	s31 =	simm.s32 $0x7900;
	s10 =	simm.s32 $0xA100  }
0x8: {  	s11 =	simm.s32 $0xA900;
	s9 =	simm.s32 $0xB100;
	s1 =	sand.u32 $0x1, s1  }
0x9: {  	s4 =	sshll.u32 s3, $0x7;
	s3 =	simm.s32 $0x0;
	s5 =	sshll.u32 s1, $0x6  }
0xa: {  	s15 =	simm.s32 $0xB900;
	[smem:$0x7FF] =	sst s3;
	s4 =	sor.u32 s5, s4  }
0xb: {  	s1 =	ssub.s32 $0x2, s1;
	_ =	strace $0x80000047;
	s5 =	sshrl.u32 s4, $0x3  }
0xc: {  	s24 =	sshrl.u32 s1, $0x1;
	s4 =	sshll.u32 s4, $0x4;
	s6 =	sadd.s32 s5, s2  }
0xd: {  	s1 =	ssub.s32 s1, s24;
	s24 =	simm.s32 $0x4900;
	s8 =	sadd.s32 $0x41800, s6  }
0xe: {  	s7 =	sadd.s32 s4, s2;
	s6 =	sadd.s32 $0x41A00, s6;
	[dreg:$0x4] =	wrdreg s8  }
0xf: {  	s5 =	smul.u32 $0x300, s5;
	s25 =	sadd.s32 $0x1800, s7;
	[dreg:$0x5] =	wrdreg s6  }
0x10: {  	s4 =	sadd.s32 $0x41C00, s2;
	s26 =	sadd.s32 $0x9800, s7;
	[dreg:$0x7] =	wrdreg s25  }
0x11: {  	v2 =	vlaneseq.u32;
	s7 =	smax.u32 s1, $0x1;
	s0 =	sadd.s32 s0, s5;
	[dreg:$0x8] =	wrdreg s26  }
0x12: {  	vm0 =	vmmov $0xffff;
	v1 =	vshrl.u32 v2, $0x3;
	s5 =	sadd.s32 $0x41D00, s2;
	s6 =	sadd.s32 $0x41E00, s2;
	s25 =	simm.s32 $0x5100  }
0x13: {  	v0 =	vand.u32 $0x7, v2;
	v2 =	vor.u32 $0x8, v2;
	v1 =	vmul.u32 $0x8, v1;
	s26 =	simm.s32 $0x5900;
	s8 =	simm.s32 $0x9900;
	[dreg:$0x6] =	wrdreg s0  }
.LBB2_1:
0x14: {  	s13 =	rddreg [dreg:$0x4]  }
0x15: {  	[tilespmem:s3], [sflag:$0x1] =	stream.linear.gather [hbm4b:s13+s3], $0x40, $0x38;
	[tilespmem:$0x10100] =	vst v63  }
0x16: {  	s14 =	rddreg [dreg:$0x5];
	s0 =	simm.s32 $0x80  }
0x17: {  	[tilespmem:s0], [sflag:$0x1] =	stream.linear.gather [hbm4b:s14+s3], $0x40, $0x38;
	[tilespmem:$0x10100] =	vst v63  }
0x18: {  	s2 =	rddreg [dreg:$0x6];
	s0 =	simm.s32 $0x100  }
0x19: {  	[tilespmem:s0], [sflag:$0x1] =	stream.linear.gather [hbm4b:s2+s3], $0xC000, $0x38;
	[tilespmem:$0x10100] =	vst v63  }
0x1a: {  	s1 =	rddreg [dreg:$0x7]  }
0x1b: {  	[tilespmem:s16], [sflag:$0x1] =	stream.linear.gather [hbm4b:s1+s3], $0x2000, $0x38;
	[tilespmem:$0x10100] =	vst v63  }
0x1c: {  	s2 =	rddreg [dreg:$0x8];
	s1 =	simm.s32 $0xE100  }
0x1d: {  	[tilespmem:s1], [sflag:$0x1] =	stream.linear.gather [hbm4b:s2+s3], $0x2000, $0x38;
	[tilespmem:$0x10100] =	vst v63  }
0x1e: {  	_ =	swait.ge [sflag:s12], $0x40  }
0x1f: {  	[sflag:s12] =	ssyncset.done $0x0  }
0x20: {  	[sflag:s12] =	ssyncadd.s32 $0xFFFFFFC0  }
0x21: {  	_ =	swait.ge [sflag:s12], $0x40  }
0x22: {  	[sflag:s12] =	ssyncset.done $0x0  }
0x23: {  	[sflag:s12] =	ssyncadd.s32 $0xFFFFFFC0  }
0x24: {  	_ =	swait.ge [sflag:s12], $0xC000  }
0x25: {  	[sflag:s12] =	ssyncset.done $0x0  }
0x26: {  	[sflag:s12] =	ssyncadd.s32 $0xFFFF4000  }
0x27: {  	_ =	swait.ge [sflag:s12], $0x2000  }
0x28: {  	[sflag:s12] =	ssyncset.done $0x0  }
0x29: {  	[sflag:s12] =	ssyncadd.s32 $0xFFFFE000  }
0x2a: {  	_ =	swait.ge [sflag:s12], $0x2000  }
0x2b: {  	[sflag:s12] =	ssyncset.done $0x0  }
0x2c: {  	[sflag:s12] =	ssyncadd.s32 $0xFFFFE000  }
0x2d: {  	v3 =	vld [tilespmem:$0x0];
	_ =	sdelay $0x4  }
0x2e: {  	v4 =	vshrl.u32 v3, $0x3  }
0x2f: {  	v4 =	vmul.u32 $0x30, v4  }
0x30: {  	v3 =	vand.u32 $0x7, v3  }
0x31: {  	v3 =	vor.u32 v3, v4  }
0x32: {  	v4 =	vperm.xlane v3, v0;
	_ =	sdelay $0x1  }
0x33: {  	v4 =	vadd.s32 v1, v4;
	_ =	sdelay $0x3  }
0x34: {  	v3 =	vperm.xlane v3, v2  }
0x35: {  	[hbm4b:s4+s3] =	stream.indirect_vreg.scatter [tilespmem:s0], [sflag:$0x1], $0x80, v4, vm0, $0xb8;
	[tilespmem:$0x10100] =	vst v63  }
0x36: {  	s13 =	simm.s32 $0x900;
	v3 =	vadd.s32 v1, v3  }
0x37: {  	[hbm4b:s5+s3] =	stream.indirect_vreg.scatter [tilespmem:s13], [sflag:$0x1], $0x80, v4, vm0, $0xb8;
	[tilespmem:$0x10100] =	vst v63  }
0x38: {  	_ = 	snop  }
0x39: {  	[hbm4b:s6+s3] =	stream.indirect_vreg.scatter [tilespmem:s17], [sflag:$0x1], $0x80, v4, vm0, $0xb8;
	[tilespmem:$0x10100] =	vst v63  }
0x3a: {  	_ = 	snop  }
0x3b: {  	[hbm4b:s4+s3] =	stream.indirect_vreg.scatter [tilespmem:s18], [sflag:$0x1], $0x80, v3, vm0, $0xb8;
	[tilespmem:$0x10100] =	vst v63  }
0x3c: {  	_ = 	snop  }
0x3d: {  	[hbm4b:s5+s3] =	stream.indirect_vreg.scatter [tilespmem:s19], [sflag:$0x1], $0x80, v3, vm0, $0xb8;
	[tilespmem:$0x10100] =	vst v63  }
0x3e: {  	_ = 	snop  }
0x3f: {  	[hbm4b:s6+s3] =	stream.indirect_vreg.scatter [tilespmem:s20], [sflag:$0x1], $0x80, v3, vm0, $0xb8;
	[tilespmem:$0x10100] =	vst v63  }
0x40: {  	v3 =	vld [tilespmem:$0x10];
	_ =	sdelay $0x4  }
0x41: {  	v57 =	vshrl.u32 v3, $0x3  }
0x42: {  	v4 =	vmul.u32 $0x30, v57  }
0x43: {  	v3 =	vand.u32 $0x7, v3  }
0x44: {  	v3 =	vor.u32 v3, v4  }
0x45: {  	v4 =	vperm.xlane v3, v0;
	_ =	sdelay $0x1  }
0x46: {  	v4 =	vadd.s32 v1, v4;
	_ =	sdelay $0x3  }
0x47: {  	v3 =	vperm.xlane v3, v2  }
0x48: {  	[hbm4b:s4+s3] =	stream.indirect_vreg.scatter [tilespmem:s21], [sflag:$0x1], $0x80, v4, vm0, $0xb8;
	[tilespmem:$0x10100] =	vst v63  }
0x49: {  	v3 =	vadd.s32 v1, v3  }
0x4a: {  	[hbm4b:s5+s3] =	stream.indirect_vreg.scatter [tilespmem:s22], [sflag:$0x1], $0x80, v4, vm0, $0xb8;
	[tilespmem:$0x10100] =	vst v63  }
0x4b: {  	_ = 	snop  }
0x4c: {  	[hbm4b:s6+s3] =	stream.indirect_vreg.scatter [tilespmem:s23], [sflag:$0x1], $0x80, v4, vm0, $0xb8;
	[tilespmem:$0x10100] =	vst v63  }
0x4d: {  	_ = 	snop  }
0x4e: {  	[hbm4b:s4+s3] =	stream.indirect_vreg.scatter [tilespmem:s24], [sflag:$0x1], $0x80, v3, vm0, $0xb8;
	[tilespmem:$0x10100] =	vst v63  }
0x4f: {  	_ = 	snop  }
0x50: {  	[hbm4b:s5+s3] =	stream.indirect_vreg.scatter [tilespmem:s25], [sflag:$0x1], $0x80, v3, vm0, $0xb8;
	[tilespmem:$0x10100] =	vst v63  }
0x51: {  	_ = 	snop  }
0x52: {  	[hbm4b:s6+s3] =	stream.indirect_vreg.scatter [tilespmem:s26], [sflag:$0x1], $0x80, v3, vm0, $0xb8;
	[tilespmem:$0x10100] =	vst v63  }
0x53: {  	v3 =	vld [tilespmem:$0x20];
	_ =	sdelay $0x4  }
0x54: {  	v58 =	vshrl.u32 v3, $0x3  }
0x55: {  	v4 =	vmul.u32 $0x30, v58  }
0x56: {  	v3 =	vand.u32 $0x7, v3  }
0x57: {  	v3 =	vor.u32 v3, v4  }
0x58: {  	v4 =	vperm.xlane v3, v0;
	_ =	sdelay $0x1  }
0x59: {  	v4 =	vadd.s32 v1, v4;
	_ =	sdelay $0x3  }
0x5a: {  	v3 =	vperm.xlane v3, v2  }
0x5b: {  	[hbm4b:s4+s3] =	stream.indirect_vreg.scatter [tilespmem:s28], [sflag:$0x1], $0x80, v4, vm0, $0xb8;
	[tilespmem:$0x10100] =	vst v63  }
0x5c: {  	v3 =	vadd.s32 v1, v3  }
0x5d: {  	[hbm4b:s5+s3] =	stream.indirect_vreg.scatter [tilespmem:s29], [sflag:$0x1], $0x80, v4, vm0, $0xb8;
	[tilespmem:$0x10100] =	vst v63  }
0x5e: {  	_ = 	snop  }
0x5f: {  	[hbm4b:s6+s3] =	stream.indirect_vreg.scatter [tilespmem:s30], [sflag:$0x1], $0x80, v4, vm0, $0xb8;
	[tilespmem:$0x10100] =	vst v63  }
0x60: {  	_ = 	snop  }
0x61: {  	[hbm4b:s4+s3] =	stream.indirect_vreg.scatter [tilespmem:s31], [sflag:$0x1], $0x80, v3, vm0, $0xb8;
	[tilespmem:$0x10100] =	vst v63  }
0x62: {  	s1 =	simm.s32 $0x8100  }
0x63: {  	[hbm4b:s5+s3] =	stream.indirect_vreg.scatter [tilespmem:s1], [sflag:$0x1], $0x80, v3, vm0, $0xb8;
	[tilespmem:$0x10100] =	vst v63  }
0x64: {  	s14 =	simm.s32 $0x8900  }
0x65: {  	[hbm4b:s6+s3] =	stream.indirect_vreg.scatter [tilespmem:s14], [sflag:$0x1], $0x80, v3, vm0, $0xb8;
	[tilespmem:$0x10100] =	vst v63  }
0x66: {  	v3 =	vld [tilespmem:$0x30];
	_ =	sdelay $0x4  }
0x67: {  	v59 =	vshrl.u32 v3, $0x3  }
0x68: {  	v4 =	vmul.u32 $0x30, v59  }
0x69: {  	v3 =	vand.u32 $0x7, v3  }
0x6a: {  	v3 =	vor.u32 v3, v4  }
0x6b: {  	v4 =	vperm.xlane v3, v0;
	_ =	sdelay $0x1  }
0x6c: {  	v4 =	vadd.s32 v1, v4;
	_ =	sdelay $0x3  }
0x6d: {  	s2 =	simm.s32 $0x9100;
	v3 =	vperm.xlane v3, v2  }
0x6e: {  	[hbm4b:s4+s3] =	stream.indirect_vreg.scatter [tilespmem:s2], [sflag:$0x1], $0x80, v4, vm0, $0xb8;
	[tilespmem:$0x10100] =	vst v63  }
0x6f: {  	v3 =	vadd.s32 v1, v3  }
0x70: {  	[hbm4b:s5+s3] =	stream.indirect_vreg.scatter [tilespmem:s8], [sflag:$0x1], $0x80, v4, vm0, $0xb8;
	[tilespmem:$0x10100] =	vst v63  }
0x71: {  	_ = 	snop  }
0x72: {  	[hbm4b:s6+s3] =	stream.indirect_vreg.scatter [tilespmem:s10], [sflag:$0x1], $0x80, v4, vm0, $0xb8;
	[tilespmem:$0x10100] =	vst v63  }
0x73: {  	_ = 	snop  }
0x74: {  	[hbm4b:s4+s3] =	stream.indirect_vreg.scatter [tilespmem:s11], [sflag:$0x1], $0x80, v3, vm0, $0xb8;
	[tilespmem:$0x10100] =	vst v63  }
0x75: {  	_ = 	snop  }
0x76: {  	[hbm4b:s5+s3] =	stream.indirect_vreg.scatter [tilespmem:s9], [sflag:$0x1], $0x80, v3, vm0, $0xb8;
	[tilespmem:$0x10100] =	vst v63  }
0x77: {  	_ = 	snop  }
0x78: {  	[hbm4b:s6+s3] =	stream.indirect_vreg.scatter [tilespmem:s15], [sflag:$0x1], $0x80, v3, vm0, $0xb8;
	[tilespmem:$0x10100] =	vst v63  }
0x79: {  	v3 =	vld [tilespmem:$0x80];
	_ =	sdelay $0x4  }
0x7a: {  	v60 =	vshrl.u32 v3, $0x3  }
0x7b: {  	v4 =	vmul.u32 $0x30, v60  }
0x7c: {  	v3 =	vand.u32 $0x7, v3  }
0x7d: {  	v3 =	vor.u32 v3, v4  }
0x7e: {  	v4 =	vperm.xlane v3, v0;
	_ =	sdelay $0x1  }
0x7f: {  	v4 =	vadd.s32 v1, v4;
	_ =	sdelay $0x3  }
0x80: {  	v3 =	vperm.xlane v3, v2  }
0x81: {  	[hbm4b:s4+s3] =	stream.indirect_vreg.scatter [tilespmem:s0], [sflag:$0x1], $0x80, v4, vm0, $0xb8;
	[tilespmem:$0x10100] =	vst v63  }
0x82: {  	v3 =	vadd.s32 v1, v3  }
0x83: {  	[hbm4b:s5+s3] =	stream.indirect_vreg.scatter [tilespmem:s13], [sflag:$0x1], $0x80, v4, vm0, $0xb8;
	[tilespmem:$0x10100] =	vst v63  }
0x84: {  	_ = 	snop  }
0x85: {  	[hbm4b:s6+s3] =	stream.indirect_vreg.scatter [tilespmem:s17], [sflag:$0x1], $0x80, v4, vm0, $0xb8;
	[tilespmem:$0x10100] =	vst v63  }
0x86: {  	_ = 	snop  }
0x87: {  	[hbm4b:s4+s3] =	stream.indirect_vreg.scatter [tilespmem:s18], [sflag:$0x1], $0x80, v3, vm0, $0xb8;
	[tilespmem:$0x10100] =	vst v63  }
0x88: {  	_ = 	snop  }
0x89: {  	[hbm4b:s5+s3] =	stream.indirect_vreg.scatter [tilespmem:s19], [sflag:$0x1], $0x80, v3, vm0, $0xb8;
	[tilespmem:$0x10100] =	vst v63  }
0x8a: {  	_ = 	snop  }
0x8b: {  	[hbm4b:s6+s3] =	stream.indirect_vreg.scatter [tilespmem:s20], [sflag:$0x1], $0x80, v3, vm0, $0xb8;
	[tilespmem:$0x10100] =	vst v63  }
0x8c: {  	v3 =	vld [tilespmem:$0x90];
	_ =	sdelay $0x4  }
0x8d: {  	v61 =	vshrl.u32 v3, $0x3  }
0x8e: {  	v4 =	vmul.u32 $0x30, v61  }
0x8f: {  	v3 =	vand.u32 $0x7, v3  }
0x90: {  	v3 =	vor.u32 v3, v4  }
0x91: {  	v4 =	vperm.xlane v3, v0;
	_ =	sdelay $0x1  }
0x92: {  	v4 =	vadd.s32 v1, v4;
	_ =	sdelay $0x3  }
0x93: {  	v3 =	vperm.xlane v3, v2  }
0x94: {  	[hbm4b:s4+s3] =	stream.indirect_vreg.scatter [tilespmem:s21], [sflag:$0x1], $0x80, v4, vm0, $0xb8;
	[tilespmem:$0x10100] =	vst v63  }
0x95: {  	v3 =	vadd.s32 v1, v3  }
0x96: {  	[hbm4b:s5+s3] =	stream.indirect_vreg.scatter [tilespmem:s22], [sflag:$0x1], $0x80, v4, vm0, $0xb8;
	[tilespmem:$0x10100] =	vst v63  }
0x97: {  	_ = 	snop  }
0x98: {  	[hbm4b:s6+s3] =	stream.indirect_vreg.scatter [tilespmem:s23], [sflag:$0x1], $0x80, v4, vm0, $0xb8;
	[tilespmem:$0x10100] =	vst v63  }
0x99: {  	_ = 	snop  }
0x9a: {  	[hbm4b:s4+s3] =	stream.indirect_vreg.scatter [tilespmem:s24], [sflag:$0x1], $0x80, v3, vm0, $0xb8;
	[tilespmem:$0x10100] =	vst v63  }
0x9b: {  	_ = 	snop  }
0x9c: {  	[hbm4b:s5+s3] =	stream.indirect_vreg.scatter [tilespmem:s25], [sflag:$0x1], $0x80, v3, vm0, $0xb8;
	[tilespmem:$0x10100] =	vst v63  }
0x9d: {  	_ = 	snop  }
0x9e: {  	[hbm4b:s6+s3] =	stream.indirect_vreg.scatter [tilespmem:s26], [sflag:$0x1], $0x80, v3, vm0, $0xb8;
	[tilespmem:$0x10100] =	vst v63  }
0x9f: {  	v3 =	vld [tilespmem:$0xA0];
	_ =	sdelay $0x4  }
0xa0: {  	v62 =	vshrl.u32 v3, $0x3  }
0xa1: {  	v4 =	vmul.u32 $0x30, v62  }
0xa2: {  	v3 =	vand.u32 $0x7, v3  }
0xa3: {  	v3 =	vor.u32 v3, v4  }
0xa4: {  	v4 =	vperm.xlane v3, v0;
	_ =	sdelay $0x1  }
0xa5: {  	v4 =	vadd.s32 v1, v4;
	_ =	sdelay $0x3  }
0xa6: {  	v3 =	vperm.xlane v3, v2  }
0xa7: {  	[hbm4b:s4+s3] =	stream.indirect_vreg.scatter [tilespmem:s28], [sflag:$0x1], $0x80, v4, vm0, $0xb8;
	[tilespmem:$0x10100] =	vst v63  }
0xa8: {  	v3 =	vadd.s32 v1, v3  }
0xa9: {  	[hbm4b:s5+s3] =	stream.indirect_vreg.scatter [tilespmem:s29], [sflag:$0x1], $0x80, v4, vm0, $0xb8;
	[tilespmem:$0x10100] =	vst v63  }
0xaa: {  	_ = 	snop  }
0xab: {  	[hbm4b:s6+s3] =	stream.indirect_vreg.scatter [tilespmem:s30], [sflag:$0x1], $0x80, v4, vm0, $0xb8;
	[tilespmem:$0x10100] =	vst v63  }
0xac: {  	_ = 	snop  }
0xad: {  	[hbm4b:s4+s3] =	stream.indirect_vreg.scatter [tilespmem:s31], [sflag:$0x1], $0x80, v3, vm0, $0xb8;
	[tilespmem:$0x10100] =	vst v63  }
0xae: {  	_ = 	snop  }
0xaf: {  	[hbm4b:s5+s3] =	stream.indirect_vreg.scatter [tilespmem:s1], [sflag:$0x1], $0x80, v3, vm0, $0xb8;
	[tilespmem:$0x10100] =	vst v63  }
0xb0: {  	_ = 	snop  }
0xb1: {  	[hbm4b:s6+s3] =	stream.indirect_vreg.scatter [tilespmem:s14], [sflag:$0x1], $0x80, v3, vm0, $0xb8;
	[tilespmem:$0x10100] =	vst v63  }
0xb2: {  	v3 =	vld [tilespmem:$0xB0];
	_ =	sdelay $0x4  }
0xb3: {  	v63 =	vshrl.u32 v3, $0x3  }
0xb4: {  	v4 =	vmul.u32 $0x30, v63  }
0xb5: {  	v3 =	vand.u32 $0x7, v3  }
0xb6: {  	v3 =	vor.u32 v3, v4  }
0xb7: {  	v4 =	vperm.xlane v3, v0;
	_ =	sdelay $0x1  }
0xb8: {  	v4 =	vadd.s32 v1, v4;
	_ =	sdelay $0x3  }
0xb9: {  	v3 =	vperm.xlane v3, v2  }
0xba: {  	[hbm4b:s4+s3] =	stream.indirect_vreg.scatter [tilespmem:s2], [sflag:$0x1], $0x80, v4, vm0, $0xb8;
	[tilespmem:$0x10100] =	vst v63  }
0xbb: {  	v3 =	vadd.s32 v1, v3  }
0xbc: {  	[hbm4b:s5+s3] =	stream.indirect_vreg.scatter [tilespmem:s8], [sflag:$0x1], $0x80, v4, vm0, $0xb8;
	[tilespmem:$0x10100] =	vst v63  }
0xbd: {  	_ = 	snop  }
0xbe: {  	[hbm4b:s6+s3] =	stream.indirect_vreg.scatter [tilespmem:s10], [sflag:$0x1], $0x80, v4, vm0, $0xb8;
	[tilespmem:$0x10100] =	vst v63  }
0xbf: {  	_ = 	snop  }
0xc0: {  	[hbm4b:s4+s3] =	stream.indirect_vreg.scatter [tilespmem:s11], [sflag:$0x1], $0x80, v3, vm0, $0xb8;
	[tilespmem:$0x10100] =	vst v63  }
0xc1: {  	_ = 	snop  }
0xc2: {  	[hbm4b:s5+s3] =	stream.indirect_vreg.scatter [tilespmem:s9], [sflag:$0x1], $0x80, v3, vm0, $0xb8;
	[tilespmem:$0x10100] =	vst v63  }
0xc3: {  	_ = 	snop  }
0xc4: {  	[hbm4b:s6+s3] =	stream.indirect_vreg.scatter [tilespmem:s15], [sflag:$0x1], $0x80, v3, vm0, $0xb8;
	[tilespmem:$0x10100] =	vst v63  }
0xc5: {  	s0 =	rddreg [dreg:$0x2];
	s1 =	simm.s32 $0x40  }
0xc6: {  	[hbm4b:s0+s1] =	stream.indirect.scatter [tilespmem:s16], [sflag:$0x1], $0x80, s3, s1, $0xb8;
	[tilespmem:$0x10100] =	vst v63  }
0xc7: {  	s14 =	simm.s32 $0xE100;
	s2 =	simm.s32 $0x80  }
0xc8: {  	[hbm4b:s0+s1] =	stream.indirect.scatter [tilespmem:s14], [sflag:$0x1], $0x80, s2, s1, $0xb8;
	[tilespmem:$0x10100] =	vst v63  }
0xc9: {  	_ =	swait.ge [sflag:s12], $0xC000  }
0xca: {  	[sflag:s12] =	ssyncset.done $0x0  }
0xcb: {  	[sflag:s12] =	ssyncadd.s32 $0xFFFF4000  }
0xcc: {  	_ =	swait.ge [sflag:s12], $0xC000  }
0xcd: {  	[sflag:s12] =	ssyncset.done $0x0  }
0xce: {  	[sflag:s12] =	ssyncadd.s32 $0xFFFF4000  }
0xcf: {  	p0 =	sne.s32 s7, $0x1;
	_ =	swait.ge [sflag:s12], $0x2000  }
.Ltmp0:
0xd0: {  	[sflag:s12] =	ssyncset.done $0x0;
	(pc) =	sbr.rel @p0 .LBB2_1-.Ltmp0, $4  }
0xd1: {  	[sflag:s12] =	ssyncadd.s32 $0xFFFFE000  }
0xd2: {  	_ =	swait.ge [sflag:s12], $0x2000  }
0xd3: {  	[sflag:s12] =	ssyncset.done $0x0  }
0xd4: {  	s7 =	sadd.s32 $0xFFFFFFFF, s7;
	[sflag:s12] =	ssyncadd.s32 $0xFFFFE000  }
0xd5: {  	_ =	sfence.sel $0x180000  }
0xd6: {  	[bflag:$0x0] =	sbarrier.arrive $0xFFFF  }
0xd7: {  	_ =	strace $0x90000047  }
0xd8: {  	s0 =	stileid.u32;
	[bflag:$0x2] =	sbarrier.arrive $0xFFFF  }
0xd9: {  	p0 =	sne.s32 s0, $0x0;
	s0 =	rddreg [dreg:$0x3]  }
0xda: {  	s0 =	sadd.s32 @!p0 $0x100000, s0  }
0xdb: {  	[sflag:s0] =	ssyncadd.tile.s32 @!p0 $0x1;
	_ =	shalt  }
.Lfunc_end2:
_tile_overlayer_lowered:
.L_overlay_start_2:
0xdc: {  	(tag) =	ssettag $0x2  }
0xdd: {  	s0 =	rddreg [dreg:$0x0];
	s2 =	stileid.u32  }
0xde: {  	s1 =	rddreg [dreg:$0x1];
	p0 =	sne.s32 s2, $0x0  }
0xdf: {  	s3 =	rddreg [dreg:$0x2];
	[bflag:$0x3] =	sbarrier.arrive $0xFFFF;
	s2 =	simm.s32 @!p0 $0x1C02  }
0xe0: {  	[timem:s3], [sflag:s2] =	dma.local @!p0 [hbm:s0], s1  }
0xe1: {  	s0 =	simm.s32 @!p0 $0x2  }
0xe2: {  	_ =	swait.ge @!p0 [sflag:s0], s1  }
0xe3: {  	s1 =	ssub.s32 @!p0 $0x0, s1;
	[sflag:s0] =	ssyncset.done @!p0 $0x0  }
0xe4: {  	[sflag:s0] =	ssyncadd.s32 @!p0 s1  }
0xe5: {  	[bflag:$0x3] =	sbarrier.arrive $0xFFFF  }
0xe6: {  	_ =	shalt  }

// kernel: kernel.9.cloned.1.call-start
scs
__scs_entry_jumppad:
0x0: {  	(pc) =	sbr.rel $0x88, $3  }
0x1: {  	(tag) =	ssettag $0x0;
	lr =	simm.s32 $0x1  }
0x2: {  	[smem:$0x3F95] =	sst lr;
	_ =	strace $0xD0000000  }
0x3: {  	_ = 	snop  }
0x4: {  	_ = 	snop  }
0x5: {  	_ = 	snop  }
0x6: {  	_ = 	snop  }
0x7: {  	_ = 	snop  }
__scs_overlays_trampoline_lowered:
0x8: {  	[smem:$0x3FA4] =	sst s0  }
0x9: {  	[smem:$0x3FA5] =	sst s1  }
0xa: {  	[smem:$0x3FA6] =	sst s2  }
0xb: {  	[smem:$0x3FA7] =	sst s3  }
0xc: {  	[smem:$0x3FA8] =	sst s4  }
0xd: {  	[smem:$0x3FA9] =	sst s5  }
0xe: {  	[smem:$0x3FAA] =	sst s6  }
0xf: {  	[smem:$0x3FAB] =	sst s7  }
0x10: {  	[smem:$0x3FAC] =	sst s8  }
0x11: {  	[smem:$0x3FAD] =	sst s9;
	s0 =	simm.s32 @!p0 $0x0  }
0x12: {  	s1 =	sld [smem:$0x3F93];
	s0 =	simm.s32 @p0 $0x1  }
0x13: {  	[smem:$0x3FAE] =	sst s0;
	s0 =	simm.s32 @!p1 $0x0  }
0x14: {  	s2 =	sld [smem:$0x3F92];
	s0 =	simm.s32 @p1 $0x1  }
0x15: {  	[smem:$0x3FAF] =	sst s0;
	s0 =	simm.s32 @!p2 $0x0  }
0x16: {  	s3 =	sld [smem:$0x3FDB];
	s0 =	simm.s32 @p2 $0x1  }
0x17: {  	s4 =	simm.s32 $0x1BF5;
	[smem:$0x3FB1] =	sst s0  }
0x18: {  	s0 =	sld [smem:$0x3F94];
	_ =	swait.ge [sflag:s4], $0x0  }
0x19: {  	s7 =	sld [smem:$0x3F95]  }
0x1a: {  	s8 =	sadd.s32 $0xFFFFE003, lr  }
0x1b: {  	s9 =	sadd.s32 $0xFFFFFEF7, lr;
	s5 =	simm.s32 $0xFFFFFFFF;
	p2 =	slt.u32 s8, $0xFFFFF086  }
0x1c: {  	p1 =	slt.u32 s9, $0xF7A;
	s5 =	simm.s32 @!p2 $0x0  }
0x1d: {  	s5 =	simm.s32 @p1 $0x1;
	p0 =	seq.s32 s7, s2  }
0x1e: {  	s7 =	smul.u32 @!p0 $0xF7A, s2;
	p2 =	seq.s32 @!p0 s5, $0x0  }
0x1f: {  	s9 =	smul.u32 $0xF7A, s1;
	s8 =	simm.s32 @!p0 $0x1BF5;
	p2 =	por !p2, p0  }
0x20: {  	[sflag:s8] =	ssyncset.s32 @!p0 $0xFFFFF086;
	s6 =	sadd.s32 @!p0 s3, s7;
	s7 =	simm.s32 @!p0 $0x108  }
0x21: {  	s3 =	sadd.s32 s3, s9;
	s6 =	sadd.s32 @!p0 $0x88, s6;
	s7 =	simm.s32 @p2 $0x1082  }
0x22: {  	[simem:s7], [sflag:s8] =	dma.local @!p0 [hbm:s6], $0xF7A  }
0x23: {  	s9 =	sor.u32 $0xD0000000, s2;
	s6 =	simm.s32 $0x108;
	_ =	swait.ge @!p0 [sflag:s8], $0x0  }
0x24: {  	s3 =	sadd.s32 $0x88, s3;
	s6 =	simm.s32 @!p1 $0x1082;
	[sflag:s4] =	ssyncset.s32 $0xFFFFF086  }
0x25: {  	[simem:s6], [sflag:s4] =	dma.local [hbm:s3], $0xF7A  }
0x26: {  	[smem:$0x3F95] =	sst s1;
	(tag) =	ssettag s2;
	_ =	strace s9  }
0x27: {  	s1 =	sld [smem:$0x3FA5]  }
0x28: {  	s2 =	sld [smem:$0x3FA6]  }
0x29: {  	s4 =	sld [smem:$0x3FA8]  }
0x2a: {  	p0 =	seq.s32 s5, $0x0;
	s5 =	sld [smem:$0x3FA9]  }
0x2b: {  	s6 =	sld [smem:$0x3FAA]  }
0x2c: {  	s7 =	sld [smem:$0x3FAB]  }
0x2d: {  	s3 =	simm.s32 $0x108;
	s8 =	sld [smem:$0x3FAC]  }
0x2e: {  	s3 =	simm.s32 @!p0 $0x1082;
	s9 =	sld [smem:$0x3FAD]  }
0x2f: {  	lr =	sadd.s32 s0, s3;
	s0 =	sld [smem:$0x3FA4]  }
0x30: {  	s3 =	sld [smem:$0x3FA7]  }
0x31: {  	[smem:$0x3FB0] =	sst s10  }
0x32: {  	s10 =	sld [smem:$0x3FAE];
	_ =	sdelay $0x3  }
0x33: {  	p0 =	seq.s32 s10, $0x1;
	s10 =	sld [smem:$0x3FB0];
	_ =	sdelay $0x3  }
0x34: {  	[smem:$0x3FB0] =	sst s10  }
0x35: {  	s10 =	sld [smem:$0x3FAF];
	_ =	sdelay $0x3  }
0x36: {  	p1 =	seq.s32 s10, $0x1;
	s10 =	sld [smem:$0x3FB0];
	_ =	sdelay $0x3  }
0x37: {  	[smem:$0x3FB0] =	sst s10  }
0x38: {  	s10 =	sld [smem:$0x3FB1]  }
0x39: {  	_ = 	snop;
	(pc) =	sbr.ind lr, $3  }
0x3a: {  	_ = 	snop  }
0x3b: {  	_ = 	snop  }
0x3c: {  	p2 =	seq.s32 s10, $0x1;
	s10 =	sld [smem:$0x3FB0]  }
0x3d: {  	_ =	shalt  }
0x3e: {  	_ =	shalt  }
0x3f: {  	_ =	shalt  }
0x40: {  	_ =	shalt  }
0x41: {  	_ =	shalt  }
0x42: {  	_ =	shalt  }
0x43: {  	_ =	shalt  }
0x44: {  	_ =	shalt  }
0x45: {  	_ =	shalt  }
0x46: {  	_ =	shalt  }
0x47: {  	_ =	shalt  }
0x48: {  	_ =	shalt  }
0x49: {  	_ =	shalt  }
0x4a: {  	_ =	shalt  }
0x4b: {  	_ =	shalt  }
0x4c: {  	_ =	shalt  }
0x4d: {  	_ =	shalt  }
0x4e: {  	_ =	shalt  }
0x4f: {  	_ =	shalt  }
0x50: {  	_ =	shalt  }
0x51: {  	_ =	shalt  }
0x52: {  	_ =	shalt  }
0x53: {  	_ =	shalt  }
0x54: {  	_ =	shalt  }
0x55: {  	_ =	shalt  }
0x56: {  	_ =	shalt  }
0x57: {  	_ =	shalt  }
0x58: {  	_ =	shalt  }
0x59: {  	_ =	shalt  }
0x5a: {  	_ =	shalt  }
0x5b: {  	_ =	shalt  }
0x5c: {  	_ =	shalt  }
0x5d: {  	_ =	shalt  }
0x5e: {  	_ =	shalt  }
0x5f: {  	_ =	shalt  }
0x60: {  	_ =	shalt  }
0x61: {  	_ =	shalt  }
0x62: {  	_ =	shalt  }
0x63: {  	_ =	shalt  }
0x64: {  	_ =	shalt  }
0x65: {  	_ =	shalt  }
0x66: {  	_ =	shalt  }
0x67: {  	_ =	shalt  }
0x68: {  	_ =	shalt  }
0x69: {  	_ =	shalt  }
0x6a: {  	_ =	shalt  }
0x6b: {  	_ =	shalt  }
0x6c: {  	_ =	shalt  }
0x6d: {  	_ =	shalt  }
0x6e: {  	_ =	shalt  }
0x6f: {  	_ =	shalt  }
0x70: {  	_ =	shalt  }
0x71: {  	_ =	shalt  }
0x72: {  	_ =	shalt  }
0x73: {  	_ =	shalt  }
0x74: {  	_ =	shalt  }
0x75: {  	_ =	shalt  }
0x76: {  	_ =	shalt  }
0x77: {  	_ =	shalt  }
0x78: {  	_ =	shalt  }
0x79: {  	_ =	shalt  }
0x7a: {  	_ =	shalt  }
0x7b: {  	_ =	shalt  }
0x7c: {  	_ =	shalt  }
0x7d: {  	_ =	shalt  }
0x7e: {  	_ =	shalt  }
0x7f: {  	_ =	shalt  }
0x80: {  	_ =	shalt  }
0x81: {  	_ =	shalt  }
0x82: {  	_ =	shalt  }
0x83: {  	_ =	shalt  }
0x84: {  	_ =	shalt  }
0x85: {  	_ =	shalt  }
0x86: {  	_ =	shalt  }
0x87: {  	_ =	shalt  }
.Lfunc_end0:
.L_simem_size_0:
called_computation.1_lowered:
.L_overlay_start_0:
0x88: {  	s2 =	sld [smem:$0x3FD9]  }
0x89: {  	s3 =	sld [smem:$0x3FFE];
	_ =	sdelay $0x1  }
0x8a: {  	s1 =	srdreg.scid  }
0x8b: {  	s0 =	sand.u32 $0x1, s1  }
0x8c: {  	s17 =	sshll.u32 s0, $0xA;
	s2 =	sadd.s32 s3, s2  }
0x8d: {  	s2 =	sadd.s32 s2, s17  }
0x8e: {  	[smem:$0x3FBC] =	sst s2  }
0x8f: {  	_ = 	snop  }
0x90: {  	s2 =	sld [smem:$0x3FD0];
	(tm) =	ssettm $0x1  }
0x91: {  	s18 =	sld [smem:$0x3FFB];
	_ =	sdelay $0x3  }
0x92: {  	_ =	strace s18  }
0x93: {  	s3 =	sld [smem:$0x3FFC];
	_ =	sdelay $0x3  }
0x94: {  	_ =	strace s3  }
0x95: {  	s3 =	sld [smem:$0x3FFD];
	_ =	sdelay $0x3  }
0x96: {  	_ =	strace s3  }
0x97: {  	_ =	strace $0x8FFFFFFF  }
0x98: {  	s19 =	sld [smem:$0x3FDB];
	_ =	sdelay $0x1  }
0x99: {  	s4 =	simm.s32 $_scs_section_size  }
0x9a: {  	s5 =	simm.s32 $_size__tile_overlayer_lowered;
	s6 =	simm.s32 $_tile_overlayer_lowered  }
0x9b: {  	s22 =	simm.s32 $0x1BFF;
	s21 =	sshll.u32 s6, $0x1;
	s3 =	sadd.s32 s4, s19  }
0x9c: {  	s7 =	simm.s32 $0x0;
	s20 =	sshll.u32 s5, $0x1;
	s5 =	sadd.s32 s21, s3  }
0x9d: {  	[timem:s7], [sflag:s22] =	dma.local [hbm:s5], s20  }
0x9e: {  	_ =	swait.ge [sflag:s22], s20  }
0x9f: {  	s4 =	ssub.s32 $0x0, s20;
	[sflag:s22] =	ssyncset.done $0x0  }
0xa0: {  	[sflag:s22] =	ssyncadd.s32 s4;
	_ =	sdelay $0x1  }
0xa1: {  	s23 =	simm.s32 $0x1B8B  }
0xa2: {  	_ =	swait.ge [sflag:s23], $0x1  }
0xa3: {  	[sflag:s23] =	ssyncset.done $0x0  }
0xa4: {  	s25 =	simm.s32 $0x1B8E;
	s24 =	sld [smem:$0x3FFE];
	[sflag:s23] =	ssyncadd.s32 $0xFFFFFFFF  }
0xa5: {  	s26 =	simm.s32 $execute0_lowered;
	[smem:$0x3FD2] =	sst s25  }
0xa6: {  	s5 =	sshll.u32 s26, $0x1;
	_ =	strace $0x80000049;
	[dreg:$0x1] =	wrdreg $0xFFFFFFFF  }
0xa7: {  	s28 =	simm.s32 $_size_execute0_lowered;
	s3 =	sadd.s32 s3, s5;
	[dreg:$0x0] =	wrdreg $0x0  }
0xa8: {  	s5 =	sshll.u32 s28, $0x1;
	[dreg:$0x2] =	wrdreg s3  }
0xa9: {  	[dreg:$0x3] =	wrdreg s5  }
0xaa: {  	[dreg:$0x4] =	wrdreg $0xC0  }
0xab: {  	_ =	task [dreg:s7], $0x5FFFF  }
0xac: {  	[dreg:$0x1] =	wrdreg $0xFFFFFFFF  }
0xad: {  	[dreg:$0x0] =	wrdreg $0x60  }
0xae: {  	[dreg:$0x2] =	wrdreg s24  }
0xaf: {  	[dreg:$0x3] =	wrdreg s2  }
0xb0: {  	[dreg:$0x4] =	wrdreg $0x9  }
0xb1: {  	_ =	task.clear_ibuf [dreg:s7], $0x5FFFF;
	_ =	strace $0x90000049  }
0xb2: {  	s29 =	simm.s32 $0x9;
	_ =	strace $0x8000004B  }
0xb3: {  	_ =	swait.ge [sflag:s29], $0x1  }
0xb4: {  	[sflag:s29] =	ssyncadd.s32 $0xFFFFFFFF  }
0xb5: {  	_ =	strace $0x9000004B  }
0xb6: {  	_ =	sfence  }
0xb7: {  	s30 =	sld [smem:$0x0];
	_ =	sdelay $0x2  }
0xb8: {  	s31 =	sshll.u32 s1, $0xD;
	s1 =	sshrl.u32 s1, $0x2  }
0xb9: {  	s3 =	sand.u32 $0x4000, s31;
	s1 =	sadd.s32 s1, s30  }
0xba: {  	s0 =	sor.u32 s3, s0;
	s1 =	sshll.u32 s1, $0x11  }
0xbb: {  	s0 =	sor.u32 s1, s0  }
0xbc: {  	s0 =	sadd.s32 $0x8F2B, s0  }
0xbd: {  	[sflag:s0] =	ssyncadd.remote.s32 $0x1  }
0xbe: {  	_ =	sfence.sel $0xFFFF  }
0xbf: {  	[dreg:$0x0] =	wrdreg $0xFFFFFFFF;
	(pc) =	sbr.abs _section_cstart, $3  }
0xc0: {  	[dreg:$0x1] =	wrdreg $0xFFFFFFFF  }
0xc1: {  	_ =	task.clear_ibuf [dreg:s7], $0x2FFFF;
	_ =	strace $0x9FFFFFFF  }
0xc2: {  	(tm) =	ssettm $0x7FFFFFFF  }
0xc3: {  	_ =	shalt  }
tec
execute0_lowered:
.L_overlay_start_1:
0x0: {  	(tag) =	ssettag $0x1  }
0x1: {  	s0 =	rddreg [dreg:$0x0]  }
0x2: {  	s2 =	rddreg [dreg:$0x1];
	s1 =	simm.s32 $0x0;
	s3 =	srdreg.scid  }
0x3: {  	s6 =	stileid.u32;
	s15 =	simm.s32 $0x2;
	s31 =	simm.s32 $0x6900  }
0x4: {  	s16 =	simm.s32 $0x8100;
	s17 =	simm.s32 $0x8900;
	s18 =	simm.s32 $0x9100  }
0x5: {  	s19 =	simm.s32 $0x9900;
	s20 =	simm.s32 $0xA100;
	s21 =	simm.s32 $0xA900  }
0x6: {  	s22 =	simm.s32 $0xB100;
	s23 =	simm.s32 $0xB900;
	s24 =	simm.s32 $0xC100  }
0x7: {  	s25 =	simm.s32 $0x1;
	s26 =	simm.s32 $0x0;
	[smem:$0x7FF] =	sst s1  }
0x8: {  	s4 =	sadd.s32 $0x41800, s0;
	s11 =	sadd.s32 $0x41A00, s0;
	s3 =	sand.u32 $0x1, s3  }
0x9: {  	s6 =	sshll.u32 s6, $0x4;
	s12 =	sadd.s32 $0x11800, s0;
	_ =	strace $0x8000004A  }
0xa: {  	s5 =	ssub.s32 $0x2, s3;
	s7 =	sshll.u32 s3, $0x3;
	s3 =	sadd.s32 $0x41C00, s0  }
0xb: {  	s8 =	sshrl.u32 s5, $0x1;
	s6 =	sor.u32 s7, s6;
	s7 =	sadd.s32 $0x41E00, s0  }
0xc: {  	s14 =	ssub.s32 s5, s8;
	s28 =	sadd.s32 s4, s6;
	s29 =	sadd.s32 s11, s6  }
0xd: {  	v0 =	vlaneseq.u32;
	s9 =	smul.u32 $0x300, s6;
	s13 =	sor.u32 $0x4, s6;
	[dreg:$0x3] =	wrdreg s28  }
0xe: {  	v1 =	vand.u32 $0x7, v0;
	v63 =	vshrl.u32 v0, $0x3;
	s6 =	sadd.s32 $0x41D00, s0;
	s0 =	simm.s32 $0x7100;
	[dreg:$0x4] =	wrdreg s29  }
0xf: {  	v0 =	vor.u32 $0x8, v0;
	[tilespmem:$0x1FFD0] =	vst v1;
	v1 =	vmul.u32 $0x8, v63;
	s30 =	smul.u32 $0x300, s13;
	s10 =	sadd.s32 s4, s13;
	s11 =	sadd.s32 s11, s13  }
0x10: {  	[tilespmem:$0x1FFF0] =	vst v0;
	s14 =	smax.u32 s14, $0x1;
	s8 =	sadd.s32 s12, s9;
	s9 =	sadd.s32 s2, s9  }
0x11: {  	vm0 =	vmmov $0xffff;
	[tilespmem:$0x1FFE0] =	vst v1;
	s12 =	sadd.s32 s12, s30;
	s13 =	sadd.s32 s2, s30;
	s2 =	simm.s32 $0x7900  }
.LBB2_1:
0x12: {  	s4 =	rddreg [dreg:$0x3]  }
0x13: {  	[tilespmem:s1], [sflag:$0x2] =	stream.linear.gather [hbm4b:s4+s1], $0x20, $0x38;
	[tilespmem:$0x12100] =	vst v63  }
0x14: {  	_ =	swait.ge [sflag:s15], $0x20  }
0x15: {  	[sflag:s15] =	ssyncset.done $0x0  }
0x16: {  	s5 =	simm.s32 $0x80;
	s30 =	rddreg [dreg:$0x4];
	[sflag:s15] =	ssyncadd.s32 $0xFFFFFFE0  }
0x17: {  	[tilespmem:s5], [sflag:$0x2] =	stream.linear.gather [hbm4b:s30+s1], $0x20, $0x38;
	[tilespmem:$0x12100] =	vst v63  }
0x18: {  	_ =	swait.ge [sflag:s15], $0x20  }
0x19: {  	[sflag:s15] =	ssyncset.done $0x0  }
0x1a: {  	[sflag:s15] =	ssyncadd.s32 $0xFFFFFFE0  }
0x1b: {  	v0 =	vld [tilespmem:$0x0];
	_ =	sdelay $0x3  }
0x1c: {  	v2 =	vld [tilespmem:$0x1FFD0]  }
0x1d: {  	v1 =	vshrl.u32 v0, $0x3  }
0x1e: {  	v3 =	vld [tilespmem:$0x1FFE0];
	v1 =	vmul.u32 $0x30, v1  }
0x1f: {  	v0 =	vand.u32 $0x7, v0  }
0x20: {  	v0 =	vor.u32 v0, v1  }
0x21: {  	v1 =	vperm.xlane v0, v2  }
0x22: {  	v4 =	vld [tilespmem:$0x1FFF0]  }
0x23: {  	v1 =	vadd.s32 v3, v1;
	_ =	sdelay $0x3  }
0x24: {  	s5 =	simm.s32 $0x100;
	v0 =	vperm.xlane v0, v4  }
0x25: {  	[tilespmem:s5], [sflag:$0x1] =	stream.indirect_vreg.gather [hbm4b:s3+s1], $0x80, v1, vm0, $0xb8;
	[tilespmem:$0x12100] =	vst v63  }
0x26: {  	s30 =	simm.s32 $0x900;
	v0 =	vadd.s32 v3, v0  }
0x27: {  	[tilespmem:s30], [sflag:$0x1] =	stream.indirect_vreg.gather [hbm4b:s6+s1], $0x80, v1, vm0, $0xb8;
	[tilespmem:$0x12100] =	vst v63  }
0x28: {  	s5 =	simm.s32 $0x1100  }
0x29: {  	[tilespmem:s5], [sflag:$0x1] =	stream.indirect_vreg.gather [hbm4b:s7+s1], $0x80, v1, vm0, $0xb8;
	[tilespmem:$0x12100] =	vst v63  }
0x2a: {  	s30 =	simm.s32 $0x1900  }
0x2b: {  	[tilespmem:s30], [sflag:$0x1] =	stream.indirect_vreg.gather [hbm4b:s3+s1], $0x80, v0, vm0, $0xb8;
	[tilespmem:$0x12100] =	vst v63  }
0x2c: {  	s5 =	simm.s32 $0x2100  }
0x2d: {  	[tilespmem:s5], [sflag:$0x1] =	stream.indirect_vreg.gather [hbm4b:s6+s1], $0x80, v0, vm0, $0xb8;
	[tilespmem:$0x12100] =	vst v63  }
0x2e: {  	s30 =	simm.s32 $0x2900  }
0x2f: {  	[tilespmem:s30], [sflag:$0x1] =	stream.indirect_vreg.gather [hbm4b:s7+s1], $0x80, v0, vm0, $0xb8;
	[tilespmem:$0x12100] =	vst v63  }
0x30: {  	v0 =	vld [tilespmem:$0x10];
	_ =	sdelay $0x4  }
0x31: {  	v1 =	vshrl.u32 v0, $0x3  }
0x32: {  	v1 =	vmul.u32 $0x30, v1  }
0x33: {  	v0 =	vand.u32 $0x7, v0  }
0x34: {  	v0 =	vor.u32 v0, v1  }
0x35: {  	v1 =	vperm.xlane v0, v2;
	_ =	sdelay $0x1  }
0x36: {  	v1 =	vadd.s32 v3, v1;
	_ =	sdelay $0x3  }
0x37: {  	s5 =	simm.s32 $0x3100;
	v0 =	vperm.xlane v0, v4  }
0x38: {  	[tilespmem:s5], [sflag:$0x1] =	stream.indirect_vreg.gather [hbm4b:s3+s1], $0x80, v1, vm0, $0xb8;
	[tilespmem:$0x12100] =	vst v63  }
0x39: {  	s30 =	simm.s32 $0x3900;
	v0 =	vadd.s32 v3, v0  }
0x3a: {  	[tilespmem:s30], [sflag:$0x1] =	stream.indirect_vreg.gather [hbm4b:s6+s1], $0x80, v1, vm0, $0xb8;
	[tilespmem:$0x12100] =	vst v63  }
0x3b: {  	s5 =	simm.s32 $0x4100  }
0x3c: {  	[tilespmem:s5], [sflag:$0x1] =	stream.indirect_vreg.gather [hbm4b:s7+s1], $0x80, v1, vm0, $0xb8;
	[tilespmem:$0x12100] =	vst v63  }
0x3d: {  	s30 =	simm.s32 $0x4900  }
0x3e: {  	[tilespmem:s30], [sflag:$0x1] =	stream.indirect_vreg.gather [hbm4b:s3+s1], $0x80, v0, vm0, $0xb8;
	[tilespmem:$0x12100] =	vst v63  }
0x3f: {  	s5 =	simm.s32 $0x5100  }
0x40: {  	[tilespmem:s5], [sflag:$0x1] =	stream.indirect_vreg.gather [hbm4b:s6+s1], $0x80, v0, vm0, $0xb8;
	[tilespmem:$0x12100] =	vst v63  }
0x41: {  	s30 =	simm.s32 $0x5900  }
0x42: {  	[tilespmem:s30], [sflag:$0x1] =	stream.indirect_vreg.gather [hbm4b:s7+s1], $0x80, v0, vm0, $0xb8;
	[tilespmem:$0x12100] =	vst v63  }
0x43: {  	v0 =	vld [tilespmem:$0x80];
	_ =	sdelay $0x4  }
0x44: {  	v1 =	vshrl.u32 v0, $0x3  }
0x45: {  	v1 =	vmul.u32 $0x30, v1  }
0x46: {  	v0 =	vand.u32 $0x7, v0  }
0x47: {  	v0 =	vor.u32 v0, v1  }
0x48: {  	v1 =	vperm.xlane v0, v2;
	_ =	sdelay $0x1  }
0x49: {  	v1 =	vadd.s32 v3, v1;
	_ =	sdelay $0x3  }
0x4a: {  	s5 =	simm.s32 $0x6100;
	v0 =	vperm.xlane v0, v4  }
0x4b: {  	[tilespmem:s5], [sflag:$0x1] =	stream.indirect_vreg.gather [hbm4b:s3+s1], $0x80, v1, vm0, $0xb8;
	[tilespmem:$0x12100] =	vst v63  }
0x4c: {  	v0 =	vadd.s32 v3, v0  }
0x4d: {  	[tilespmem:s31], [sflag:$0x1] =	stream.indirect_vreg.gather [hbm4b:s6+s1], $0x80, v1, vm0, $0xb8;
	[tilespmem:$0x12100] =	vst v63  }
0x4e: {  	_ = 	snop  }
0x4f: {  	[tilespmem:s0], [sflag:$0x1] =	stream.indirect_vreg.gather [hbm4b:s7+s1], $0x80, v1, vm0, $0xb8;
	[tilespmem:$0x12100] =	vst v63  }
0x50: {  	_ = 	snop  }
0x51: {  	[tilespmem:s2], [sflag:$0x1] =	stream.indirect_vreg.gather [hbm4b:s3+s1], $0x80, v0, vm0, $0xb8;
	[tilespmem:$0x12100] =	vst v63  }
0x52: {  	_ = 	snop  }
0x53: {  	[tilespmem:s16], [sflag:$0x1] =	stream.indirect_vreg.gather [hbm4b:s6+s1], $0x80, v0, vm0, $0xb8;
	[tilespmem:$0x12100] =	vst v63  }
0x54: {  	_ = 	snop  }
0x55: {  	[tilespmem:s17], [sflag:$0x1] =	stream.indirect_vreg.gather [hbm4b:s7+s1], $0x80, v0, vm0, $0xb8;
	[tilespmem:$0x12100] =	vst v63  }
0x56: {  	v0 =	vld [tilespmem:$0x90];
	_ =	sdelay $0x4  }
0x57: {  	v1 =	vshrl.u32 v0, $0x3  }
0x58: {  	v1 =	vmul.u32 $0x30, v1  }
0x59: {  	v0 =	vand.u32 $0x7, v0  }
0x5a: {  	v0 =	vor.u32 v0, v1  }
0x5b: {  	v1 =	vperm.xlane v0, v2;
	_ =	sdelay $0x1  }
0x5c: {  	v1 =	vadd.s32 v3, v1;
	_ =	sdelay $0x3  }
0x5d: {  	v0 =	vperm.xlane v0, v4  }
0x5e: {  	[tilespmem:s18], [sflag:$0x1] =	stream.indirect_vreg.gather [hbm4b:s3+s1], $0x80, v1, vm0, $0xb8;
	[tilespmem:$0x12100] =	vst v63  }
0x5f: {  	v0 =	vadd.s32 v3, v0  }
0x60: {  	[tilespmem:s19], [sflag:$0x1] =	stream.indirect_vreg.gather [hbm4b:s6+s1], $0x80, v1, vm0, $0xb8;
	[tilespmem:$0x12100] =	vst v63  }
0x61: {  	_ = 	snop  }
0x62: {  	[tilespmem:s20], [sflag:$0x1] =	stream.indirect_vreg.gather [hbm4b:s7+s1], $0x80, v1, vm0, $0xb8;
	[tilespmem:$0x12100] =	vst v63  }
0x63: {  	_ = 	snop  }
0x64: {  	[tilespmem:s21], [sflag:$0x1] =	stream.indirect_vreg.gather [hbm4b:s3+s1], $0x80, v0, vm0, $0xb8;
	[tilespmem:$0x12100] =	vst v63  }
0x65: {  	_ = 	snop  }
0x66: {  	[tilespmem:s22], [sflag:$0x1] =	stream.indirect_vreg.gather [hbm4b:s6+s1], $0x80, v0, vm0, $0xb8;
	[tilespmem:$0x12100] =	vst v63  }
0x67: {  	_ = 	snop  }
0x68: {  	[tilespmem:s23], [sflag:$0x1] =	stream.indirect_vreg.gather [hbm4b:s7+s1], $0x80, v0, vm0, $0xb8;
	[tilespmem:$0x12100] =	vst v63  }
0x69: {  	_ = 	snop  }
0x6a: {  	[tilespmem:s24], [sflag:$0x2] =	stream.linear.gather [hbm4b:s8+s1], $0x6000, $0x38;
	[tilespmem:$0x12100] =	vst v63  }
0x6b: {  	_ =	swait.ge [sflag:s15], $0x6000  }
0x6c: {  	[sflag:s15] =	ssyncset.done $0x0  }
0x6d: {  	[sflag:s15] =	ssyncadd.s32 $0xFFFFA000  }
0x6e: {  	_ =	swait.ge [sflag:s25], $0x6000  }
0x6f: {  	[sflag:s25] =	ssyncset.done $0x0  }
0x70: {  	s30 =	simm.s32 $0x0;
	[sflag:s25] =	ssyncadd.s32 $0xFFFFA000  }
0x71: {  	s4 =	smul.u32 $0x1800, s30;
	_ =	swait.ge [sflag:s25], $0x6000  }
0x72: {  	s28 =	sand.u32 $0x380, s1;
	[sflag:s25] =	ssyncset.done $0x0  }
0x73: {  	s28 =	sor.u32 s28, s4;
	[sflag:s25] =	ssyncadd.s32 $0xFFFFA000  }
0x74: {  	v0 =	vld [tilespmem:s28+$0x6570];
	_ =	sdelay $0x4  }
0x75: {  	[tilespmem:$0x1FE00] =	vst v0;
	v0 =	vld [tilespmem:s28+$0x6900];
	_ =	sdelay $0x4  }
0x76: {  	[tilespmem:$0x1FE10] =	vst v0;
	v0 =	vld [tilespmem:s28+$0x6910];
	_ =	sdelay $0x4  }
0x77: {  	[tilespmem:$0x1FE20] =	vst v0;
	v0 =	vld [tilespmem:s28+$0x6920];
	_ =	sdelay $0x4  }
0x78: {  	[tilespmem:$0x1FE30] =	vst v0;
	v0 =	vld [tilespmem:s28+$0x6930];
	_ =	sdelay $0x4  }
0x79: {  	[tilespmem:$0x1FE40] =	vst v0;
	v0 =	vld [tilespmem:s28+$0x6940];
	_ =	sdelay $0x4  }
0x7a: {  	[tilespmem:$0x1FE50] =	vst v0;
	v0 =	vld [tilespmem:s28+$0x6950];
	_ =	sdelay $0x4  }
0x7b: {  	[tilespmem:$0x1FE60] =	vst v0;
	v0 =	vld [tilespmem:s28+$0x6960];
	_ =	sdelay $0x4  }
0x7c: {  	[tilespmem:$0x1FE70] =	vst v0;
	v0 =	vld [tilespmem:s28+$0x6970];
	_ =	sdelay $0x4  }
0x7d: {  	[tilespmem:$0x1FE80] =	vst v0;
	v0 =	vld [tilespmem:s28+$0x6D00];
	_ =	sdelay $0x4  }
0x7e: {  	[tilespmem:$0x1FE90] =	vst v0;
	v0 =	vld [tilespmem:s28+$0x6D10];
	_ =	sdelay $0x4  }
0x7f: {  	[tilespmem:$0x1FEA0] =	vst v0;
	v0 =	vld [tilespmem:s28+$0x6D20];
	_ =	sdelay $0x4  }
0x80: {  	[tilespmem:$0x1FEB0] =	vst v0;
	v0 =	vld [tilespmem:s28+$0x6D30];
	_ =	sdelay $0x4  }
0x81: {  	[tilespmem:$0x1FEC0] =	vst v0;
	v0 =	vld [tilespmem:s28+$0x6D40];
	_ =	sdelay $0x4  }
0x82: {  	[tilespmem:$0x1FED0] =	vst v0;
	v0 =	vld [tilespmem:s28+$0x6D50];
	_ =	sdelay $0x4  }
0x83: {  	[tilespmem:$0x1FEE0] =	vst v0;
	v0 =	vld [tilespmem:s28+$0x6D60];
	_ =	sdelay $0x4  }
0x84: {  	[tilespmem:$0x1FEF0] =	vst v0;
	v0 =	vld [tilespmem:s28+$0x6D70];
	_ =	sdelay $0x4  }
0x85: {  	[tilespmem:$0x1FF10] =	vst v0;
	v0 =	vld [tilespmem:s28+$0x7100];
	_ =	sdelay $0x4  }
0x86: {  	[tilespmem:$0x1FF30] =	vst v0;
	v0 =	vld [tilespmem:s28+$0x7110];
	_ =	sdelay $0x4  }
0x87: {  	[tilespmem:$0x1FF50] =	vst v0;
	v0 =	vld [tilespmem:s28+$0x7120];
	_ =	sdelay $0x4  }
0x88: {  	[tilespmem:$0x1FF70] =	vst v0;
	v0 =	vld [tilespmem:s28+$0x7130];
	_ =	sdelay $0x4  }
0x89: {  	[tilespmem:$0x1FF90] =	vst v0;
	v0 =	vld [tilespmem:s28+$0x7140];
	_ =	sdelay $0x4  }
0x8a: {  	[tilespmem:$0x1FFB0] =	vst v0;
	v0 =	vld [tilespmem:s28+$0x7150];
	_ =	sdelay $0x2  }
0x8b: {  	v14 =	vld [tilespmem:s28+$0x6100]  }
0x8c: {  	v53 =	vld [tilespmem:s28+$0x6110]  }
0x8d: {  	[tilespmem:$0x1FDB0] =	vst v0;
	v0 =	vld [tilespmem:s28+$0x7160]  }
0x8e: {  	v54 =	vld [tilespmem:s28+$0x6120]  }
0x8f: {  	v55 =	vld [tilespmem:s28+$0x6130]  }
0x90: {  	v56 =	vld [tilespmem:s28+$0x6140]  }
0x91: {  	v57 =	vld [tilespmem:s28+$0x6150]  }
0x92: {  	[tilespmem:$0x1FDC0] =	vst v0;
	v0 =	vld [tilespmem:s28+$0x7170]  }
0x93: {  	v58 =	vld [tilespmem:s28+$0x6160]  }
0x94: {  	v59 =	vld [tilespmem:s28+$0x6170]  }
0x95: {  	v60 =	vld [tilespmem:s28+$0x6500]  }
0x96: {  	v61 =	vld [tilespmem:s28+$0x6510]  }
0x97: {  	[tilespmem:$0x1FDD0] =	vst v0;
	v0 =	vld [tilespmem:s28+$0x7500]  }
0x98: {  	v51 =	vld [tilespmem:s28+$0x6520]  }
0x99: {  	v37 =	vld [tilespmem:s28+$0x6530]  }
0x9a: {  	v38 =	vld [tilespmem:s28+$0x6540]  }
0x9b: {  	v41 =	vld [tilespmem:s28+$0x6550]  }
0x9c: {  	[tilespmem:$0x1FDE0] =	vst v0;
	v0 =	vld [tilespmem:s28+$0x7510]  }
0x9d: {  	v39 =	vld [tilespmem:s28+$0x6560]  }
0x9e: {  	v48 =	vld [tilespmem:s28+$0x7520]  }
0x9f: {  	v46 =	vld [tilespmem:s28+$0x7530]  }
0xa0: {  	v44 =	vld [tilespmem:s28+$0x7540]  }
0xa1: {  	[tilespmem:$0x1FDF0] =	vst v0;
	v0 =	vld [tilespmem:s28+$0x1100]  }
0xa2: {  	v42 =	vld [tilespmem:s28+$0x7550]  }
0xa3: {  	v62 =	vld [tilespmem:s28+$0x100]  }
0xa4: {  	v63 =	vld [tilespmem:s28+$0x110]  }
0xa5: {  	v5 =	vld [tilespmem:s28+$0x120]  }
0xa6: {  	[tilespmem:$0x1FF00] =	vst v0;
	v0 =	vld [tilespmem:s28+$0x1110]  }
0xa7: {  	v6 =	vld [tilespmem:s28+$0x130]  }
0xa8: {  	v7 =	vld [tilespmem:s28+$0x140]  }
0xa9: {  	v8 =	vld [tilespmem:s28+$0x150]  }
0xaa: {  	v21 =	vld [tilespmem:s28+$0x160]  }
0xab: {  	[tilespmem:$0x1FF20] =	vst v0;
	v0 =	vld [tilespmem:s28+$0x1120]  }
0xac: {  	v22 =	vld [tilespmem:s28+$0x170]  }
0xad: {  	v23 =	vld [tilespmem:s28+$0x500]  }
0xae: {  	v24 =	vld [tilespmem:s28+$0x510]  }
0xaf: {  	v25 =	vld [tilespmem:s28+$0x520]  }
0xb0: {  	[tilespmem:$0x1FF40] =	vst v0;
	v0 =	vld [tilespmem:s28+$0x1130]  }
0xb1: {  	v26 =	vld [tilespmem:s28+$0x530]  }
0xb2: {  	v27 =	vld [tilespmem:s28+$0x540]  }
0xb3: {  	v28 =	vld [tilespmem:s28+$0x550]  }
0xb4: {  	v29 =	vld [tilespmem:s28+$0x560]  }
0xb5: {  	[tilespmem:$0x1FF60] =	vst v0;
	v0 =	vld [tilespmem:s28+$0x1140]  }
0xb6: {  	v30 =	vld [tilespmem:s28+$0x570]  }
0xb7: {  	v31 =	vld [tilespmem:s28+$0x900]  }
0xb8: {  	v32 =	vld [tilespmem:s28+$0x910]  }
0xb9: {  	v33 =	vld [tilespmem:s28+$0x920]  }
0xba: {  	[tilespmem:$0x1FF80] =	vst v0;
	v0 =	vld [tilespmem:s28+$0x1150]  }
0xbb: {  	v34 =	vld [tilespmem:s28+$0x930]  }
0xbc: {  	v35 =	vld [tilespmem:s28+$0x940]  }
0xbd: {  	v9 =	vld [tilespmem:s28+$0x950]  }
0xbe: {  	v10 =	vld [tilespmem:s28+$0x960]  }
0xbf: {  	[tilespmem:$0x1FFA0] =	vst v0;
	v0 =	vld [tilespmem:s28+$0x1160]  }
0xc0: {  	v11 =	vld [tilespmem:s28+$0x970]  }
0xc1: {  	v12 =	vld [tilespmem:s28+$0xD00]  }
0xc2: {  	v36 =	vld [tilespmem:s28+$0xD10]  }
0xc3: {  	v52 =	vld [tilespmem:s28+$0xD20]  }
0xc4: {  	[tilespmem:$0x1FFC0] =	vst v0;
	v0 =	vld [tilespmem:s28+$0xC100]  }
0xc5: {  	v1 =	vld [tilespmem:s28+$0xC110]  }
0xc6: {  	v2 =	vld [tilespmem:s28+$0xC120]  }
0xc7: {  	v49 =	vld [tilespmem:s28+$0xD30]  }
0xc8: {  	v4 =	vld [tilespmem:s28+$0xC140]  }
0xc9: {  	v47 =	vld [tilespmem:s28+$0xD40];
	v0 =	vadd.f32 v62, v0  }
0xca: {  	v1 =	vadd.f32 v63, v1;
	v63 =	vld [tilespmem:s28+$0xC160]  }
0xcb: {  	v45 =	vld [tilespmem:s28+$0xD50];
	v2 =	vadd.f32 v5, v2;
	v0 =	vadd.f32 v14, v0  }
0xcc: {  	v3 =	vld [tilespmem:s28+$0xC130]  }
0xcd: {  	v43 =	vld [tilespmem:s28+$0xD60];
	[tilespmem:s28+$0xC100] =	vst v0;
	v0 =	vadd.f32 v54, v2;
	v2 =	vadd.f32 v7, v4  }
0xce: {  	v62 =	vld [tilespmem:s28+$0xC150]  }
0xcf: {  	v40 =	vld [tilespmem:s28+$0xD70];
	[tilespmem:s28+$0xC120] =	vst v0;
	v0 =	vadd.f32 v56, v2;
	v2 =	vadd.f32 v21, v63  }
0xd0: {  	v5 =	vld [tilespmem:s28+$0xC170];
	v1 =	vadd.f32 v53, v1  }
0xd1: {  	v20 =	vld [tilespmem:s28+$0x1170];
	v3 =	vadd.f32 v6, v3;
	[tilespmem:s28+$0xC140] =	vst v0;
	v0 =	vadd.f32 v58, v2  }
0xd2: {  	v6 =	vld [tilespmem:s28+$0xC510];
	[tilespmem:s28+$0xC110] =	vst v1  }
0xd3: {  	v1 =	vadd.f32 v55, v3;
	v3 =	vadd.f32 v8, v62;
	[tilespmem:s28+$0xC160] =	vst v0;
	v0 =	vld [tilespmem:s28+$0xC530]  }
0xd4: {  	v19 =	vld [tilespmem:s28+$0x1500]  }
0xd5: {  	v18 =	vld [tilespmem:s28+$0x1510];
	[tilespmem:s28+$0xC130] =	vst v1;
	v1 =	vadd.f32 v57, v3;
	v3 =	vadd.f32 v22, v5  }
0xd6: {  	v4 =	vld [tilespmem:s28+$0xC500]  }
0xd7: {  	v17 =	vld [tilespmem:s28+$0x1520];
	[tilespmem:s28+$0xC150] =	vst v1;
	v1 =	vadd.f32 v59, v3;
	v3 =	vadd.f32 v24, v6  }
0xd8: {  	v16 =	vld [tilespmem:s28+$0x1530];
	v0 =	vadd.f32 v26, v0  }
0xd9: {  	v2 =	vld [tilespmem:s28+$0xC520];
	v3 =	vadd.f32 v61, v3  }
0xda: {  	v15 =	vld [tilespmem:s28+$0x1540];
	v0 =	vadd.f32 v37, v0  }
0xdb: {  	v4 =	vadd.f32 v23, v4;
	[tilespmem:s28+$0xC510] =	vst v3;
	v3 =	vld [tilespmem:s28+$0xC560]  }
0xdc: {  	[tilespmem:s28+$0xC530] =	vst v0;
	v0 =	vld [tilespmem:s28+$0xC940]  }
0xdd: {  	v13 =	vld [tilespmem:s28+$0x1550];
	v4 =	vadd.f32 v60, v4  }
0xde: {  	v53 =	vld [tilespmem:$0x1FE50];
	v2 =	vadd.f32 v25, v2  }
0xdf: {  	[tilespmem:s28+$0xC500] =	vst v4;
	v4 =	vld [tilespmem:s28+$0xC550]  }
0xe0: {  	v50 =	vld [tilespmem:s28+$0x1560];
	v2 =	vadd.f32 v51, v2;
	v3 =	vadd.f32 v29, v3  }
0xe1: {  	v62 =	vld [tilespmem:$0x1FEE0];
	v0 =	vadd.f32 v35, v0  }
0xe2: {  	[tilespmem:s28+$0xC520] =	vst v2;
	v2 =	vld [tilespmem:s28+$0xC570];
	v3 =	vadd.f32 v39, v3  }
0xe3: {  	v21 =	vld [tilespmem:$0x1FE00];
	v0 =	vadd.f32 v53, v0  }
0xe4: {  	v4 =	vadd.f32 v28, v4;
	[tilespmem:s28+$0xC560] =	vst v3;
	v3 =	vld [tilespmem:s28+$0xC970]  }
0xe5: {  	[tilespmem:s28+$0xC940] =	vst v0;
	v0 =	vld [tilespmem:s28+$0xCD50]  }
0xe6: {  	v56 =	vld [tilespmem:$0x1FE80];
	v4 =	vadd.f32 v41, v4  }
0xe7: {  	v5 =	vld [tilespmem:s28+$0xC900];
	v2 =	vadd.f32 v30, v2  }
0xe8: {  	[tilespmem:s28+$0xC550] =	vst v4;
	v4 =	vld [tilespmem:s28+$0xC960]  }
0xe9: {  	v2 =	vadd.f32 v21, v2;
	v21 =	vld [tilespmem:$0x1FE10];
	v3 =	vadd.f32 v11, v3  }
0xea: {  	v55 =	vld [tilespmem:$0x1FE70];
	v0 =	vadd.f32 v45, v0  }
0xeb: {  	v58 =	vld [tilespmem:$0x1FEA0];
	v3 =	vadd.f32 v56, v3  }
0xec: {  	v6 =	vld [tilespmem:s28+$0xC910];
	v5 =	vadd.f32 v31, v5;
	v0 =	vadd.f32 v62, v0  }
0xed: {  	v4 =	vadd.f32 v10, v4;
	[tilespmem:s28+$0xC970] =	vst v3;
	v3 =	vld [tilespmem:s28+$0xD100]  }
0xee: {  	v5 =	vadd.f32 v21, v5;
	[tilespmem:s28+$0xCD50] =	vst v0;
	v0 =	vld [tilespmem:$0x1FF00]  }
0xef: {  	v21 =	vld [tilespmem:$0x1FE20];
	v4 =	vadd.f32 v55, v4  }
0xf0: {  	[tilespmem:s28+$0xC900] =	vst v5;
	v5 =	vld [tilespmem:s28+$0xCD10]  }
0xf1: {  	[tilespmem:s28+$0xC960] =	vst v4;
	v4 =	vld [tilespmem:s28+$0xCD70]  }
0xf2: {  	[tilespmem:s28+$0xC570] =	vst v2;
	v2 =	vld [tilespmem:s28+$0xCD00]  }
0xf3: {  	v0 =	vadd.f32 v0, v3;
	v3 =	vld [tilespmem:$0x1FF10]  }
0xf4: {  	v7 =	vld [tilespmem:s28+$0xC920];
	v6 =	vadd.f32 v32, v6  }
0xf5: {  	v57 =	vld [tilespmem:$0x1FE90];
	v5 =	vadd.f32 v36, v5  }
0xf6: {  	v59 =	vld [tilespmem:$0x1FEB0];
	v6 =	vadd.f32 v21, v6;
	v4 =	vadd.f32 v40, v4  }
0xf7: {  	[tilespmem:s28+$0xC170] =	vst v1;
	v1 =	vld [tilespmem:s28+$0xC540];
	v5 =	vadd.f32 v58, v5  }
0xf8: {  	v2 =	vadd.f32 v12, v2;
	[tilespmem:s28+$0xC910] =	vst v6;
	v6 =	vld [tilespmem:s28+$0xCD20];
	v3 =	vadd.f32 v3, v4  }
0xf9: {  	[tilespmem:s28+$0xCD10] =	vst v5;
	v5 =	vld [tilespmem:s28+$0xD120]  }
0xfa: {  	v2 =	vadd.f32 v57, v2;
	[tilespmem:s28+$0xCD70] =	vst v3;
	v3 =	vld [tilespmem:$0x1FF40]  }
0xfb: {  	v21 =	vld [tilespmem:$0x1FE30]  }
0xfc: {  	v1 =	vadd.f32 v27, v1;
	[tilespmem:s28+$0xCD00] =	vst v2;
	v2 =	vld [tilespmem:s28+$0xD110]  }
0xfd: {  	v4 =	vld [tilespmem:$0x1FF20]  }
0xfe: {  	v8 =	vld [tilespmem:s28+$0xC930];
	v7 =	vadd.f32 v33, v7;
	v1 =	vadd.f32 v38, v1  }
0xff: {  	v6 =	vadd.f32 v52, v6;
	v3 =	vadd.f32 v3, v5;
	v5 =	vld [tilespmem:$0x1FF50]  }
0x100: {  	[tilespmem:s28+$0xC540] =	vst v1;
	v1 =	vld [tilespmem:s28+$0xC950];
	v7 =	vadd.f32 v21, v7  }
0x101: {  	v21 =	vld [tilespmem:$0x1FE40];
	v6 =	vadd.f32 v59, v6  }
0x102: {  	[tilespmem:s28+$0xC920] =	vst v7;
	v7 =	vld [tilespmem:s28+$0xCD30];
	v4 =	vadd.f32 v4, v2  }
0x103: {  	[tilespmem:s28+$0xCD20] =	vst v6;
	v6 =	vld [tilespmem:s28+$0xD130]  }
0x104: {  	v4 =	vadd.f32 v5, v4;
	v5 =	vld [tilespmem:$0x1FF60]  }
0x105: {  	v54 =	vld [tilespmem:$0x1FE60]  }
0x106: {  	v8 =	vadd.f32 v34, v8;
	v60 =	vld [tilespmem:$0x1FEC0]  }
0x107: {  	v14 =	vld [tilespmem:s28+$0x1570]  }
0x108: {  	v63 =	vld [tilespmem:$0x1FEF0];
	v1 =	vadd.f32 v9, v1;
	v8 =	vadd.f32 v21, v8  }
0x109: {  	v7 =	vadd.f32 v49, v7;
	v5 =	vadd.f32 v5, v6;
	v6 =	vld [tilespmem:$0x1FF70]  }
0x10a: {  	v1 =	vadd.f32 v54, v1;
	[tilespmem:s28+$0xC930] =	vst v8;
	v8 =	vld [tilespmem:s28+$0xCD40]  }
0x10b: {  	v61 =	vld [tilespmem:$0x1FED0];
	v7 =	vadd.f32 v60, v7  }
0x10c: {  	[tilespmem:s28+$0xC950] =	vst v1;
	v1 =	vld [tilespmem:s28+$0xCD60]  }
0x10d: {  	[tilespmem:s28+$0xCD30] =	vst v7;
	v7 =	vld [tilespmem:s28+$0xD140]  }
0x10e: {  	[tilespmem:s28+$0xD110] =	vst v4;
	v4 =	vld [tilespmem:$0x1FF80];
	v3 =	vadd.f32 v6, v3  }
0x10f: {  	v8 =	vadd.f32 v47, v8;
	v6 =	vld [tilespmem:$0x1FF90]  }
0x110: {  	[tilespmem:s28+$0xD120] =	vst v3;
	v3 =	vld [tilespmem:$0x1FFB0]  }
0x111: {  	v2 =	vld [tilespmem:$0x1FF30];
	v8 =	vadd.f32 v61, v8  }
0x112: {  	v22 =	vld [tilespmem:s28+$0xD160];
	v1 =	vadd.f32 v43, v1  }
0x113: {  	[tilespmem:s28+$0xCD40] =	vst v8;
	v8 =	vld [tilespmem:s28+$0xD150];
	v21 =	vadd.f32 v4, v7  }
0x114: {  	v1 =	vadd.f32 v63, v1;
	v7 =	vadd.f32 v6, v5;
	v5 =	vld [tilespmem:$0x1FFA0]  }
0x115: {  	v21 =	vadd.f32 v3, v21;
	v3 =	vld [tilespmem:$0x1FFC0]  }
0x116: {  	[tilespmem:s28+$0xCD60] =	vst v1;
	v1 =	vld [tilespmem:s28+$0xD170];
	v0 =	vadd.f32 v2, v0  }
0x117: {  	v2 =	vld [tilespmem:s28+$0xD500]  }
0x118: {  	[tilespmem:s28+$0xD100] =	vst v0;
	v0 =	vld [tilespmem:s28+$0xD510]  }
0x119: {  	v4 =	vld [tilespmem:s28+$0xD520]  }
0x11a: {  	s29 =	simm.s32 $0x0;
	s4 =	simm.s32 $0x1;
	v6 =	vadd.f32 v5, v8;
	v5 =	vadd.f32 v3, v22;
	v3 =	vld [tilespmem:s28+$0xD530]  }
.LBB2_2:
0x11b: {  	[tilespmem:s28+$0xD130] =	vst v7;
	v7 =	vld [tilespmem:$0x1FDB0];
	_ =	sdelay $0x4  }
0x11c: {  	v6 =	vadd.f32 v7, v6  }
0x11d: {  	v8 =	vld [tilespmem:$0x1FDC0]  }
0x11e: {  	[tilespmem:s28+$0xD150] =	vst v6;
	v6 =	vld [tilespmem:$0x1FDD0];
	_ =	sdelay $0x2  }
0x11f: {  	v1 =	vadd.f32 v20, v1  }
0x120: {  	v5 =	vadd.f32 v8, v5  }
0x121: {  	v1 =	vadd.f32 v6, v1  }
0x122: {  	[tilespmem:s28+$0xD160] =	vst v5;
	v5 =	vld [tilespmem:$0x1FDE0]  }
0x123: {  	[tilespmem:s28+$0xD170] =	vst v1;
	v1 =	vld [tilespmem:$0x1FDF0]  }
0x124: {  	v7 =	vld [tilespmem:s28+$0xD540]  }
0x125: {  	v2 =	vadd.f32 v19, v2;
	v8 =	vld [tilespmem:s28+$0xD550]  }
0x126: {  	s5 =	sshrl.u32 s4, $0x3;
	v0 =	vadd.f32 v18, v0;
	v6 =	vld [tilespmem:s28+$0xD560]  }
0x127: {  	s29 =	sadd.s32 $0x80, s29;
	s5 =	smul.u32 $0x1800, s5;
	v4 =	vadd.f32 v17, v4;
	v2 =	vadd.f32 v5, v2;
	v5 =	vld [tilespmem:s28+$0xD570]  }
0x128: {  	[tilespmem:s28+$0xD140] =	vst v21;
	s30 =	sand.u32 $0x380, s29;
	v0 =	vadd.f32 v1, v0;
	v1 =	vadd.f32 v16, v3;
	v3 =	vld [tilespmem:s28+$0x7560]  }
0x129: {  	s5 =	sor.u32 s30, s5;
	[tilespmem:s28+$0xD500] =	vst v2;
	v2 =	vadd.f32 v48, v4;
	v4 =	vadd.f32 v15, v7;
	v7 =	vld [tilespmem:s28+$0x7570]  }
0x12a: {  	v53 =	vld [tilespmem:s5+$0x6100];
	[tilespmem:s28+$0xD510] =	vst v0;
	v0 =	vadd.f32 v46, v1;
	v1 =	vadd.f32 v13, v8  }
0x12b: {  	v55 =	vld [tilespmem:s5+$0x6110];
	[tilespmem:s28+$0xD520] =	vst v2;
	v2 =	vadd.f32 v44, v4;
	v4 =	vadd.f32 v50, v6  }
0x12c: {  	v56 =	vld [tilespmem:s5+$0x6120];
	[tilespmem:s28+$0xD530] =	vst v0;
	v0 =	vadd.f32 v42, v1;
	v1 =	vadd.f32 v14, v5  }
0x12d: {  	v57 =	vld [tilespmem:s5+$0x6130];
	[tilespmem:s28+$0xD540] =	vst v2;
	v2 =	vadd.f32 v3, v4  }
0x12e: {  	v54 =	vld [tilespmem:s5+$0x6140];
	[tilespmem:s28+$0xD550] =	vst v0;
	v0 =	vadd.f32 v7, v1  }
0x12f: {  	v52 =	vld [tilespmem:s5+$0x6150];
	[tilespmem:s28+$0xD560] =	vst v2  }
0x130: {  	v51 =	vld [tilespmem:s5+$0x6160];
	[tilespmem:s28+$0xD570] =	vst v0;
	s28 =	smov.u32 s5  }
0x131: {  	v0 =	vld [tilespmem:s28+$0x6170];
	_ =	sdelay $0x4  }
0x132: {  	[tilespmem:$0x1FBD0] =	vst v0;
	v0 =	vld [tilespmem:s28+$0x6500];
	_ =	sdelay $0x4  }
0x133: {  	[tilespmem:$0x1FBE0] =	vst v0;
	v0 =	vld [tilespmem:s28+$0x6510];
	_ =	sdelay $0x4  }
0x134: {  	[tilespmem:$0x1FBF0] =	vst v0;
	v0 =	vld [tilespmem:s28+$0x6520];
	_ =	sdelay $0x4  }
0x135: {  	[tilespmem:$0x1FC00] =	vst v0;
	v0 =	vld [tilespmem:s28+$0x6530];
	_ =	sdelay $0x4  }
0x136: {  	[tilespmem:$0x1FC10] =	vst v0;
	v0 =	vld [tilespmem:s28+$0x6540];
	_ =	sdelay $0x4  }
0x137: {  	[tilespmem:$0x1FC20] =	vst v0;
	v0 =	vld [tilespmem:s28+$0x6550];
	_ =	sdelay $0x4  }
0x138: {  	[tilespmem:$0x1FC30] =	vst v0;
	v0 =	vld [tilespmem:s28+$0x6560];
	_ =	sdelay $0x4  }
0x139: {  	[tilespmem:$0x1FC40] =	vst v0;
	v0 =	vld [tilespmem:s28+$0x6570];
	_ =	sdelay $0x2  }
0x13a: {  	v49 =	vld [tilespmem:s28+$0x7520]  }
0x13b: {  	v48 =	vld [tilespmem:s28+$0x7530]  }
0x13c: {  	[tilespmem:$0x1FC50] =	vst v0;
	v0 =	vld [tilespmem:s28+$0x6900]  }
0x13d: {  	v47 =	vld [tilespmem:s28+$0x7540]  }
0x13e: {  	v46 =	vld [tilespmem:s28+$0x7550]  }
0x13f: {  	v36 =	vld [tilespmem:s28+$0x100]  }
0x140: {  	v9 =	vld [tilespmem:s28+$0x110]  }
0x141: {  	[tilespmem:$0x1FC60] =	vst v0;
	v0 =	vld [tilespmem:s28+$0x6910]  }
0x142: {  	v37 =	vld [tilespmem:s28+$0x120]  }
0x143: {  	v10 =	vld [tilespmem:s28+$0x130]  }
0x144: {  	v38 =	vld [tilespmem:s28+$0x140]  }
0x145: {  	v11 =	vld [tilespmem:s28+$0x150]  }
0x146: {  	[tilespmem:$0x1FC70] =	vst v0;
	v0 =	vld [tilespmem:s28+$0x6920]  }
0x147: {  	v39 =	vld [tilespmem:s28+$0x160]  }
0x148: {  	v12 =	vld [tilespmem:s28+$0x170]  }
0x149: {  	v40 =	vld [tilespmem:s28+$0x500]  }
0x14a: {  	v35 =	vld [tilespmem:s28+$0x510]  }
0x14b: {  	[tilespmem:$0x1FC80] =	vst v0;
	v0 =	vld [tilespmem:s28+$0x6930]  }
0x14c: {  	v8 =	vld [tilespmem:s28+$0x520]  }
0x14d: {  	v34 =	vld [tilespmem:s28+$0x530]  }
0x14e: {  	v7 =	vld [tilespmem:s28+$0x540]  }
0x14f: {  	v33 =	vld [tilespmem:s28+$0x550]  }
0x150: {  	[tilespmem:$0x1FC90] =	vst v0;
	v0 =	vld [tilespmem:s28+$0x6940]  }
0x151: {  	v6 =	vld [tilespmem:s28+$0x560]  }
0x152: {  	v32 =	vld [tilespmem:s28+$0x570]  }
0x153: {  	v5 =	vld [tilespmem:s28+$0x900]  }
0x154: {  	v4 =	vld [tilespmem:s28+$0x910]  }
0x155: {  	[tilespmem:$0x1FCA0] =	vst v0;
	v0 =	vld [tilespmem:s28+$0x6950]  }
0x156: {  	v31 =	vld [tilespmem:s28+$0x920]  }
0x157: {  	v30 =	vld [tilespmem:s28+$0x930]  }
0x158: {  	v29 =	vld [tilespmem:s28+$0x940]  }
0x159: {  	v28 =	vld [tilespmem:s28+$0x950]  }
0x15a: {  	[tilespmem:$0x1FCB0] =	vst v0;
	v0 =	vld [tilespmem:s28+$0x6960]  }
0x15b: {  	v41 =	vld [tilespmem:s28+$0xC100]  }
0x15c: {  	v42 =	vld [tilespmem:s28+$0xC110]  }
0x15d: {  	v43 =	vld [tilespmem:s28+$0xC120]  }
0x15e: {  	v44 =	vld [tilespmem:s28+$0xC130]  }
0x15f: {  	[tilespmem:$0x1FCC0] =	vst v0;
	v0 =	vld [tilespmem:s28+$0x6970]  }
0x160: {  	v45 =	vld [tilespmem:s28+$0xC140]  }
0x161: {  	v36 =	vadd.f32 v36, v41;
	v41 =	vld [tilespmem:s28+$0xC150]  }
0x162: {  	v27 =	vld [tilespmem:s28+$0x960]  }
0x163: {  	v26 =	vld [tilespmem:s28+$0x970];
	v9 =	vadd.f32 v9, v42  }
0x164: {  	v37 =	vadd.f32 v37, v43;
	v36 =	vadd.f32 v53, v36;
	[tilespmem:$0x1FCD0] =	vst v0;
	v0 =	vld [tilespmem:s28+$0x6D00]  }
0x165: {  	v25 =	vld [tilespmem:s28+$0xD00];
	v10 =	vadd.f32 v10, v44;
	v53 =	vadd.f32 v38, v45  }
0x166: {  	v44 =	vld [tilespmem:s28+$0xC500];
	[tilespmem:s28+$0xC100] =	vst v36;
	v36 =	vadd.f32 v56, v37;
	v56 =	vadd.f32 v11, v41  }
0x167: {  	v24 =	vld [tilespmem:s28+$0xD10];
	v9 =	vadd.f32 v55, v9;
	v55 =	vadd.f32 v57, v10  }
0x168: {  	v57 =	vadd.f32 v54, v53;
	v54 =	vadd.f32 v52, v56;
	v52 =	vld [tilespmem:$0x1FBE0]  }
0x169: {  	[tilespmem:$0x1FCE0] =	vst v0;
	v0 =	vld [tilespmem:s28+$0x6D10]  }
0x16a: {  	v23 =	vld [tilespmem:s28+$0xD20]  }
0x16b: {  	v43 =	vld [tilespmem:s28+$0xC170];
	[tilespmem:s28+$0xC140] =	vst v57;
	v57 =	vadd.f32 v40, v44  }
0x16c: {  	v11 =	vld [tilespmem:s28+$0xC520]  }
0x16d: {  	[tilespmem:s28+$0xC120] =	vst v36;
	v36 =	vadd.f32 v52, v57;
	v57 =	vld [tilespmem:$0x1FC00]  }
0x16e: {  	[tilespmem:$0x1FCF0] =	vst v0;
	v0 =	vld [tilespmem:s28+$0x6D20]  }
0x16f: {  	v22 =	vld [tilespmem:s28+$0xD30]  }
0x170: {  	v21 =	vld [tilespmem:s28+$0xD40]  }
0x171: {  	v42 =	vld [tilespmem:s28+$0xC160];
	v8 =	vadd.f32 v8, v11  }
0x172: {  	[tilespmem:s28+$0xC130] =	vst v55;
	v55 =	vadd.f32 v12, v43;
	v12 =	vld [tilespmem:s28+$0xC540]  }
0x173: {  	v8 =	vadd.f32 v57, v8;
	[tilespmem:$0x1FD00] =	vst v0;
	v0 =	vld [tilespmem:s28+$0x6D30]  }
0x174: {  	v3 =	vld [tilespmem:s28+$0xD50]  }
0x175: {  	[tilespmem:s28+$0xC520] =	vst v8;
	v8 =	vld [tilespmem:$0x1FC20]  }
0x176: {  	v1 =	vld [tilespmem:s28+$0xD60]  }
0x177: {  	v2 =	vld [tilespmem:s28+$0xD70]  }
0x178: {  	v53 =	vadd.f32 v39, v42;
	v7 =	vadd.f32 v7, v12;
	[tilespmem:$0x1FD10] =	vst v0;
	v0 =	vld [tilespmem:s28+$0x6D40]  }
0x179: {  	v63 =	vld [tilespmem:s28+$0x1110]  }
0x17a: {  	v56 =	vadd.f32 v51, v53;
	v51 =	vld [tilespmem:s28+$0xC560];
	v7 =	vadd.f32 v8, v7  }
0x17b: {  	v62 =	vld [tilespmem:s28+$0x1120]  }
0x17c: {  	[tilespmem:s28+$0xC540] =	vst v7;
	v7 =	vld [tilespmem:$0x1FC40]  }
0x17d: {  	[tilespmem:$0x1FD20] =	vst v0;
	v0 =	vld [tilespmem:s28+$0x6D50]  }
0x17e: {  	v61 =	vld [tilespmem:s28+$0x1130]  }
0x17f: {  	v45 =	vld [tilespmem:s28+$0xC550];
	v6 =	vadd.f32 v6, v51  }
0x180: {  	[tilespmem:s28+$0xC160] =	vst v56;
	v56 =	vld [tilespmem:s28+$0xC900]  }
0x181: {  	v12 =	vld [tilespmem:s28+$0xC910];
	v6 =	vadd.f32 v7, v6  }
0x182: {  	[tilespmem:$0x1FD30] =	vst v0;
	v0 =	vld [tilespmem:s28+$0x6D60]  }
0x183: {  	[tilespmem:s28+$0xC560] =	vst v6;
	v6 =	vld [tilespmem:$0x1FC60]  }
0x184: {  	v51 =	vld [tilespmem:$0x1FC70]  }
0x185: {  	v39 =	vld [tilespmem:s28+$0xC530]  }
0x186: {  	v44 =	vmov v47;
	v47 =	vld [tilespmem:$0x1FBD0];
	v5 =	vadd.f32 v5, v56  }
0x187: {  	v4 =	vadd.f32 v4, v12;
	[tilespmem:$0x1FD40] =	vst v0;
	v0 =	vld [tilespmem:s28+$0x6D70]  }
0x188: {  	v40 =	vld [tilespmem:s28+$0xC920];
	v5 =	vadd.f32 v6, v5  }
0x189: {  	v8 =	vld [tilespmem:s28+$0xC930];
	v4 =	vadd.f32 v51, v4  }
0x18a: {  	[tilespmem:s28+$0xC900] =	vst v5;
	v5 =	vld [tilespmem:$0x1FC80]  }
0x18b: {  	[tilespmem:s28+$0xC910] =	vst v4;
	v4 =	vld [tilespmem:$0x1FC90]  }
0x18c: {  	[tilespmem:$0x1FD50] =	vst v0;
	v0 =	vld [tilespmem:s28+$0x7100]  }
0x18d: {  	v38 =	vld [tilespmem:s28+$0xC510];
	[tilespmem:s28+$0xC110] =	vst v9;
	v9 =	vadd.f32 v47, v55  }
0x18e: {  	[tilespmem:s28+$0xC150] =	vst v54;
	v54 =	vld [tilespmem:$0x1FBF0];
	v55 =	vadd.f32 v34, v39;
	v6 =	vadd.f32 v31, v40  }
0x18f: {  	v39 =	vadd.f32 v33, v45;
	v45 =	vld [tilespmem:s28+$0xC940];
	v8 =	vadd.f32 v30, v8  }
0x190: {  	v7 =	vld [tilespmem:s28+$0xC950];
	v5 =	vadd.f32 v5, v6  }
0x191: {  	v4 =	vadd.f32 v4, v8;
	[tilespmem:$0x1FD60] =	vst v0;
	v0 =	vld [tilespmem:s28+$0x7110]  }
0x192: {  	[tilespmem:s28+$0xC920] =	vst v5;
	v5 =	vld [tilespmem:$0x1FCA0]  }
0x193: {  	[tilespmem:s28+$0xC930] =	vst v4;
	v4 =	vld [tilespmem:$0x1FCB0]  }
0x194: {  	v60 =	vld [tilespmem:s28+$0x1140]  }
0x195: {  	v42 =	vmov v46;
	v53 =	vld [tilespmem:s28+$0xC570];
	v6 =	vadd.f32 v29, v45  }
0x196: {  	v46 =	vmovc v48;
	v48 =	vmov v49;
	v49 =	vadd.f32 v35, v38;
	v7 =	vadd.f32 v28, v7;
	[tilespmem:$0x1FD70] =	vst v0;
	v0 =	vld [tilespmem:s28+$0x7120]  }
0x197: {  	v12 =	vld [tilespmem:s28+$0xC970];
	v5 =	vadd.f32 v5, v6  }
0x198: {  	[tilespmem:s28+$0xC170] =	vst v9;
	v9 =	vadd.f32 v54, v49;
	v49 =	vld [tilespmem:s28+$0xC960];
	v4 =	vadd.f32 v4, v7  }
0x199: {  	[tilespmem:s28+$0xC940] =	vst v5;
	v5 =	vld [tilespmem:$0x1FCC0]  }
0x19a: {  	[tilespmem:s28+$0xC950] =	vst v4;
	v4 =	vld [tilespmem:$0x1FCD0]  }
0x19b: {  	[tilespmem:$0x1FD80] =	vst v0;
	v0 =	vld [tilespmem:s28+$0x7130]  }
0x19c: {  	v59 =	vld [tilespmem:s28+$0x1150]  }
0x19d: {  	v58 =	vld [tilespmem:s28+$0x1160];
	v6 =	vadd.f32 v27, v49  }
0x19e: {  	v52 =	vld [tilespmem:s28+$0xCD00];
	v7 =	vadd.f32 v26, v12  }
0x19f: {  	v43 =	vadd.f32 v32, v53;
	v53 =	vld [tilespmem:s28+$0xCD10];
	v5 =	vadd.f32 v5, v6  }
0x1a0: {  	v4 =	vadd.f32 v4, v7;
	[tilespmem:$0x1FD90] =	vst v0;
	v0 =	vld [tilespmem:s28+$0x7140]  }
0x1a1: {  	[tilespmem:s28+$0xC960] =	vst v5;
	v5 =	vld [tilespmem:$0x1FCE0]  }
0x1a2: {  	[tilespmem:s28+$0xC970] =	vst v4;
	v4 =	vld [tilespmem:$0x1FCF0]  }
0x1a3: {  	v20 =	vld [tilespmem:s28+$0x1170]  }
0x1a4: {  	v54 =	vld [tilespmem:s28+$0xCD30];
	v6 =	vadd.f32 v25, v52  }
0x1a5: {  	v7 =	vadd.f32 v24, v53;
	[tilespmem:$0x1FDA0] =	vst v0;
	v0 =	vld [tilespmem:s28+$0x7150]  }
0x1a6: {  	v38 =	vld [tilespmem:$0x1FC10];
	v5 =	vadd.f32 v5, v6  }
0x1a7: {  	v8 =	vld [tilespmem:s28+$0xCD20];
	v4 =	vadd.f32 v4, v7  }
0x1a8: {  	[tilespmem:s28+$0xCD00] =	vst v5;
	v5 =	vld [tilespmem:$0x1FD00]  }
0x1a9: {  	[tilespmem:s28+$0xCD10] =	vst v4;
	v4 =	vld [tilespmem:$0x1FD10]  }
0x1aa: {  	[tilespmem:$0x1FDB0] =	vst v0;
	v0 =	vld [tilespmem:s28+$0x7160]  }
0x1ab: {  	v19 =	vld [tilespmem:s28+$0x1500]  }
0x1ac: {  	v18 =	vld [tilespmem:s28+$0x1510];
	v6 =	vadd.f32 v23, v8  }
0x1ad: {  	[tilespmem:s28+$0xC510] =	vst v9;
	v9 =	vadd.f32 v38, v55;
	v55 =	vld [tilespmem:s28+$0xCD50];
	v7 =	vadd.f32 v22, v54  }
0x1ae: {  	v12 =	vld [tilespmem:s28+$0xCD40];
	v5 =	vadd.f32 v5, v6  }
0x1af: {  	v4 =	vadd.f32 v4, v7;
	[tilespmem:$0x1FDC0] =	vst v0;
	v0 =	vld [tilespmem:s28+$0x7170]  }
0x1b0: {  	[tilespmem:s28+$0xCD20] =	vst v5;
	v5 =	vld [tilespmem:$0x1FD20]  }
0x1b1: {  	[tilespmem:s28+$0xCD30] =	vst v4;
	v4 =	vld [tilespmem:$0x1FD30]  }
0x1b2: {  	v17 =	vld [tilespmem:s28+$0x1520]  }
0x1b3: {  	v16 =	vld [tilespmem:s28+$0x1530];
	v6 =	vadd.f32 v21, v12  }
0x1b4: {  	v3 =	vadd.f32 v3, v55;
	[tilespmem:$0x1FDD0] =	vst v0;
	v0 =	vld [tilespmem:s28+$0x7500]  }
0x1b5: {  	v56 =	vld [tilespmem:s28+$0xCD60];
	v5 =	vadd.f32 v5, v6  }
0x1b6: {  	v8 =	vld [tilespmem:s28+$0xCD70];
	v3 =	vadd.f32 v4, v3  }
0x1b7: {  	[tilespmem:s28+$0xCD40] =	vst v5;
	v5 =	vld [tilespmem:$0x1FD40]  }
0x1b8: {  	[tilespmem:s28+$0xCD50] =	vst v3;
	v3 =	vld [tilespmem:$0x1FD50]  }
0x1b9: {  	[tilespmem:$0x1FDE0] =	vst v0;
	v0 =	vld [tilespmem:s28+$0x7510]  }
0x1ba: {  	v15 =	vld [tilespmem:s28+$0x1540]  }
0x1bb: {  	v13 =	vld [tilespmem:s28+$0x1550];
	v2 =	vadd.f32 v2, v8  }
0x1bc: {  	v1 =	vadd.f32 v1, v56;
	v57 =	vld [tilespmem:s28+$0xD100]  }
0x1bd: {  	v12 =	vld [tilespmem:s28+$0xD110];
	v2 =	vadd.f32 v3, v2  }
0x1be: {  	v1 =	vadd.f32 v5, v1;
	[tilespmem:$0x1FDF0] =	vst v0;
	v0 =	vld [tilespmem:s28+$0x1100]  }
0x1bf: {  	[tilespmem:s28+$0xCD70] =	vst v2;
	v2 =	vld [tilespmem:$0x1FD70]  }
0x1c0: {  	[tilespmem:s28+$0xCD60] =	vst v1;
	v1 =	vld [tilespmem:$0x1FD60]  }
0x1c1: {  	v50 =	vld [tilespmem:s28+$0x1560]  }
0x1c2: {  	v14 =	vld [tilespmem:s28+$0x1570];
	v3 =	vadd.f32 v63, v12  }
0x1c3: {  	v41 =	vld [tilespmem:$0x1FC30];
	v0 =	vadd.f32 v0, v57  }
0x1c4: {  	v7 =	vld [tilespmem:s28+$0xD120];
	v3 =	vadd.f32 v2, v3  }
0x1c5: {  	v6 =	vld [tilespmem:s28+$0xD130];
	v0 =	vadd.f32 v1, v0  }
0x1c6: {  	[tilespmem:s28+$0xD110] =	vst v3;
	v3 =	vld [tilespmem:$0x1FD90]  }
0x1c7: {  	[tilespmem:s28+$0xD100] =	vst v0;
	v0 =	vld [tilespmem:$0x1FD80]  }
0x1c8: {  	v4 =	vld [tilespmem:s28+$0xD140]  }
0x1c9: {  	v47 =	vld [tilespmem:$0x1FC50]  }
0x1ca: {  	v8 =	vld [tilespmem:s28+$0xD160];
	v7 =	vadd.f32 v62, v7;
	v6 =	vadd.f32 v61, v6  }
0x1cb: {  	[tilespmem:s28+$0xC530] =	vst v9;
	v9 =	vadd.f32 v41, v39;
	v5 =	vld [tilespmem:s28+$0xD150]  }
0x1cc: {  	p0 =	sne.s32 s4, $0x1F;
	v62 =	vadd.f32 v0, v7;
	v7 =	vadd.f32 v3, v6;
	v3 =	vld [tilespmem:$0x1FDA0]  }
.Ltmp0:
0x1cd: {  	v63 =	vadd.f32 v60, v4;
	v4 =	vld [tilespmem:s28+$0xD520];
	(pc) =	sbr.rel @p0 .LBB2_2-.Ltmp0, $4  }
0x1ce: {  	[tilespmem:s28+$0xC550] =	vst v9;
	v9 =	vadd.f32 v47, v43;
	v2 =	vld [tilespmem:s28+$0xD500]  }
0x1cf: {  	[tilespmem:s28+$0xC500] =	vst v36;
	v1 =	vld [tilespmem:s28+$0xD170]  }
0x1d0: {  	[tilespmem:s28+$0xC570] =	vst v9;
	v0 =	vld [tilespmem:s28+$0xD510];
	v6 =	vadd.f32 v59, v5  }
0x1d1: {  	s4 =	sadd.s32 $0x1, s4;
	v5 =	vadd.f32 v58, v8;
	[tilespmem:s28+$0xD120] =	vst v62;
	v21 =	vadd.f32 v3, v63;
	v3 =	vld [tilespmem:s28+$0xD530]  }
0x1d2: {  	v9 =	vld [tilespmem:$0x1FDC0];
	_ =	sdelay $0x4  }
0x1d3: {  	v5 =	vadd.f32 v9, v5;
	v9 =	vld [tilespmem:$0x1FDD0];
	_ =	sdelay $0x2  }
0x1d4: {  	v1 =	vadd.f32 v20, v1  }
0x1d5: {  	v8 =	vld [tilespmem:$0x1FDB0]  }
0x1d6: {  	v1 =	vadd.f32 v9, v1;
	v9 =	vld [tilespmem:$0x1FDE0];
	_ =	sdelay $0x2  }
0x1d7: {  	v2 =	vadd.f32 v19, v2;
	_ =	sdelay $0x1  }
0x1d8: {  	v6 =	vadd.f32 v8, v6;
	v2 =	vadd.f32 v9, v2;
	v9 =	vld [tilespmem:$0x1FDF0]  }
0x1d9: {  	[tilespmem:s28+$0xD130] =	vst v7;
	v7 =	vld [tilespmem:s28+$0xD540]  }
0x1da: {  	v8 =	vld [tilespmem:s28+$0xD550];
	[tilespmem:s28+$0xD150] =	vst v6  }
0x1db: {  	v0 =	vadd.f32 v18, v0;
	v6 =	vld [tilespmem:s28+$0xD560];
	[tilespmem:s28+$0xD160] =	vst v5  }
0x1dc: {  	v5 =	vld [tilespmem:s28+$0xD570];
	[tilespmem:s28+$0xD170] =	vst v1;
	v1 =	vadd.f32 v17, v4  }
0x1dd: {  	[tilespmem:s28+$0xD140] =	vst v21;
	v3 =	vadd.f32 v16, v3;
	v4 =	vld [tilespmem:s28+$0x7560];
	v0 =	vadd.f32 v9, v0  }
0x1de: {  	v1 =	vadd.f32 v48, v1;
	[tilespmem:s28+$0xD500] =	vst v2;
	v2 =	vadd.f32 v15, v7;
	v7 =	vld [tilespmem:s28+$0x7570]  }
0x1df: {  	[tilespmem:s28+$0xD510] =	vst v0;
	v0 =	vadd.f32 v46, v3;
	v3 =	vadd.f32 v13, v8  }
0x1e0: {  	[tilespmem:s28+$0xD520] =	vst v1;
	v1 =	vadd.f32 v44, v2;
	v2 =	vadd.f32 v50, v6  }
0x1e1: {  	[tilespmem:s28+$0xD530] =	vst v0;
	v0 =	vadd.f32 v42, v3;
	v3 =	vadd.f32 v14, v5  }
0x1e2: {  	[tilespmem:s28+$0xD540] =	vst v1;
	v1 =	vadd.f32 v4, v2  }
0x1e3: {  	[tilespmem:s28+$0xD550] =	vst v0;
	v0 =	vadd.f32 v7, v3  }
0x1e4: {  	[tilespmem:s28+$0xD560] =	vst v1  }
0x1e5: {  	[tilespmem:s28+$0xD570] =	vst v0;
	s28 =	simm.s32 $0x0  }
0x1e6: {  	[hbm4b:s9+s28] =	stream.linear.scatter [tilespmem:s24], [sflag:$0x2], $0x6000, $0x38;
	[tilespmem:$0x12100] =	vst v63  }
0x1e7: {  	_ =	swait.ge [sflag:s15], $0x6000  }
0x1e8: {  	[sflag:s15] =	ssyncset.done $0x0  }
0x1e9: {  	[sflag:s15] =	ssyncadd.s32 $0xFFFFA000  }
0x1ea: {  	[tilespmem:s28], [sflag:$0x2] =	stream.linear.gather [hbm4b:s10+s28], $0x20, $0x38;
	[tilespmem:$0x12100] =	vst v63  }
0x1eb: {  	_ =	swait.ge [sflag:s15], $0x20  }
0x1ec: {  	[sflag:s15] =	ssyncset.done $0x0  }
0x1ed: {  	s4 =	simm.s32 $0x80;
	[sflag:s15] =	ssyncadd.s32 $0xFFFFFFE0  }
0x1ee: {  	[tilespmem:s4], [sflag:$0x2] =	stream.linear.gather [hbm4b:s11+s28], $0x20, $0x38;
	[tilespmem:$0x12100] =	vst v63  }
0x1ef: {  	_ =	swait.ge [sflag:s15], $0x20  }
0x1f0: {  	[sflag:s15] =	ssyncset.done $0x0  }
0x1f1: {  	[sflag:s15] =	ssyncadd.s32 $0xFFFFFFE0  }
0x1f2: {  	v0 =	vld [tilespmem:$0x0];
	_ =	sdelay $0x3  }
0x1f3: {  	v2 =	vld [tilespmem:$0x1FFD0]  }
0x1f4: {  	v1 =	vshrl.u32 v0, $0x3  }
0x1f5: {  	v3 =	vld [tilespmem:$0x1FFE0];
	v1 =	vmul.u32 $0x30, v1  }
0x1f6: {  	v0 =	vand.u32 $0x7, v0  }
0x1f7: {  	v0 =	vor.u32 v0, v1  }
0x1f8: {  	v1 =	vperm.xlane v0, v2  }
0x1f9: {  	v4 =	vld [tilespmem:$0x1FFF0]  }
0x1fa: {  	v1 =	vadd.s32 v3, v1;
	_ =	sdelay $0x3  }
0x1fb: {  	s5 =	simm.s32 $0x100;
	v0 =	vperm.xlane v0, v4  }
0x1fc: {  	[tilespmem:s5], [sflag:$0x1] =	stream.indirect_vreg.gather [hbm4b:s3+s28], $0x80, v1, vm0, $0xb8;
	[tilespmem:$0x12100] =	vst v63  }
0x1fd: {  	s30 =	simm.s32 $0x900;
	v0 =	vadd.s32 v3, v0  }
0x1fe: {  	[tilespmem:s30], [sflag:$0x1] =	stream.indirect_vreg.gather [hbm4b:s6+s28], $0x80, v1, vm0, $0xb8;
	[tilespmem:$0x12100] =	vst v63  }
0x1ff: {  	s5 =	simm.s32 $0x1100  }
0x200: {  	[tilespmem:s5], [sflag:$0x1] =	stream.indirect_vreg.gather [hbm4b:s7+s28], $0x80, v1, vm0, $0xb8;
	[tilespmem:$0x12100] =	vst v63  }
0x201: {  	s30 =	simm.s32 $0x1900  }
0x202: {  	[tilespmem:s30], [sflag:$0x1] =	stream.indirect_vreg.gather [hbm4b:s3+s28], $0x80, v0, vm0, $0xb8;
	[tilespmem:$0x12100] =	vst v63  }
0x203: {  	s5 =	simm.s32 $0x2100  }
0x204: {  	[tilespmem:s5], [sflag:$0x1] =	stream.indirect_vreg.gather [hbm4b:s6+s28], $0x80, v0, vm0, $0xb8;
	[tilespmem:$0x12100] =	vst v63  }
0x205: {  	s30 =	simm.s32 $0x2900  }
0x206: {  	[tilespmem:s30], [sflag:$0x1] =	stream.indirect_vreg.gather [hbm4b:s7+s28], $0x80, v0, vm0, $0xb8;
	[tilespmem:$0x12100] =	vst v63  }
0x207: {  	v0 =	vld [tilespmem:$0x10];
	_ =	sdelay $0x4  }
0x208: {  	v1 =	vshrl.u32 v0, $0x3  }
0x209: {  	v1 =	vmul.u32 $0x30, v1  }
0x20a: {  	v0 =	vand.u32 $0x7, v0  }
0x20b: {  	v0 =	vor.u32 v0, v1  }
0x20c: {  	v1 =	vperm.xlane v0, v2;
	_ =	sdelay $0x1  }
0x20d: {  	v1 =	vadd.s32 v3, v1;
	_ =	sdelay $0x3  }
0x20e: {  	s5 =	simm.s32 $0x3100;
	v0 =	vperm.xlane v0, v4  }
0x20f: {  	[tilespmem:s5], [sflag:$0x1] =	stream.indirect_vreg.gather [hbm4b:s3+s28], $0x80, v1, vm0, $0xb8;
	[tilespmem:$0x12100] =	vst v63  }
0x210: {  	s30 =	simm.s32 $0x3900;
	v0 =	vadd.s32 v3, v0  }
0x211: {  	[tilespmem:s30], [sflag:$0x1] =	stream.indirect_vreg.gather [hbm4b:s6+s28], $0x80, v1, vm0, $0xb8;
	[tilespmem:$0x12100] =	vst v63  }
0x212: {  	s5 =	simm.s32 $0x4100  }
0x213: {  	[tilespmem:s5], [sflag:$0x1] =	stream.indirect_vreg.gather [hbm4b:s7+s28], $0x80, v1, vm0, $0xb8;
	[tilespmem:$0x12100] =	vst v63  }
0x214: {  	s30 =	simm.s32 $0x4900  }
0x215: {  	[tilespmem:s30], [sflag:$0x1] =	stream.indirect_vreg.gather [hbm4b:s3+s28], $0x80, v0, vm0, $0xb8;
	[tilespmem:$0x12100] =	vst v63  }
0x216: {  	s5 =	simm.s32 $0x5100  }
0x217: {  	[tilespmem:s5], [sflag:$0x1] =	stream.indirect_vreg.gather [hbm4b:s6+s28], $0x80, v0, vm0, $0xb8;
	[tilespmem:$0x12100] =	vst v63  }
0x218: {  	s30 =	simm.s32 $0x5900  }
0x219: {  	[tilespmem:s30], [sflag:$0x1] =	stream.indirect_vreg.gather [hbm4b:s7+s28], $0x80, v0, vm0, $0xb8;
	[tilespmem:$0x12100] =	vst v63  }
0x21a: {  	v0 =	vld [tilespmem:$0x80];
	_ =	sdelay $0x4  }
0x21b: {  	v1 =	vshrl.u32 v0, $0x3  }
0x21c: {  	v1 =	vmul.u32 $0x30, v1  }
0x21d: {  	v0 =	vand.u32 $0x7, v0  }
0x21e: {  	v0 =	vor.u32 v0, v1  }
0x21f: {  	v1 =	vperm.xlane v0, v2;
	_ =	sdelay $0x1  }
0x220: {  	v1 =	vadd.s32 v3, v1;
	_ =	sdelay $0x3  }
0x221: {  	s5 =	simm.s32 $0x6100;
	v0 =	vperm.xlane v0, v4  }
0x222: {  	[tilespmem:s5], [sflag:$0x1] =	stream.indirect_vreg.gather [hbm4b:s3+s28], $0x80, v1, vm0, $0xb8;
	[tilespmem:$0x12100] =	vst v63  }
0x223: {  	v0 =	vadd.s32 v3, v0  }
0x224: {  	[tilespmem:s31], [sflag:$0x1] =	stream.indirect_vreg.gather [hbm4b:s6+s28], $0x80, v1, vm0, $0xb8;
	[tilespmem:$0x12100] =	vst v63  }
0x225: {  	_ = 	snop  }
0x226: {  	[tilespmem:s0], [sflag:$0x1] =	stream.indirect_vreg.gather [hbm4b:s7+s28], $0x80, v1, vm0, $0xb8;
	[tilespmem:$0x12100] =	vst v63  }
0x227: {  	_ = 	snop  }
0x228: {  	[tilespmem:s2], [sflag:$0x1] =	stream.indirect_vreg.gather [hbm4b:s3+s28], $0x80, v0, vm0, $0xb8;
	[tilespmem:$0x12100] =	vst v63  }
0x229: {  	_ = 	snop  }
0x22a: {  	[tilespmem:s16], [sflag:$0x1] =	stream.indirect_vreg.gather [hbm4b:s6+s28], $0x80, v0, vm0, $0xb8;
	[tilespmem:$0x12100] =	vst v63  }
0x22b: {  	_ = 	snop  }
0x22c: {  	[tilespmem:s17], [sflag:$0x1] =	stream.indirect_vreg.gather [hbm4b:s7+s28], $0x80, v0, vm0, $0xb8;
	[tilespmem:$0x12100] =	vst v63  }
0x22d: {  	v0 =	vld [tilespmem:$0x90];
	_ =	sdelay $0x4  }
0x22e: {  	v1 =	vshrl.u32 v0, $0x3  }
0x22f: {  	v1 =	vmul.u32 $0x30, v1  }
0x230: {  	v0 =	vand.u32 $0x7, v0  }
0x231: {  	v0 =	vor.u32 v0, v1  }
0x232: {  	v1 =	vperm.xlane v0, v2;
	_ =	sdelay $0x1  }
0x233: {  	v1 =	vadd.s32 v3, v1;
	_ =	sdelay $0x3  }
0x234: {  	v0 =	vperm.xlane v0, v4  }
0x235: {  	[tilespmem:s18], [sflag:$0x1] =	stream.indirect_vreg.gather [hbm4b:s3+s28], $0x80, v1, vm0, $0xb8;
	[tilespmem:$0x12100] =	vst v63  }
0x236: {  	v0 =	vadd.s32 v3, v0  }
0x237: {  	[tilespmem:s19], [sflag:$0x1] =	stream.indirect_vreg.gather [hbm4b:s6+s28], $0x80, v1, vm0, $0xb8;
	[tilespmem:$0x12100] =	vst v63  }
0x238: {  	_ = 	snop  }
0x239: {  	[tilespmem:s20], [sflag:$0x1] =	stream.indirect_vreg.gather [hbm4b:s7+s28], $0x80, v1, vm0, $0xb8;
	[tilespmem:$0x12100] =	vst v63  }
0x23a: {  	_ = 	snop  }
0x23b: {  	[tilespmem:s21], [sflag:$0x1] =	stream.indirect_vreg.gather [hbm4b:s3+s28], $0x80, v0, vm0, $0xb8;
	[tilespmem:$0x12100] =	vst v63  }
0x23c: {  	_ = 	snop  }
0x23d: {  	[tilespmem:s22], [sflag:$0x1] =	stream.indirect_vreg.gather [hbm4b:s6+s28], $0x80, v0, vm0, $0xb8;
	[tilespmem:$0x12100] =	vst v63  }
0x23e: {  	_ = 	snop  }
0x23f: {  	[tilespmem:s23], [sflag:$0x1] =	stream.indirect_vreg.gather [hbm4b:s7+s28], $0x80, v0, vm0, $0xb8;
	[tilespmem:$0x12100] =	vst v63  }
0x240: {  	_ = 	snop  }
0x241: {  	[tilespmem:s24], [sflag:$0x2] =	stream.linear.gather [hbm4b:s12+s28], $0x6000, $0x38;
	[tilespmem:$0x12100] =	vst v63  }
0x242: {  	_ =	swait.ge [sflag:s15], $0x6000  }
0x243: {  	[sflag:s15] =	ssyncset.done $0x0  }
0x244: {  	[sflag:s15] =	ssyncadd.s32 $0xFFFFA000  }
0x245: {  	_ =	swait.ge [sflag:s25], $0x6000  }
0x246: {  	[sflag:s25] =	ssyncset.done $0x0  }
0x247: {  	s30 =	simm.s32 $0x0;
	[sflag:s25] =	ssyncadd.s32 $0xFFFFA000  }
0x248: {  	s4 =	smul.u32 $0x1800, s30;
	_ =	swait.ge [sflag:s25], $0x6000  }
0x249: {  	s5 =	sand.u32 $0x380, s28;
	[sflag:s25] =	ssyncset.done $0x0  }
0x24a: {  	s4 =	sor.u32 s5, s4;
	[sflag:s25] =	ssyncadd.s32 $0xFFFFA000  }
0x24b: {  	v0 =	vld [tilespmem:s4+$0x6570];
	_ =	sdelay $0x4  }
0x24c: {  	[tilespmem:$0x1FA00] =	vst v0;
	v0 =	vld [tilespmem:s4+$0x6900];
	_ =	sdelay $0x4  }
0x24d: {  	[tilespmem:$0x1FA10] =	vst v0;
	v0 =	vld [tilespmem:s4+$0x6910];
	_ =	sdelay $0x4  }
0x24e: {  	[tilespmem:$0x1FA20] =	vst v0;
	v0 =	vld [tilespmem:s4+$0x6920];
	_ =	sdelay $0x4  }
0x24f: {  	[tilespmem:$0x1FA30] =	vst v0;
	v0 =	vld [tilespmem:s4+$0x6930];
	_ =	sdelay $0x4  }
0x250: {  	[tilespmem:$0x1FA40] =	vst v0;
	v0 =	vld [tilespmem:s4+$0x6940];
	_ =	sdelay $0x4  }
0x251: {  	[tilespmem:$0x1FA50] =	vst v0;
	v0 =	vld [tilespmem:s4+$0x6950];
	_ =	sdelay $0x4  }
0x252: {  	[tilespmem:$0x1FA60] =	vst v0;
	v0 =	vld [tilespmem:s4+$0x6960];
	_ =	sdelay $0x4  }
0x253: {  	[tilespmem:$0x1FA70] =	vst v0;
	v0 =	vld [tilespmem:s4+$0x6970];
	_ =	sdelay $0x4  }
0x254: {  	[tilespmem:$0x1FA80] =	vst v0;
	v0 =	vld [tilespmem:s4+$0x6D00];
	_ =	sdelay $0x4  }
0x255: {  	[tilespmem:$0x1FA90] =	vst v0;
	v0 =	vld [tilespmem:s4+$0x6D10];
	_ =	sdelay $0x4  }
0x256: {  	[tilespmem:$0x1FAA0] =	vst v0;
	v0 =	vld [tilespmem:s4+$0x6D20];
	_ =	sdelay $0x4  }
0x257: {  	[tilespmem:$0x1FAB0] =	vst v0;
	v0 =	vld [tilespmem:s4+$0x6D30];
	_ =	sdelay $0x4  }
0x258: {  	[tilespmem:$0x1FAC0] =	vst v0;
	v0 =	vld [tilespmem:s4+$0x6D40];
	_ =	sdelay $0x4  }
0x259: {  	[tilespmem:$0x1FAD0] =	vst v0;
	v0 =	vld [tilespmem:s4+$0x6D50];
	_ =	sdelay $0x4  }
0x25a: {  	[tilespmem:$0x1FAE0] =	vst v0;
	v0 =	vld [tilespmem:s4+$0x6D60];
	_ =	sdelay $0x4  }
0x25b: {  	[tilespmem:$0x1FAF0] =	vst v0;
	v0 =	vld [tilespmem:s4+$0x6D70];
	_ =	sdelay $0x4  }
0x25c: {  	[tilespmem:$0x1FB10] =	vst v0;
	v0 =	vld [tilespmem:s4+$0x7100];
	_ =	sdelay $0x4  }
0x25d: {  	[tilespmem:$0x1FB30] =	vst v0;
	v0 =	vld [tilespmem:s4+$0x7110];
	_ =	sdelay $0x4  }
0x25e: {  	[tilespmem:$0x1FB50] =	vst v0;
	v0 =	vld [tilespmem:s4+$0x7120];
	_ =	sdelay $0x4  }
0x25f: {  	[tilespmem:$0x1FB70] =	vst v0;
	v0 =	vld [tilespmem:s4+$0x7130];
	_ =	sdelay $0x4  }
0x260: {  	[tilespmem:$0x1FB90] =	vst v0;
	v0 =	vld [tilespmem:s4+$0x7140];
	_ =	sdelay $0x4  }
0x261: {  	[tilespmem:$0x1FBB0] =	vst v0;
	v0 =	vld [tilespmem:s4+$0x7150];
	_ =	sdelay $0x4  }
0x262: {  	[tilespmem:$0x1F9B0] =	vst v0;
	v0 =	vld [tilespmem:s4+$0x7160];
	_ =	sdelay $0x4  }
0x263: {  	[tilespmem:$0x1F9C0] =	vst v0;
	v0 =	vld [tilespmem:s4+$0x7170];
	_ =	sdelay $0x4  }
0x264: {  	[tilespmem:$0x1F9D0] =	vst v0;
	v0 =	vld [tilespmem:s4+$0x7500];
	_ =	sdelay $0x4  }
0x265: {  	[tilespmem:$0x1F9E0] =	vst v0;
	v0 =	vld [tilespmem:s4+$0x7510];
	_ =	sdelay $0x4  }
0x266: {  	[tilespmem:$0x1F9F0] =	vst v0;
	v0 =	vld [tilespmem:s4+$0x1100];
	_ =	sdelay $0x4  }
0x267: {  	[tilespmem:$0x1FB00] =	vst v0;
	v0 =	vld [tilespmem:s4+$0x1110];
	_ =	sdelay $0x4  }
0x268: {  	[tilespmem:$0x1FB20] =	vst v0;
	v0 =	vld [tilespmem:s4+$0x1120];
	_ =	sdelay $0x1  }
0x269: {  	v14 =	vld [tilespmem:s4+$0x6100]  }
0x26a: {  	v53 =	vld [tilespmem:s4+$0x6110]  }
0x26b: {  	v54 =	vld [tilespmem:s4+$0x6120]  }
0x26c: {  	[tilespmem:$0x1FB40] =	vst v0;
	v0 =	vld [tilespmem:s4+$0x1130]  }
0x26d: {  	v55 =	vld [tilespmem:s4+$0x6130]  }
0x26e: {  	v56 =	vld [tilespmem:s4+$0x6140]  }
0x26f: {  	v57 =	vld [tilespmem:s4+$0x6150]  }
0x270: {  	v58 =	vld [tilespmem:s4+$0x6160]  }
0x271: {  	[tilespmem:$0x1FB60] =	vst v0;
	v0 =	vld [tilespmem:s4+$0x1140]  }
0x272: {  	v59 =	vld [tilespmem:s4+$0x6170]  }
0x273: {  	v60 =	vld [tilespmem:s4+$0x6500]  }
0x274: {  	v61 =	vld [tilespmem:s4+$0x6510]  }
0x275: {  	v37 =	vld [tilespmem:s4+$0x6520]  }
0x276: {  	[tilespmem:$0x1FB80] =	vst v0;
	v0 =	vld [tilespmem:s4+$0x1150]  }
0x277: {  	v49 =	vld [tilespmem:s4+$0x6530]  }
0x278: {  	v45 =	vld [tilespmem:s4+$0x6540]  }
0x279: {  	v41 =	vld [tilespmem:s4+$0x6550]  }
0x27a: {  	v62 =	vld [tilespmem:s4+$0x100]  }
0x27b: {  	[tilespmem:$0x1FBA0] =	vst v0;
	v0 =	vld [tilespmem:s4+$0x1160]  }
0x27c: {  	v63 =	vld [tilespmem:s4+$0x110]  }
0x27d: {  	v5 =	vld [tilespmem:s4+$0x120]  }
0x27e: {  	v6 =	vld [tilespmem:s4+$0x130]  }
0x27f: {  	v7 =	vld [tilespmem:s4+$0x140]  }
0x280: {  	[tilespmem:$0x1FBC0] =	vst v0;
	v0 =	vld [tilespmem:s4+$0xC100]  }
0x281: {  	v1 =	vld [tilespmem:s4+$0xC110]  }
0x282: {  	v2 =	vld [tilespmem:s4+$0xC120]  }
0x283: {  	v3 =	vld [tilespmem:s4+$0xC130]  }
0x284: {  	v8 =	vld [tilespmem:s4+$0x150]  }
0x285: {  	v0 =	vadd.f32 v62, v0;
	v62 =	vld [tilespmem:s4+$0xC150]  }
0x286: {  	v22 =	vld [tilespmem:s4+$0x170];
	v1 =	vadd.f32 v63, v1  }
0x287: {  	v2 =	vadd.f32 v5, v2;
	v5 =	vld [tilespmem:s4+$0xC170]  }
0x288: {  	v4 =	vld [tilespmem:s4+$0xC140];
	v3 =	vadd.f32 v6, v3;
	v1 =	vadd.f32 v53, v1  }
0x289: {  	v21 =	vld [tilespmem:s4+$0x160]  }
0x28a: {  	v63 =	vld [tilespmem:s4+$0xC160];
	[tilespmem:s4+$0xC110] =	vst v1;
	v1 =	vadd.f32 v55, v3;
	v3 =	vadd.f32 v8, v62  }
0x28b: {  	v39 =	vld [tilespmem:s4+$0x6560];
	v0 =	vadd.f32 v14, v0  }
0x28c: {  	v23 =	vld [tilespmem:s4+$0x500];
	[tilespmem:s4+$0xC130] =	vst v1;
	v1 =	vadd.f32 v57, v3;
	v3 =	vadd.f32 v22, v5  }
0x28d: {  	v24 =	vld [tilespmem:s4+$0x510];
	[tilespmem:s4+$0xC100] =	vst v0;
	v0 =	vadd.f32 v54, v2;
	v2 =	vadd.f32 v7, v4  }
0x28e: {  	v25 =	vld [tilespmem:s4+$0x520];
	[tilespmem:s4+$0xC150] =	vst v1;
	v1 =	vadd.f32 v59, v3  }
0x28f: {  	v27 =	vld [tilespmem:s4+$0x540];
	[tilespmem:s4+$0xC120] =	vst v0;
	v0 =	vadd.f32 v56, v2;
	v2 =	vadd.f32 v21, v63  }
0x290: {  	[tilespmem:s4+$0xC170] =	vst v1;
	v1 =	vld [tilespmem:s4+$0xC540]  }
0x291: {  	v26 =	vld [tilespmem:s4+$0x530];
	[tilespmem:s4+$0xC140] =	vst v0;
	v0 =	vadd.f32 v58, v2  }
0x292: {  	v28 =	vld [tilespmem:s4+$0x550]  }
0x293: {  	[tilespmem:s4+$0xC160] =	vst v0;
	v0 =	vld [tilespmem:s4+$0xC530]  }
0x294: {  	v4 =	vld [tilespmem:s4+$0xC500]  }
0x295: {  	v29 =	vld [tilespmem:s4+$0x560];
	v1 =	vadd.f32 v27, v1  }
0x296: {  	v30 =	vld [tilespmem:s4+$0x570]  }
0x297: {  	v9 =	vld [tilespmem:s4+$0x950];
	v1 =	vadd.f32 v45, v1  }
0x298: {  	v6 =	vld [tilespmem:s4+$0xC510];
	v0 =	vadd.f32 v26, v0  }
0x299: {  	v4 =	vadd.f32 v23, v4;
	[tilespmem:s4+$0xC540] =	vst v1;
	v1 =	vld [tilespmem:s4+$0xC950]  }
0x29a: {  	v35 =	vld [tilespmem:s4+$0x940];
	v0 =	vadd.f32 v49, v0  }
0x29b: {  	v2 =	vld [tilespmem:s4+$0xC520];
	v4 =	vadd.f32 v60, v4  }
0x29c: {  	[tilespmem:s4+$0xC530] =	vst v0;
	v0 =	vld [tilespmem:s4+$0xC940]  }
0x29d: {  	[tilespmem:s4+$0xC500] =	vst v4;
	v4 =	vld [tilespmem:s4+$0xC550]  }
0x29e: {  	v3 =	vadd.f32 v24, v6;
	v1 =	vadd.f32 v9, v1;
	v9 =	vld [tilespmem:$0x1FA50]  }
0x29f: {  	v31 =	vld [tilespmem:s4+$0x900]  }
0x2a0: {  	v32 =	vld [tilespmem:s4+$0x910];
	v3 =	vadd.f32 v61, v3  }
0x2a1: {  	v33 =	vld [tilespmem:s4+$0x920];
	v0 =	vadd.f32 v35, v0  }
0x2a2: {  	[tilespmem:s4+$0xC510] =	vst v3;
	v3 =	vld [tilespmem:s4+$0xC560];
	v4 =	vadd.f32 v28, v4  }
0x2a3: {  	v2 =	vadd.f32 v25, v2;
	v0 =	vadd.f32 v9, v0;
	v9 =	vld [tilespmem:$0x1FA60]  }
0x2a4: {  	v34 =	vld [tilespmem:s4+$0x930];
	v4 =	vadd.f32 v41, v4  }
0x2a5: {  	v10 =	vld [tilespmem:s4+$0x960];
	v2 =	vadd.f32 v37, v2  }
0x2a6: {  	[tilespmem:s4+$0xC550] =	vst v4;
	v4 =	vld [tilespmem:s4+$0xC960]  }
0x2a7: {  	[tilespmem:s4+$0xC520] =	vst v2;
	v2 =	vld [tilespmem:s4+$0xC570];
	v3 =	vadd.f32 v29, v3  }
0x2a8: {  	v1 =	vadd.f32 v9, v1;
	v9 =	vld [tilespmem:$0x1FA70]  }
0x2a9: {  	v21 =	vld [tilespmem:$0x1FA00];
	v3 =	vadd.f32 v39, v3  }
0x2aa: {  	v11 =	vld [tilespmem:s4+$0x970]  }
0x2ab: {  	[tilespmem:s4+$0xC560] =	vst v3;
	v3 =	vld [tilespmem:s4+$0xC970];
	v4 =	vadd.f32 v10, v4  }
0x2ac: {  	v5 =	vld [tilespmem:s4+$0xC900];
	v2 =	vadd.f32 v30, v2  }
0x2ad: {  	v4 =	vadd.f32 v9, v4;
	v9 =	vld [tilespmem:$0x1FA80]  }
0x2ae: {  	v2 =	vadd.f32 v21, v2;
	v21 =	vld [tilespmem:$0x1FA10]  }
0x2af: {  	v12 =	vld [tilespmem:s4+$0xD00]  }
0x2b0: {  	[tilespmem:s4+$0xC570] =	vst v2;
	v2 =	vld [tilespmem:s4+$0xCD00];
	v3 =	vadd.f32 v11, v3  }
0x2b1: {  	v6 =	vld [tilespmem:s4+$0xC910];
	v5 =	vadd.f32 v31, v5  }
0x2b2: {  	v3 =	vadd.f32 v9, v3;
	v9 =	vld [tilespmem:$0x1FA90]  }
0x2b3: {  	v5 =	vadd.f32 v21, v5;
	v21 =	vld [tilespmem:$0x1FA20]  }
0x2b4: {  	v36 =	vld [tilespmem:s4+$0xD10]  }
0x2b5: {  	[tilespmem:s4+$0xC900] =	vst v5;
	v5 =	vld [tilespmem:s4+$0xCD10];
	v2 =	vadd.f32 v12, v2  }
0x2b6: {  	v7 =	vld [tilespmem:s4+$0xC920];
	v6 =	vadd.f32 v32, v6  }
0x2b7: {  	v2 =	vadd.f32 v9, v2;
	v9 =	vld [tilespmem:$0x1FAA0]  }
0x2b8: {  	v6 =	vadd.f32 v21, v6;
	v21 =	vld [tilespmem:$0x1FA30]  }
0x2b9: {  	v52 =	vld [tilespmem:s4+$0xD20]  }
0x2ba: {  	[tilespmem:s4+$0xC910] =	vst v6;
	v6 =	vld [tilespmem:s4+$0xCD20];
	v5 =	vadd.f32 v36, v5  }
0x2bb: {  	v8 =	vld [tilespmem:s4+$0xC930];
	v7 =	vadd.f32 v33, v7  }
0x2bc: {  	v5 =	vadd.f32 v9, v5;
	v9 =	vld [tilespmem:$0x1FAB0]  }
0x2bd: {  	v7 =	vadd.f32 v21, v7;
	v21 =	vld [tilespmem:$0x1FA40]  }
0x2be: {  	v51 =	vld [tilespmem:s4+$0xD30]  }
0x2bf: {  	[tilespmem:s4+$0xC920] =	vst v7;
	v7 =	vld [tilespmem:s4+$0xCD30];
	v6 =	vadd.f32 v52, v6  }
0x2c0: {  	v8 =	vadd.f32 v34, v8  }
0x2c1: {  	v6 =	vadd.f32 v9, v6;
	v9 =	vld [tilespmem:$0x1FAC0]  }
0x2c2: {  	v8 =	vadd.f32 v21, v8  }
0x2c3: {  	v38 =	vld [tilespmem:s4+$0xD40]  }
0x2c4: {  	[tilespmem:s4+$0xC930] =	vst v8;
	v8 =	vld [tilespmem:s4+$0xCD40];
	v7 =	vadd.f32 v51, v7;
	_ =	sdelay $0x1  }
0x2c5: {  	v7 =	vadd.f32 v9, v7;
	v9 =	vld [tilespmem:$0x1FAD0];
	_ =	sdelay $0x1  }
0x2c6: {  	v47 =	vld [tilespmem:s4+$0xD50]  }
0x2c7: {  	[tilespmem:s4+$0xC940] =	vst v0;
	v0 =	vld [tilespmem:s4+$0xCD50];
	v8 =	vadd.f32 v38, v8;
	_ =	sdelay $0x1  }
0x2c8: {  	v8 =	vadd.f32 v9, v8;
	v9 =	vld [tilespmem:$0x1FAE0];
	_ =	sdelay $0x2  }
0x2c9: {  	v0 =	vadd.f32 v47, v0;
	_ =	sdelay $0x1  }
0x2ca: {  	v0 =	vadd.f32 v9, v0  }
0x2cb: {  	[tilespmem:s4+$0xC970] =	vst v3;
	v3 =	vld [tilespmem:s4+$0xD100]  }
0x2cc: {  	[tilespmem:s4+$0xCD50] =	vst v0;
	v0 =	vld [tilespmem:$0x1FB00];
	_ =	sdelay $0x1  }
0x2cd: {  	v40 =	vld [tilespmem:s4+$0xD70]  }
0x2ce: {  	[tilespmem:s4+$0xC960] =	vst v4;
	v4 =	vld [tilespmem:s4+$0xCD70];
	_ =	sdelay $0x1  }
0x2cf: {  	v0 =	vadd.f32 v0, v3;
	v3 =	vld [tilespmem:$0x1FB10];
	_ =	sdelay $0x2  }
0x2d0: {  	v4 =	vadd.f32 v40, v4;
	_ =	sdelay $0x1  }
0x2d1: {  	v48 =	vld [tilespmem:s4+$0x7520];
	v3 =	vadd.f32 v3, v4  }
0x2d2: {  	[tilespmem:s4+$0xCD10] =	vst v5;
	v5 =	vld [tilespmem:s4+$0xD120]  }
0x2d3: {  	[tilespmem:s4+$0xCD70] =	vst v3;
	v3 =	vld [tilespmem:$0x1FB40]  }
0x2d4: {  	v46 =	vld [tilespmem:s4+$0x7530]  }
0x2d5: {  	[tilespmem:s4+$0xCD00] =	vst v2;
	v2 =	vld [tilespmem:s4+$0xD110]  }
0x2d6: {  	v4 =	vld [tilespmem:$0x1FB20]  }
0x2d7: {  	v44 =	vld [tilespmem:s4+$0x7540]  }
0x2d8: {  	v3 =	vadd.f32 v3, v5;
	v5 =	vld [tilespmem:$0x1FB50]  }
0x2d9: {  	v42 =	vld [tilespmem:s4+$0x7550]  }
0x2da: {  	v43 =	vld [tilespmem:s4+$0xD60]  }
0x2db: {  	v20 =	vld [tilespmem:s4+$0x1170];
	v4 =	vadd.f32 v4, v2  }
0x2dc: {  	[tilespmem:s4+$0xCD20] =	vst v6;
	v6 =	vld [tilespmem:s4+$0xD130]  }
0x2dd: {  	v4 =	vadd.f32 v5, v4;
	v5 =	vld [tilespmem:$0x1FB60]  }
0x2de: {  	v19 =	vld [tilespmem:s4+$0x1500]  }
0x2df: {  	v18 =	vld [tilespmem:s4+$0x1510]  }
0x2e0: {  	v17 =	vld [tilespmem:s4+$0x1520]  }
0x2e1: {  	v16 =	vld [tilespmem:s4+$0x1530]  }
0x2e2: {  	v5 =	vadd.f32 v5, v6;
	v6 =	vld [tilespmem:$0x1FB70]  }
0x2e3: {  	v15 =	vld [tilespmem:s4+$0x1540]  }
0x2e4: {  	v13 =	vld [tilespmem:s4+$0x1550]  }
0x2e5: {  	[tilespmem:s4+$0xC950] =	vst v1;
	v1 =	vld [tilespmem:s4+$0xCD60]  }
0x2e6: {  	[tilespmem:s4+$0xCD30] =	vst v7;
	v7 =	vld [tilespmem:s4+$0xD140]  }
0x2e7: {  	v3 =	vadd.f32 v6, v3;
	v6 =	vld [tilespmem:$0x1FB90]  }
0x2e8: {  	[tilespmem:s4+$0xCD40] =	vst v8;
	v8 =	vld [tilespmem:s4+$0xD150]  }
0x2e9: {  	v9 =	vld [tilespmem:$0x1FAF0]  }
0x2ea: {  	[tilespmem:s4+$0xD110] =	vst v4;
	v4 =	vld [tilespmem:$0x1FB80]  }
0x2eb: {  	[tilespmem:s4+$0xD120] =	vst v3;
	v3 =	vld [tilespmem:$0x1FBB0]  }
0x2ec: {  	v21 =	vadd.f32 v6, v5;
	v5 =	vld [tilespmem:$0x1FBA0]  }
0x2ed: {  	v2 =	vld [tilespmem:$0x1FB30]  }
0x2ee: {  	v50 =	vld [tilespmem:s4+$0x1560];
	v1 =	vadd.f32 v43, v1  }
0x2ef: {  	v14 =	vld [tilespmem:s4+$0x1570];
	v7 =	vadd.f32 v4, v7  }
0x2f0: {  	v22 =	vld [tilespmem:s4+$0xD160];
	v1 =	vadd.f32 v9, v1  }
0x2f1: {  	v6 =	vadd.f32 v5, v8;
	v8 =	vadd.f32 v3, v7;
	v3 =	vld [tilespmem:$0x1FBC0]  }
0x2f2: {  	[tilespmem:s4+$0xCD60] =	vst v1;
	v1 =	vld [tilespmem:s4+$0xD170];
	v0 =	vadd.f32 v2, v0  }
0x2f3: {  	v2 =	vld [tilespmem:s4+$0xD500]  }
0x2f4: {  	[tilespmem:s4+$0xD100] =	vst v0;
	v0 =	vld [tilespmem:s4+$0xD510]  }
0x2f5: {  	v4 =	vld [tilespmem:s4+$0xD520]  }
0x2f6: {  	s29 =	simm.s32 $0x1;
	v5 =	vadd.f32 v3, v22;
	v3 =	vld [tilespmem:s4+$0xD530]  }
.LBB2_4:
0x2f7: {  	v7 =	vld [tilespmem:$0x1F9B0];
	_ =	sdelay $0x4  }
0x2f8: {  	v6 =	vadd.f32 v7, v6  }
0x2f9: {  	[tilespmem:s4+$0xD140] =	vst v8;
	v8 =	vld [tilespmem:$0x1F9C0]  }
0x2fa: {  	[tilespmem:s4+$0xD150] =	vst v6;
	v6 =	vld [tilespmem:$0x1F9D0];
	_ =	sdelay $0x2  }
0x2fb: {  	v1 =	vadd.f32 v20, v1  }
0x2fc: {  	v5 =	vadd.f32 v8, v5  }
0x2fd: {  	v1 =	vadd.f32 v6, v1  }
0x2fe: {  	[tilespmem:s4+$0xD160] =	vst v5;
	v5 =	vld [tilespmem:$0x1F9E0]  }
0x2ff: {  	[tilespmem:s4+$0xD170] =	vst v1;
	v1 =	vld [tilespmem:$0x1F9F0]  }
0x300: {  	v7 =	vld [tilespmem:s4+$0xD540]  }
0x301: {  	v2 =	vadd.f32 v19, v2;
	v8 =	vld [tilespmem:s4+$0xD550]  }
0x302: {  	s5 =	sshrl.u32 s29, $0x3;
	v0 =	vadd.f32 v18, v0;
	v6 =	vld [tilespmem:s4+$0xD560]  }
0x303: {  	s28 =	sadd.s32 $0x80, s28;
	s5 =	smul.u32 $0x1800, s5;
	v4 =	vadd.f32 v17, v4;
	v2 =	vadd.f32 v5, v2;
	v5 =	vld [tilespmem:s4+$0xD570]  }
0x304: {  	[tilespmem:s4+$0xD130] =	vst v21;
	s30 =	sand.u32 $0x380, s28;
	v0 =	vadd.f32 v1, v0;
	v1 =	vadd.f32 v16, v3;
	v3 =	vld [tilespmem:s4+$0x7560]  }
0x305: {  	s5 =	sor.u32 s30, s5;
	[tilespmem:s4+$0xD500] =	vst v2;
	v2 =	vadd.f32 v48, v4;
	v4 =	vadd.f32 v15, v7;
	v7 =	vld [tilespmem:s4+$0x7570]  }
0x306: {  	v53 =	vld [tilespmem:s5+$0x6100];
	[tilespmem:s4+$0xD510] =	vst v0;
	v0 =	vadd.f32 v46, v1;
	v1 =	vadd.f32 v13, v8  }
0x307: {  	v55 =	vld [tilespmem:s5+$0x6110];
	[tilespmem:s4+$0xD520] =	vst v2;
	v2 =	vadd.f32 v44, v4;
	v4 =	vadd.f32 v50, v6  }
0x308: {  	v56 =	vld [tilespmem:s5+$0x6120];
	[tilespmem:s4+$0xD530] =	vst v0;
	v0 =	vadd.f32 v42, v1;
	v1 =	vadd.f32 v14, v5  }
0x309: {  	v57 =	vld [tilespmem:s5+$0x6130];
	[tilespmem:s4+$0xD540] =	vst v2;
	v2 =	vadd.f32 v3, v4  }
0x30a: {  	v54 =	vld [tilespmem:s5+$0x6140];
	[tilespmem:s4+$0xD550] =	vst v0;
	v0 =	vadd.f32 v7, v1  }
0x30b: {  	v52 =	vld [tilespmem:s5+$0x6150];
	[tilespmem:s4+$0xD560] =	vst v2  }
0x30c: {  	v51 =	vld [tilespmem:s5+$0x6160];
	[tilespmem:s4+$0xD570] =	vst v0;
	s4 =	smov.u32 s5  }
0x30d: {  	v0 =	vld [tilespmem:s4+$0x6170];
	_ =	sdelay $0x4  }
0x30e: {  	[tilespmem:$0x1F7D0] =	vst v0;
	v0 =	vld [tilespmem:s4+$0x6500];
	_ =	sdelay $0x4  }
0x30f: {  	[tilespmem:$0x1F7E0] =	vst v0;
	v0 =	vld [tilespmem:s4+$0x6510];
	_ =	sdelay $0x4  }
0x310: {  	[tilespmem:$0x1F7F0] =	vst v0;
	v0 =	vld [tilespmem:s4+$0x6520];
	_ =	sdelay $0x4  }
0x311: {  	[tilespmem:$0x1F800] =	vst v0;
	v0 =	vld [tilespmem:s4+$0x6530];
	_ =	sdelay $0x4  }
0x312: {  	[tilespmem:$0x1F810] =	vst v0;
	v0 =	vld [tilespmem:s4+$0x6540];
	_ =	sdelay $0x4  }
0x313: {  	[tilespmem:$0x1F820] =	vst v0;
	v0 =	vld [tilespmem:s4+$0x6550];
	_ =	sdelay $0x4  }
0x314: {  	[tilespmem:$0x1F830] =	vst v0;
	v0 =	vld [tilespmem:s4+$0x6560];
	_ =	sdelay $0x3  }
0x315: {  	v49 =	vld [tilespmem:s4+$0x7520]  }
0x316: {  	[tilespmem:$0x1F840] =	vst v0;
	v0 =	vld [tilespmem:s4+$0x6570]  }
0x317: {  	v48 =	vld [tilespmem:s4+$0x7530]  }
0x318: {  	v47 =	vld [tilespmem:s4+$0x7540]  }
0x319: {  	v46 =	vld [tilespmem:s4+$0x7550]  }
0x31a: {  	v36 =	vld [tilespmem:s4+$0x100]  }
0x31b: {  	[tilespmem:$0x1F850] =	vst v0;
	v0 =	vld [tilespmem:s4+$0x6900]  }
0x31c: {  	v9 =	vld [tilespmem:s4+$0x110]  }
0x31d: {  	v37 =	vld [tilespmem:s4+$0x120]  }
0x31e: {  	v10 =	vld [tilespmem:s4+$0x130]  }
0x31f: {  	v38 =	vld [tilespmem:s4+$0x140]  }
0x320: {  	[tilespmem:$0x1F860] =	vst v0;
	v0 =	vld [tilespmem:s4+$0x6910]  }
0x321: {  	v11 =	vld [tilespmem:s4+$0x150]  }
0x322: {  	v39 =	vld [tilespmem:s4+$0x160]  }
0x323: {  	v12 =	vld [tilespmem:s4+$0x170]  }
0x324: {  	v40 =	vld [tilespmem:s4+$0x500]  }
0x325: {  	[tilespmem:$0x1F870] =	vst v0;
	v0 =	vld [tilespmem:s4+$0x6920]  }
0x326: {  	v8 =	vld [tilespmem:s4+$0x510]  }
0x327: {  	v35 =	vld [tilespmem:s4+$0x520]  }
0x328: {  	v7 =	vld [tilespmem:s4+$0x530]  }
0x329: {  	v34 =	vld [tilespmem:s4+$0x540]  }
0x32a: {  	[tilespmem:$0x1F880] =	vst v0;
	v0 =	vld [tilespmem:s4+$0x6930]  }
0x32b: {  	v33 =	vld [tilespmem:s4+$0x550]  }
0x32c: {  	v41 =	vld [tilespmem:s4+$0xC100]  }
0x32d: {  	v42 =	vld [tilespmem:s4+$0xC110]  }
0x32e: {  	v44 =	vld [tilespmem:s4+$0xC130]  }
0x32f: {  	[tilespmem:$0x1F890] =	vst v0;
	v0 =	vld [tilespmem:s4+$0x6940]  }
0x330: {  	v6 =	vld [tilespmem:s4+$0x560]  }
0x331: {  	v5 =	vld [tilespmem:s4+$0x570]  }
0x332: {  	v36 =	vadd.f32 v36, v41;
	v41 =	vld [tilespmem:s4+$0xC150];
	v9 =	vadd.f32 v9, v42  }
0x333: {  	v43 =	vld [tilespmem:s4+$0xC120]  }
0x334: {  	v10 =	vadd.f32 v10, v44;
	v9 =	vadd.f32 v55, v9;
	[tilespmem:$0x1F8A0] =	vst v0;
	v0 =	vld [tilespmem:s4+$0x6950]  }
0x335: {  	v32 =	vld [tilespmem:s4+$0x900]  }
0x336: {  	v4 =	vld [tilespmem:s4+$0x910];
	[tilespmem:s4+$0xC110] =	vst v9;
	v9 =	vadd.f32 v57, v10  }
0x337: {  	v31 =	vld [tilespmem:s4+$0x920];
	v10 =	vadd.f32 v11, v41  }
0x338: {  	v37 =	vadd.f32 v37, v43;
	v43 =	vld [tilespmem:s4+$0xC170];
	[tilespmem:s4+$0xC130] =	vst v9  }
0x339: {  	v9 =	vadd.f32 v52, v10;
	[tilespmem:$0x1F8B0] =	vst v0;
	v0 =	vld [tilespmem:s4+$0x6960]  }
0x33a: {  	v30 =	vld [tilespmem:s4+$0x930]  }
0x33b: {  	[tilespmem:s4+$0xC150] =	vst v9;
	v9 =	vld [tilespmem:$0x1F7D0]  }
0x33c: {  	v29 =	vld [tilespmem:s4+$0x940]  }
0x33d: {  	v28 =	vld [tilespmem:s4+$0x950]  }
0x33e: {  	v10 =	vadd.f32 v12, v43;
	[tilespmem:$0x1F8C0] =	vst v0;
	v0 =	vld [tilespmem:s4+$0x6970]  }
0x33f: {  	v27 =	vld [tilespmem:s4+$0x960]  }
0x340: {  	v45 =	vld [tilespmem:s4+$0xC140];
	v9 =	vadd.f32 v9, v10  }
0x341: {  	v36 =	vadd.f32 v53, v36;
	v53 =	vld [tilespmem:s4+$0xC510]  }
0x342: {  	[tilespmem:s4+$0xC170] =	vst v9;
	v9 =	vld [tilespmem:$0x1F7F0]  }
0x343: {  	[tilespmem:$0x1F8D0] =	vst v0;
	v0 =	vld [tilespmem:s4+$0x6D00]  }
0x344: {  	v26 =	vld [tilespmem:s4+$0x970]  }
0x345: {  	v25 =	vld [tilespmem:s4+$0xD00]  }
0x346: {  	v24 =	vld [tilespmem:s4+$0xD10];
	v8 =	vadd.f32 v8, v53  }
0x347: {  	v57 =	vld [tilespmem:s4+$0xC530]  }
0x348: {  	v45 =	vadd.f32 v38, v45;
	v8 =	vadd.f32 v9, v8;
	[tilespmem:$0x1F8E0] =	vst v0;
	v0 =	vld [tilespmem:s4+$0x6D10]  }
0x349: {  	v23 =	vld [tilespmem:s4+$0xD20]  }
0x34a: {  	v55 =	vadd.f32 v54, v45;
	[tilespmem:s4+$0xC510] =	vst v8;
	v8 =	vld [tilespmem:$0x1F810]  }
0x34b: {  	v11 =	vld [tilespmem:s4+$0xC520]  }
0x34c: {  	[tilespmem:s4+$0xC140] =	vst v55;
	v55 =	vld [tilespmem:$0x1F800]  }
0x34d: {  	v7 =	vadd.f32 v7, v57;
	[tilespmem:$0x1F8F0] =	vst v0;
	v0 =	vld [tilespmem:s4+$0x6D20]  }
0x34e: {  	v22 =	vld [tilespmem:s4+$0xD30]  }
0x34f: {  	v12 =	vld [tilespmem:s4+$0xC540];
	v7 =	vadd.f32 v8, v7  }
0x350: {  	v52 =	vld [tilespmem:s4+$0xC550];
	v11 =	vadd.f32 v35, v11  }
0x351: {  	[tilespmem:s4+$0xC530] =	vst v7;
	v7 =	vld [tilespmem:$0x1F830]  }
0x352: {  	v11 =	vadd.f32 v55, v11;
	[tilespmem:$0x1F900] =	vst v0;
	v0 =	vld [tilespmem:s4+$0x6D30]  }
0x353: {  	v21 =	vld [tilespmem:s4+$0xD40]  }
0x354: {  	[tilespmem:s4+$0xC520] =	vst v11;
	v11 =	vld [tilespmem:$0x1F820]  }
0x355: {  	v42 =	vld [tilespmem:s4+$0xC160];
	v8 =	vadd.f32 v33, v52  }
0x356: {  	v54 =	vld [tilespmem:s4+$0xC570]  }
0x357: {  	v12 =	vadd.f32 v34, v12;
	v7 =	vadd.f32 v7, v8;
	[tilespmem:$0x1F910] =	vst v0;
	v0 =	vld [tilespmem:s4+$0x6D40]  }
0x358: {  	v3 =	vld [tilespmem:s4+$0xD50];
	v56 =	vadd.f32 v56, v37  }
0x359: {  	v11 =	vadd.f32 v11, v12;
	[tilespmem:s4+$0xC550] =	vst v7;
	v7 =	vld [tilespmem:$0x1F850]  }
0x35a: {  	[tilespmem:s4+$0xC120] =	vst v56;
	v10 =	vld [tilespmem:s4+$0xC560]  }
0x35b: {  	[tilespmem:s4+$0xC540] =	vst v11;
	v11 =	vld [tilespmem:$0x1F840]  }
0x35c: {  	v56 =	vadd.f32 v39, v42;
	v5 =	vadd.f32 v5, v54;
	[tilespmem:$0x1F920] =	vst v0;
	v0 =	vld [tilespmem:s4+$0x6D50]  }
0x35d: {  	v1 =	vld [tilespmem:s4+$0xD60]  }
0x35e: {  	v42 =	vmovc v46;
	v46 =	vmovc v48;
	v48 =	vmov v49;
	v49 =	vadd.f32 v51, v56;
	v56 =	vld [tilespmem:s4+$0xC910];
	v5 =	vadd.f32 v7, v5  }
0x35f: {  	v6 =	vadd.f32 v6, v10;
	v9 =	vld [tilespmem:s4+$0xC900]  }
0x360: {  	[tilespmem:s4+$0xC570] =	vst v5;
	v5 =	vld [tilespmem:$0x1F870]  }
0x361: {  	v6 =	vadd.f32 v11, v6;
	[tilespmem:$0x1F930] =	vst v0;
	v0 =	vld [tilespmem:s4+$0x6D60]  }
0x362: {  	v2 =	vld [tilespmem:s4+$0xD70]  }
0x363: {  	[tilespmem:s4+$0xC560] =	vst v6;
	v6 =	vld [tilespmem:$0x1F860]  }
0x364: {  	v63 =	vld [tilespmem:s4+$0x1110];
	v4 =	vadd.f32 v4, v56  }
0x365: {  	v10 =	vld [tilespmem:s4+$0xC930]  }
0x366: {  	v9 =	vadd.f32 v32, v9;
	v4 =	vadd.f32 v5, v4;
	[tilespmem:$0x1F940] =	vst v0;
	v0 =	vld [tilespmem:s4+$0x6D70]  }
0x367: {  	v62 =	vld [tilespmem:s4+$0x1120]  }
0x368: {  	v6 =	vadd.f32 v6, v9;
	[tilespmem:s4+$0xC910] =	vst v4;
	v4 =	vld [tilespmem:$0x1F890]  }
0x369: {  	v57 =	vld [tilespmem:s4+$0xC920]  }
0x36a: {  	[tilespmem:s4+$0xC900] =	vst v6;
	v6 =	vld [tilespmem:$0x1F880]  }
0x36b: {  	v5 =	vadd.f32 v30, v10;
	[tilespmem:$0x1F950] =	vst v0;
	v0 =	vld [tilespmem:s4+$0x7100]  }
0x36c: {  	v61 =	vld [tilespmem:s4+$0x1130]  }
0x36d: {  	v8 =	vld [tilespmem:s4+$0xC940];
	v4 =	vadd.f32 v4, v5  }
0x36e: {  	v11 =	vld [tilespmem:s4+$0xC950];
	v9 =	vadd.f32 v31, v57  }
0x36f: {  	[tilespmem:s4+$0xC930] =	vst v4;
	v4 =	vld [tilespmem:$0x1F8B0]  }
0x370: {  	v6 =	vadd.f32 v6, v9;
	[tilespmem:$0x1F960] =	vst v0;
	v0 =	vld [tilespmem:s4+$0x7110]  }
0x371: {  	v60 =	vld [tilespmem:s4+$0x1140]  }
0x372: {  	[tilespmem:s4+$0xC920] =	vst v6;
	v6 =	vld [tilespmem:$0x1F8A0]  }
0x373: {  	v59 =	vld [tilespmem:s4+$0x1150];
	v5 =	vadd.f32 v28, v11  }
0x374: {  	v12 =	vld [tilespmem:s4+$0xC970]  }
0x375: {  	v8 =	vadd.f32 v29, v8;
	v4 =	vadd.f32 v4, v5;
	[tilespmem:$0x1F970] =	vst v0;
	v0 =	vld [tilespmem:s4+$0x7120]  }
0x376: {  	v58 =	vld [tilespmem:s4+$0x1160]  }
0x377: {  	v6 =	vadd.f32 v6, v8;
	[tilespmem:s4+$0xC950] =	vst v4;
	v4 =	vld [tilespmem:$0x1F8D0]  }
0x378: {  	v7 =	vld [tilespmem:s4+$0xC960]  }
0x379: {  	[tilespmem:s4+$0xC940] =	vst v6;
	v6 =	vld [tilespmem:$0x1F8C0]  }
0x37a: {  	v5 =	vadd.f32 v26, v12;
	[tilespmem:$0x1F980] =	vst v0;
	v0 =	vld [tilespmem:s4+$0x7130]  }
0x37b: {  	v20 =	vld [tilespmem:s4+$0x1170]  }
0x37c: {  	v10 =	vld [tilespmem:s4+$0xCD00];
	v4 =	vadd.f32 v4, v5  }
0x37d: {  	v7 =	vadd.f32 v27, v7;
	v9 =	vld [tilespmem:s4+$0xCD10]  }
0x37e: {  	[tilespmem:s4+$0xC970] =	vst v4;
	v4 =	vld [tilespmem:$0x1F8F0]  }
0x37f: {  	v6 =	vadd.f32 v6, v7;
	[tilespmem:$0x1F990] =	vst v0;
	v0 =	vld [tilespmem:s4+$0x7140]  }
0x380: {  	v19 =	vld [tilespmem:s4+$0x1500]  }
0x381: {  	[tilespmem:s4+$0xC960] =	vst v6;
	v6 =	vld [tilespmem:$0x1F8E0]  }
0x382: {  	v18 =	vld [tilespmem:s4+$0x1510];
	v5 =	vadd.f32 v24, v9  }
0x383: {  	v8 =	vld [tilespmem:s4+$0xCD30]  }
0x384: {  	v7 =	vadd.f32 v25, v10;
	v4 =	vadd.f32 v4, v5;
	[tilespmem:$0x1F9A0] =	vst v0;
	v0 =	vld [tilespmem:s4+$0x7150]  }
0x385: {  	v17 =	vld [tilespmem:s4+$0x1520]  }
0x386: {  	v6 =	vadd.f32 v6, v7;
	[tilespmem:s4+$0xCD10] =	vst v4;
	v4 =	vld [tilespmem:$0x1F910]  }
0x387: {  	v11 =	vld [tilespmem:s4+$0xCD20]  }
0x388: {  	[tilespmem:s4+$0xCD00] =	vst v6;
	v6 =	vld [tilespmem:$0x1F900]  }
0x389: {  	v5 =	vadd.f32 v22, v8;
	[tilespmem:$0x1F9B0] =	vst v0;
	v0 =	vld [tilespmem:s4+$0x7160]  }
0x38a: {  	v16 =	vld [tilespmem:s4+$0x1530]  }
0x38b: {  	v10 =	vld [tilespmem:s4+$0xCD50];
	v4 =	vadd.f32 v4, v5  }
0x38c: {  	v12 =	vld [tilespmem:s4+$0xCD40];
	v7 =	vadd.f32 v23, v11  }
0x38d: {  	[tilespmem:s4+$0xCD30] =	vst v4;
	v4 =	vld [tilespmem:$0x1F930]  }
0x38e: {  	v6 =	vadd.f32 v6, v7;
	[tilespmem:$0x1F9C0] =	vst v0;
	v0 =	vld [tilespmem:s4+$0x7170]  }
0x38f: {  	v15 =	vld [tilespmem:s4+$0x1540]  }
0x390: {  	v3 =	vadd.f32 v3, v10;
	[tilespmem:s4+$0xCD20] =	vst v6;
	v6 =	vld [tilespmem:$0x1F920]  }
0x391: {  	v13 =	vld [tilespmem:s4+$0x1550]  }
0x392: {  	v11 =	vld [tilespmem:s4+$0xCD70];
	v3 =	vadd.f32 v4, v3  }
0x393: {  	v7 =	vadd.f32 v21, v12;
	[tilespmem:$0x1F9D0] =	vst v0;
	v0 =	vld [tilespmem:s4+$0x7500]  }
0x394: {  	[tilespmem:s4+$0xCD50] =	vst v3;
	v3 =	vld [tilespmem:$0x1F950]  }
0x395: {  	v50 =	vld [tilespmem:s4+$0x1560];
	v6 =	vadd.f32 v6, v7  }
0x396: {  	v9 =	vld [tilespmem:s4+$0xCD60]  }
0x397: {  	v2 =	vadd.f32 v2, v11;
	[tilespmem:s4+$0xCD40] =	vst v6;
	v6 =	vld [tilespmem:$0x1F940]  }
0x398: {  	[tilespmem:$0x1F9E0] =	vst v0;
	v0 =	vld [tilespmem:s4+$0x7510]  }
0x399: {  	v12 =	vld [tilespmem:s4+$0xD110];
	v2 =	vadd.f32 v3, v2  }
0x39a: {  	v14 =	vld [tilespmem:s4+$0x1570]  }
0x39b: {  	v1 =	vadd.f32 v1, v9;
	[tilespmem:s4+$0xCD70] =	vst v2;
	v2 =	vld [tilespmem:$0x1F970]  }
0x39c: {  	v8 =	vld [tilespmem:s4+$0xD100]  }
0x39d: {  	v1 =	vadd.f32 v6, v1;
	[tilespmem:$0x1F9F0] =	vst v0;
	v0 =	vld [tilespmem:s4+$0x1100]  }
0x39e: {  	v44 =	vld [tilespmem:s4+$0xC500];
	v3 =	vadd.f32 v63, v12  }
0x39f: {  	[tilespmem:s4+$0xCD60] =	vst v1;
	v1 =	vld [tilespmem:$0x1F960]  }
0x3a0: {  	v7 =	vld [tilespmem:s4+$0xD130];
	v3 =	vadd.f32 v2, v3  }
0x3a1: {  	v53 =	vld [tilespmem:$0x1F7E0]  }
0x3a2: {  	[tilespmem:s4+$0xD110] =	vst v3;
	v3 =	vld [tilespmem:$0x1F990];
	v0 =	vadd.f32 v0, v8  }
0x3a3: {  	v9 =	vld [tilespmem:s4+$0xD160]  }
0x3a4: {  	v5 =	vld [tilespmem:s4+$0xD120];
	v0 =	vadd.f32 v1, v0  }
0x3a5: {  	v4 =	vld [tilespmem:s4+$0xD140];
	v7 =	vadd.f32 v61, v7  }
0x3a6: {  	[tilespmem:s4+$0xD100] =	vst v0;
	v0 =	vld [tilespmem:$0x1F980]  }
0x3a7: {  	v21 =	vadd.f32 v3, v7;
	v3 =	vld [tilespmem:$0x1F9A0]  }
0x3a8: {  	p0 =	sne.s32 s29, $0x1F;
	v51 =	vadd.f32 v40, v44;
	v6 =	vld [tilespmem:s4+$0xD150]  }
.Ltmp1:
0x3a9: {  	v5 =	vadd.f32 v62, v5;
	v2 =	vld [tilespmem:s4+$0xD500];
	(pc) =	sbr.rel @p0 .LBB2_4-.Ltmp1, $4  }
0x3aa: {  	[tilespmem:s4+$0xC100] =	vst v36;
	v36 =	vadd.f32 v53, v51;
	v8 =	vadd.f32 v60, v4;
	v4 =	vld [tilespmem:s4+$0xD520]  }
0x3ab: {  	[tilespmem:s4+$0xC160] =	vst v49;
	v1 =	vld [tilespmem:s4+$0xD170];
	v5 =	vadd.f32 v0, v5  }
0x3ac: {  	[tilespmem:s4+$0xC500] =	vst v36;
	v8 =	vadd.f32 v3, v8;
	v3 =	vld [tilespmem:s4+$0xD530]  }
0x3ad: {  	s29 =	sadd.s32 $0x1, s29;
	v44 =	vmov v47;
	v6 =	vadd.f32 v59, v6;
	v0 =	vld [tilespmem:s4+$0xD510];
	[tilespmem:s4+$0xD120] =	vst v5;
	v5 =	vadd.f32 v58, v9  }
0x3ae: {  	v9 =	vld [tilespmem:$0x1F9B0]  }
0x3af: {  	v41 =	vld [tilespmem:$0x1F9C0]  }
0x3b0: {  	v45 =	vld [tilespmem:$0x1F9D0]  }
0x3b1: {  	v49 =	vld [tilespmem:$0x1F9E0]  }
0x3b2: {  	v7 =	vld [tilespmem:s4+$0xD540]  }
0x3b3: {  	[tilespmem:s4+$0xD130] =	vst v21;
	v53 =	vld [tilespmem:$0x1F9F0];
	v1 =	vadd.f32 v20, v1;
	v6 =	vadd.f32 v9, v6  }
0x3b4: {  	[tilespmem:s4+$0xD140] =	vst v8;
	v40 =	vld [tilespmem:s4+$0xD550];
	v2 =	vadd.f32 v19, v2;
	v5 =	vadd.f32 v41, v5  }
0x3b5: {  	v43 =	vld [tilespmem:s4+$0xD560];
	v3 =	vadd.f32 v16, v3;
	v1 =	vadd.f32 v45, v1;
	[tilespmem:s4+$0xD150] =	vst v6  }
0x3b6: {  	v47 =	vld [tilespmem:s4+$0xD570];
	v0 =	vadd.f32 v18, v0;
	v2 =	vadd.f32 v49, v2;
	[tilespmem:s4+$0xD160] =	vst v5  }
0x3b7: {  	v52 =	vld [tilespmem:s4+$0x7560];
	v51 =	vadd.f32 v17, v4;
	v56 =	vadd.f32 v46, v3;
	[tilespmem:s4+$0xD170] =	vst v1  }
0x3b8: {  	v55 =	vld [tilespmem:s4+$0x7570];
	v54 =	vadd.f32 v15, v7;
	v0 =	vadd.f32 v53, v0;
	[tilespmem:s4+$0xD500] =	vst v2  }
0x3b9: {  	v57 =	vadd.f32 v13, v40;
	v1 =	vadd.f32 v48, v51;
	[tilespmem:s4+$0xD530] =	vst v56  }
0x3ba: {  	v59 =	vadd.f32 v50, v43;
	v58 =	vadd.f32 v44, v54;
	[tilespmem:s4+$0xD510] =	vst v0  }
0x3bb: {  	v61 =	vadd.f32 v14, v47;
	v60 =	vadd.f32 v42, v57;
	[tilespmem:s4+$0xD520] =	vst v1  }
0x3bc: {  	v62 =	vadd.f32 v52, v59;
	[tilespmem:s4+$0xD540] =	vst v58  }
0x3bd: {  	s26 =	sadd.s32 $0x1, s26;
	v63 =	vadd.f32 v55, v61;
	[tilespmem:s4+$0xD550] =	vst v60  }
0x3be: {  	p0 =	sne.s32 s26, s14;
	[tilespmem:s4+$0xD560] =	vst v62  }
.Ltmp2:
0x3bf: {  	[tilespmem:s4+$0xD570] =	vst v63;
	(pc) =	sbr.rel @p0 .LBB2_1-.Ltmp2, $4  }
0x3c0: {  	[hbm4b:s13+s1] =	stream.linear.scatter [tilespmem:s24], [sflag:$0x2], $0x6000, $0x38;
	[tilespmem:$0x12100] =	vst v63  }
0x3c1: {  	_ =	swait.ge [sflag:s15], $0x6000  }
0x3c2: {  	[sflag:s15] =	ssyncset.done $0x0  }
0x3c3: {  	[sflag:s15] =	ssyncadd.s32 $0xFFFFA000  }
0x3c4: {  	_ =	sfence.sel $0x180000  }
0x3c5: {  	[bflag:$0x0] =	sbarrier.arrive $0xFFFF  }
0x3c6: {  	_ =	strace $0x9000004A  }
0x3c7: {  	s0 =	stileid.u32;
	[bflag:$0x2] =	sbarrier.arrive $0xFFFF  }
0x3c8: {  	p0 =	sne.s32 s0, $0x0;
	s0 =	rddreg [dreg:$0x2]  }
0x3c9: {  	s0 =	sadd.s32 @!p0 $0x100000, s0  }
0x3ca: {  	[sflag:s0] =	ssyncadd.tile.s32 @!p0 $0x1;
	_ =	shalt  }
.Lfunc_end2:
_tile_overlayer_lowered:
.L_overlay_start_2:
0x3cb: {  	(tag) =	ssettag $0x2  }
0x3cc: {  	s0 =	rddreg [dreg:$0x0];
	s2 =	stileid.u32  }
0x3cd: {  	s1 =	rddreg [dreg:$0x1];
	p0 =	sne.s32 s2, $0x0  }
0x3ce: {  	s3 =	rddreg [dreg:$0x2];
	[bflag:$0x3] =	sbarrier.arrive $0xFFFF;
	s2 =	simm.s32 @!p0 $0x1C02  }
0x3cf: {  	[timem:s3], [sflag:s2] =	dma.local @!p0 [hbm:s0], s1  }
0x3d0: {  	s0 =	simm.s32 @!p0 $0x2  }
0x3d1: {  	_ =	swait.ge @!p0 [sflag:s0], s1  }
0x3d2: {  	s1 =	ssub.s32 @!p0 $0x0, s1;
	[sflag:s0] =	ssyncset.done @!p0 $0x0  }
0x3d3: {  	[sflag:s0] =	ssyncadd.s32 @!p0 s1  }
0x3d4: {  	[bflag:$0x3] =	sbarrier.arrive $0xFFFF  }
0x3d5: {  	_ =	shalt  }

</sc_bundles>
